<compile_context>
chip_gen: v7x
topology: tpu7x:2x2x1
jax: 0.10.2.dev20260603
libtpu: 0.0.44.dev20260713+nightly
codegen_flags: <defaults>
</compile_context>

<pallas_src>
import functools

import jax
import jax.numpy as jnp
from jax import lax
from jax.experimental import pallas as pl
from jax.experimental.pallas import tpu as pltpu
from jax.experimental.pallas import tpu_sc as plsc

N_NODES = 10000
N_EDGES = 320000
D = 128
N_REL = 32
N_BASES = 8

NC = 2
NS = 16
L = 16

CHUNK = 1280
N_PASSES = 4
N_CHUNKS = 8
ROW_W = 32
ROWS_PER_CHUNK = CHUNK * N_REL
DUMMY_ROW = ROWS_PER_CHUNK
S_ROWS = N_CHUNKS * ROWS_PER_CHUNK

E_PAD = 327680
E_SLICE = E_PAD // NS
SB = 512
EB = 128
N_BLOCKS = E_SLICE // EB
BLK_PER_SB = SB // EB
N_SB = E_SLICE // SB
ROWS_PER_TILE = ROWS_PER_CHUNK // NS
ZROWS = 64

DST_SENTINEL = 1 << 20


def _u_tc_kernel(x_ref, wc_ref, u_ref):
    for q in range(4):
        u_ref[:, q * N_BASES:(q + 1) * N_BASES] = jnp.dot(
            x_ref[:, q * 32:(q + 1) * 32], wc_ref[...],
            preferred_element_type=jnp.float32)


def _h_tc_kernel(s_ref, w_ref, h_ref):
    h_ref[...] = jnp.dot(s_ref[...], w_ref[...],
                         preferred_element_type=jnp.float32)


def _sc_body(u_hbm, src_hbm, dst_hbm, rel_hbm, norm_hbm, zero_hbm, s_out,
             fsrc, fdst, frel, fnorm, rows, pay, sidx, gidx, zbuf,
             csrc, csidx, cnorm, cnt_ref, u_sp, s_sh,
             fsem, ssem, gsem):
    c = lax.axis_index("c")
    s = lax.axis_index("s")
    ebase = pl.multiple_of(s * E_SLICE, SB)

    dummy16 = jnp.full((L,), DUMMY_ROW, jnp.int32)

    pltpu.sync_copy(zero_hbm, zbuf)

    @pl.when(s == 0)
    def _():
        pltpu.sync_copy(u_hbm, u_sp)

    fields = (fsrc, fdst, frel, fnorm)
    fields_hbm = (src_hbm, dst_hbm, rel_hbm, norm_hbm)

    def pass_body(p, _carry):
        ci = 2 * p + c
        lo = ci * CHUNK

        def zero_body(k, _):
            pltpu.sync_copy(
                zbuf,
                s_sh.at[pl.ds(
                    pl.multiple_of(s * ROWS_PER_TILE + k * ZROWS, ZROWS),
                    ZROWS)])
            return _

        lax.fori_loop(0, ROWS_PER_TILE // ZROWS, zero_body, None)

        @pl.when(s == NS - 1)
        def _():
            pltpu.sync_copy(zbuf.at[pl.ds(0, 8)],
                            s_sh.at[pl.ds(DUMMY_ROW, 8)])

        plsc.subcore_barrier()

        for fb, fh in zip(fields, fields_hbm):
            pltpu.async_copy(fh.at[pl.ds(ebase, SB)], fb.at[0], fsem.at[0])

        def fire(f):
            db = lax.rem(f, 2)

            @pl.when(f >= 2)
            def _():
                pltpu.make_async_copy(
                    pay.at[db],
                    s_sh.at[plsc.Indices(sidx.at[db],
                                         ignored_value=DUMMY_ROW)],
                    ssem.at[db]).wait()

            for g in range(EB // L):
                gidx[0, pl.ds(g * L, L)] = csrc[pl.ds(g * L, L)]
                sidx[db, pl.ds(g * L, L)] = csidx[pl.ds(g * L, L)]

            pltpu.async_copy(
                u_sp.at[gidx.at[0]], rows, gsem).wait()

            mhi = jnp.full((L,), -65536, jnp.int32)
            for g in range(EB // L):
                nvv = cnorm[pl.ds(g * L, L)]
                for e2 in range(L):
                    e = g * L + e2
                    nv = jnp.full((L,), nvv[e2])
                    pkv = rows[e, pl.ds(0, L)]
                    lo_f = plsc.bitcast(pkv << 16, jnp.float32)
                    hi_f = plsc.bitcast(pkv & mhi, jnp.float32)
                    pay[db, e, pl.ds(0, L)] = lo_f * nv
                    pay[db, e, pl.ds(L, L)] = hi_f * nv

            pltpu.async_copy(
                pay.at[db],
                s_sh.at[plsc.Indices(sidx.at[db], ignored_value=DUMMY_ROW)],
                ssem.at[db], add=True)

        def vreg_body(i, _):
            sb = i // (SB // L)
            fdb = sb % 2

            @pl.when(lax.rem(i, SB // L) == 0)
            def _():
                for fb, fh in zip(fields, fields_hbm):
                    pltpu.make_async_copy(
                        fh.at[pl.ds(ebase + sb * SB, SB)], fb.at[fdb],
                        fsem.at[fdb]).wait()

                @pl.when(sb < N_SB - 1)
                def _():
                    nsb = sb + 1
                    for fb, fh in zip(fields, fields_hbm):
                        pltpu.async_copy(
                            fh.at[pl.ds(ebase + nsb * SB, SB)],
                            fb.at[nsb % 2], fsem.at[nsb % 2])

            off = lax.rem(i, SB // L) * L
            dstv = fdst[fdb, pl.ds(off, L)]
            relv = frel[fdb, pl.ds(off, L)]
            srcv = fsrc[fdb, pl.ds(off, L)]
            normv = fnorm[fdb, pl.ds(off, L)]
            inr = (dstv >= lo) & (dstv < lo + CHUNK)
            sx = (dstv - lo) * N_REL + relv

            pos = lax.rem(i, EB // L) * L
            csrc[pl.ds(pos, L)] = srcv
            csidx[pl.ds(pos, L)] = jnp.where(inr, sx, dummy16)
            cnorm[pl.ds(pos, L)] = normv

            @pl.when(lax.rem(i, EB // L) == EB // L - 1)
            def _():
                fire(i // (EB // L))

            return _

        lax.fori_loop(0, E_SLICE // L, vreg_body, None)

        for d in range(2):
            pltpu.make_async_copy(
                pay.at[d],
                s_sh.at[plsc.Indices(sidx.at[d], ignored_value=DUMMY_ROW)],
                ssem.at[d]).wait()

        plsc.subcore_barrier()

        pltpu.sync_copy(
            s_sh.at[pl.ds(s * ROWS_PER_TILE, ROWS_PER_TILE)],
            s_out.at[pl.ds(
                pl.multiple_of(ci * ROWS_PER_CHUNK + s * ROWS_PER_TILE, 8),
                ROWS_PER_TILE)])
        return _carry

    lax.fori_loop(0, N_PASSES, pass_body, None)


_sc_kernel = functools.partial(
    pl.kernel,
    out_type=jax.ShapeDtypeStruct((S_ROWS, ROW_W), jnp.float32),
    mesh=plsc.VectorSubcoreMesh(
        core_axis_name="c", subcore_axis_name="s", num_cores=NC,
        num_subcores=NS),
    scratch_types=[
        pltpu.VMEM((2, SB), jnp.int32),
        pltpu.VMEM((2, SB), jnp.int32),
        pltpu.VMEM((2, SB), jnp.int32),
        pltpu.VMEM((2, SB), jnp.float32),
        pltpu.VMEM((EB, ROW_W // 2), jnp.int32),
        pltpu.VMEM((2, EB, ROW_W), jnp.float32),
        pltpu.VMEM((2, EB), jnp.int32),
        pltpu.VMEM((1, EB), jnp.int32),
        pltpu.VMEM((ZROWS, ROW_W), jnp.float32),
        pltpu.VMEM((EB + L,), jnp.int32),
        pltpu.VMEM((EB + 9 * L,), jnp.int32),
        pltpu.VMEM((EB + L,), jnp.float32),
        pltpu.SMEM((8,), jnp.int32),
        pltpu.VMEM_SHARED((N_NODES, ROW_W // 2), jnp.int32),
        pltpu.VMEM_SHARED((ROWS_PER_CHUNK + 8, ROW_W), jnp.float32),
        pltpu.SemaphoreType.DMA((2,)),
        pltpu.SemaphoreType.DMA((2,)),
        pltpu.SemaphoreType.DMA,
    ],
    compiler_params=pltpu.CompilerParams(
        needs_layout_passes=False, use_tc_tiling_on_sc=False),
)(_sc_body)


def kernel(x, edge_index, rel_type, norm, weight, w_comp):
    src = edge_index[0].astype(jnp.int32)
    dst = edge_index[1].astype(jnp.int32)
    rel = rel_type.astype(jnp.int32)
    nrm = norm[:, 0].astype(jnp.float32)

    pad = E_PAD - N_EDGES
    src = jnp.concatenate([src, jnp.zeros((pad,), jnp.int32)])
    dst = jnp.concatenate([dst, jnp.full((pad,), DST_SENTINEL, jnp.int32)])
    rel = jnp.concatenate([rel, jnp.zeros((pad,), jnp.int32)])
    nrm = jnp.concatenate([nrm, jnp.zeros((pad,), jnp.float32)])

    u = pl.pallas_call(
        _u_tc_kernel,
        grid=(10,),
        in_specs=[
            pl.BlockSpec((1000, D), lambda i: (i, 0)),
            pl.BlockSpec((N_REL, N_BASES), lambda i: (0, 0)),
        ],
        out_specs=pl.BlockSpec((1000, ROW_W), lambda i: (i, 0)),
        out_shape=jax.ShapeDtypeStruct((N_NODES, ROW_W), jnp.float32),
    )(x, w_comp)

    zeros = jnp.zeros((ZROWS, ROW_W), jnp.float32)

    u_pk = jax.lax.bitcast_convert_type(
        u.astype(jnp.bfloat16).reshape(N_NODES, ROW_W // 2, 2), jnp.int32)

    s_flat = _sc_kernel(u_pk, src, dst, rel, nrm, zeros)

    s2 = s_flat.reshape(N_CHUNKS * CHUNK, N_REL * ROW_W)[:N_NODES]
    perm = jnp.concatenate([jnp.arange(0, ROW_W, 2), jnp.arange(1, ROW_W, 2)])
    w_mat = weight.reshape(N_BASES * D, D).reshape(N_REL, ROW_W, D)[
        :, perm, :].reshape(N_BASES * D, D)

    h = pl.pallas_call(
        _h_tc_kernel,
        grid=(10,),
        in_specs=[
            pl.BlockSpec((1000, 1024), lambda i: (i, 0)),
            pl.BlockSpec((1024, D), lambda i: (0, 0)),
        ],
        out_specs=pl.BlockSpec((1000, D), lambda i: (i, 0)),
        out_shape=jax.ShapeDtypeStruct((N_NODES, D), jnp.float32),
    )(s2, w_mat)

    return h

# --- scband reference (transcript-rebuilt; emitter-appended) ---
"""Pipeline reference for scband-rgcnlayer-30073361007325 (READ-ONLY COPY).

The authoritative reference and input builder live on the scoring server;
editing this copy changes nothing except your own understanding.
"""

import jax, jax.numpy as jnp
import numpy as np

N_NODES = 10000
N_EDGES = 320000
D_IN = 128
D_OUT = 128
N_REL = 32
N_BASES = 8


def setup_inputs(seed: int = 0) -> dict:
    key = jax.random.key(seed)
    k1, k2, k3, k4, k5, k6 = jax.random.split(key, 6)
    x = jax.random.normal(k1, (N_NODES, D_IN), dtype=jnp.float32)
    edge_index = jax.random.randint(k2, (2, N_EDGES), 0, N_NODES, dtype=jnp.int64)
    rel_type = jax.random.randint(k3, (N_EDGES,), 0, N_REL, dtype=jnp.int64)
    norm = jax.random.uniform(k4, (N_EDGES, 1), dtype=jnp.float32)
    # xavier_uniform with relu gain for basis weights and coefficients
    gain = float(np.sqrt(2.0))
    bound_w = gain * float(np.sqrt(6.0 / (D_IN + D_OUT)))
    weight = jax.random.uniform(k5, (N_BASES, D_IN, D_OUT), dtype=jnp.float32, minval=-bound_w, maxval=bound_w)
    bound_c = gain * float(np.sqrt(6.0 / (N_REL + N_BASES)))
    w_comp = jax.random.uniform(k6, (N_REL, N_BASES), dtype=jnp.float32, minval=-bound_c, maxval=bound_c)
    return {"x": x, "edge_index": edge_index, "rel_type": rel_type, "norm": norm, "weight": weight, "w_comp": w_comp}


def reference(x, edge_index, rel_type, norm, weight, w_comp):
    # Basis decomposition: replicate torch's view/matmul/view sequence exactly.
    # weight: [B, D_in, D_out] -> view as [D_in, B, D_out] (memory reinterpretation)
    w_v = weight.reshape(D_IN, N_BASES, D_OUT)
    # matmul([R, B], [D_in, B, D_out]) -> [D_in, R, D_out], then view as [R, D_in, D_out]
    w = jnp.matmul(w_comp, w_v).reshape(N_REL, D_IN, D_OUT)

    src = edge_index[0]
    dst = edge_index[1]

    # msg_e = h_src[e] @ w[rel[e]]  (mathematically identical, avoids materializing [E, D, D]):
    # precompute per-node per-relation transforms then gather per edge.
    all_t = jnp.einsum('nd,rdo->nro', x, w)          # [N, R, D_out]
    msg = all_t[src, rel_type]                        # gather: [E, D_out]
    msg = msg * norm                                  # [E, D_out] * [E, 1]

    # fn.sum(msg -> h): scatter-add into destination nodes
    h = jax.ops.segment_sum(msg, dst, num_segments=N_NODES)
    # apply_func: bias=None, activation=None -> identity
    return h

if __name__ == "__main__":
    import jax
    _d = setup_inputs()
    print(jax.jit(kernel)(*tuple(_d.values())))

</pallas_src>

<mosaic_0001>
#map = affine_map<(d0, d1) -> (0, 0)>
#map1 = affine_map<(d0, d1) -> (0)>
module attributes {stable_mosaic.version = 14 : i64} {
  func.func @_sc_body(%arg0: i32, %arg1: i32, %arg2: memref<10000x16xi32, #tpu.memory_space<hbm>>, %arg3: memref<327680xi32, #tpu.memory_space<hbm>>, %arg4: memref<327680xi32, #tpu.memory_space<hbm>>, %arg5: memref<327680xi32, #tpu.memory_space<hbm>>, %arg6: memref<327680xf32, #tpu.memory_space<hbm>>, %arg7: memref<64x32xf32, #tpu.memory_space<hbm>>, %arg8: memref<327680x32xf32, #tpu.memory_space<hbm>>, %arg9: memref<2x512xi32, #tpu.memory_space<vmem>>, %arg10: memref<2x512xi32, #tpu.memory_space<vmem>>, %arg11: memref<2x512xi32, #tpu.memory_space<vmem>>, %arg12: memref<2x512xf32, #tpu.memory_space<vmem>>, %arg13: memref<128x16xi32, #tpu.memory_space<vmem>>, %arg14: memref<2x128x32xf32, #tpu.memory_space<vmem>>, %arg15: memref<2x128xi32, #tpu.memory_space<vmem>>, %arg16: memref<1x128xi32, #tpu.memory_space<vmem>>, %arg17: memref<64x32xf32, #tpu.memory_space<vmem>>, %arg18: memref<144xi32, #tpu.memory_space<vmem>>, %arg19: memref<272xi32, #tpu.memory_space<vmem>>, %arg20: memref<144xf32, #tpu.memory_space<vmem>>, %arg21: memref<8xi32, #tpu.memory_space<smem>>, %arg22: memref<10000x16xi32, #tpu.memory_space<vmem_shared>>, %arg23: memref<40968x32xf32, #tpu.memory_space<vmem_shared>>, %arg24: memref<2x!tpu.dma_semaphore, #tpu.memory_space<semaphore_mem>>, %arg25: memref<2x!tpu.dma_semaphore, #tpu.memory_space<semaphore_mem>>, %arg26: memref<!tpu.dma_semaphore, #tpu.memory_space<semaphore_mem>>) attributes {dimension_semantics = [#tpu.dimension_semantics<core_parallel>, #tpu.dimension_semantics<subcore_parallel>], iteration_bounds = array<i64: 2, 16>, scalar_prefetch = 0 : i64, scratch_operands = 18 : i64, tpu.core_type = #tpu.core_type<sc_vector_subcore>, window_params = [{transform_indices = #map}, {transform_indices = #map1}, {transform_indices = #map1}, {transform_indices = #map1}, {transform_indices = #map1}, {transform_indices = #map}, {transform_indices = #map}]} {
    %mul3A = arith.constant 20480 : i32
    %mul3A_0 = arith.muli %arg1, %mul3A : i32
    %multiple_of3A = tpu.assume_multiple %mul3A_0, 512 : i32
    %broadcast_in_dim3A = arith.constant 40960 : i32
    %broadcast_in_dim3A_1 = vector.broadcast %broadcast_in_dim3A : i32 to vector<16xi32>
    "tpu.region"() ({
      %run_scoped3A = tpu.sem_alloc : memref<!tpu.dma_semaphore, #tpu.memory_space<semaphore_mem>>
      tpu.enqueue_dma source(%arg7 : memref<64x32xf32, #tpu.memory_space<hbm>>) target(%arg17 : memref<64x32xf32, #tpu.memory_space<vmem>>) target_semaphore(%run_scoped3A : memref<!tpu.dma_semaphore, #tpu.memory_space<semaphore_mem>>)
      tpu.wait_dma2 semaphore(%run_scoped3A : memref<!tpu.dma_semaphore, #tpu.memory_space<semaphore_mem>>) src(%arg7 : memref<64x32xf32, #tpu.memory_space<hbm>>) dst(%arg17 : memref<64x32xf32, #tpu.memory_space<vmem>>)
      tpu.yield
    }) : () -> ()
    %eq3A = arith.constant 0 : i32
    %eq3A_2 = arith.cmpi eq, %arg1, %eq3A : i32
    %convert_element_type3A = arith.extui %eq3A_2 : i1 to i32
    %cond3A = arith.constant 0 : i32
    %cond3A_3 = arith.cmpi ne, %convert_element_type3A, %cond3A : i32
    scf.if %cond3A_3 {
      "tpu.region"() ({
        %run_scoped3A = tpu.sem_alloc : memref<!tpu.dma_semaphore, #tpu.memory_space<semaphore_mem>>
        tpu.enqueue_dma source(%arg2 : memref<10000x16xi32, #tpu.memory_space<hbm>>) target(%arg22 : memref<10000x16xi32, #tpu.memory_space<vmem_shared>>) target_semaphore(%run_scoped3A : memref<!tpu.dma_semaphore, #tpu.memory_space<semaphore_mem>>)
        tpu.wait_dma2 semaphore(%run_scoped3A : memref<!tpu.dma_semaphore, #tpu.memory_space<semaphore_mem>>) src(%arg2 : memref<10000x16xi32, #tpu.memory_space<hbm>>) dst(%arg22 : memref<10000x16xi32, #tpu.memory_space<vmem_shared>>)
        tpu.yield
      }) : () -> ()
    } else {
    }
    %scan3A = arith.constant 0 : i32
    %scan3A_4 = arith.constant 4 : i32
    %scan3A_5 = arith.addi %scan3A, %scan3A_4 : i32
    %scan3A_6 = arith.constant 1 : i32
    scf.for %scan3A_8 = %scan3A to %scan3A_5 step %scan3A_6  : i32 {
      %mul3A_9 = arith.constant 2 : i32
      %mul3A_10 = arith.muli %mul3A_9, %scan3A_8 : i32
      %add3A = arith.addi %mul3A_10, %arg0 : i32
      %mul3A_11 = arith.constant 1280 : i32
      %mul3A_12 = arith.muli %add3A, %mul3A_11 : i32
      %scan3A_13 = arith.constant 0 : i32
      %scan3A_14 = arith.constant 40 : i32
      %scan3A_15 = arith.addi %scan3A_13, %scan3A_14 : i32
      %scan3A_16 = arith.constant 1 : i32
      scf.for %scan3A_113 = %scan3A_13 to %scan3A_15 step %scan3A_16  : i32 {
        %mul3A_114 = arith.constant 2560 : i32
        %mul3A_115 = arith.muli %arg1, %mul3A_114 : i32
        %mul3A_116 = arith.constant 64 : i32
        %mul3A_117 = arith.muli %scan3A_113, %mul3A_116 : i32
        %add3A_118 = arith.addi %mul3A_115, %mul3A_117 : i32
        %multiple_of3A_119 = tpu.assume_multiple %add3A_118, 64 : i32
        "tpu.region"() ({
          %run_scoped3A = tpu.sem_alloc : memref<!tpu.dma_semaphore, #tpu.memory_space<semaphore_mem>>
          %dma_start3A_120 = arith.constant 0 : i32
          %dma_start3A_121 = tpu.memref_slice %arg23[%multiple_of3A_119, %dma_start3A_120] : memref<40968x32xf32, #tpu.memory_space<vmem_shared>> -> memref<64x32xf32, #tpu.memory_space<vmem_shared>>
          %dma_start3A_122 = arith.constant 0 : i32
          %dma_start3A_123 = tpu.memref_slice %arg23[%multiple_of3A_119, %dma_start3A_122] : memref<40968x32xf32, #tpu.memory_space<vmem_shared>> -> memref<64x32xf32, #tpu.memory_space<vmem_shared>>
          tpu.enqueue_dma source(%arg17 : memref<64x32xf32, #tpu.memory_space<vmem>>) target(%dma_start3A_123 : memref<64x32xf32, #tpu.memory_space<vmem_shared>>) target_semaphore(%run_scoped3A : memref<!tpu.dma_semaphore, #tpu.memory_space<semaphore_mem>>)
          %dma_wait3A_124 = arith.constant 0 : i32
          %dma_wait3A_125 = tpu.memref_slice %arg23[%multiple_of3A_119, %dma_wait3A_124] : memref<40968x32xf32, #tpu.memory_space<vmem_shared>> -> memref<64x32xf32, #tpu.memory_space<vmem_shared>>
          %dma_wait3A_126 = arith.constant 0 : i32
          %dma_wait3A_127 = tpu.memref_slice %arg23[%multiple_of3A_119, %dma_wait3A_126] : memref<40968x32xf32, #tpu.memory_space<vmem_shared>> -> memref<64x32xf32, #tpu.memory_space<vmem_shared>>
          tpu.wait_dma2 semaphore(%run_scoped3A : memref<!tpu.dma_semaphore, #tpu.memory_space<semaphore_mem>>) src(%arg17 : memref<64x32xf32, #tpu.memory_space<vmem>>) dst(%dma_wait3A_127 : memref<64x32xf32, #tpu.memory_space<vmem_shared>>)
          tpu.yield
        }) : () -> ()
      }
      %scan3A_17 = arith.constant 40 : i32
      %eq3A_18 = arith.constant 15 : i32
      %eq3A_19 = arith.cmpi eq, %arg1, %eq3A_18 : i32
      %convert_element_type3A_20 = arith.extui %eq3A_19 : i1 to i32
      %cond3A_21 = arith.constant 0 : i32
      %cond3A_22 = arith.cmpi ne, %convert_element_type3A_20, %cond3A_21 : i32
      scf.if %cond3A_22 {
        "tpu.region"() ({
          %run_scoped3A = tpu.sem_alloc : memref<!tpu.dma_semaphore, #tpu.memory_space<semaphore_mem>>
          %dma_start3A_113 = arith.constant 0 : i32
          %dma_start3A_114 = arith.constant 0 : i32
          %dma_start3A_115 = tpu.memref_slice %arg17[%dma_start3A_113, %dma_start3A_114] : memref<64x32xf32, #tpu.memory_space<vmem>> -> memref<8x32xf32, #tpu.memory_space<vmem>>
          %dma_start3A_116 = arith.constant 40960 : i32
          %dma_start3A_117 = arith.constant 0 : i32
          %dma_start3A_118 = tpu.memref_slice %arg23[%dma_start3A_116, %dma_start3A_117] : memref<40968x32xf32, #tpu.memory_space<vmem_shared>> -> memref<8x32xf32, #tpu.memory_space<vmem_shared>>
          %dma_start3A_119 = arith.constant 40960 : i32
          %dma_start3A_120 = arith.constant 0 : i32
          %dma_start3A_121 = tpu.memref_slice %arg23[%dma_start3A_119, %dma_start3A_120] : memref<40968x32xf32, #tpu.memory_space<vmem_shared>> -> memref<8x32xf32, #tpu.memory_space<vmem_shared>>
          %dma_start3A_122 = arith.constant 0 : i32
          %dma_start3A_123 = arith.constant 0 : i32
          %dma_start3A_124 = tpu.memref_slice %arg17[%dma_start3A_122, %dma_start3A_123] : memref<64x32xf32, #tpu.memory_space<vmem>> -> memref<8x32xf32, #tpu.memory_space<vmem>>
          tpu.enqueue_dma source(%dma_start3A_124 : memref<8x32xf32, #tpu.memory_space<vmem>>) target(%dma_start3A_121 : memref<8x32xf32, #tpu.memory_space<vmem_shared>>) target_semaphore(%run_scoped3A : memref<!tpu.dma_semaphore, #tpu.memory_space<semaphore_mem>>)
          %dma_wait3A_125 = arith.constant 0 : i32
          %dma_wait3A_126 = arith.constant 0 : i32
          %dma_wait3A_127 = tpu.memref_slice %arg17[%dma_wait3A_125, %dma_wait3A_126] : memref<64x32xf32, #tpu.memory_space<vmem>> -> memref<8x32xf32, #tpu.memory_space<vmem>>
          %dma_wait3A_128 = arith.constant 40960 : i32
          %dma_wait3A_129 = arith.constant 0 : i32
          %dma_wait3A_130 = tpu.memref_slice %arg23[%dma_wait3A_128, %dma_wait3A_129] : memref<40968x32xf32, #tpu.memory_space<vmem_shared>> -> memref<8x32xf32, #tpu.memory_space<vmem_shared>>
          %dma_wait3A_131 = arith.constant 40960 : i32
          %dma_wait3A_132 = arith.constant 0 : i32
          %dma_wait3A_133 = tpu.memref_slice %arg23[%dma_wait3A_131, %dma_wait3A_132] : memref<40968x32xf32, #tpu.memory_space<vmem_shared>> -> memref<8x32xf32, #tpu.memory_space<vmem_shared>>
          %dma_wait3A_134 = arith.constant 0 : i32
          %dma_wait3A_135 = arith.constant 0 : i32
          %dma_wait3A_136 = tpu.memref_slice %arg17[%dma_wait3A_134, %dma_wait3A_135] : memref<64x32xf32, #tpu.memory_space<vmem>> -> memref<8x32xf32, #tpu.memory_space<vmem>>
          tpu.wait_dma2 semaphore(%run_scoped3A : memref<!tpu.dma_semaphore, #tpu.memory_space<semaphore_mem>>) src(%dma_wait3A_136 : memref<8x32xf32, #tpu.memory_space<vmem>>) dst(%dma_wait3A_133 : memref<8x32xf32, #tpu.memory_space<vmem_shared>>)
          tpu.yield
        }) : () -> ()
      } else {
      }
      %barrier3A = arith.constant 0 : index
      tpu.barrier barrier_id(%barrier3A)
      %dma_start3A = arith.constant 0 : i32
      %dma_start3A_23 = arith.constant 0 : i32
      %dma_start3A_24 = arith.constant 0 : i32
      %dma_start3A_25 = tpu.memref_slice %arg9[%dma_start3A, %dma_start3A_24] : memref<2x512xi32, #tpu.memory_space<vmem>> -> memref<1x512xi32, #tpu.memory_space<vmem>>
      %dma_start3A_26 = tpu.memref_squeeze %dma_start3A_25 : memref<1x512xi32, #tpu.memory_space<vmem>> -> memref<512xi32, #tpu.memory_space<vmem>>
      %dma_start3A_27 = tpu.memref_slice %arg3[%multiple_of3A] : memref<327680xi32, #tpu.memory_space<hbm>> -> memref<512xi32, #tpu.memory_space<hbm>>
      %dma_start3A_28 = tpu.memref_slice %arg24[%dma_start3A_23] : memref<2x!tpu.dma_semaphore, #tpu.memory_space<semaphore_mem>> -> memref<1x!tpu.dma_semaphore, #tpu.memory_space<semaphore_mem>>
      %dma_start3A_29 = tpu.memref_squeeze %dma_start3A_28 : memref<1x!tpu.dma_semaphore, #tpu.memory_space<semaphore_mem>> -> memref<!tpu.dma_semaphore, #tpu.memory_space<semaphore_mem>>
      %dma_start3A_30 = arith.constant 0 : i32
      %dma_start3A_31 = tpu.memref_slice %arg9[%dma_start3A, %dma_start3A_30] : memref<2x512xi32, #tpu.memory_space<vmem>> -> memref<1x512xi32, #tpu.memory_space<vmem>>
      %dma_start3A_32 = tpu.memref_squeeze %dma_start3A_31 : memref<1x512xi32, #tpu.memory_space<vmem>> -> memref<512xi32, #tpu.memory_space<vmem>>
      %dma_start3A_33 = tpu.memref_slice %arg3[%multiple_of3A] : memref<327680xi32, #tpu.memory_space<hbm>> -> memref<512xi32, #tpu.memory_space<hbm>>
      tpu.enqueue_dma source(%dma_start3A_33 : memref<512xi32, #tpu.memory_space<hbm>>) target(%dma_start3A_32 : memref<512xi32, #tpu.memory_space<vmem>>) target_semaphore(%dma_start3A_29 : memref<!tpu.dma_semaphore, #tpu.memory_space<semaphore_mem>>)
      %dma_start3A_34 = arith.constant 0 : i32
      %dma_start3A_35 = arith.constant 0 : i32
      %dma_start3A_36 = arith.constant 0 : i32
      %dma_start3A_37 = tpu.memref_slice %arg10[%dma_start3A_34, %dma_start3A_36] : memref<2x512xi32, #tpu.memory_space<vmem>> -> memref<1x512xi32, #tpu.memory_space<vmem>>
      %dma_start3A_38 = tpu.memref_squeeze %dma_start3A_37 : memref<1x512xi32, #tpu.memory_space<vmem>> -> memref<512xi32, #tpu.memory_space<vmem>>
      %dma_start3A_39 = tpu.memref_slice %arg4[%multiple_of3A] : memref<327680xi32, #tpu.memory_space<hbm>> -> memref<512xi32, #tpu.memory_space<hbm>>
      %dma_start3A_40 = tpu.memref_slice %arg24[%dma_start3A_35] : memref<2x!tpu.dma_semaphore, #tpu.memory_space<semaphore_mem>> -> memref<1x!tpu.dma_semaphore, #tpu.memory_space<semaphore_mem>>
      %dma_start3A_41 = tpu.memref_squeeze %dma_start3A_40 : memref<1x!tpu.dma_semaphore, #tpu.memory_space<semaphore_mem>> -> memref<!tpu.dma_semaphore, #tpu.memory_space<semaphore_mem>>
      %dma_start3A_42 = arith.constant 0 : i32
      %dma_start3A_43 = tpu.memref_slice %arg10[%dma_start3A_34, %dma_start3A_42] : memref<2x512xi32, #tpu.memory_space<vmem>> -> memref<1x512xi32, #tpu.memory_space<vmem>>
      %dma_start3A_44 = tpu.memref_squeeze %dma_start3A_43 : memref<1x512xi32, #tpu.memory_space<vmem>> -> memref<512xi32, #tpu.memory_space<vmem>>
      %dma_start3A_45 = tpu.memref_slice %arg4[%multiple_of3A] : memref<327680xi32, #tpu.memory_space<hbm>> -> memref<512xi32, #tpu.memory_space<hbm>>
      tpu.enqueue_dma source(%dma_start3A_45 : memref<512xi32, #tpu.memory_space<hbm>>) target(%dma_start3A_44 : memref<512xi32, #tpu.memory_space<vmem>>) target_semaphore(%dma_start3A_41 : memref<!tpu.dma_semaphore, #tpu.memory_space<semaphore_mem>>)
      %dma_start3A_46 = arith.constant 0 : i32
      %dma_start3A_47 = arith.constant 0 : i32
      %dma_start3A_48 = arith.constant 0 : i32
      %dma_start3A_49 = tpu.memref_slice %arg11[%dma_start3A_46, %dma_start3A_48] : memref<2x512xi32, #tpu.memory_space<vmem>> -> memref<1x512xi32, #tpu.memory_space<vmem>>
      %dma_start3A_50 = tpu.memref_squeeze %dma_start3A_49 : memref<1x512xi32, #tpu.memory_space<vmem>> -> memref<512xi32, #tpu.memory_space<vmem>>
      %dma_start3A_51 = tpu.memref_slice %arg5[%multiple_of3A] : memref<327680xi32, #tpu.memory_space<hbm>> -> memref<512xi32, #tpu.memory_space<hbm>>
      %dma_start3A_52 = tpu.memref_slice %arg24[%dma_start3A_47] : memref<2x!tpu.dma_semaphore, #tpu.memory_space<semaphore_mem>> -> memref<1x!tpu.dma_semaphore, #tpu.memory_space<semaphore_mem>>
      %dma_start3A_53 = tpu.memref_squeeze %dma_start3A_52 : memref<1x!tpu.dma_semaphore, #tpu.memory_space<semaphore_mem>> -> memref<!tpu.dma_semaphore, #tpu.memory_space<semaphore_mem>>
      %dma_start3A_54 = arith.constant 0 : i32
      %dma_start3A_55 = tpu.memref_slice %arg11[%dma_start3A_46, %dma_start3A_54] : memref<2x512xi32, #tpu.memory_space<vmem>> -> memref<1x512xi32, #tpu.memory_space<vmem>>
      %dma_start3A_56 = tpu.memref_squeeze %dma_start3A_55 : memref<1x512xi32, #tpu.memory_space<vmem>> -> memref<512xi32, #tpu.memory_space<vmem>>
      %dma_start3A_57 = tpu.memref_slice %arg5[%multiple_of3A] : memref<327680xi32, #tpu.memory_space<hbm>> -> memref<512xi32, #tpu.memory_space<hbm>>
      tpu.enqueue_dma source(%dma_start3A_57 : memref<512xi32, #tpu.memory_space<hbm>>) target(%dma_start3A_56 : memref<512xi32, #tpu.memory_space<vmem>>) target_semaphore(%dma_start3A_53 : memref<!tpu.dma_semaphore, #tpu.memory_space<semaphore_mem>>)
      %dma_start3A_58 = arith.constant 0 : i32
      %dma_start3A_59 = arith.constant 0 : i32
      %dma_start3A_60 = arith.constant 0 : i32
      %dma_start3A_61 = tpu.memref_slice %arg12[%dma_start3A_58, %dma_start3A_60] : memref<2x512xf32, #tpu.memory_space<vmem>> -> memref<1x512xf32, #tpu.memory_space<vmem>>
      %dma_start3A_62 = tpu.memref_squeeze %dma_start3A_61 : memref<1x512xf32, #tpu.memory_space<vmem>> -> memref<512xf32, #tpu.memory_space<vmem>>
      %dma_start3A_63 = tpu.memref_slice %arg6[%multiple_of3A] : memref<327680xf32, #tpu.memory_space<hbm>> -> memref<512xf32, #tpu.memory_space<hbm>>
      %dma_start3A_64 = tpu.memref_slice %arg24[%dma_start3A_59] : memref<2x!tpu.dma_semaphore, #tpu.memory_space<semaphore_mem>> -> memref<1x!tpu.dma_semaphore, #tpu.memory_space<semaphore_mem>>
      %dma_start3A_65 = tpu.memref_squeeze %dma_start3A_64 : memref<1x!tpu.dma_semaphore, #tpu.memory_space<semaphore_mem>> -> memref<!tpu.dma_semaphore, #tpu.memory_space<semaphore_mem>>
      %dma_start3A_66 = arith.constant 0 : i32
      %dma_start3A_67 = tpu.memref_slice %arg12[%dma_start3A_58, %dma_start3A_66] : memref<2x512xf32, #tpu.memory_space<vmem>> -> memref<1x512xf32, #tpu.memory_space<vmem>>
      %dma_start3A_68 = tpu.memref_squeeze %dma_start3A_67 : memref<1x512xf32, #tpu.memory_space<vmem>> -> memref<512xf32, #tpu.memory_space<vmem>>
      %dma_start3A_69 = tpu.memref_slice %arg6[%multiple_of3A] : memref<327680xf32, #tpu.memory_space<hbm>> -> memref<512xf32, #tpu.memory_space<hbm>>
      tpu.enqueue_dma source(%dma_start3A_69 : memref<512xf32, #tpu.memory_space<hbm>>) target(%dma_start3A_68 : memref<512xf32, #tpu.memory_space<vmem>>) target_semaphore(%dma_start3A_65 : memref<!tpu.dma_semaphore, #tpu.memory_space<semaphore_mem>>)
      %scan3A_70 = arith.constant 0 : i32
      %scan3A_71 = arith.constant 1280 : i32
      %scan3A_72 = arith.addi %scan3A_70, %scan3A_71 : i32
      %scan3A_73 = arith.constant 1 : i32
      scf.for %scan3A_113 = %scan3A_70 to %scan3A_72 step %scan3A_73  : i32 {
        %jit3A = arith.constant 32 : i32
        %div3A = arith.divsi %scan3A_113, %jit3A : i32
        %sign3A = arith.constant 0 : i32
        %sign3A_114 = arith.cmpi sgt, %scan3A_113, %sign3A : i32
        %sign3A_115 = arith.extui %sign3A_114 : i1 to i32
        %sign3A_116 = arith.constant 0 : i32
        %sign3A_117 = arith.cmpi slt, %scan3A_113, %sign3A_116 : i32
        %sign3A_118 = arith.extui %sign3A_117 : i1 to i32
        %sign3A_119 = arith.subi %sign3A_115, %sign3A_118 : i32
        %sign3A_120 = arith.constant 0 : i32
        %sign3A_121 = arith.cmpi sgt, %jit3A, %sign3A_120 : i32
        %sign3A_122 = arith.extui %sign3A_121 : i1 to i32
        %sign3A_123 = arith.constant 0 : i32
        %sign3A_124 = arith.cmpi slt, %jit3A, %sign3A_123 : i32
        %sign3A_125 = arith.extui %sign3A_124 : i1 to i32
        %sign3A_126 = arith.subi %sign3A_122, %sign3A_125 : i32
        %ne3A = arith.cmpi ne, %sign3A_119, %sign3A_126 : i32
        %rem3A = arith.remsi %scan3A_113, %jit3A : i32
        %ne3A_127 = arith.constant 0 : i32
        %ne3A_128 = arith.cmpi ne, %rem3A, %ne3A_127 : i32
        %and3A = arith.andi %ne3A, %ne3A_128 : i1
        %sub3A = arith.constant 1 : i32
        %sub3A_129 = arith.subi %div3A, %sub3A : i32
        %select_n3A = arith.select %and3A, %sub3A_129, %div3A : i32
        %jit3A_130 = arith.constant 2 : i32
        %eq3A_131 = arith.constant 0 : i32
        %eq3A_132 = arith.cmpi eq, %jit3A_130, %eq3A_131 : i32
        %jit3A_133 = arith.constant 1 : i32
        %select_n3A_134 = arith.select %eq3A_132, %jit3A_133, %jit3A_130 : i32
        %rem3A_135 = arith.remsi %select_n3A, %select_n3A_134 : i32
        %ne3A_136 = arith.constant 0 : i32
        %ne3A_137 = arith.cmpi ne, %rem3A_135, %ne3A_136 : i32
        %lt3A = arith.constant 0 : i32
        %lt3A_138 = arith.cmpi slt, %rem3A_135, %lt3A : i32
        %lt3A_139 = arith.constant 0 : i32
        %lt3A_140 = arith.cmpi slt, %select_n3A_134, %lt3A_139 : i32
        %ne3A_141 = arith.xori %lt3A_138, %lt3A_140 : i1
        %and3A_142 = arith.andi %ne3A_141, %ne3A_137 : i1
        %add3A_143 = arith.addi %rem3A_135, %select_n3A_134 : i32
        %select_n3A_144 = arith.select %and3A_142, %add3A_143, %rem3A_135 : i32
        %rem3A_145 = arith.constant 32 : i32
        %rem3A_146 = arith.remsi %scan3A_113, %rem3A_145 : i32
        %eq3A_147 = arith.constant 0 : i32
        %eq3A_148 = arith.cmpi eq, %rem3A_146, %eq3A_147 : i32
        %convert_element_type3A_149 = arith.extui %eq3A_148 : i1 to i32
        %cond3A_150 = arith.constant 0 : i32
        %cond3A_151 = arith.cmpi ne, %convert_element_type3A_149, %cond3A_150 : i32
        scf.if %cond3A_151 {
          %mul3A_196 = arith.constant 512 : i32
          %mul3A_197 = arith.muli %select_n3A, %mul3A_196 : i32
          %add3A_198 = arith.addi %multiple_of3A, %mul3A_197 : i32
          %dma_wait3A_199 = arith.constant 0 : i32
          %dma_wait3A_200 = tpu.memref_slice %arg9[%select_n3A_144, %dma_wait3A_199] : memref<2x512xi32, #tpu.memory_space<vmem>> -> memref<1x512xi32, #tpu.memory_space<vmem>>
          %dma_wait3A_201 = tpu.memref_squeeze %dma_wait3A_200 : memref<1x512xi32, #tpu.memory_space<vmem>> -> memref<512xi32, #tpu.memory_space<vmem>>
          %dma_wait3A_202 = tpu.memref_slice %arg3[%add3A_198] : memref<327680xi32, #tpu.memory_space<hbm>> -> memref<512xi32, #tpu.memory_space<hbm>>
          %dma_wait3A_203 = tpu.memref_slice %arg24[%select_n3A_144] : memref<2x!tpu.dma_semaphore, #tpu.memory_space<semaphore_mem>> -> memref<1x!tpu.dma_semaphore, #tpu.memory_space<semaphore_mem>>
          %dma_wait3A_204 = tpu.memref_squeeze %dma_wait3A_203 : memref<1x!tpu.dma_semaphore, #tpu.memory_space<semaphore_mem>> -> memref<!tpu.dma_semaphore, #tpu.memory_space<semaphore_mem>>
          %dma_wait3A_205 = arith.constant 0 : i32
          %dma_wait3A_206 = tpu.memref_slice %arg9[%select_n3A_144, %dma_wait3A_205] : memref<2x512xi32, #tpu.memory_space<vmem>> -> memref<1x512xi32, #tpu.memory_space<vmem>>
          %dma_wait3A_207 = tpu.memref_squeeze %dma_wait3A_206 : memref<1x512xi32, #tpu.memory_space<vmem>> -> memref<512xi32, #tpu.memory_space<vmem>>
          %dma_wait3A_208 = tpu.memref_slice %arg3[%add3A_198] : memref<327680xi32, #tpu.memory_space<hbm>> -> memref<512xi32, #tpu.memory_space<hbm>>
          tpu.wait_dma2 semaphore(%dma_wait3A_204 : memref<!tpu.dma_semaphore, #tpu.memory_space<semaphore_mem>>) src(%dma_wait3A_208 : memref<512xi32, #tpu.memory_space<hbm>>) dst(%dma_wait3A_207 : memref<512xi32, #tpu.memory_space<vmem>>)
          %mul3A_209 = arith.constant 512 : i32
          %mul3A_210 = arith.muli %select_n3A, %mul3A_209 : i32
          %add3A_211 = arith.addi %multiple_of3A, %mul3A_210 : i32
          %dma_wait3A_212 = arith.constant 0 : i32
          %dma_wait3A_213 = tpu.memref_slice %arg10[%select_n3A_144, %dma_wait3A_212] : memref<2x512xi32, #tpu.memory_space<vmem>> -> memref<1x512xi32, #tpu.memory_space<vmem>>
          %dma_wait3A_214 = tpu.memref_squeeze %dma_wait3A_213 : memref<1x512xi32, #tpu.memory_space<vmem>> -> memref<512xi32, #tpu.memory_space<vmem>>
          %dma_wait3A_215 = tpu.memref_slice %arg4[%add3A_211] : memref<327680xi32, #tpu.memory_space<hbm>> -> memref<512xi32, #tpu.memory_space<hbm>>
          %dma_wait3A_216 = tpu.memref_slice %arg24[%select_n3A_144] : memref<2x!tpu.dma_semaphore, #tpu.memory_space<semaphore_mem>> -> memref<1x!tpu.dma_semaphore, #tpu.memory_space<semaphore_mem>>
          %dma_wait3A_217 = tpu.memref_squeeze %dma_wait3A_216 : memref<1x!tpu.dma_semaphore, #tpu.memory_space<semaphore_mem>> -> memref<!tpu.dma_semaphore, #tpu.memory_space<semaphore_mem>>
          %dma_wait3A_218 = arith.constant 0 : i32
          %dma_wait3A_219 = tpu.memref_slice %arg10[%select_n3A_144, %dma_wait3A_218] : memref<2x512xi32, #tpu.memory_space<vmem>> -> memref<1x512xi32, #tpu.memory_space<vmem>>
          %dma_wait3A_220 = tpu.memref_squeeze %dma_wait3A_219 : memref<1x512xi32, #tpu.memory_space<vmem>> -> memref<512xi32, #tpu.memory_space<vmem>>
          %dma_wait3A_221 = tpu.memref_slice %arg4[%add3A_211] : memref<327680xi32, #tpu.memory_space<hbm>> -> memref<512xi32, #tpu.memory_space<hbm>>
          tpu.wait_dma2 semaphore(%dma_wait3A_217 : memref<!tpu.dma_semaphore, #tpu.memory_space<semaphore_mem>>) src(%dma_wait3A_221 : memref<512xi32, #tpu.memory_space<hbm>>) dst(%dma_wait3A_220 : memref<512xi32, #tpu.memory_space<vmem>>)
          %mul3A_222 = arith.constant 512 : i32
          %mul3A_223 = arith.muli %select_n3A, %mul3A_222 : i32
          %add3A_224 = arith.addi %multiple_of3A, %mul3A_223 : i32
          %dma_wait3A_225 = arith.constant 0 : i32
          %dma_wait3A_226 = tpu.memref_slice %arg11[%select_n3A_144, %dma_wait3A_225] : memref<2x512xi32, #tpu.memory_space<vmem>> -> memref<1x512xi32, #tpu.memory_space<vmem>>
          %dma_wait3A_227 = tpu.memref_squeeze %dma_wait3A_226 : memref<1x512xi32, #tpu.memory_space<vmem>> -> memref<512xi32, #tpu.memory_space<vmem>>
          %dma_wait3A_228 = tpu.memref_slice %arg5[%add3A_224] : memref<327680xi32, #tpu.memory_space<hbm>> -> memref<512xi32, #tpu.memory_space<hbm>>
          %dma_wait3A_229 = tpu.memref_slice %arg24[%select_n3A_144] : memref<2x!tpu.dma_semaphore, #tpu.memory_space<semaphore_mem>> -> memref<1x!tpu.dma_semaphore, #tpu.memory_space<semaphore_mem>>
          %dma_wait3A_230 = tpu.memref_squeeze %dma_wait3A_229 : memref<1x!tpu.dma_semaphore, #tpu.memory_space<semaphore_mem>> -> memref<!tpu.dma_semaphore, #tpu.memory_space<semaphore_mem>>
          %dma_wait3A_231 = arith.constant 0 : i32
          %dma_wait3A_232 = tpu.memref_slice %arg11[%select_n3A_144, %dma_wait3A_231] : memref<2x512xi32, #tpu.memory_space<vmem>> -> memref<1x512xi32, #tpu.memory_space<vmem>>
          %dma_wait3A_233 = tpu.memref_squeeze %dma_wait3A_232 : memref<1x512xi32, #tpu.memory_space<vmem>> -> memref<512xi32, #tpu.memory_space<vmem>>
          %dma_wait3A_234 = tpu.memref_slice %arg5[%add3A_224] : memref<327680xi32, #tpu.memory_space<hbm>> -> memref<512xi32, #tpu.memory_space<hbm>>
          tpu.wait_dma2 semaphore(%dma_wait3A_230 : memref<!tpu.dma_semaphore, #tpu.memory_space<semaphore_mem>>) src(%dma_wait3A_234 : memref<512xi32, #tpu.memory_space<hbm>>) dst(%dma_wait3A_233 : memref<512xi32, #tpu.memory_space<vmem>>)
          %mul3A_235 = arith.constant 512 : i32
          %mul3A_236 = arith.muli %select_n3A, %mul3A_235 : i32
          %add3A_237 = arith.addi %multiple_of3A, %mul3A_236 : i32
          %dma_wait3A_238 = arith.constant 0 : i32
          %dma_wait3A_239 = tpu.memref_slice %arg12[%select_n3A_144, %dma_wait3A_238] : memref<2x512xf32, #tpu.memory_space<vmem>> -> memref<1x512xf32, #tpu.memory_space<vmem>>
          %dma_wait3A_240 = tpu.memref_squeeze %dma_wait3A_239 : memref<1x512xf32, #tpu.memory_space<vmem>> -> memref<512xf32, #tpu.memory_space<vmem>>
          %dma_wait3A_241 = tpu.memref_slice %arg6[%add3A_237] : memref<327680xf32, #tpu.memory_space<hbm>> -> memref<512xf32, #tpu.memory_space<hbm>>
          %dma_wait3A_242 = tpu.memref_slice %arg24[%select_n3A_144] : memref<2x!tpu.dma_semaphore, #tpu.memory_space<semaphore_mem>> -> memref<1x!tpu.dma_semaphore, #tpu.memory_space<semaphore_mem>>
          %dma_wait3A_243 = tpu.memref_squeeze %dma_wait3A_242 : memref<1x!tpu.dma_semaphore, #tpu.memory_space<semaphore_mem>> -> memref<!tpu.dma_semaphore, #tpu.memory_space<semaphore_mem>>
          %dma_wait3A_244 = arith.constant 0 : i32
          %dma_wait3A_245 = tpu.memref_slice %arg12[%select_n3A_144, %dma_wait3A_244] : memref<2x512xf32, #tpu.memory_space<vmem>> -> memref<1x512xf32, #tpu.memory_space<vmem>>
          %dma_wait3A_246 = tpu.memref_squeeze %dma_wait3A_245 : memref<1x512xf32, #tpu.memory_space<vmem>> -> memref<512xf32, #tpu.memory_space<vmem>>
          %dma_wait3A_247 = tpu.memref_slice %arg6[%add3A_237] : memref<327680xf32, #tpu.memory_space<hbm>> -> memref<512xf32, #tpu.memory_space<hbm>>
          tpu.wait_dma2 semaphore(%dma_wait3A_243 : memref<!tpu.dma_semaphore, #tpu.memory_space<semaphore_mem>>) src(%dma_wait3A_247 : memref<512xf32, #tpu.memory_space<hbm>>) dst(%dma_wait3A_246 : memref<512xf32, #tpu.memory_space<vmem>>)
          %lt3A_248 = arith.constant 39 : i32
          %lt3A_249 = arith.cmpi slt, %select_n3A, %lt3A_248 : i32
          %convert_element_type3A_250 = arith.extui %lt3A_249 : i1 to i32
          %cond3A_251 = arith.constant 0 : i32
          %cond3A_252 = arith.cmpi ne, %convert_element_type3A_250, %cond3A_251 : i32
          scf.if %cond3A_252 {
            %add3A_253 = arith.constant 1 : i32
            %add3A_254 = arith.addi %select_n3A, %add3A_253 : i32
            %mul3A_255 = arith.constant 512 : i32
            %mul3A_256 = arith.muli %add3A_254, %mul3A_255 : i32
            %add3A_257 = arith.addi %multiple_of3A, %mul3A_256 : i32
            %jit3A_258 = arith.constant 2 : i32
            %eq3A_259 = arith.constant 0 : i32
            %eq3A_260 = arith.cmpi eq, %jit3A_258, %eq3A_259 : i32
            %jit3A_261 = arith.constant 1 : i32
            %select_n3A_262 = arith.select %eq3A_260, %jit3A_261, %jit3A_258 : i32
            %rem3A_263 = arith.remsi %add3A_254, %select_n3A_262 : i32
            %ne3A_264 = arith.constant 0 : i32
            %ne3A_265 = arith.cmpi ne, %rem3A_263, %ne3A_264 : i32
            %lt3A_266 = arith.constant 0 : i32
            %lt3A_267 = arith.cmpi slt, %rem3A_263, %lt3A_266 : i32
            %lt3A_268 = arith.constant 0 : i32
            %lt3A_269 = arith.cmpi slt, %select_n3A_262, %lt3A_268 : i32
            %ne3A_270 = arith.xori %lt3A_267, %lt3A_269 : i1
            %and3A_271 = arith.andi %ne3A_270, %ne3A_265 : i1
            %add3A_272 = arith.addi %rem3A_263, %select_n3A_262 : i32
            %select_n3A_273 = arith.select %and3A_271, %add3A_272, %rem3A_263 : i32
            %jit3A_274 = arith.constant 2 : i32
            %eq3A_275 = arith.constant 0 : i32
            %eq3A_276 = arith.cmpi eq, %jit3A_274, %eq3A_275 : i32
            %jit3A_277 = arith.constant 1 : i32
            %select_n3A_278 = arith.select %eq3A_276, %jit3A_277, %jit3A_274 : i32
            %rem3A_279 = arith.remsi %add3A_254, %select_n3A_278 : i32
            %ne3A_280 = arith.constant 0 : i32
            %ne3A_281 = arith.cmpi ne, %rem3A_279, %ne3A_280 : i32
            %lt3A_282 = arith.constant 0 : i32
            %lt3A_283 = arith.cmpi slt, %rem3A_279, %lt3A_282 : i32
            %lt3A_284 = arith.constant 0 : i32
            %lt3A_285 = arith.cmpi slt, %select_n3A_278, %lt3A_284 : i32
            %ne3A_286 = arith.xori %lt3A_283, %lt3A_285 : i1
            %and3A_287 = arith.andi %ne3A_286, %ne3A_281 : i1
            %add3A_288 = arith.addi %rem3A_279, %select_n3A_278 : i32
            %select_n3A_289 = arith.select %and3A_287, %add3A_288, %rem3A_279 : i32
            %dma_start3A_290 = arith.constant 0 : i32
            %dma_start3A_291 = tpu.memref_slice %arg9[%select_n3A_273, %dma_start3A_290] : memref<2x512xi32, #tpu.memory_space<vmem>> -> memref<1x512xi32, #tpu.memory_space<vmem>>
            %dma_start3A_292 = tpu.memref_squeeze %dma_start3A_291 : memref<1x512xi32, #tpu.memory_space<vmem>> -> memref<512xi32, #tpu.memory_space<vmem>>
            %dma_start3A_293 = tpu.memref_slice %arg3[%add3A_257] : memref<327680xi32, #tpu.memory_space<hbm>> -> memref<512xi32, #tpu.memory_space<hbm>>
            %dma_start3A_294 = tpu.memref_slice %arg24[%select_n3A_289] : memref<2x!tpu.dma_semaphore, #tpu.memory_space<semaphore_mem>> -> memref<1x!tpu.dma_semaphore, #tpu.memory_space<semaphore_mem>>
            %dma_start3A_295 = tpu.memref_squeeze %dma_start3A_294 : memref<1x!tpu.dma_semaphore, #tpu.memory_space<semaphore_mem>> -> memref<!tpu.dma_semaphore, #tpu.memory_space<semaphore_mem>>
            %dma_start3A_296 = arith.constant 0 : i32
            %dma_start3A_297 = tpu.memref_slice %arg9[%select_n3A_273, %dma_start3A_296] : memref<2x512xi32, #tpu.memory_space<vmem>> -> memref<1x512xi32, #tpu.memory_space<vmem>>
            %dma_start3A_298 = tpu.memref_squeeze %dma_start3A_297 : memref<1x512xi32, #tpu.memory_space<vmem>> -> memref<512xi32, #tpu.memory_space<vmem>>
            %dma_start3A_299 = tpu.memref_slice %arg3[%add3A_257] : memref<327680xi32, #tpu.memory_space<hbm>> -> memref<512xi32, #tpu.memory_space<hbm>>
            tpu.enqueue_dma source(%dma_start3A_299 : memref<512xi32, #tpu.memory_space<hbm>>) target(%dma_start3A_298 : memref<512xi32, #tpu.memory_space<vmem>>) target_semaphore(%dma_start3A_295 : memref<!tpu.dma_semaphore, #tpu.memory_space<semaphore_mem>>)
            %mul3A_300 = arith.constant 512 : i32
            %mul3A_301 = arith.muli %add3A_254, %mul3A_300 : i32
            %add3A_302 = arith.addi %multiple_of3A, %mul3A_301 : i32
            %jit3A_303 = arith.constant 2 : i32
            %eq3A_304 = arith.constant 0 : i32
            %eq3A_305 = arith.cmpi eq, %jit3A_303, %eq3A_304 : i32
            %jit3A_306 = arith.constant 1 : i32
            %select_n3A_307 = arith.select %eq3A_305, %jit3A_306, %jit3A_303 : i32
            %rem3A_308 = arith.remsi %add3A_254, %select_n3A_307 : i32
            %ne3A_309 = arith.constant 0 : i32
            %ne3A_310 = arith.cmpi ne, %rem3A_308, %ne3A_309 : i32
            %lt3A_311 = arith.constant 0 : i32
            %lt3A_312 = arith.cmpi slt, %rem3A_308, %lt3A_311 : i32
            %lt3A_313 = arith.constant 0 : i32
            %lt3A_314 = arith.cmpi slt, %select_n3A_307, %lt3A_313 : i32
            %ne3A_315 = arith.xori %lt3A_312, %lt3A_314 : i1
            %and3A_316 = arith.andi %ne3A_315, %ne3A_310 : i1
            %add3A_317 = arith.addi %rem3A_308, %select_n3A_307 : i32
            %select_n3A_318 = arith.select %and3A_316, %add3A_317, %rem3A_308 : i32
            %jit3A_319 = arith.constant 2 : i32
            %eq3A_320 = arith.constant 0 : i32
            %eq3A_321 = arith.cmpi eq, %jit3A_319, %eq3A_320 : i32
            %jit3A_322 = arith.constant 1 : i32
            %select_n3A_323 = arith.select %eq3A_321, %jit3A_322, %jit3A_319 : i32
            %rem3A_324 = arith.remsi %add3A_254, %select_n3A_323 : i32
            %ne3A_325 = arith.constant 0 : i32
            %ne3A_326 = arith.cmpi ne, %rem3A_324, %ne3A_325 : i32
            %lt3A_327 = arith.constant 0 : i32
            %lt3A_328 = arith.cmpi slt, %rem3A_324, %lt3A_327 : i32
            %lt3A_329 = arith.constant 0 : i32
            %lt3A_330 = arith.cmpi slt, %select_n3A_323, %lt3A_329 : i32
            %ne3A_331 = arith.xori %lt3A_328, %lt3A_330 : i1
            %and3A_332 = arith.andi %ne3A_331, %ne3A_326 : i1
            %add3A_333 = arith.addi %rem3A_324, %select_n3A_323 : i32
            %select_n3A_334 = arith.select %and3A_332, %add3A_333, %rem3A_324 : i32
            %dma_start3A_335 = arith.constant 0 : i32
            %dma_start3A_336 = tpu.memref_slice %arg10[%select_n3A_318, %dma_start3A_335] : memref<2x512xi32, #tpu.memory_space<vmem>> -> memref<1x512xi32, #tpu.memory_space<vmem>>
            %dma_start3A_337 = tpu.memref_squeeze %dma_start3A_336 : memref<1x512xi32, #tpu.memory_space<vmem>> -> memref<512xi32, #tpu.memory_space<vmem>>
            %dma_start3A_338 = tpu.memref_slice %arg4[%add3A_302] : memref<327680xi32, #tpu.memory_space<hbm>> -> memref<512xi32, #tpu.memory_space<hbm>>
            %dma_start3A_339 = tpu.memref_slice %arg24[%select_n3A_334] : memref<2x!tpu.dma_semaphore, #tpu.memory_space<semaphore_mem>> -> memref<1x!tpu.dma_semaphore, #tpu.memory_space<semaphore_mem>>
            %dma_start3A_340 = tpu.memref_squeeze %dma_start3A_339 : memref<1x!tpu.dma_semaphore, #tpu.memory_space<semaphore_mem>> -> memref<!tpu.dma_semaphore, #tpu.memory_space<semaphore_mem>>
            %dma_start3A_341 = arith.constant 0 : i32
            %dma_start3A_342 = tpu.memref_slice %arg10[%select_n3A_318, %dma_start3A_341] : memref<2x512xi32, #tpu.memory_space<vmem>> -> memref<1x512xi32, #tpu.memory_space<vmem>>
            %dma_start3A_343 = tpu.memref_squeeze %dma_start3A_342 : memref<1x512xi32, #tpu.memory_space<vmem>> -> memref<512xi32, #tpu.memory_space<vmem>>
            %dma_start3A_344 = tpu.memref_slice %arg4[%add3A_302] : memref<327680xi32, #tpu.memory_space<hbm>> -> memref<512xi32, #tpu.memory_space<hbm>>
            tpu.enqueue_dma source(%dma_start3A_344 : memref<512xi32, #tpu.memory_space<hbm>>) target(%dma_start3A_343 : memref<512xi32, #tpu.memory_space<vmem>>) target_semaphore(%dma_start3A_340 : memref<!tpu.dma_semaphore, #tpu.memory_space<semaphore_mem>>)
            %mul3A_345 = arith.constant 512 : i32
            %mul3A_346 = arith.muli %add3A_254, %mul3A_345 : i32
            %add3A_347 = arith.addi %multiple_of3A, %mul3A_346 : i32
            %jit3A_348 = arith.constant 2 : i32
            %eq3A_349 = arith.constant 0 : i32
            %eq3A_350 = arith.cmpi eq, %jit3A_348, %eq3A_349 : i32
            %jit3A_351 = arith.constant 1 : i32
            %select_n3A_352 = arith.select %eq3A_350, %jit3A_351, %jit3A_348 : i32
            %rem3A_353 = arith.remsi %add3A_254, %select_n3A_352 : i32
            %ne3A_354 = arith.constant 0 : i32
            %ne3A_355 = arith.cmpi ne, %rem3A_353, %ne3A_354 : i32
            %lt3A_356 = arith.constant 0 : i32
            %lt3A_357 = arith.cmpi slt, %rem3A_353, %lt3A_356 : i32
            %lt3A_358 = arith.constant 0 : i32
            %lt3A_359 = arith.cmpi slt, %select_n3A_352, %lt3A_358 : i32
            %ne3A_360 = arith.xori %lt3A_357, %lt3A_359 : i1
            %and3A_361 = arith.andi %ne3A_360, %ne3A_355 : i1
            %add3A_362 = arith.addi %rem3A_353, %select_n3A_352 : i32
            %select_n3A_363 = arith.select %and3A_361, %add3A_362, %rem3A_353 : i32
            %jit3A_364 = arith.constant 2 : i32
            %eq3A_365 = arith.constant 0 : i32
            %eq3A_366 = arith.cmpi eq, %jit3A_364, %eq3A_365 : i32
            %jit3A_367 = arith.constant 1 : i32
            %select_n3A_368 = arith.select %eq3A_366, %jit3A_367, %jit3A_364 : i32
            %rem3A_369 = arith.remsi %add3A_254, %select_n3A_368 : i32
            %ne3A_370 = arith.constant 0 : i32
            %ne3A_371 = arith.cmpi ne, %rem3A_369, %ne3A_370 : i32
            %lt3A_372 = arith.constant 0 : i32
            %lt3A_373 = arith.cmpi slt, %rem3A_369, %lt3A_372 : i32
            %lt3A_374 = arith.constant 0 : i32
            %lt3A_375 = arith.cmpi slt, %select_n3A_368, %lt3A_374 : i32
            %ne3A_376 = arith.xori %lt3A_373, %lt3A_375 : i1
            %and3A_377 = arith.andi %ne3A_376, %ne3A_371 : i1
            %add3A_378 = arith.addi %rem3A_369, %select_n3A_368 : i32
            %select_n3A_379 = arith.select %and3A_377, %add3A_378, %rem3A_369 : i32
            %dma_start3A_380 = arith.constant 0 : i32
            %dma_start3A_381 = tpu.memref_slice %arg11[%select_n3A_363, %dma_start3A_380] : memref<2x512xi32, #tpu.memory_space<vmem>> -> memref<1x512xi32, #tpu.memory_space<vmem>>
            %dma_start3A_382 = tpu.memref_squeeze %dma_start3A_381 : memref<1x512xi32, #tpu.memory_space<vmem>> -> memref<512xi32, #tpu.memory_space<vmem>>
            %dma_start3A_383 = tpu.memref_slice %arg5[%add3A_347] : memref<327680xi32, #tpu.memory_space<hbm>> -> memref<512xi32, #tpu.memory_space<hbm>>
            %dma_start3A_384 = tpu.memref_slice %arg24[%select_n3A_379] : memref<2x!tpu.dma_semaphore, #tpu.memory_space<semaphore_mem>> -> memref<1x!tpu.dma_semaphore, #tpu.memory_space<semaphore_mem>>
            %dma_start3A_385 = tpu.memref_squeeze %dma_start3A_384 : memref<1x!tpu.dma_semaphore, #tpu.memory_space<semaphore_mem>> -> memref<!tpu.dma_semaphore, #tpu.memory_space<semaphore_mem>>
            %dma_start3A_386 = arith.constant 0 : i32
            %dma_start3A_387 = tpu.memref_slice %arg11[%select_n3A_363, %dma_start3A_386] : memref<2x512xi32, #tpu.memory_space<vmem>> -> memref<1x512xi32, #tpu.memory_space<vmem>>
            %dma_start3A_388 = tpu.memref_squeeze %dma_start3A_387 : memref<1x512xi32, #tpu.memory_space<vmem>> -> memref<512xi32, #tpu.memory_space<vmem>>
            %dma_start3A_389 = tpu.memref_slice %arg5[%add3A_347] : memref<327680xi32, #tpu.memory_space<hbm>> -> memref<512xi32, #tpu.memory_space<hbm>>
            tpu.enqueue_dma source(%dma_start3A_389 : memref<512xi32, #tpu.memory_space<hbm>>) target(%dma_start3A_388 : memref<512xi32, #tpu.memory_space<vmem>>) target_semaphore(%dma_start3A_385 : memref<!tpu.dma_semaphore, #tpu.memory_space<semaphore_mem>>)
            %mul3A_390 = arith.constant 512 : i32
            %mul3A_391 = arith.muli %add3A_254, %mul3A_390 : i32
            %add3A_392 = arith.addi %multiple_of3A, %mul3A_391 : i32
            %jit3A_393 = arith.constant 2 : i32
            %eq3A_394 = arith.constant 0 : i32
            %eq3A_395 = arith.cmpi eq, %jit3A_393, %eq3A_394 : i32
            %jit3A_396 = arith.constant 1 : i32
            %select_n3A_397 = arith.select %eq3A_395, %jit3A_396, %jit3A_393 : i32
            %rem3A_398 = arith.remsi %add3A_254, %select_n3A_397 : i32
            %ne3A_399 = arith.constant 0 : i32
            %ne3A_400 = arith.cmpi ne, %rem3A_398, %ne3A_399 : i32
            %lt3A_401 = arith.constant 0 : i32
            %lt3A_402 = arith.cmpi slt, %rem3A_398, %lt3A_401 : i32
            %lt3A_403 = arith.constant 0 : i32
            %lt3A_404 = arith.cmpi slt, %select_n3A_397, %lt3A_403 : i32
            %ne3A_405 = arith.xori %lt3A_402, %lt3A_404 : i1
            %and3A_406 = arith.andi %ne3A_405, %ne3A_400 : i1
            %add3A_407 = arith.addi %rem3A_398, %select_n3A_397 : i32
            %select_n3A_408 = arith.select %and3A_406, %add3A_407, %rem3A_398 : i32
            %jit3A_409 = arith.constant 2 : i32
            %eq3A_410 = arith.constant 0 : i32
            %eq3A_411 = arith.cmpi eq, %jit3A_409, %eq3A_410 : i32
            %jit3A_412 = arith.constant 1 : i32
            %select_n3A_413 = arith.select %eq3A_411, %jit3A_412, %jit3A_409 : i32
            %rem3A_414 = arith.remsi %add3A_254, %select_n3A_413 : i32
            %ne3A_415 = arith.constant 0 : i32
            %ne3A_416 = arith.cmpi ne, %rem3A_414, %ne3A_415 : i32
            %lt3A_417 = arith.constant 0 : i32
            %lt3A_418 = arith.cmpi slt, %rem3A_414, %lt3A_417 : i32
            %lt3A_419 = arith.constant 0 : i32
            %lt3A_420 = arith.cmpi slt, %select_n3A_413, %lt3A_419 : i32
            %ne3A_421 = arith.xori %lt3A_418, %lt3A_420 : i1
            %and3A_422 = arith.andi %ne3A_421, %ne3A_416 : i1
            %add3A_423 = arith.addi %rem3A_414, %select_n3A_413 : i32
            %select_n3A_424 = arith.select %and3A_422, %add3A_423, %rem3A_414 : i32
            %dma_start3A_425 = arith.constant 0 : i32
            %dma_start3A_426 = tpu.memref_slice %arg12[%select_n3A_408, %dma_start3A_425] : memref<2x512xf32, #tpu.memory_space<vmem>> -> memref<1x512xf32, #tpu.memory_space<vmem>>
            %dma_start3A_427 = tpu.memref_squeeze %dma_start3A_426 : memref<1x512xf32, #tpu.memory_space<vmem>> -> memref<512xf32, #tpu.memory_space<vmem>>
            %dma_start3A_428 = tpu.memref_slice %arg6[%add3A_392] : memref<327680xf32, #tpu.memory_space<hbm>> -> memref<512xf32, #tpu.memory_space<hbm>>
            %dma_start3A_429 = tpu.memref_slice %arg24[%select_n3A_424] : memref<2x!tpu.dma_semaphore, #tpu.memory_space<semaphore_mem>> -> memref<1x!tpu.dma_semaphore, #tpu.memory_space<semaphore_mem>>
            %dma_start3A_430 = tpu.memref_squeeze %dma_start3A_429 : memref<1x!tpu.dma_semaphore, #tpu.memory_space<semaphore_mem>> -> memref<!tpu.dma_semaphore, #tpu.memory_space<semaphore_mem>>
            %dma_start3A_431 = arith.constant 0 : i32
            %dma_start3A_432 = tpu.memref_slice %arg12[%select_n3A_408, %dma_start3A_431] : memref<2x512xf32, #tpu.memory_space<vmem>> -> memref<1x512xf32, #tpu.memory_space<vmem>>
            %dma_start3A_433 = tpu.memref_squeeze %dma_start3A_432 : memref<1x512xf32, #tpu.memory_space<vmem>> -> memref<512xf32, #tpu.memory_space<vmem>>
            %dma_start3A_434 = tpu.memref_slice %arg6[%add3A_392] : memref<327680xf32, #tpu.memory_space<hbm>> -> memref<512xf32, #tpu.memory_space<hbm>>
            tpu.enqueue_dma source(%dma_start3A_434 : memref<512xf32, #tpu.memory_space<hbm>>) target(%dma_start3A_433 : memref<512xf32, #tpu.memory_space<vmem>>) target_semaphore(%dma_start3A_430 : memref<!tpu.dma_semaphore, #tpu.memory_space<semaphore_mem>>)
          } else {
          }
        } else {
        }
        %rem3A_152 = arith.constant 32 : i32
        %rem3A_153 = arith.remsi %scan3A_113, %rem3A_152 : i32
        %mul3A_154 = arith.constant 16 : i32
        %mul3A_155 = arith.muli %rem3A_153, %mul3A_154 : i32
        %get3A = arith.index_cast %select_n3A_144 : i32 to index
        %get3A_156 = arith.index_cast %mul3A_155 : i32 to index
        %get3A_157 = tpu.vector_load %arg10[%get3A, %get3A_156] {strides = array<i32>} : memref<2x512xi32, #tpu.memory_space<vmem>>, vector<16xi32>,
        %get3A_158 = arith.index_cast %select_n3A_144 : i32 to index
        %get3A_159 = arith.index_cast %mul3A_155 : i32 to index
        %get3A_160 = tpu.vector_load %arg11[%get3A_158, %get3A_159] {strides = array<i32>} : memref<2x512xi32, #tpu.memory_space<vmem>>, vector<16xi32>,
        %get3A_161 = arith.index_cast %select_n3A_144 : i32 to index
        %get3A_162 = arith.index_cast %mul3A_155 : i32 to index
        %get3A_163 = tpu.vector_load %arg9[%get3A_161, %get3A_162] {strides = array<i32>} : memref<2x512xi32, #tpu.memory_space<vmem>>, vector<16xi32>,
        %get3A_164 = arith.index_cast %select_n3A_144 : i32 to index
        %get3A_165 = arith.index_cast %mul3A_155 : i32 to index
        %get3A_166 = tpu.vector_load %arg12[%get3A_164, %get3A_165] {strides = array<i32>} : memref<2x512xf32, #tpu.memory_space<vmem>>, vector<16xf32>,
        %ge3A = vector.broadcast %mul3A_12 : i32 to vector<16xi32>
        %ge3A_167 = arith.cmpi sge, %get3A_157, %ge3A : vector<16xi32>
        %add3A_168 = arith.constant 1280 : i32
        %add3A_169 = arith.addi %mul3A_12, %add3A_168 : i32
        %lt3A_170 = vector.broadcast %add3A_169 : i32 to vector<16xi32>
        %lt3A_171 = arith.cmpi slt, %get3A_157, %lt3A_170 : vector<16xi32>
        %and3A_172 = arith.andi %ge3A_167, %lt3A_171 : vector<16xi1>
        %sub3A_173 = vector.broadcast %mul3A_12 : i32 to vector<16xi32>
        %sub3A_174 = arith.subi %get3A_157, %sub3A_173 : vector<16xi32>
        %mul3A_175 = arith.constant 32 : i32
        %mul3A_176 = vector.broadcast %mul3A_175 : i32 to vector<16xi32>
        %mul3A_177 = arith.muli %sub3A_174, %mul3A_176 : vector<16xi32>
        %add3A_178 = arith.addi %mul3A_177, %get3A_160 : vector<16xi32>
        %rem3A_179 = arith.constant 8 : i32
        %rem3A_180 = arith.remsi %scan3A_113, %rem3A_179 : i32
        %mul3A_181 = arith.constant 16 : i32
        %mul3A_182 = arith.muli %rem3A_180, %mul3A_181 : i32
        %swap3A = arith.index_cast %mul3A_182 : i32 to index
        %swap3A_183 = tpu.vector_load %arg18[%swap3A] {strides = array<i32>} : memref<144xi32, #tpu.memory_space<vmem>>, vector<16xi32>,
        tpu.vector_store %arg18[%swap3A], %get3A_163 {strides = array<i32>} : memref<144xi32, #tpu.memory_space<vmem>>, vector<16xi32>,
        %select_n3A_184 = arith.select %and3A_172, %add3A_178, %broadcast_in_dim3A_1 : vector<16xi1>, vector<16xi32>
        %swap3A_185 = arith.index_cast %mul3A_182 : i32 to index
        %swap3A_186 = tpu.vector_load %arg19[%swap3A_185] {strides = array<i32>} : memref<272xi32, #tpu.memory_space<vmem>>, vector<16xi32>,
        tpu.vector_store %arg19[%swap3A_185], %select_n3A_184 {strides = array<i32>} : memref<272xi32, #tpu.memory_space<vmem>>, vector<16xi32>,
        %swap3A_187 = arith.index_cast %mul3A_182 : i32 to index
        %swap3A_188 = tpu.vector_load %arg20[%swap3A_187] {strides = array<i32>} : memref<144xf32, #tpu.memory_space<vmem>>, vector<16xf32>,
        tpu.vector_store %arg20[%swap3A_187], %get3A_166 {strides = array<i32>} : memref<144xf32, #tpu.memory_space<vmem>>, vector<16xf32>,
        %rem3A_189 = arith.constant 8 : i32
        %rem3A_190 = arith.remsi %scan3A_113, %rem3A_189 : i32
        %eq3A_191 = arith.constant 7 : i32
        %eq3A_192 = arith.cmpi eq, %rem3A_190, %eq3A_191 : i32
        %convert_element_type3A_193 = arith.extui %eq3A_192 : i1 to i32
        %cond3A_194 = arith.constant 0 : i32
        %cond3A_195 = arith.cmpi ne, %convert_element_type3A_193, %cond3A_194 : i32
        scf.if %cond3A_195 {
          %jit3A_196 = arith.constant 8 : i32
          %div3A_197 = arith.divsi %scan3A_113, %jit3A_196 : i32
          %sign3A_198 = arith.constant 0 : i32
          %sign3A_199 = arith.cmpi sgt, %scan3A_113, %sign3A_198 : i32
          %sign3A_200 = arith.extui %sign3A_199 : i1 to i32
          %sign3A_201 = arith.constant 0 : i32
          %sign3A_202 = arith.cmpi slt, %scan3A_113, %sign3A_201 : i32
          %sign3A_203 = arith.extui %sign3A_202 : i1 to i32
          %sign3A_204 = arith.subi %sign3A_200, %sign3A_203 : i32
          %sign3A_205 = arith.constant 0 : i32
          %sign3A_206 = arith.cmpi sgt, %jit3A_196, %sign3A_205 : i32
          %sign3A_207 = arith.extui %sign3A_206 : i1 to i32
          %sign3A_208 = arith.constant 0 : i32
          %sign3A_209 = arith.cmpi slt, %jit3A_196, %sign3A_208 : i32
          %sign3A_210 = arith.extui %sign3A_209 : i1 to i32
          %sign3A_211 = arith.subi %sign3A_207, %sign3A_210 : i32
          %ne3A_212 = arith.cmpi ne, %sign3A_204, %sign3A_211 : i32
          %rem3A_213 = arith.remsi %scan3A_113, %jit3A_196 : i32
          %ne3A_214 = arith.constant 0 : i32
          %ne3A_215 = arith.cmpi ne, %rem3A_213, %ne3A_214 : i32
          %and3A_216 = arith.andi %ne3A_212, %ne3A_215 : i1
          %sub3A_217 = arith.constant 1 : i32
          %sub3A_218 = arith.subi %div3A_197, %sub3A_217 : i32
          %select_n3A_219 = arith.select %and3A_216, %sub3A_218, %div3A_197 : i32
          %rem3A_220 = arith.constant 2 : i32
          %rem3A_221 = arith.remsi %select_n3A_219, %rem3A_220 : i32
          %ge3A_222 = arith.constant 2 : i32
          %ge3A_223 = arith.cmpi sge, %select_n3A_219, %ge3A_222 : i32
          %convert_element_type3A_224 = arith.extui %ge3A_223 : i1 to i32
          %cond3A_225 = arith.constant 0 : i32
          %cond3A_226 = arith.cmpi ne, %convert_element_type3A_224, %cond3A_225 : i32
          scf.if %cond3A_226 {
            %dma_wait3A_3556 = arith.constant 0 : i32
            %dma_wait3A_3557 = arith.constant 0 : i32
            %dma_wait3A_3558 = tpu.memref_slice %arg14[%rem3A_221, %dma_wait3A_3556, %dma_wait3A_3557] : memref<2x128x32xf32, #tpu.memory_space<vmem>> -> memref<1x128x32xf32, #tpu.memory_space<vmem>>
            %dma_wait3A_3559 = tpu.memref_squeeze %dma_wait3A_3558 : memref<1x128x32xf32, #tpu.memory_space<vmem>> -> memref<128x32xf32, #tpu.memory_space<vmem>>
            %dma_wait3A_3560 = arith.constant 0 : i32
            %dma_wait3A_3561 = tpu.memref_slice %arg15[%rem3A_221, %dma_wait3A_3560] : memref<2x128xi32, #tpu.memory_space<vmem>> -> memref<1x128xi32, #tpu.memory_space<vmem>>
            %dma_wait3A_3562 = tpu.memref_squeeze %dma_wait3A_3561 : memref<1x128xi32, #tpu.memory_space<vmem>> -> memref<128xi32, #tpu.memory_space<vmem>>
            %dma_wait3A_3563 = arith.constant 0 : i32
            %dma_wait3A_3564 = arith.constant 0 : i32
            %dma_wait3A_3565 = tpu.memref_slice %arg23[%dma_wait3A_3563, %dma_wait3A_3564] : memref<40968x32xf32, #tpu.memory_space<vmem_shared>> -> memref<40968x32xf32, #tpu.memory_space<vmem_shared>>
            %dma_wait3A_3566 = tpu.memref_slice %arg25[%rem3A_221] : memref<2x!tpu.dma_semaphore, #tpu.memory_space<semaphore_mem>> -> memref<1x!tpu.dma_semaphore, #tpu.memory_space<semaphore_mem>>
            %dma_wait3A_3567 = tpu.memref_squeeze %dma_wait3A_3566 : memref<1x!tpu.dma_semaphore, #tpu.memory_space<semaphore_mem>> -> memref<!tpu.dma_semaphore, #tpu.memory_space<semaphore_mem>>
            tpu.wait_indirect_dma semaphore(%dma_wait3A_3567 : memref<!tpu.dma_semaphore, #tpu.memory_space<semaphore_mem>>) src(%dma_wait3A_3559 : memref<128x32xf32, #tpu.memory_space<vmem>>) dst(%dma_wait3A_3565 : memref<40968x32xf32, #tpu.memory_space<vmem_shared>>)
          } else {
          }
          %get3A_227 = arith.constant 0 : index
          %get3A_228 = tpu.vector_load %arg18[%get3A_227] {strides = array<i32>} : memref<144xi32, #tpu.memory_space<vmem>>, vector<16xi32>,
          %swap3A_229 = arith.constant 0 : i32
          %swap3A_230 = arith.index_cast %swap3A_229 : i32 to index
          %swap3A_231 = arith.constant 0 : index
          %swap3A_232 = tpu.vector_load %arg16[%swap3A_230, %swap3A_231] {strides = array<i32>} : memref<1x128xi32, #tpu.memory_space<vmem>>, vector<16xi32>,
          tpu.vector_store %arg16[%swap3A_230, %swap3A_231], %get3A_228 {strides = array<i32>} : memref<1x128xi32, #tpu.memory_space<vmem>>, vector<16xi32>,
          %get3A_233 = arith.constant 0 : index
          %get3A_234 = tpu.vector_load %arg19[%get3A_233] {strides = array<i32>} : memref<272xi32, #tpu.memory_space<vmem>>, vector<16xi32>,
          %swap3A_235 = arith.index_cast %rem3A_221 : i32 to index
          %swap3A_236 = arith.constant 0 : index
          %swap3A_237 = tpu.vector_load %arg15[%swap3A_235, %swap3A_236] {strides = array<i32>} : memref<2x128xi32, #tpu.memory_space<vmem>>, vector<16xi32>,
          tpu.vector_store %arg15[%swap3A_235, %swap3A_236], %get3A_234 {strides = array<i32>} : memref<2x128xi32, #tpu.memory_space<vmem>>, vector<16xi32>,
          %get3A_238 = arith.constant 16 : index
          %get3A_239 = tpu.vector_load %arg18[%get3A_238] {strides = array<i32>} : memref<144xi32, #tpu.memory_space<vmem>>, vector<16xi32>,
          %swap3A_240 = arith.constant 0 : i32
          %swap3A_241 = arith.index_cast %swap3A_240 : i32 to index
          %swap3A_242 = arith.constant 16 : index
          %swap3A_243 = tpu.vector_load %arg16[%swap3A_241, %swap3A_242] {strides = array<i32>} : memref<1x128xi32, #tpu.memory_space<vmem>>, vector<16xi32>,
          tpu.vector_store %arg16[%swap3A_241, %swap3A_242], %get3A_239 {strides = array<i32>} : memref<1x128xi32, #tpu.memory_space<vmem>>, vector<16xi32>,
          %get3A_244 = arith.constant 16 : index
          %get3A_245 = tpu.vector_load %arg19[%get3A_244] {strides = array<i32>} : memref<272xi32, #tpu.memory_space<vmem>>, vector<16xi32>,
          %swap3A_246 = arith.index_cast %rem3A_221 : i32 to index
          %swap3A_247 = arith.constant 16 : index
          %swap3A_248 = tpu.vector_load %arg15[%swap3A_246, %swap3A_247] {strides = array<i32>} : memref<2x128xi32, #tpu.memory_space<vmem>>, vector<16xi32>,
          tpu.vector_store %arg15[%swap3A_246, %swap3A_247], %get3A_245 {strides = array<i32>} : memref<2x128xi32, #tpu.memory_space<vmem>>, vector<16xi32>,
          %get3A_249 = arith.constant 32 : index
          %get3A_250 = tpu.vector_load %arg18[%get3A_249] {strides = array<i32>} : memref<144xi32, #tpu.memory_space<vmem>>, vector<16xi32>,
          %swap3A_251 = arith.constant 0 : i32
          %swap3A_252 = arith.index_cast %swap3A_251 : i32 to index
          %swap3A_253 = arith.constant 32 : index
          %swap3A_254 = tpu.vector_load %arg16[%swap3A_252, %swap3A_253] {strides = array<i32>} : memref<1x128xi32, #tpu.memory_space<vmem>>, vector<16xi32>,
          tpu.vector_store %arg16[%swap3A_252, %swap3A_253], %get3A_250 {strides = array<i32>} : memref<1x128xi32, #tpu.memory_space<vmem>>, vector<16xi32>,
          %get3A_255 = arith.constant 32 : index
          %get3A_256 = tpu.vector_load %arg19[%get3A_255] {strides = array<i32>} : memref<272xi32, #tpu.memory_space<vmem>>, vector<16xi32>,
          %swap3A_257 = arith.index_cast %rem3A_221 : i32 to index
          %swap3A_258 = arith.constant 32 : index
          %swap3A_259 = tpu.vector_load %arg15[%swap3A_257, %swap3A_258] {strides = array<i32>} : memref<2x128xi32, #tpu.memory_space<vmem>>, vector<16xi32>,
          tpu.vector_store %arg15[%swap3A_257, %swap3A_258], %get3A_256 {strides = array<i32>} : memref<2x128xi32, #tpu.memory_space<vmem>>, vector<16xi32>,
          %get3A_260 = arith.constant 48 : index
          %get3A_261 = tpu.vector_load %arg18[%get3A_260] {strides = array<i32>} : memref<144xi32, #tpu.memory_space<vmem>>, vector<16xi32>,
          %swap3A_262 = arith.constant 0 : i32
          %swap3A_263 = arith.index_cast %swap3A_262 : i32 to index
          %swap3A_264 = arith.constant 48 : index
          %swap3A_265 = tpu.vector_load %arg16[%swap3A_263, %swap3A_264] {strides = array<i32>} : memref<1x128xi32, #tpu.memory_space<vmem>>, vector<16xi32>,
          tpu.vector_store %arg16[%swap3A_263, %swap3A_264], %get3A_261 {strides = array<i32>} : memref<1x128xi32, #tpu.memory_space<vmem>>, vector<16xi32>,
          %get3A_266 = arith.constant 48 : index
          %get3A_267 = tpu.vector_load %arg19[%get3A_266] {strides = array<i32>} : memref<272xi32, #tpu.memory_space<vmem>>, vector<16xi32>,
          %swap3A_268 = arith.index_cast %rem3A_221 : i32 to index
          %swap3A_269 = arith.constant 48 : index
          %swap3A_270 = tpu.vector_load %arg15[%swap3A_268, %swap3A_269] {strides = array<i32>} : memref<2x128xi32, #tpu.memory_space<vmem>>, vector<16xi32>,
          tpu.vector_store %arg15[%swap3A_268, %swap3A_269], %get3A_267 {strides = array<i32>} : memref<2x128xi32, #tpu.memory_space<vmem>>, vector<16xi32>,
          %get3A_271 = arith.constant 64 : index
          %get3A_272 = tpu.vector_load %arg18[%get3A_271] {strides = array<i32>} : memref<144xi32, #tpu.memory_space<vmem>>, vector<16xi32>,
          %swap3A_273 = arith.constant 0 : i32
          %swap3A_274 = arith.index_cast %swap3A_273 : i32 to index
          %swap3A_275 = arith.constant 64 : index
          %swap3A_276 = tpu.vector_load %arg16[%swap3A_274, %swap3A_275] {strides = array<i32>} : memref<1x128xi32, #tpu.memory_space<vmem>>, vector<16xi32>,
          tpu.vector_store %arg16[%swap3A_274, %swap3A_275], %get3A_272 {strides = array<i32>} : memref<1x128xi32, #tpu.memory_space<vmem>>, vector<16xi32>,
          %get3A_277 = arith.constant 64 : index
          %get3A_278 = tpu.vector_load %arg19[%get3A_277] {strides = array<i32>} : memref<272xi32, #tpu.memory_space<vmem>>, vector<16xi32>,
          %swap3A_279 = arith.index_cast %rem3A_221 : i32 to index
          %swap3A_280 = arith.constant 64 : index
          %swap3A_281 = tpu.vector_load %arg15[%swap3A_279, %swap3A_280] {strides = array<i32>} : memref<2x128xi32, #tpu.memory_space<vmem>>, vector<16xi32>,
          tpu.vector_store %arg15[%swap3A_279, %swap3A_280], %get3A_278 {strides = array<i32>} : memref<2x128xi32, #tpu.memory_space<vmem>>, vector<16xi32>,
          %get3A_282 = arith.constant 80 : index
          %get3A_283 = tpu.vector_load %arg18[%get3A_282] {strides = array<i32>} : memref<144xi32, #tpu.memory_space<vmem>>, vector<16xi32>,
          %swap3A_284 = arith.constant 0 : i32
          %swap3A_285 = arith.index_cast %swap3A_284 : i32 to index
          %swap3A_286 = arith.constant 80 : index
          %swap3A_287 = tpu.vector_load %arg16[%swap3A_285, %swap3A_286] {strides = array<i32>} : memref<1x128xi32, #tpu.memory_space<vmem>>, vector<16xi32>,
          tpu.vector_store %arg16[%swap3A_285, %swap3A_286], %get3A_283 {strides = array<i32>} : memref<1x128xi32, #tpu.memory_space<vmem>>, vector<16xi32>,
          %get3A_288 = arith.constant 80 : index
          %get3A_289 = tpu.vector_load %arg19[%get3A_288] {strides = array<i32>} : memref<272xi32, #tpu.memory_space<vmem>>, vector<16xi32>,
          %swap3A_290 = arith.index_cast %rem3A_221 : i32 to index
          %swap3A_291 = arith.constant 80 : index
          %swap3A_292 = tpu.vector_load %arg15[%swap3A_290, %swap3A_291] {strides = array<i32>} : memref<2x128xi32, #tpu.memory_space<vmem>>, vector<16xi32>,
          tpu.vector_store %arg15[%swap3A_290, %swap3A_291], %get3A_289 {strides = array<i32>} : memref<2x128xi32, #tpu.memory_space<vmem>>, vector<16xi32>,
          %get3A_293 = arith.constant 96 : index
          %get3A_294 = tpu.vector_load %arg18[%get3A_293] {strides = array<i32>} : memref<144xi32, #tpu.memory_space<vmem>>, vector<16xi32>,
          %swap3A_295 = arith.constant 0 : i32
          %swap3A_296 = arith.index_cast %swap3A_295 : i32 to index
          %swap3A_297 = arith.constant 96 : index
          %swap3A_298 = tpu.vector_load %arg16[%swap3A_296, %swap3A_297] {strides = array<i32>} : memref<1x128xi32, #tpu.memory_space<vmem>>, vector<16xi32>,
          tpu.vector_store %arg16[%swap3A_296, %swap3A_297], %get3A_294 {strides = array<i32>} : memref<1x128xi32, #tpu.memory_space<vmem>>, vector<16xi32>,
          %get3A_299 = arith.constant 96 : index
          %get3A_300 = tpu.vector_load %arg19[%get3A_299] {strides = array<i32>} : memref<272xi32, #tpu.memory_space<vmem>>, vector<16xi32>,
          %swap3A_301 = arith.index_cast %rem3A_221 : i32 to index
          %swap3A_302 = arith.constant 96 : index
          %swap3A_303 = tpu.vector_load %arg15[%swap3A_301, %swap3A_302] {strides = array<i32>} : memref<2x128xi32, #tpu.memory_space<vmem>>, vector<16xi32>,
          tpu.vector_store %arg15[%swap3A_301, %swap3A_302], %get3A_300 {strides = array<i32>} : memref<2x128xi32, #tpu.memory_space<vmem>>, vector<16xi32>,
          %get3A_304 = arith.constant 112 : index
          %get3A_305 = tpu.vector_load %arg18[%get3A_304] {strides = array<i32>} : memref<144xi32, #tpu.memory_space<vmem>>, vector<16xi32>,
          %swap3A_306 = arith.constant 0 : i32
          %swap3A_307 = arith.index_cast %swap3A_306 : i32 to index
          %swap3A_308 = arith.constant 112 : index
          %swap3A_309 = tpu.vector_load %arg16[%swap3A_307, %swap3A_308] {strides = array<i32>} : memref<1x128xi32, #tpu.memory_space<vmem>>, vector<16xi32>,
          tpu.vector_store %arg16[%swap3A_307, %swap3A_308], %get3A_305 {strides = array<i32>} : memref<1x128xi32, #tpu.memory_space<vmem>>, vector<16xi32>,
          %get3A_310 = arith.constant 112 : index
          %get3A_311 = tpu.vector_load %arg19[%get3A_310] {strides = array<i32>} : memref<272xi32, #tpu.memory_space<vmem>>, vector<16xi32>,
          %swap3A_312 = arith.index_cast %rem3A_221 : i32 to index
          %swap3A_313 = arith.constant 112 : index
          %swap3A_314 = tpu.vector_load %arg15[%swap3A_312, %swap3A_313] {strides = array<i32>} : memref<2x128xi32, #tpu.memory_space<vmem>>, vector<16xi32>,
          tpu.vector_store %arg15[%swap3A_312, %swap3A_313], %get3A_311 {strides = array<i32>} : memref<2x128xi32, #tpu.memory_space<vmem>>, vector<16xi32>,
          %dma_start3A_315 = arith.constant 0 : i32
          %dma_start3A_316 = arith.constant 0 : i32
          %dma_start3A_317 = tpu.memref_slice %arg16[%dma_start3A_315, %dma_start3A_316] : memref<1x128xi32, #tpu.memory_space<vmem>> -> memref<1x128xi32, #tpu.memory_space<vmem>>
          %dma_start3A_318 = tpu.memref_squeeze %dma_start3A_317 : memref<1x128xi32, #tpu.memory_space<vmem>> -> memref<128xi32, #tpu.memory_space<vmem>>
          %dma_start3A_319 = arith.constant 0 : i32
          %dma_start3A_320 = arith.constant 0 : i32
          %dma_start3A_321 = tpu.memref_slice %arg22[%dma_start3A_319, %dma_start3A_320] : memref<10000x16xi32, #tpu.memory_space<vmem_shared>> -> memref<10000x16xi32, #tpu.memory_space<vmem_shared>>
          tpu.enqueue_indirect_dma source(%dma_start3A_321 : memref<10000x16xi32, #tpu.memory_space<vmem_shared>>) target(%arg13 : memref<128x16xi32, #tpu.memory_space<vmem>>) offsets(%dma_start3A_318 : memref<128xi32, #tpu.memory_space<vmem>>) semaphore(%arg26 : memref<!tpu.dma_semaphore, #tpu.memory_space<semaphore_mem>>)
          %dma_wait3A_322 = arith.constant 0 : i32
          %dma_wait3A_323 = arith.constant 0 : i32
          %dma_wait3A_324 = tpu.memref_slice %arg16[%dma_wait3A_322, %dma_wait3A_323] : memref<1x128xi32, #tpu.memory_space<vmem>> -> memref<1x128xi32, #tpu.memory_space<vmem>>
          %dma_wait3A_325 = tpu.memref_squeeze %dma_wait3A_324 : memref<1x128xi32, #tpu.memory_space<vmem>> -> memref<128xi32, #tpu.memory_space<vmem>>
          %dma_wait3A_326 = arith.constant 0 : i32
          %dma_wait3A_327 = arith.constant 0 : i32
          %dma_wait3A_328 = tpu.memref_slice %arg22[%dma_wait3A_326, %dma_wait3A_327] : memref<10000x16xi32, #tpu.memory_space<vmem_shared>> -> memref<10000x16xi32, #tpu.memory_space<vmem_shared>>
          tpu.wait_indirect_dma semaphore(%arg26 : memref<!tpu.dma_semaphore, #tpu.memory_space<semaphore_mem>>) src(%dma_wait3A_328 : memref<10000x16xi32, #tpu.memory_space<vmem_shared>>) dst(%arg13 : memref<128x16xi32, #tpu.memory_space<vmem>>)
          %broadcast_in_dim3A_329 = arith.constant -65536 : i32
          %broadcast_in_dim3A_330 = vector.broadcast %broadcast_in_dim3A_329 : i32 to vector<16xi32>
          %get3A_331 = arith.constant 0 : index
          %get3A_332 = tpu.vector_load %arg20[%get3A_331] {strides = array<i32>} : memref<144xf32, #tpu.memory_space<vmem>>, vector<16xf32>,
          %slice3A = vector.extract_strided_slice %get3A_332 {offsets = [0], sizes = [1], strides = [1]} : vector<16xf32> to vector<1xf32>
          %squeeze3A = vector.extract %slice3A[0] : f32 from vector<1xf32>
          %broadcast_in_dim3A_333 = vector.broadcast %squeeze3A : f32 to vector<16xf32>
          %get3A_334 = arith.constant 0 : i32
          %get3A_335 = arith.index_cast %get3A_334 : i32 to index
          %get3A_336 = arith.constant 0 : index
          %get3A_337 = tpu.vector_load %arg13[%get3A_335, %get3A_336] {strides = array<i32>} : memref<128x16xi32, #tpu.memory_space<vmem>>, vector<16xi32>,
          %shift_left3A = arith.constant 16 : i32
          %shift_left3A_338 = vector.broadcast %shift_left3A : i32 to vector<16xi32>
          %shift_left3A_339 = arith.shli %get3A_337, %shift_left3A_338 : vector<16xi32>
          %bitcast3A = vector.bitcast %shift_left3A_339 : vector<16xi32> to vector<16xf32>
          %and3A_340 = arith.andi %get3A_337, %broadcast_in_dim3A_330 : vector<16xi32>
          %bitcast3A_341 = vector.bitcast %and3A_340 : vector<16xi32> to vector<16xf32>
          %mul3A_342 = arith.mulf %bitcast3A, %broadcast_in_dim3A_333 : vector<16xf32>
          %swap3A_343 = arith.constant 0 : i32
          %swap3A_344 = arith.index_cast %rem3A_221 : i32 to index
          %swap3A_345 = arith.index_cast %swap3A_343 : i32 to index
          %swap3A_346 = arith.constant 0 : index
          %swap3A_347 = tpu.vector_load %arg14[%swap3A_344, %swap3A_345, %swap3A_346] {strides = array<i32>} : memref<2x128x32xf32, #tpu.memory_space<vmem>>, vector<16xf32>,
          tpu.vector_store %arg14[%swap3A_344, %swap3A_345, %swap3A_346], %mul3A_342 {strides = array<i32>} : memref<2x128x32xf32, #tpu.memory_space<vmem>>, vector<16xf32>,
          %mul3A_348 = arith.mulf %bitcast3A_341, %broadcast_in_dim3A_333 : vector<16xf32>
          %swap3A_349 = arith.constant 0 : i32
          %swap3A_350 = arith.index_cast %rem3A_221 : i32 to index
          %swap3A_351 = arith.index_cast %swap3A_349 : i32 to index
          %swap3A_352 = arith.constant 16 : index
          %swap3A_353 = tpu.vector_load %arg14[%swap3A_350, %swap3A_351, %swap3A_352] {strides = array<i32>} : memref<2x128x32xf32, #tpu.memory_space<vmem>>, vector<16xf32>,
          tpu.vector_store %arg14[%swap3A_350, %swap3A_351, %swap3A_352], %mul3A_348 {strides = array<i32>} : memref<2x128x32xf32, #tpu.memory_space<vmem>>, vector<16xf32>,
          %slice3A_354 = vector.extract_strided_slice %get3A_332 {offsets = [1], sizes = [1], strides = [1]} : vector<16xf32> to vector<1xf32>
          %squeeze3A_355 = vector.extract %slice3A_354[0] : f32 from vector<1xf32>
          %broadcast_in_dim3A_356 = vector.broadcast %squeeze3A_355 : f32 to vector<16xf32>
          %get3A_357 = arith.constant 1 : i32
          %get3A_358 = arith.index_cast %get3A_357 : i32 to index
          %get3A_359 = arith.constant 0 : index
          %get3A_360 = tpu.vector_load %arg13[%get3A_358, %get3A_359] {strides = array<i32>} : memref<128x16xi32, #tpu.memory_space<vmem>>, vector<16xi32>,
          %shift_left3A_361 = arith.constant 16 : i32
          %shift_left3A_362 = vector.broadcast %shift_left3A_361 : i32 to vector<16xi32>
          %shift_left3A_363 = arith.shli %get3A_360, %shift_left3A_362 : vector<16xi32>
          %bitcast3A_364 = vector.bitcast %shift_left3A_363 : vector<16xi32> to vector<16xf32>
          %and3A_365 = arith.andi %get3A_360, %broadcast_in_dim3A_330 : vector<16xi32>
          %bitcast3A_366 = vector.bitcast %and3A_365 : vector<16xi32> to vector<16xf32>
          %mul3A_367 = arith.mulf %bitcast3A_364, %broadcast_in_dim3A_356 : vector<16xf32>
          %swap3A_368 = arith.constant 1 : i32
          %swap3A_369 = arith.index_cast %rem3A_221 : i32 to index
          %swap3A_370 = arith.index_cast %swap3A_368 : i32 to index
          %swap3A_371 = arith.constant 0 : index
          %swap3A_372 = tpu.vector_load %arg14[%swap3A_369, %swap3A_370, %swap3A_371] {strides = array<i32>} : memref<2x128x32xf32, #tpu.memory_space<vmem>>, vector<16xf32>,
          tpu.vector_store %arg14[%swap3A_369, %swap3A_370, %swap3A_371], %mul3A_367 {strides = array<i32>} : memref<2x128x32xf32, #tpu.memory_space<vmem>>, vector<16xf32>,
          %mul3A_373 = arith.mulf %bitcast3A_366, %broadcast_in_dim3A_356 : vector<16xf32>
          %swap3A_374 = arith.constant 1 : i32
          %swap3A_375 = arith.index_cast %rem3A_221 : i32 to index
          %swap3A_376 = arith.index_cast %swap3A_374 : i32 to index
          %swap3A_377 = arith.constant 16 : index
          %swap3A_378 = tpu.vector_load %arg14[%swap3A_375, %swap3A_376, %swap3A_377] {strides = array<i32>} : memref<2x128x32xf32, #tpu.memory_space<vmem>>, vector<16xf32>,
          tpu.vector_store %arg14[%swap3A_375, %swap3A_376, %swap3A_377], %mul3A_373 {strides = array<i32>} : memref<2x128x32xf32, #tpu.memory_space<vmem>>, vector<16xf32>,
          %slice3A_379 = vector.extract_strided_slice %get3A_332 {offsets = [2], sizes = [1], strides = [1]} : vector<16xf32> to vector<1xf32>
          %squeeze3A_380 = vector.extract %slice3A_379[0] : f32 from vector<1xf32>
          %broadcast_in_dim3A_381 = vector.broadcast %squeeze3A_380 : f32 to vector<16xf32>
          %get3A_382 = arith.constant 2 : i32
          %get3A_383 = arith.index_cast %get3A_382 : i32 to index
          %get3A_384 = arith.constant 0 : index
          %get3A_385 = tpu.vector_load %arg13[%get3A_383, %get3A_384] {strides = array<i32>} : memref<128x16xi32, #tpu.memory_space<vmem>>, vector<16xi32>,
          %shift_left3A_386 = arith.constant 16 : i32
          %shift_left3A_387 = vector.broadcast %shift_left3A_386 : i32 to vector<16xi32>
          %shift_left3A_388 = arith.shli %get3A_385, %shift_left3A_387 : vector<16xi32>
          %bitcast3A_389 = vector.bitcast %shift_left3A_388 : vector<16xi32> to vector<16xf32>
          %and3A_390 = arith.andi %get3A_385, %broadcast_in_dim3A_330 : vector<16xi32>
          %bitcast3A_391 = vector.bitcast %and3A_390 : vector<16xi32> to vector<16xf32>
          %mul3A_392 = arith.mulf %bitcast3A_389, %broadcast_in_dim3A_381 : vector<16xf32>
          %swap3A_393 = arith.constant 2 : i32
          %swap3A_394 = arith.index_cast %rem3A_221 : i32 to index
          %swap3A_395 = arith.index_cast %swap3A_393 : i32 to index
          %swap3A_396 = arith.constant 0 : index
          %swap3A_397 = tpu.vector_load %arg14[%swap3A_394, %swap3A_395, %swap3A_396] {strides = array<i32>} : memref<2x128x32xf32, #tpu.memory_space<vmem>>, vector<16xf32>,
          tpu.vector_store %arg14[%swap3A_394, %swap3A_395, %swap3A_396], %mul3A_392 {strides = array<i32>} : memref<2x128x32xf32, #tpu.memory_space<vmem>>, vector<16xf32>,
          %mul3A_398 = arith.mulf %bitcast3A_391, %broadcast_in_dim3A_381 : vector<16xf32>
          %swap3A_399 = arith.constant 2 : i32
          %swap3A_400 = arith.index_cast %rem3A_221 : i32 to index
          %swap3A_401 = arith.index_cast %swap3A_399 : i32 to index
          %swap3A_402 = arith.constant 16 : index
          %swap3A_403 = tpu.vector_load %arg14[%swap3A_400, %swap3A_401, %swap3A_402] {strides = array<i32>} : memref<2x128x32xf32, #tpu.memory_space<vmem>>, vector<16xf32>,
          tpu.vector_store %arg14[%swap3A_400, %swap3A_401, %swap3A_402], %mul3A_398 {strides = array<i32>} : memref<2x128x32xf32, #tpu.memory_space<vmem>>, vector<16xf32>,
          %slice3A_404 = vector.extract_strided_slice %get3A_332 {offsets = [3], sizes = [1], strides = [1]} : vector<16xf32> to vector<1xf32>
          %squeeze3A_405 = vector.extract %slice3A_404[0] : f32 from vector<1xf32>
          %broadcast_in_dim3A_406 = vector.broadcast %squeeze3A_405 : f32 to vector<16xf32>
          %get3A_407 = arith.constant 3 : i32
          %get3A_408 = arith.index_cast %get3A_407 : i32 to index
          %get3A_409 = arith.constant 0 : index
          %get3A_410 = tpu.vector_load %arg13[%get3A_408, %get3A_409] {strides = array<i32>} : memref<128x16xi32, #tpu.memory_space<vmem>>, vector<16xi32>,
          %shift_left3A_411 = arith.constant 16 : i32
          %shift_left3A_412 = vector.broadcast %shift_left3A_411 : i32 to vector<16xi32>
          %shift_left3A_413 = arith.shli %get3A_410, %shift_left3A_412 : vector<16xi32>
          %bitcast3A_414 = vector.bitcast %shift_left3A_413 : vector<16xi32> to vector<16xf32>
          %and3A_415 = arith.andi %get3A_410, %broadcast_in_dim3A_330 : vector<16xi32>
          %bitcast3A_416 = vector.bitcast %and3A_415 : vector<16xi32> to vector<16xf32>
          %mul3A_417 = arith.mulf %bitcast3A_414, %broadcast_in_dim3A_406 : vector<16xf32>
          %swap3A_418 = arith.constant 3 : i32
          %swap3A_419 = arith.index_cast %rem3A_221 : i32 to index
          %swap3A_420 = arith.index_cast %swap3A_418 : i32 to index
          %swap3A_421 = arith.constant 0 : index
          %swap3A_422 = tpu.vector_load %arg14[%swap3A_419, %swap3A_420, %swap3A_421] {strides = array<i32>} : memref<2x128x32xf32, #tpu.memory_space<vmem>>, vector<16xf32>,
          tpu.vector_store %arg14[%swap3A_419, %swap3A_420, %swap3A_421], %mul3A_417 {strides = array<i32>} : memref<2x128x32xf32, #tpu.memory_space<vmem>>, vector<16xf32>,
          %mul3A_423 = arith.mulf %bitcast3A_416, %broadcast_in_dim3A_406 : vector<16xf32>
          %swap3A_424 = arith.constant 3 : i32
          %swap3A_425 = arith.index_cast %rem3A_221 : i32 to index
          %swap3A_426 = arith.index_cast %swap3A_424 : i32 to index
          %swap3A_427 = arith.constant 16 : index
          %swap3A_428 = tpu.vector_load %arg14[%swap3A_425, %swap3A_426, %swap3A_427] {strides = array<i32>} : memref<2x128x32xf32, #tpu.memory_space<vmem>>, vector<16xf32>,
          tpu.vector_store %arg14[%swap3A_425, %swap3A_426, %swap3A_427], %mul3A_423 {strides = array<i32>} : memref<2x128x32xf32, #tpu.memory_space<vmem>>, vector<16xf32>,
          %slice3A_429 = vector.extract_strided_slice %get3A_332 {offsets = [4], sizes = [1], strides = [1]} : vector<16xf32> to vector<1xf32>
          %squeeze3A_430 = vector.extract %slice3A_429[0] : f32 from vector<1xf32>
          %broadcast_in_dim3A_431 = vector.broadcast %squeeze3A_430 : f32 to vector<16xf32>
          %get3A_432 = arith.constant 4 : i32
          %get3A_433 = arith.index_cast %get3A_432 : i32 to index
          %get3A_434 = arith.constant 0 : index
          %get3A_435 = tpu.vector_load %arg13[%get3A_433, %get3A_434] {strides = array<i32>} : memref<128x16xi32, #tpu.memory_space<vmem>>, vector<16xi32>,
          %shift_left3A_436 = arith.constant 16 : i32
          %shift_left3A_437 = vector.broadcast %shift_left3A_436 : i32 to vector<16xi32>
          %shift_left3A_438 = arith.shli %get3A_435, %shift_left3A_437 : vector<16xi32>
          %bitcast3A_439 = vector.bitcast %shift_left3A_438 : vector<16xi32> to vector<16xf32>
          %and3A_440 = arith.andi %get3A_435, %broadcast_in_dim3A_330 : vector<16xi32>
          %bitcast3A_441 = vector.bitcast %and3A_440 : vector<16xi32> to vector<16xf32>
          %mul3A_442 = arith.mulf %bitcast3A_439, %broadcast_in_dim3A_431 : vector<16xf32>
          %swap3A_443 = arith.constant 4 : i32
          %swap3A_444 = arith.index_cast %rem3A_221 : i32 to index
          %swap3A_445 = arith.index_cast %swap3A_443 : i32 to index
          %swap3A_446 = arith.constant 0 : index
          %swap3A_447 = tpu.vector_load %arg14[%swap3A_444, %swap3A_445, %swap3A_446] {strides = array<i32>} : memref<2x128x32xf32, #tpu.memory_space<vmem>>, vector<16xf32>,
          tpu.vector_store %arg14[%swap3A_444, %swap3A_445, %swap3A_446], %mul3A_442 {strides = array<i32>} : memref<2x128x32xf32, #tpu.memory_space<vmem>>, vector<16xf32>,
          %mul3A_448 = arith.mulf %bitcast3A_441, %broadcast_in_dim3A_431 : vector<16xf32>
          %swap3A_449 = arith.constant 4 : i32
          %swap3A_450 = arith.index_cast %rem3A_221 : i32 to index
          %swap3A_451 = arith.index_cast %swap3A_449 : i32 to index
          %swap3A_452 = arith.constant 16 : index
          %swap3A_453 = tpu.vector_load %arg14[%swap3A_450, %swap3A_451, %swap3A_452] {strides = array<i32>} : memref<2x128x32xf32, #tpu.memory_space<vmem>>, vector<16xf32>,
          tpu.vector_store %arg14[%swap3A_450, %swap3A_451, %swap3A_452], %mul3A_448 {strides = array<i32>} : memref<2x128x32xf32, #tpu.memory_space<vmem>>, vector<16xf32>,
          %slice3A_454 = vector.extract_strided_slice %get3A_332 {offsets = [5], sizes = [1], strides = [1]} : vector<16xf32> to vector<1xf32>
          %squeeze3A_455 = vector.extract %slice3A_454[0] : f32 from vector<1xf32>
          %broadcast_in_dim3A_456 = vector.broadcast %squeeze3A_455 : f32 to vector<16xf32>
          %get3A_457 = arith.constant 5 : i32
          %get3A_458 = arith.index_cast %get3A_457 : i32 to index
          %get3A_459 = arith.constant 0 : index
          %get3A_460 = tpu.vector_load %arg13[%get3A_458, %get3A_459] {strides = array<i32>} : memref<128x16xi32, #tpu.memory_space<vmem>>, vector<16xi32>,
          %shift_left3A_461 = arith.constant 16 : i32
          %shift_left3A_462 = vector.broadcast %shift_left3A_461 : i32 to vector<16xi32>
          %shift_left3A_463 = arith.shli %get3A_460, %shift_left3A_462 : vector<16xi32>
          %bitcast3A_464 = vector.bitcast %shift_left3A_463 : vector<16xi32> to vector<16xf32>
          %and3A_465 = arith.andi %get3A_460, %broadcast_in_dim3A_330 : vector<16xi32>
          %bitcast3A_466 = vector.bitcast %and3A_465 : vector<16xi32> to vector<16xf32>
          %mul3A_467 = arith.mulf %bitcast3A_464, %broadcast_in_dim3A_456 : vector<16xf32>
          %swap3A_468 = arith.constant 5 : i32
          %swap3A_469 = arith.index_cast %rem3A_221 : i32 to index
          %swap3A_470 = arith.index_cast %swap3A_468 : i32 to index
          %swap3A_471 = arith.constant 0 : index
          %swap3A_472 = tpu.vector_load %arg14[%swap3A_469, %swap3A_470, %swap3A_471] {strides = array<i32>} : memref<2x128x32xf32, #tpu.memory_space<vmem>>, vector<16xf32>,
          tpu.vector_store %arg14[%swap3A_469, %swap3A_470, %swap3A_471], %mul3A_467 {strides = array<i32>} : memref<2x128x32xf32, #tpu.memory_space<vmem>>, vector<16xf32>,
          %mul3A_473 = arith.mulf %bitcast3A_466, %broadcast_in_dim3A_456 : vector<16xf32>
          %swap3A_474 = arith.constant 5 : i32
          %swap3A_475 = arith.index_cast %rem3A_221 : i32 to index
          %swap3A_476 = arith.index_cast %swap3A_474 : i32 to index
          %swap3A_477 = arith.constant 16 : index
          %swap3A_478 = tpu.vector_load %arg14[%swap3A_475, %swap3A_476, %swap3A_477] {strides = array<i32>} : memref<2x128x32xf32, #tpu.memory_space<vmem>>, vector<16xf32>,
          tpu.vector_store %arg14[%swap3A_475, %swap3A_476, %swap3A_477], %mul3A_473 {strides = array<i32>} : memref<2x128x32xf32, #tpu.memory_space<vmem>>, vector<16xf32>,
          %slice3A_479 = vector.extract_strided_slice %get3A_332 {offsets = [6], sizes = [1], strides = [1]} : vector<16xf32> to vector<1xf32>
          %squeeze3A_480 = vector.extract %slice3A_479[0] : f32 from vector<1xf32>
          %broadcast_in_dim3A_481 = vector.broadcast %squeeze3A_480 : f32 to vector<16xf32>
          %get3A_482 = arith.constant 6 : i32
          %get3A_483 = arith.index_cast %get3A_482 : i32 to index
          %get3A_484 = arith.constant 0 : index
          %get3A_485 = tpu.vector_load %arg13[%get3A_483, %get3A_484] {strides = array<i32>} : memref<128x16xi32, #tpu.memory_space<vmem>>, vector<16xi32>,
          %shift_left3A_486 = arith.constant 16 : i32
          %shift_left3A_487 = vector.broadcast %shift_left3A_486 : i32 to vector<16xi32>
          %shift_left3A_488 = arith.shli %get3A_485, %shift_left3A_487 : vector<16xi32>
          %bitcast3A_489 = vector.bitcast %shift_left3A_488 : vector<16xi32> to vector<16xf32>
          %and3A_490 = arith.andi %get3A_485, %broadcast_in_dim3A_330 : vector<16xi32>
          %bitcast3A_491 = vector.bitcast %and3A_490 : vector<16xi32> to vector<16xf32>
          %mul3A_492 = arith.mulf %bitcast3A_489, %broadcast_in_dim3A_481 : vector<16xf32>
          %swap3A_493 = arith.constant 6 : i32
          %swap3A_494 = arith.index_cast %rem3A_221 : i32 to index
          %swap3A_495 = arith.index_cast %swap3A_493 : i32 to index
          %swap3A_496 = arith.constant 0 : index
          %swap3A_497 = tpu.vector_load %arg14[%swap3A_494, %swap3A_495, %swap3A_496] {strides = array<i32>} : memref<2x128x32xf32, #tpu.memory_space<vmem>>, vector<16xf32>,
          tpu.vector_store %arg14[%swap3A_494, %swap3A_495, %swap3A_496], %mul3A_492 {strides = array<i32>} : memref<2x128x32xf32, #tpu.memory_space<vmem>>, vector<16xf32>,
          %mul3A_498 = arith.mulf %bitcast3A_491, %broadcast_in_dim3A_481 : vector<16xf32>
          %swap3A_499 = arith.constant 6 : i32
          %swap3A_500 = arith.index_cast %rem3A_221 : i32 to index
          %swap3A_501 = arith.index_cast %swap3A_499 : i32 to index
          %swap3A_502 = arith.constant 16 : index
          %swap3A_503 = tpu.vector_load %arg14[%swap3A_500, %swap3A_501, %swap3A_502] {strides = array<i32>} : memref<2x128x32xf32, #tpu.memory_space<vmem>>, vector<16xf32>,
          tpu.vector_store %arg14[%swap3A_500, %swap3A_501, %swap3A_502], %mul3A_498 {strides = array<i32>} : memref<2x128x32xf32, #tpu.memory_space<vmem>>, vector<16xf32>,
          %slice3A_504 = vector.extract_strided_slice %get3A_332 {offsets = [7], sizes = [1], strides = [1]} : vector<16xf32> to vector<1xf32>
          %squeeze3A_505 = vector.extract %slice3A_504[0] : f32 from vector<1xf32>
          %broadcast_in_dim3A_506 = vector.broadcast %squeeze3A_505 : f32 to vector<16xf32>
          %get3A_507 = arith.constant 7 : i32
          %get3A_508 = arith.index_cast %get3A_507 : i32 to index
          %get3A_509 = arith.constant 0 : index
          %get3A_510 = tpu.vector_load %arg13[%get3A_508, %get3A_509] {strides = array<i32>} : memref<128x16xi32, #tpu.memory_space<vmem>>, vector<16xi32>,
          %shift_left3A_511 = arith.constant 16 : i32
          %shift_left3A_512 = vector.broadcast %shift_left3A_511 : i32 to vector<16xi32>
          %shift_left3A_513 = arith.shli %get3A_510, %shift_left3A_512 : vector<16xi32>
          %bitcast3A_514 = vector.bitcast %shift_left3A_513 : vector<16xi32> to vector<16xf32>
          %and3A_515 = arith.andi %get3A_510, %broadcast_in_dim3A_330 : vector<16xi32>
          %bitcast3A_516 = vector.bitcast %and3A_515 : vector<16xi32> to vector<16xf32>
          %mul3A_517 = arith.mulf %bitcast3A_514, %broadcast_in_dim3A_506 : vector<16xf32>
          %swap3A_518 = arith.constant 7 : i32
          %swap3A_519 = arith.index_cast %rem3A_221 : i32 to index
          %swap3A_520 = arith.index_cast %swap3A_518 : i32 to index
          %swap3A_521 = arith.constant 0 : index
          %swap3A_522 = tpu.vector_load %arg14[%swap3A_519, %swap3A_520, %swap3A_521] {strides = array<i32>} : memref<2x128x32xf32, #tpu.memory_space<vmem>>, vector<16xf32>,
          tpu.vector_store %arg14[%swap3A_519, %swap3A_520, %swap3A_521], %mul3A_517 {strides = array<i32>} : memref<2x128x32xf32, #tpu.memory_space<vmem>>, vector<16xf32>,
          %mul3A_523 = arith.mulf %bitcast3A_516, %broadcast_in_dim3A_506 : vector<16xf32>
          %swap3A_524 = arith.constant 7 : i32
          %swap3A_525 = arith.index_cast %rem3A_221 : i32 to index
          %swap3A_526 = arith.index_cast %swap3A_524 : i32 to index
          %swap3A_527 = arith.constant 16 : index
          %swap3A_528 = tpu.vector_load %arg14[%swap3A_525, %swap3A_526, %swap3A_527] {strides = array<i32>} : memref<2x128x32xf32, #tpu.memory_space<vmem>>, vector<16xf32>,
          tpu.vector_store %arg14[%swap3A_525, %swap3A_526, %swap3A_527], %mul3A_523 {strides = array<i32>} : memref<2x128x32xf32, #tpu.memory_space<vmem>>, vector<16xf32>,
          %slice3A_529 = vector.extract_strided_slice %get3A_332 {offsets = [8], sizes = [1], strides = [1]} : vector<16xf32> to vector<1xf32>
          %squeeze3A_530 = vector.extract %slice3A_529[0] : f32 from vector<1xf32>
          %broadcast_in_dim3A_531 = vector.broadcast %squeeze3A_530 : f32 to vector<16xf32>
          %get3A_532 = arith.constant 8 : i32
          %get3A_533 = arith.index_cast %get3A_532 : i32 to index
          %get3A_534 = arith.constant 0 : index
          %get3A_535 = tpu.vector_load %arg13[%get3A_533, %get3A_534] {strides = array<i32>} : memref<128x16xi32, #tpu.memory_space<vmem>>, vector<16xi32>,
          %shift_left3A_536 = arith.constant 16 : i32
          %shift_left3A_537 = vector.broadcast %shift_left3A_536 : i32 to vector<16xi32>
          %shift_left3A_538 = arith.shli %get3A_535, %shift_left3A_537 : vector<16xi32>
          %bitcast3A_539 = vector.bitcast %shift_left3A_538 : vector<16xi32> to vector<16xf32>
          %and3A_540 = arith.andi %get3A_535, %broadcast_in_dim3A_330 : vector<16xi32>
          %bitcast3A_541 = vector.bitcast %and3A_540 : vector<16xi32> to vector<16xf32>
          %mul3A_542 = arith.mulf %bitcast3A_539, %broadcast_in_dim3A_531 : vector<16xf32>
          %swap3A_543 = arith.constant 8 : i32
          %swap3A_544 = arith.index_cast %rem3A_221 : i32 to index
          %swap3A_545 = arith.index_cast %swap3A_543 : i32 to index
          %swap3A_546 = arith.constant 0 : index
          %swap3A_547 = tpu.vector_load %arg14[%swap3A_544, %swap3A_545, %swap3A_546] {strides = array<i32>} : memref<2x128x32xf32, #tpu.memory_space<vmem>>, vector<16xf32>,
          tpu.vector_store %arg14[%swap3A_544, %swap3A_545, %swap3A_546], %mul3A_542 {strides = array<i32>} : memref<2x128x32xf32, #tpu.memory_space<vmem>>, vector<16xf32>,
          %mul3A_548 = arith.mulf %bitcast3A_541, %broadcast_in_dim3A_531 : vector<16xf32>
          %swap3A_549 = arith.constant 8 : i32
          %swap3A_550 = arith.index_cast %rem3A_221 : i32 to index
          %swap3A_551 = arith.index_cast %swap3A_549 : i32 to index
          %swap3A_552 = arith.constant 16 : index
          %swap3A_553 = tpu.vector_load %arg14[%swap3A_550, %swap3A_551, %swap3A_552] {strides = array<i32>} : memref<2x128x32xf32, #tpu.memory_space<vmem>>, vector<16xf32>,
          tpu.vector_store %arg14[%swap3A_550, %swap3A_551, %swap3A_552], %mul3A_548 {strides = array<i32>} : memref<2x128x32xf32, #tpu.memory_space<vmem>>, vector<16xf32>,
          %slice3A_554 = vector.extract_strided_slice %get3A_332 {offsets = [9], sizes = [1], strides = [1]} : vector<16xf32> to vector<1xf32>
          %squeeze3A_555 = vector.extract %slice3A_554[0] : f32 from vector<1xf32>
          %broadcast_in_dim3A_556 = vector.broadcast %squeeze3A_555 : f32 to vector<16xf32>
          %get3A_557 = arith.constant 9 : i32
          %get3A_558 = arith.index_cast %get3A_557 : i32 to index
          %get3A_559 = arith.constant 0 : index
          %get3A_560 = tpu.vector_load %arg13[%get3A_558, %get3A_559] {strides = array<i32>} : memref<128x16xi32, #tpu.memory_space<vmem>>, vector<16xi32>,
          %shift_left3A_561 = arith.constant 16 : i32
          %shift_left3A_562 = vector.broadcast %shift_left3A_561 : i32 to vector<16xi32>
          %shift_left3A_563 = arith.shli %get3A_560, %shift_left3A_562 : vector<16xi32>
          %bitcast3A_564 = vector.bitcast %shift_left3A_563 : vector<16xi32> to vector<16xf32>
          %and3A_565 = arith.andi %get3A_560, %broadcast_in_dim3A_330 : vector<16xi32>
          %bitcast3A_566 = vector.bitcast %and3A_565 : vector<16xi32> to vector<16xf32>
          %mul3A_567 = arith.mulf %bitcast3A_564, %broadcast_in_dim3A_556 : vector<16xf32>
          %swap3A_568 = arith.constant 9 : i32
          %swap3A_569 = arith.index_cast %rem3A_221 : i32 to index
          %swap3A_570 = arith.index_cast %swap3A_568 : i32 to index
          %swap3A_571 = arith.constant 0 : index
          %swap3A_572 = tpu.vector_load %arg14[%swap3A_569, %swap3A_570, %swap3A_571] {strides = array<i32>} : memref<2x128x32xf32, #tpu.memory_space<vmem>>, vector<16xf32>,
          tpu.vector_store %arg14[%swap3A_569, %swap3A_570, %swap3A_571], %mul3A_567 {strides = array<i32>} : memref<2x128x32xf32, #tpu.memory_space<vmem>>, vector<16xf32>,
          %mul3A_573 = arith.mulf %bitcast3A_566, %broadcast_in_dim3A_556 : vector<16xf32>
          %swap3A_574 = arith.constant 9 : i32
          %swap3A_575 = arith.index_cast %rem3A_221 : i32 to index
          %swap3A_576 = arith.index_cast %swap3A_574 : i32 to index
          %swap3A_577 = arith.constant 16 : index
          %swap3A_578 = tpu.vector_load %arg14[%swap3A_575, %swap3A_576, %swap3A_577] {strides = array<i32>} : memref<2x128x32xf32, #tpu.memory_space<vmem>>, vector<16xf32>,
          tpu.vector_store %arg14[%swap3A_575, %swap3A_576, %swap3A_577], %mul3A_573 {strides = array<i32>} : memref<2x128x32xf32, #tpu.memory_space<vmem>>, vector<16xf32>,
          %slice3A_579 = vector.extract_strided_slice %get3A_332 {offsets = [10], sizes = [1], strides = [1]} : vector<16xf32> to vector<1xf32>
          %squeeze3A_580 = vector.extract %slice3A_579[0] : f32 from vector<1xf32>
          %broadcast_in_dim3A_581 = vector.broadcast %squeeze3A_580 : f32 to vector<16xf32>
          %get3A_582 = arith.constant 10 : i32
          %get3A_583 = arith.index_cast %get3A_582 : i32 to index
          %get3A_584 = arith.constant 0 : index
          %get3A_585 = tpu.vector_load %arg13[%get3A_583, %get3A_584] {strides = array<i32>} : memref<128x16xi32, #tpu.memory_space<vmem>>, vector<16xi32>,
          %shift_left3A_586 = arith.constant 16 : i32
          %shift_left3A_587 = vector.broadcast %shift_left3A_586 : i32 to vector<16xi32>
          %shift_left3A_588 = arith.shli %get3A_585, %shift_left3A_587 : vector<16xi32>
          %bitcast3A_589 = vector.bitcast %shift_left3A_588 : vector<16xi32> to vector<16xf32>
          %and3A_590 = arith.andi %get3A_585, %broadcast_in_dim3A_330 : vector<16xi32>
          %bitcast3A_591 = vector.bitcast %and3A_590 : vector<16xi32> to vector<16xf32>
          %mul3A_592 = arith.mulf %bitcast3A_589, %broadcast_in_dim3A_581 : vector<16xf32>
          %swap3A_593 = arith.constant 10 : i32
          %swap3A_594 = arith.index_cast %rem3A_221 : i32 to index
          %swap3A_595 = arith.index_cast %swap3A_593 : i32 to index
          %swap3A_596 = arith.constant 0 : index
          %swap3A_597 = tpu.vector_load %arg14[%swap3A_594, %swap3A_595, %swap3A_596] {strides = array<i32>} : memref<2x128x32xf32, #tpu.memory_space<vmem>>, vector<16xf32>,
          tpu.vector_store %arg14[%swap3A_594, %swap3A_595, %swap3A_596], %mul3A_592 {strides = array<i32>} : memref<2x128x32xf32, #tpu.memory_space<vmem>>, vector<16xf32>,
          %mul3A_598 = arith.mulf %bitcast3A_591, %broadcast_in_dim3A_581 : vector<16xf32>
          %swap3A_599 = arith.constant 10 : i32
          %swap3A_600 = arith.index_cast %rem3A_221 : i32 to index
          %swap3A_601 = arith.index_cast %swap3A_599 : i32 to index
          %swap3A_602 = arith.constant 16 : index
          %swap3A_603 = tpu.vector_load %arg14[%swap3A_600, %swap3A_601, %swap3A_602] {strides = array<i32>} : memref<2x128x32xf32, #tpu.memory_space<vmem>>, vector<16xf32>,
          tpu.vector_store %arg14[%swap3A_600, %swap3A_601, %swap3A_602], %mul3A_598 {strides = array<i32>} : memref<2x128x32xf32, #tpu.memory_space<vmem>>, vector<16xf32>,
          %slice3A_604 = vector.extract_strided_slice %get3A_332 {offsets = [11], sizes = [1], strides = [1]} : vector<16xf32> to vector<1xf32>
          %squeeze3A_605 = vector.extract %slice3A_604[0] : f32 from vector<1xf32>
          %broadcast_in_dim3A_606 = vector.broadcast %squeeze3A_605 : f32 to vector<16xf32>
          %get3A_607 = arith.constant 11 : i32
          %get3A_608 = arith.index_cast %get3A_607 : i32 to index
          %get3A_609 = arith.constant 0 : index
          %get3A_610 = tpu.vector_load %arg13[%get3A_608, %get3A_609] {strides = array<i32>} : memref<128x16xi32, #tpu.memory_space<vmem>>, vector<16xi32>,
          %shift_left3A_611 = arith.constant 16 : i32
          %shift_left3A_612 = vector.broadcast %shift_left3A_611 : i32 to vector<16xi32>
          %shift_left3A_613 = arith.shli %get3A_610, %shift_left3A_612 : vector<16xi32>
          %bitcast3A_614 = vector.bitcast %shift_left3A_613 : vector<16xi32> to vector<16xf32>
          %and3A_615 = arith.andi %get3A_610, %broadcast_in_dim3A_330 : vector<16xi32>
          %bitcast3A_616 = vector.bitcast %and3A_615 : vector<16xi32> to vector<16xf32>
          %mul3A_617 = arith.mulf %bitcast3A_614, %broadcast_in_dim3A_606 : vector<16xf32>
          %swap3A_618 = arith.constant 11 : i32
          %swap3A_619 = arith.index_cast %rem3A_221 : i32 to index
          %swap3A_620 = arith.index_cast %swap3A_618 : i32 to index
          %swap3A_621 = arith.constant 0 : index
          %swap3A_622 = tpu.vector_load %arg14[%swap3A_619, %swap3A_620, %swap3A_621] {strides = array<i32>} : memref<2x128x32xf32, #tpu.memory_space<vmem>>, vector<16xf32>,
          tpu.vector_store %arg14[%swap3A_619, %swap3A_620, %swap3A_621], %mul3A_617 {strides = array<i32>} : memref<2x128x32xf32, #tpu.memory_space<vmem>>, vector<16xf32>,
          %mul3A_623 = arith.mulf %bitcast3A_616, %broadcast_in_dim3A_606 : vector<16xf32>
          %swap3A_624 = arith.constant 11 : i32
          %swap3A_625 = arith.index_cast %rem3A_221 : i32 to index
          %swap3A_626 = arith.index_cast %swap3A_624 : i32 to index
          %swap3A_627 = arith.constant 16 : index
          %swap3A_628 = tpu.vector_load %arg14[%swap3A_625, %swap3A_626, %swap3A_627] {strides = array<i32>} : memref<2x128x32xf32, #tpu.memory_space<vmem>>, vector<16xf32>,
          tpu.vector_store %arg14[%swap3A_625, %swap3A_626, %swap3A_627], %mul3A_623 {strides = array<i32>} : memref<2x128x32xf32, #tpu.memory_space<vmem>>, vector<16xf32>,
          %slice3A_629 = vector.extract_strided_slice %get3A_332 {offsets = [12], sizes = [1], strides = [1]} : vector<16xf32> to vector<1xf32>
          %squeeze3A_630 = vector.extract %slice3A_629[0] : f32 from vector<1xf32>
          %broadcast_in_dim3A_631 = vector.broadcast %squeeze3A_630 : f32 to vector<16xf32>
          %get3A_632 = arith.constant 12 : i32
          %get3A_633 = arith.index_cast %get3A_632 : i32 to index
          %get3A_634 = arith.constant 0 : index
          %get3A_635 = tpu.vector_load %arg13[%get3A_633, %get3A_634] {strides = array<i32>} : memref<128x16xi32, #tpu.memory_space<vmem>>, vector<16xi32>,
          %shift_left3A_636 = arith.constant 16 : i32
          %shift_left3A_637 = vector.broadcast %shift_left3A_636 : i32 to vector<16xi32>
          %shift_left3A_638 = arith.shli %get3A_635, %shift_left3A_637 : vector<16xi32>
          %bitcast3A_639 = vector.bitcast %shift_left3A_638 : vector<16xi32> to vector<16xf32>
          %and3A_640 = arith.andi %get3A_635, %broadcast_in_dim3A_330 : vector<16xi32>
          %bitcast3A_641 = vector.bitcast %and3A_640 : vector<16xi32> to vector<16xf32>
          %mul3A_642 = arith.mulf %bitcast3A_639, %broadcast_in_dim3A_631 : vector<16xf32>
          %swap3A_643 = arith.constant 12 : i32
          %swap3A_644 = arith.index_cast %rem3A_221 : i32 to index
          %swap3A_645 = arith.index_cast %swap3A_643 : i32 to index
          %swap3A_646 = arith.constant 0 : index
          %swap3A_647 = tpu.vector_load %arg14[%swap3A_644, %swap3A_645, %swap3A_646] {strides = array<i32>} : memref<2x128x32xf32, #tpu.memory_space<vmem>>, vector<16xf32>,
          tpu.vector_store %arg14[%swap3A_644, %swap3A_645, %swap3A_646], %mul3A_642 {strides = array<i32>} : memref<2x128x32xf32, #tpu.memory_space<vmem>>, vector<16xf32>,
          %mul3A_648 = arith.mulf %bitcast3A_641, %broadcast_in_dim3A_631 : vector<16xf32>
          %swap3A_649 = arith.constant 12 : i32
          %swap3A_650 = arith.index_cast %rem3A_221 : i32 to index
          %swap3A_651 = arith.index_cast %swap3A_649 : i32 to index
          %swap3A_652 = arith.constant 16 : index
          %swap3A_653 = tpu.vector_load %arg14[%swap3A_650, %swap3A_651, %swap3A_652] {strides = array<i32>} : memref<2x128x32xf32, #tpu.memory_space<vmem>>, vector<16xf32>,
          tpu.vector_store %arg14[%swap3A_650, %swap3A_651, %swap3A_652], %mul3A_648 {strides = array<i32>} : memref<2x128x32xf32, #tpu.memory_space<vmem>>, vector<16xf32>,
          %slice3A_654 = vector.extract_strided_slice %get3A_332 {offsets = [13], sizes = [1], strides = [1]} : vector<16xf32> to vector<1xf32>
          %squeeze3A_655 = vector.extract %slice3A_654[0] : f32 from vector<1xf32>
          %broadcast_in_dim3A_656 = vector.broadcast %squeeze3A_655 : f32 to vector<16xf32>
          %get3A_657 = arith.constant 13 : i32
          %get3A_658 = arith.index_cast %get3A_657 : i32 to index
          %get3A_659 = arith.constant 0 : index
          %get3A_660 = tpu.vector_load %arg13[%get3A_658, %get3A_659] {strides = array<i32>} : memref<128x16xi32, #tpu.memory_space<vmem>>, vector<16xi32>,
          %shift_left3A_661 = arith.constant 16 : i32
          %shift_left3A_662 = vector.broadcast %shift_left3A_661 : i32 to vector<16xi32>
          %shift_left3A_663 = arith.shli %get3A_660, %shift_left3A_662 : vector<16xi32>
          %bitcast3A_664 = vector.bitcast %shift_left3A_663 : vector<16xi32> to vector<16xf32>
          %and3A_665 = arith.andi %get3A_660, %broadcast_in_dim3A_330 : vector<16xi32>
          %bitcast3A_666 = vector.bitcast %and3A_665 : vector<16xi32> to vector<16xf32>
          %mul3A_667 = arith.mulf %bitcast3A_664, %broadcast_in_dim3A_656 : vector<16xf32>
          %swap3A_668 = arith.constant 13 : i32
          %swap3A_669 = arith.index_cast %rem3A_221 : i32 to index
          %swap3A_670 = arith.index_cast %swap3A_668 : i32 to index
          %swap3A_671 = arith.constant 0 : index
          %swap3A_672 = tpu.vector_load %arg14[%swap3A_669, %swap3A_670, %swap3A_671] {strides = array<i32>} : memref<2x128x32xf32, #tpu.memory_space<vmem>>, vector<16xf32>,
          tpu.vector_store %arg14[%swap3A_669, %swap3A_670, %swap3A_671], %mul3A_667 {strides = array<i32>} : memref<2x128x32xf32, #tpu.memory_space<vmem>>, vector<16xf32>,
          %mul3A_673 = arith.mulf %bitcast3A_666, %broadcast_in_dim3A_656 : vector<16xf32>
          %swap3A_674 = arith.constant 13 : i32
          %swap3A_675 = arith.index_cast %rem3A_221 : i32 to index
          %swap3A_676 = arith.index_cast %swap3A_674 : i32 to index
          %swap3A_677 = arith.constant 16 : index
          %swap3A_678 = tpu.vector_load %arg14[%swap3A_675, %swap3A_676, %swap3A_677] {strides = array<i32>} : memref<2x128x32xf32, #tpu.memory_space<vmem>>, vector<16xf32>,
          tpu.vector_store %arg14[%swap3A_675, %swap3A_676, %swap3A_677], %mul3A_673 {strides = array<i32>} : memref<2x128x32xf32, #tpu.memory_space<vmem>>, vector<16xf32>,
          %slice3A_679 = vector.extract_strided_slice %get3A_332 {offsets = [14], sizes = [1], strides = [1]} : vector<16xf32> to vector<1xf32>
          %squeeze3A_680 = vector.extract %slice3A_679[0] : f32 from vector<1xf32>
          %broadcast_in_dim3A_681 = vector.broadcast %squeeze3A_680 : f32 to vector<16xf32>
          %get3A_682 = arith.constant 14 : i32
          %get3A_683 = arith.index_cast %get3A_682 : i32 to index
          %get3A_684 = arith.constant 0 : index
          %get3A_685 = tpu.vector_load %arg13[%get3A_683, %get3A_684] {strides = array<i32>} : memref<128x16xi32, #tpu.memory_space<vmem>>, vector<16xi32>,
          %shift_left3A_686 = arith.constant 16 : i32
          %shift_left3A_687 = vector.broadcast %shift_left3A_686 : i32 to vector<16xi32>
          %shift_left3A_688 = arith.shli %get3A_685, %shift_left3A_687 : vector<16xi32>
          %bitcast3A_689 = vector.bitcast %shift_left3A_688 : vector<16xi32> to vector<16xf32>
          %and3A_690 = arith.andi %get3A_685, %broadcast_in_dim3A_330 : vector<16xi32>
          %bitcast3A_691 = vector.bitcast %and3A_690 : vector<16xi32> to vector<16xf32>
          %mul3A_692 = arith.mulf %bitcast3A_689, %broadcast_in_dim3A_681 : vector<16xf32>
          %swap3A_693 = arith.constant 14 : i32
          %swap3A_694 = arith.index_cast %rem3A_221 : i32 to index
          %swap3A_695 = arith.index_cast %swap3A_693 : i32 to index
          %swap3A_696 = arith.constant 0 : index
          %swap3A_697 = tpu.vector_load %arg14[%swap3A_694, %swap3A_695, %swap3A_696] {strides = array<i32>} : memref<2x128x32xf32, #tpu.memory_space<vmem>>, vector<16xf32>,
          tpu.vector_store %arg14[%swap3A_694, %swap3A_695, %swap3A_696], %mul3A_692 {strides = array<i32>} : memref<2x128x32xf32, #tpu.memory_space<vmem>>, vector<16xf32>,
          %mul3A_698 = arith.mulf %bitcast3A_691, %broadcast_in_dim3A_681 : vector<16xf32>
          %swap3A_699 = arith.constant 14 : i32
          %swap3A_700 = arith.index_cast %rem3A_221 : i32 to index
          %swap3A_701 = arith.index_cast %swap3A_699 : i32 to index
          %swap3A_702 = arith.constant 16 : index
          %swap3A_703 = tpu.vector_load %arg14[%swap3A_700, %swap3A_701, %swap3A_702] {strides = array<i32>} : memref<2x128x32xf32, #tpu.memory_space<vmem>>, vector<16xf32>,
          tpu.vector_store %arg14[%swap3A_700, %swap3A_701, %swap3A_702], %mul3A_698 {strides = array<i32>} : memref<2x128x32xf32, #tpu.memory_space<vmem>>, vector<16xf32>,
          %slice3A_704 = vector.extract_strided_slice %get3A_332 {offsets = [15], sizes = [1], strides = [1]} : vector<16xf32> to vector<1xf32>
          %squeeze3A_705 = vector.extract %slice3A_704[0] : f32 from vector<1xf32>
          %broadcast_in_dim3A_706 = vector.broadcast %squeeze3A_705 : f32 to vector<16xf32>
          %get3A_707 = arith.constant 15 : i32
          %get3A_708 = arith.index_cast %get3A_707 : i32 to index
          %get3A_709 = arith.constant 0 : index
          %get3A_710 = tpu.vector_load %arg13[%get3A_708, %get3A_709] {strides = array<i32>} : memref<128x16xi32, #tpu.memory_space<vmem>>, vector<16xi32>,
          %shift_left3A_711 = arith.constant 16 : i32
          %shift_left3A_712 = vector.broadcast %shift_left3A_711 : i32 to vector<16xi32>
          %shift_left3A_713 = arith.shli %get3A_710, %shift_left3A_712 : vector<16xi32>
          %bitcast3A_714 = vector.bitcast %shift_left3A_713 : vector<16xi32> to vector<16xf32>
          %and3A_715 = arith.andi %get3A_710, %broadcast_in_dim3A_330 : vector<16xi32>
          %bitcast3A_716 = vector.bitcast %and3A_715 : vector<16xi32> to vector<16xf32>
          %mul3A_717 = arith.mulf %bitcast3A_714, %broadcast_in_dim3A_706 : vector<16xf32>
          %swap3A_718 = arith.constant 15 : i32
          %swap3A_719 = arith.index_cast %rem3A_221 : i32 to index
          %swap3A_720 = arith.index_cast %swap3A_718 : i32 to index
          %swap3A_721 = arith.constant 0 : index
          %swap3A_722 = tpu.vector_load %arg14[%swap3A_719, %swap3A_720, %swap3A_721] {strides = array<i32>} : memref<2x128x32xf32, #tpu.memory_space<vmem>>, vector<16xf32>,
          tpu.vector_store %arg14[%swap3A_719, %swap3A_720, %swap3A_721], %mul3A_717 {strides = array<i32>} : memref<2x128x32xf32, #tpu.memory_space<vmem>>, vector<16xf32>,
          %mul3A_723 = arith.mulf %bitcast3A_716, %broadcast_in_dim3A_706 : vector<16xf32>
          %swap3A_724 = arith.constant 15 : i32
          %swap3A_725 = arith.index_cast %rem3A_221 : i32 to index
          %swap3A_726 = arith.index_cast %swap3A_724 : i32 to index
          %swap3A_727 = arith.constant 16 : index
          %swap3A_728 = tpu.vector_load %arg14[%swap3A_725, %swap3A_726, %swap3A_727] {strides = array<i32>} : memref<2x128x32xf32, #tpu.memory_space<vmem>>, vector<16xf32>,
          tpu.vector_store %arg14[%swap3A_725, %swap3A_726, %swap3A_727], %mul3A_723 {strides = array<i32>} : memref<2x128x32xf32, #tpu.memory_space<vmem>>, vector<16xf32>,
          %get3A_729 = arith.constant 16 : index
          %get3A_730 = tpu.vector_load %arg20[%get3A_729] {strides = array<i32>} : memref<144xf32, #tpu.memory_space<vmem>>, vector<16xf32>,
          %slice3A_731 = vector.extract_strided_slice %get3A_730 {offsets = [0], sizes = [1], strides = [1]} : vector<16xf32> to vector<1xf32>
          %squeeze3A_732 = vector.extract %slice3A_731[0] : f32 from vector<1xf32>
          %broadcast_in_dim3A_733 = vector.broadcast %squeeze3A_732 : f32 to vector<16xf32>
          %get3A_734 = arith.constant 16 : i32
          %get3A_735 = arith.index_cast %get3A_734 : i32 to index
          %get3A_736 = arith.constant 0 : index
          %get3A_737 = tpu.vector_load %arg13[%get3A_735, %get3A_736] {strides = array<i32>} : memref<128x16xi32, #tpu.memory_space<vmem>>, vector<16xi32>,
          %shift_left3A_738 = arith.constant 16 : i32
          %shift_left3A_739 = vector.broadcast %shift_left3A_738 : i32 to vector<16xi32>
          %shift_left3A_740 = arith.shli %get3A_737, %shift_left3A_739 : vector<16xi32>
          %bitcast3A_741 = vector.bitcast %shift_left3A_740 : vector<16xi32> to vector<16xf32>
          %and3A_742 = arith.andi %get3A_737, %broadcast_in_dim3A_330 : vector<16xi32>
          %bitcast3A_743 = vector.bitcast %and3A_742 : vector<16xi32> to vector<16xf32>
          %mul3A_744 = arith.mulf %bitcast3A_741, %broadcast_in_dim3A_733 : vector<16xf32>
          %swap3A_745 = arith.constant 16 : i32
          %swap3A_746 = arith.index_cast %rem3A_221 : i32 to index
          %swap3A_747 = arith.index_cast %swap3A_745 : i32 to index
          %swap3A_748 = arith.constant 0 : index
          %swap3A_749 = tpu.vector_load %arg14[%swap3A_746, %swap3A_747, %swap3A_748] {strides = array<i32>} : memref<2x128x32xf32, #tpu.memory_space<vmem>>, vector<16xf32>,
          tpu.vector_store %arg14[%swap3A_746, %swap3A_747, %swap3A_748], %mul3A_744 {strides = array<i32>} : memref<2x128x32xf32, #tpu.memory_space<vmem>>, vector<16xf32>,
          %mul3A_750 = arith.mulf %bitcast3A_743, %broadcast_in_dim3A_733 : vector<16xf32>
          %swap3A_751 = arith.constant 16 : i32
          %swap3A_752 = arith.index_cast %rem3A_221 : i32 to index
          %swap3A_753 = arith.index_cast %swap3A_751 : i32 to index
          %swap3A_754 = arith.constant 16 : index
          %swap3A_755 = tpu.vector_load %arg14[%swap3A_752, %swap3A_753, %swap3A_754] {strides = array<i32>} : memref<2x128x32xf32, #tpu.memory_space<vmem>>, vector<16xf32>,
          tpu.vector_store %arg14[%swap3A_752, %swap3A_753, %swap3A_754], %mul3A_750 {strides = array<i32>} : memref<2x128x32xf32, #tpu.memory_space<vmem>>, vector<16xf32>,
          %slice3A_756 = vector.extract_strided_slice %get3A_730 {offsets = [1], sizes = [1], strides = [1]} : vector<16xf32> to vector<1xf32>
          %squeeze3A_757 = vector.extract %slice3A_756[0] : f32 from vector<1xf32>
          %broadcast_in_dim3A_758 = vector.broadcast %squeeze3A_757 : f32 to vector<16xf32>
          %get3A_759 = arith.constant 17 : i32
          %get3A_760 = arith.index_cast %get3A_759 : i32 to index
          %get3A_761 = arith.constant 0 : index
          %get3A_762 = tpu.vector_load %arg13[%get3A_760, %get3A_761] {strides = array<i32>} : memref<128x16xi32, #tpu.memory_space<vmem>>, vector<16xi32>,
          %shift_left3A_763 = arith.constant 16 : i32
          %shift_left3A_764 = vector.broadcast %shift_left3A_763 : i32 to vector<16xi32>
          %shift_left3A_765 = arith.shli %get3A_762, %shift_left3A_764 : vector<16xi32>
          %bitcast3A_766 = vector.bitcast %shift_left3A_765 : vector<16xi32> to vector<16xf32>
          %and3A_767 = arith.andi %get3A_762, %broadcast_in_dim3A_330 : vector<16xi32>
          %bitcast3A_768 = vector.bitcast %and3A_767 : vector<16xi32> to vector<16xf32>
          %mul3A_769 = arith.mulf %bitcast3A_766, %broadcast_in_dim3A_758 : vector<16xf32>
          %swap3A_770 = arith.constant 17 : i32
          %swap3A_771 = arith.index_cast %rem3A_221 : i32 to index
          %swap3A_772 = arith.index_cast %swap3A_770 : i32 to index
          %swap3A_773 = arith.constant 0 : index
          %swap3A_774 = tpu.vector_load %arg14[%swap3A_771, %swap3A_772, %swap3A_773] {strides = array<i32>} : memref<2x128x32xf32, #tpu.memory_space<vmem>>, vector<16xf32>,
          tpu.vector_store %arg14[%swap3A_771, %swap3A_772, %swap3A_773], %mul3A_769 {strides = array<i32>} : memref<2x128x32xf32, #tpu.memory_space<vmem>>, vector<16xf32>,
          %mul3A_775 = arith.mulf %bitcast3A_768, %broadcast_in_dim3A_758 : vector<16xf32>
          %swap3A_776 = arith.constant 17 : i32
          %swap3A_777 = arith.index_cast %rem3A_221 : i32 to index
          %swap3A_778 = arith.index_cast %swap3A_776 : i32 to index
          %swap3A_779 = arith.constant 16 : index
          %swap3A_780 = tpu.vector_load %arg14[%swap3A_777, %swap3A_778, %swap3A_779] {strides = array<i32>} : memref<2x128x32xf32, #tpu.memory_space<vmem>>, vector<16xf32>,
          tpu.vector_store %arg14[%swap3A_777, %swap3A_778, %swap3A_779], %mul3A_775 {strides = array<i32>} : memref<2x128x32xf32, #tpu.memory_space<vmem>>, vector<16xf32>,
          %slice3A_781 = vector.extract_strided_slice %get3A_730 {offsets = [2], sizes = [1], strides = [1]} : vector<16xf32> to vector<1xf32>
          %squeeze3A_782 = vector.extract %slice3A_781[0] : f32 from vector<1xf32>
          %broadcast_in_dim3A_783 = vector.broadcast %squeeze3A_782 : f32 to vector<16xf32>
          %get3A_784 = arith.constant 18 : i32
          %get3A_785 = arith.index_cast %get3A_784 : i32 to index
          %get3A_786 = arith.constant 0 : index
          %get3A_787 = tpu.vector_load %arg13[%get3A_785, %get3A_786] {strides = array<i32>} : memref<128x16xi32, #tpu.memory_space<vmem>>, vector<16xi32>,
          %shift_left3A_788 = arith.constant 16 : i32
          %shift_left3A_789 = vector.broadcast %shift_left3A_788 : i32 to vector<16xi32>
          %shift_left3A_790 = arith.shli %get3A_787, %shift_left3A_789 : vector<16xi32>
          %bitcast3A_791 = vector.bitcast %shift_left3A_790 : vector<16xi32> to vector<16xf32>
          %and3A_792 = arith.andi %get3A_787, %broadcast_in_dim3A_330 : vector<16xi32>
          %bitcast3A_793 = vector.bitcast %and3A_792 : vector<16xi32> to vector<16xf32>
          %mul3A_794 = arith.mulf %bitcast3A_791, %broadcast_in_dim3A_783 : vector<16xf32>
          %swap3A_795 = arith.constant 18 : i32
          %swap3A_796 = arith.index_cast %rem3A_221 : i32 to index
          %swap3A_797 = arith.index_cast %swap3A_795 : i32 to index
          %swap3A_798 = arith.constant 0 : index
          %swap3A_799 = tpu.vector_load %arg14[%swap3A_796, %swap3A_797, %swap3A_798] {strides = array<i32>} : memref<2x128x32xf32, #tpu.memory_space<vmem>>, vector<16xf32>,
          tpu.vector_store %arg14[%swap3A_796, %swap3A_797, %swap3A_798], %mul3A_794 {strides = array<i32>} : memref<2x128x32xf32, #tpu.memory_space<vmem>>, vector<16xf32>,
          %mul3A_800 = arith.mulf %bitcast3A_793, %broadcast_in_dim3A_783 : vector<16xf32>
          %swap3A_801 = arith.constant 18 : i32
          %swap3A_802 = arith.index_cast %rem3A_221 : i32 to index
          %swap3A_803 = arith.index_cast %swap3A_801 : i32 to index
          %swap3A_804 = arith.constant 16 : index
          %swap3A_805 = tpu.vector_load %arg14[%swap3A_802, %swap3A_803, %swap3A_804] {strides = array<i32>} : memref<2x128x32xf32, #tpu.memory_space<vmem>>, vector<16xf32>,
          tpu.vector_store %arg14[%swap3A_802, %swap3A_803, %swap3A_804], %mul3A_800 {strides = array<i32>} : memref<2x128x32xf32, #tpu.memory_space<vmem>>, vector<16xf32>,
          %slice3A_806 = vector.extract_strided_slice %get3A_730 {offsets = [3], sizes = [1], strides = [1]} : vector<16xf32> to vector<1xf32>
          %squeeze3A_807 = vector.extract %slice3A_806[0] : f32 from vector<1xf32>
          %broadcast_in_dim3A_808 = vector.broadcast %squeeze3A_807 : f32 to vector<16xf32>
          %get3A_809 = arith.constant 19 : i32
          %get3A_810 = arith.index_cast %get3A_809 : i32 to index
          %get3A_811 = arith.constant 0 : index
          %get3A_812 = tpu.vector_load %arg13[%get3A_810, %get3A_811] {strides = array<i32>} : memref<128x16xi32, #tpu.memory_space<vmem>>, vector<16xi32>,
          %shift_left3A_813 = arith.constant 16 : i32
          %shift_left3A_814 = vector.broadcast %shift_left3A_813 : i32 to vector<16xi32>
          %shift_left3A_815 = arith.shli %get3A_812, %shift_left3A_814 : vector<16xi32>
          %bitcast3A_816 = vector.bitcast %shift_left3A_815 : vector<16xi32> to vector<16xf32>
          %and3A_817 = arith.andi %get3A_812, %broadcast_in_dim3A_330 : vector<16xi32>
          %bitcast3A_818 = vector.bitcast %and3A_817 : vector<16xi32> to vector<16xf32>
          %mul3A_819 = arith.mulf %bitcast3A_816, %broadcast_in_dim3A_808 : vector<16xf32>
          %swap3A_820 = arith.constant 19 : i32
          %swap3A_821 = arith.index_cast %rem3A_221 : i32 to index
          %swap3A_822 = arith.index_cast %swap3A_820 : i32 to index
          %swap3A_823 = arith.constant 0 : index
          %swap3A_824 = tpu.vector_load %arg14[%swap3A_821, %swap3A_822, %swap3A_823] {strides = array<i32>} : memref<2x128x32xf32, #tpu.memory_space<vmem>>, vector<16xf32>,
          tpu.vector_store %arg14[%swap3A_821, %swap3A_822, %swap3A_823], %mul3A_819 {strides = array<i32>} : memref<2x128x32xf32, #tpu.memory_space<vmem>>, vector<16xf32>,
          %mul3A_825 = arith.mulf %bitcast3A_818, %broadcast_in_dim3A_808 : vector<16xf32>
          %swap3A_826 = arith.constant 19 : i32
          %swap3A_827 = arith.index_cast %rem3A_221 : i32 to index
          %swap3A_828 = arith.index_cast %swap3A_826 : i32 to index
          %swap3A_829 = arith.constant 16 : index
          %swap3A_830 = tpu.vector_load %arg14[%swap3A_827, %swap3A_828, %swap3A_829] {strides = array<i32>} : memref<2x128x32xf32, #tpu.memory_space<vmem>>, vector<16xf32>,
          tpu.vector_store %arg14[%swap3A_827, %swap3A_828, %swap3A_829], %mul3A_825 {strides = array<i32>} : memref<2x128x32xf32, #tpu.memory_space<vmem>>, vector<16xf32>,
          %slice3A_831 = vector.extract_strided_slice %get3A_730 {offsets = [4], sizes = [1], strides = [1]} : vector<16xf32> to vector<1xf32>
          %squeeze3A_832 = vector.extract %slice3A_831[0] : f32 from vector<1xf32>
          %broadcast_in_dim3A_833 = vector.broadcast %squeeze3A_832 : f32 to vector<16xf32>
          %get3A_834 = arith.constant 20 : i32
          %get3A_835 = arith.index_cast %get3A_834 : i32 to index
          %get3A_836 = arith.constant 0 : index
          %get3A_837 = tpu.vector_load %arg13[%get3A_835, %get3A_836] {strides = array<i32>} : memref<128x16xi32, #tpu.memory_space<vmem>>, vector<16xi32>,
          %shift_left3A_838 = arith.constant 16 : i32
          %shift_left3A_839 = vector.broadcast %shift_left3A_838 : i32 to vector<16xi32>
          %shift_left3A_840 = arith.shli %get3A_837, %shift_left3A_839 : vector<16xi32>
          %bitcast3A_841 = vector.bitcast %shift_left3A_840 : vector<16xi32> to vector<16xf32>
          %and3A_842 = arith.andi %get3A_837, %broadcast_in_dim3A_330 : vector<16xi32>
          %bitcast3A_843 = vector.bitcast %and3A_842 : vector<16xi32> to vector<16xf32>
          %mul3A_844 = arith.mulf %bitcast3A_841, %broadcast_in_dim3A_833 : vector<16xf32>
          %swap3A_845 = arith.constant 20 : i32
          %swap3A_846 = arith.index_cast %rem3A_221 : i32 to index
          %swap3A_847 = arith.index_cast %swap3A_845 : i32 to index
          %swap3A_848 = arith.constant 0 : index
          %swap3A_849 = tpu.vector_load %arg14[%swap3A_846, %swap3A_847, %swap3A_848] {strides = array<i32>} : memref<2x128x32xf32, #tpu.memory_space<vmem>>, vector<16xf32>,
          tpu.vector_store %arg14[%swap3A_846, %swap3A_847, %swap3A_848], %mul3A_844 {strides = array<i32>} : memref<2x128x32xf32, #tpu.memory_space<vmem>>, vector<16xf32>,
          %mul3A_850 = arith.mulf %bitcast3A_843, %broadcast_in_dim3A_833 : vector<16xf32>
          %swap3A_851 = arith.constant 20 : i32
          %swap3A_852 = arith.index_cast %rem3A_221 : i32 to index
          %swap3A_853 = arith.index_cast %swap3A_851 : i32 to index
          %swap3A_854 = arith.constant 16 : index
          %swap3A_855 = tpu.vector_load %arg14[%swap3A_852, %swap3A_853, %swap3A_854] {strides = array<i32>} : memref<2x128x32xf32, #tpu.memory_space<vmem>>, vector<16xf32>,
          tpu.vector_store %arg14[%swap3A_852, %swap3A_853, %swap3A_854], %mul3A_850 {strides = array<i32>} : memref<2x128x32xf32, #tpu.memory_space<vmem>>, vector<16xf32>,
          %slice3A_856 = vector.extract_strided_slice %get3A_730 {offsets = [5], sizes = [1], strides = [1]} : vector<16xf32> to vector<1xf32>
          %squeeze3A_857 = vector.extract %slice3A_856[0] : f32 from vector<1xf32>
          %broadcast_in_dim3A_858 = vector.broadcast %squeeze3A_857 : f32 to vector<16xf32>
          %get3A_859 = arith.constant 21 : i32
          %get3A_860 = arith.index_cast %get3A_859 : i32 to index
          %get3A_861 = arith.constant 0 : index
          %get3A_862 = tpu.vector_load %arg13[%get3A_860, %get3A_861] {strides = array<i32>} : memref<128x16xi32, #tpu.memory_space<vmem>>, vector<16xi32>,
          %shift_left3A_863 = arith.constant 16 : i32
          %shift_left3A_864 = vector.broadcast %shift_left3A_863 : i32 to vector<16xi32>
          %shift_left3A_865 = arith.shli %get3A_862, %shift_left3A_864 : vector<16xi32>
          %bitcast3A_866 = vector.bitcast %shift_left3A_865 : vector<16xi32> to vector<16xf32>
          %and3A_867 = arith.andi %get3A_862, %broadcast_in_dim3A_330 : vector<16xi32>
          %bitcast3A_868 = vector.bitcast %and3A_867 : vector<16xi32> to vector<16xf32>
          %mul3A_869 = arith.mulf %bitcast3A_866, %broadcast_in_dim3A_858 : vector<16xf32>
          %swap3A_870 = arith.constant 21 : i32
          %swap3A_871 = arith.index_cast %rem3A_221 : i32 to index
          %swap3A_872 = arith.index_cast %swap3A_870 : i32 to index
          %swap3A_873 = arith.constant 0 : index
          %swap3A_874 = tpu.vector_load %arg14[%swap3A_871, %swap3A_872, %swap3A_873] {strides = array<i32>} : memref<2x128x32xf32, #tpu.memory_space<vmem>>, vector<16xf32>,
          tpu.vector_store %arg14[%swap3A_871, %swap3A_872, %swap3A_873], %mul3A_869 {strides = array<i32>} : memref<2x128x32xf32, #tpu.memory_space<vmem>>, vector<16xf32>,
          %mul3A_875 = arith.mulf %bitcast3A_868, %broadcast_in_dim3A_858 : vector<16xf32>
          %swap3A_876 = arith.constant 21 : i32
          %swap3A_877 = arith.index_cast %rem3A_221 : i32 to index
          %swap3A_878 = arith.index_cast %swap3A_876 : i32 to index
          %swap3A_879 = arith.constant 16 : index
          %swap3A_880 = tpu.vector_load %arg14[%swap3A_877, %swap3A_878, %swap3A_879] {strides = array<i32>} : memref<2x128x32xf32, #tpu.memory_space<vmem>>, vector<16xf32>,
          tpu.vector_store %arg14[%swap3A_877, %swap3A_878, %swap3A_879], %mul3A_875 {strides = array<i32>} : memref<2x128x32xf32, #tpu.memory_space<vmem>>, vector<16xf32>,
          %slice3A_881 = vector.extract_strided_slice %get3A_730 {offsets = [6], sizes = [1], strides = [1]} : vector<16xf32> to vector<1xf32>
          %squeeze3A_882 = vector.extract %slice3A_881[0] : f32 from vector<1xf32>
          %broadcast_in_dim3A_883 = vector.broadcast %squeeze3A_882 : f32 to vector<16xf32>
          %get3A_884 = arith.constant 22 : i32
          %get3A_885 = arith.index_cast %get3A_884 : i32 to index
          %get3A_886 = arith.constant 0 : index
          %get3A_887 = tpu.vector_load %arg13[%get3A_885, %get3A_886] {strides = array<i32>} : memref<128x16xi32, #tpu.memory_space<vmem>>, vector<16xi32>,
          %shift_left3A_888 = arith.constant 16 : i32
          %shift_left3A_889 = vector.broadcast %shift_left3A_888 : i32 to vector<16xi32>
          %shift_left3A_890 = arith.shli %get3A_887, %shift_left3A_889 : vector<16xi32>
          %bitcast3A_891 = vector.bitcast %shift_left3A_890 : vector<16xi32> to vector<16xf32>
          %and3A_892 = arith.andi %get3A_887, %broadcast_in_dim3A_330 : vector<16xi32>
          %bitcast3A_893 = vector.bitcast %and3A_892 : vector<16xi32> to vector<16xf32>
          %mul3A_894 = arith.mulf %bitcast3A_891, %broadcast_in_dim3A_883 : vector<16xf32>
          %swap3A_895 = arith.constant 22 : i32
          %swap3A_896 = arith.index_cast %rem3A_221 : i32 to index
          %swap3A_897 = arith.index_cast %swap3A_895 : i32 to index
          %swap3A_898 = arith.constant 0 : index
          %swap3A_899 = tpu.vector_load %arg14[%swap3A_896, %swap3A_897, %swap3A_898] {strides = array<i32>} : memref<2x128x32xf32, #tpu.memory_space<vmem>>, vector<16xf32>,
          tpu.vector_store %arg14[%swap3A_896, %swap3A_897, %swap3A_898], %mul3A_894 {strides = array<i32>} : memref<2x128x32xf32, #tpu.memory_space<vmem>>, vector<16xf32>,
          %mul3A_900 = arith.mulf %bitcast3A_893, %broadcast_in_dim3A_883 : vector<16xf32>
          %swap3A_901 = arith.constant 22 : i32
          %swap3A_902 = arith.index_cast %rem3A_221 : i32 to index
          %swap3A_903 = arith.index_cast %swap3A_901 : i32 to index
          %swap3A_904 = arith.constant 16 : index
          %swap3A_905 = tpu.vector_load %arg14[%swap3A_902, %swap3A_903, %swap3A_904] {strides = array<i32>} : memref<2x128x32xf32, #tpu.memory_space<vmem>>, vector<16xf32>,
          tpu.vector_store %arg14[%swap3A_902, %swap3A_903, %swap3A_904], %mul3A_900 {strides = array<i32>} : memref<2x128x32xf32, #tpu.memory_space<vmem>>, vector<16xf32>,
          %slice3A_906 = vector.extract_strided_slice %get3A_730 {offsets = [7], sizes = [1], strides = [1]} : vector<16xf32> to vector<1xf32>
          %squeeze3A_907 = vector.extract %slice3A_906[0] : f32 from vector<1xf32>
          %broadcast_in_dim3A_908 = vector.broadcast %squeeze3A_907 : f32 to vector<16xf32>
          %get3A_909 = arith.constant 23 : i32
          %get3A_910 = arith.index_cast %get3A_909 : i32 to index
          %get3A_911 = arith.constant 0 : index
          %get3A_912 = tpu.vector_load %arg13[%get3A_910, %get3A_911] {strides = array<i32>} : memref<128x16xi32, #tpu.memory_space<vmem>>, vector<16xi32>,
          %shift_left3A_913 = arith.constant 16 : i32
          %shift_left3A_914 = vector.broadcast %shift_left3A_913 : i32 to vector<16xi32>
          %shift_left3A_915 = arith.shli %get3A_912, %shift_left3A_914 : vector<16xi32>
          %bitcast3A_916 = vector.bitcast %shift_left3A_915 : vector<16xi32> to vector<16xf32>
          %and3A_917 = arith.andi %get3A_912, %broadcast_in_dim3A_330 : vector<16xi32>
          %bitcast3A_918 = vector.bitcast %and3A_917 : vector<16xi32> to vector<16xf32>
          %mul3A_919 = arith.mulf %bitcast3A_916, %broadcast_in_dim3A_908 : vector<16xf32>
          %swap3A_920 = arith.constant 23 : i32
          %swap3A_921 = arith.index_cast %rem3A_221 : i32 to index
          %swap3A_922 = arith.index_cast %swap3A_920 : i32 to index
          %swap3A_923 = arith.constant 0 : index
          %swap3A_924 = tpu.vector_load %arg14[%swap3A_921, %swap3A_922, %swap3A_923] {strides = array<i32>} : memref<2x128x32xf32, #tpu.memory_space<vmem>>, vector<16xf32>,
          tpu.vector_store %arg14[%swap3A_921, %swap3A_922, %swap3A_923], %mul3A_919 {strides = array<i32>} : memref<2x128x32xf32, #tpu.memory_space<vmem>>, vector<16xf32>,
          %mul3A_925 = arith.mulf %bitcast3A_918, %broadcast_in_dim3A_908 : vector<16xf32>
          %swap3A_926 = arith.constant 23 : i32
          %swap3A_927 = arith.index_cast %rem3A_221 : i32 to index
          %swap3A_928 = arith.index_cast %swap3A_926 : i32 to index
          %swap3A_929 = arith.constant 16 : index
          %swap3A_930 = tpu.vector_load %arg14[%swap3A_927, %swap3A_928, %swap3A_929] {strides = array<i32>} : memref<2x128x32xf32, #tpu.memory_space<vmem>>, vector<16xf32>,
          tpu.vector_store %arg14[%swap3A_927, %swap3A_928, %swap3A_929], %mul3A_925 {strides = array<i32>} : memref<2x128x32xf32, #tpu.memory_space<vmem>>, vector<16xf32>,
          %slice3A_931 = vector.extract_strided_slice %get3A_730 {offsets = [8], sizes = [1], strides = [1]} : vector<16xf32> to vector<1xf32>
          %squeeze3A_932 = vector.extract %slice3A_931[0] : f32 from vector<1xf32>
          %broadcast_in_dim3A_933 = vector.broadcast %squeeze3A_932 : f32 to vector<16xf32>
          %get3A_934 = arith.constant 24 : i32
          %get3A_935 = arith.index_cast %get3A_934 : i32 to index
          %get3A_936 = arith.constant 0 : index
          %get3A_937 = tpu.vector_load %arg13[%get3A_935, %get3A_936] {strides = array<i32>} : memref<128x16xi32, #tpu.memory_space<vmem>>, vector<16xi32>,
          %shift_left3A_938 = arith.constant 16 : i32
          %shift_left3A_939 = vector.broadcast %shift_left3A_938 : i32 to vector<16xi32>
          %shift_left3A_940 = arith.shli %get3A_937, %shift_left3A_939 : vector<16xi32>
          %bitcast3A_941 = vector.bitcast %shift_left3A_940 : vector<16xi32> to vector<16xf32>
          %and3A_942 = arith.andi %get3A_937, %broadcast_in_dim3A_330 : vector<16xi32>
          %bitcast3A_943 = vector.bitcast %and3A_942 : vector<16xi32> to vector<16xf32>
          %mul3A_944 = arith.mulf %bitcast3A_941, %broadcast_in_dim3A_933 : vector<16xf32>
          %swap3A_945 = arith.constant 24 : i32
          %swap3A_946 = arith.index_cast %rem3A_221 : i32 to index
          %swap3A_947 = arith.index_cast %swap3A_945 : i32 to index
          %swap3A_948 = arith.constant 0 : index
          %swap3A_949 = tpu.vector_load %arg14[%swap3A_946, %swap3A_947, %swap3A_948] {strides = array<i32>} : memref<2x128x32xf32, #tpu.memory_space<vmem>>, vector<16xf32>,
          tpu.vector_store %arg14[%swap3A_946, %swap3A_947, %swap3A_948], %mul3A_944 {strides = array<i32>} : memref<2x128x32xf32, #tpu.memory_space<vmem>>, vector<16xf32>,
          %mul3A_950 = arith.mulf %bitcast3A_943, %broadcast_in_dim3A_933 : vector<16xf32>
          %swap3A_951 = arith.constant 24 : i32
          %swap3A_952 = arith.index_cast %rem3A_221 : i32 to index
          %swap3A_953 = arith.index_cast %swap3A_951 : i32 to index
          %swap3A_954 = arith.constant 16 : index
          %swap3A_955 = tpu.vector_load %arg14[%swap3A_952, %swap3A_953, %swap3A_954] {strides = array<i32>} : memref<2x128x32xf32, #tpu.memory_space<vmem>>, vector<16xf32>,
          tpu.vector_store %arg14[%swap3A_952, %swap3A_953, %swap3A_954], %mul3A_950 {strides = array<i32>} : memref<2x128x32xf32, #tpu.memory_space<vmem>>, vector<16xf32>,
          %slice3A_956 = vector.extract_strided_slice %get3A_730 {offsets = [9], sizes = [1], strides = [1]} : vector<16xf32> to vector<1xf32>
          %squeeze3A_957 = vector.extract %slice3A_956[0] : f32 from vector<1xf32>
          %broadcast_in_dim3A_958 = vector.broadcast %squeeze3A_957 : f32 to vector<16xf32>
          %get3A_959 = arith.constant 25 : i32
          %get3A_960 = arith.index_cast %get3A_959 : i32 to index
          %get3A_961 = arith.constant 0 : index
          %get3A_962 = tpu.vector_load %arg13[%get3A_960, %get3A_961] {strides = array<i32>} : memref<128x16xi32, #tpu.memory_space<vmem>>, vector<16xi32>,
          %shift_left3A_963 = arith.constant 16 : i32
          %shift_left3A_964 = vector.broadcast %shift_left3A_963 : i32 to vector<16xi32>
          %shift_left3A_965 = arith.shli %get3A_962, %shift_left3A_964 : vector<16xi32>
          %bitcast3A_966 = vector.bitcast %shift_left3A_965 : vector<16xi32> to vector<16xf32>
          %and3A_967 = arith.andi %get3A_962, %broadcast_in_dim3A_330 : vector<16xi32>
          %bitcast3A_968 = vector.bitcast %and3A_967 : vector<16xi32> to vector<16xf32>
          %mul3A_969 = arith.mulf %bitcast3A_966, %broadcast_in_dim3A_958 : vector<16xf32>
          %swap3A_970 = arith.constant 25 : i32
          %swap3A_971 = arith.index_cast %rem3A_221 : i32 to index
          %swap3A_972 = arith.index_cast %swap3A_970 : i32 to index
          %swap3A_973 = arith.constant 0 : index
          %swap3A_974 = tpu.vector_load %arg14[%swap3A_971, %swap3A_972, %swap3A_973] {strides = array<i32>} : memref<2x128x32xf32, #tpu.memory_space<vmem>>, vector<16xf32>,
          tpu.vector_store %arg14[%swap3A_971, %swap3A_972, %swap3A_973], %mul3A_969 {strides = array<i32>} : memref<2x128x32xf32, #tpu.memory_space<vmem>>, vector<16xf32>,
          %mul3A_975 = arith.mulf %bitcast3A_968, %broadcast_in_dim3A_958 : vector<16xf32>
          %swap3A_976 = arith.constant 25 : i32
          %swap3A_977 = arith.index_cast %rem3A_221 : i32 to index
          %swap3A_978 = arith.index_cast %swap3A_976 : i32 to index
          %swap3A_979 = arith.constant 16 : index
          %swap3A_980 = tpu.vector_load %arg14[%swap3A_977, %swap3A_978, %swap3A_979] {strides = array<i32>} : memref<2x128x32xf32, #tpu.memory_space<vmem>>, vector<16xf32>,
          tpu.vector_store %arg14[%swap3A_977, %swap3A_978, %swap3A_979], %mul3A_975 {strides = array<i32>} : memref<2x128x32xf32, #tpu.memory_space<vmem>>, vector<16xf32>,
          %slice3A_981 = vector.extract_strided_slice %get3A_730 {offsets = [10], sizes = [1], strides = [1]} : vector<16xf32> to vector<1xf32>
          %squeeze3A_982 = vector.extract %slice3A_981[0] : f32 from vector<1xf32>
          %broadcast_in_dim3A_983 = vector.broadcast %squeeze3A_982 : f32 to vector<16xf32>
          %get3A_984 = arith.constant 26 : i32
          %get3A_985 = arith.index_cast %get3A_984 : i32 to index
          %get3A_986 = arith.constant 0 : index
          %get3A_987 = tpu.vector_load %arg13[%get3A_985, %get3A_986] {strides = array<i32>} : memref<128x16xi32, #tpu.memory_space<vmem>>, vector<16xi32>,
          %shift_left3A_988 = arith.constant 16 : i32
          %shift_left3A_989 = vector.broadcast %shift_left3A_988 : i32 to vector<16xi32>
          %shift_left3A_990 = arith.shli %get3A_987, %shift_left3A_989 : vector<16xi32>
          %bitcast3A_991 = vector.bitcast %shift_left3A_990 : vector<16xi32> to vector<16xf32>
          %and3A_992 = arith.andi %get3A_987, %broadcast_in_dim3A_330 : vector<16xi32>
          %bitcast3A_993 = vector.bitcast %and3A_992 : vector<16xi32> to vector<16xf32>
          %mul3A_994 = arith.mulf %bitcast3A_991, %broadcast_in_dim3A_983 : vector<16xf32>
          %swap3A_995 = arith.constant 26 : i32
          %swap3A_996 = arith.index_cast %rem3A_221 : i32 to index
          %swap3A_997 = arith.index_cast %swap3A_995 : i32 to index
          %swap3A_998 = arith.constant 0 : index
          %swap3A_999 = tpu.vector_load %arg14[%swap3A_996, %swap3A_997, %swap3A_998] {strides = array<i32>} : memref<2x128x32xf32, #tpu.memory_space<vmem>>, vector<16xf32>,
          tpu.vector_store %arg14[%swap3A_996, %swap3A_997, %swap3A_998], %mul3A_994 {strides = array<i32>} : memref<2x128x32xf32, #tpu.memory_space<vmem>>, vector<16xf32>,
          %mul3A_1000 = arith.mulf %bitcast3A_993, %broadcast_in_dim3A_983 : vector<16xf32>
          %swap3A_1001 = arith.constant 26 : i32
          %swap3A_1002 = arith.index_cast %rem3A_221 : i32 to index
          %swap3A_1003 = arith.index_cast %swap3A_1001 : i32 to index
          %swap3A_1004 = arith.constant 16 : index
          %swap3A_1005 = tpu.vector_load %arg14[%swap3A_1002, %swap3A_1003, %swap3A_1004] {strides = array<i32>} : memref<2x128x32xf32, #tpu.memory_space<vmem>>, vector<16xf32>,
          tpu.vector_store %arg14[%swap3A_1002, %swap3A_1003, %swap3A_1004], %mul3A_1000 {strides = array<i32>} : memref<2x128x32xf32, #tpu.memory_space<vmem>>, vector<16xf32>,
          %slice3A_1006 = vector.extract_strided_slice %get3A_730 {offsets = [11], sizes = [1], strides = [1]} : vector<16xf32> to vector<1xf32>
          %squeeze3A_1007 = vector.extract %slice3A_1006[0] : f32 from vector<1xf32>
          %broadcast_in_dim3A_1008 = vector.broadcast %squeeze3A_1007 : f32 to vector<16xf32>
          %get3A_1009 = arith.constant 27 : i32
          %get3A_1010 = arith.index_cast %get3A_1009 : i32 to index
          %get3A_1011 = arith.constant 0 : index
          %get3A_1012 = tpu.vector_load %arg13[%get3A_1010, %get3A_1011] {strides = array<i32>} : memref<128x16xi32, #tpu.memory_space<vmem>>, vector<16xi32>,
          %shift_left3A_1013 = arith.constant 16 : i32
          %shift_left3A_1014 = vector.broadcast %shift_left3A_1013 : i32 to vector<16xi32>
          %shift_left3A_1015 = arith.shli %get3A_1012, %shift_left3A_1014 : vector<16xi32>
          %bitcast3A_1016 = vector.bitcast %shift_left3A_1015 : vector<16xi32> to vector<16xf32>
          %and3A_1017 = arith.andi %get3A_1012, %broadcast_in_dim3A_330 : vector<16xi32>
          %bitcast3A_1018 = vector.bitcast %and3A_1017 : vector<16xi32> to vector<16xf32>
          %mul3A_1019 = arith.mulf %bitcast3A_1016, %broadcast_in_dim3A_1008 : vector<16xf32>
          %swap3A_1020 = arith.constant 27 : i32
          %swap3A_1021 = arith.index_cast %rem3A_221 : i32 to index
          %swap3A_1022 = arith.index_cast %swap3A_1020 : i32 to index
          %swap3A_1023 = arith.constant 0 : index
          %swap3A_1024 = tpu.vector_load %arg14[%swap3A_1021, %swap3A_1022, %swap3A_1023] {strides = array<i32>} : memref<2x128x32xf32, #tpu.memory_space<vmem>>, vector<16xf32>,
          tpu.vector_store %arg14[%swap3A_1021, %swap3A_1022, %swap3A_1023], %mul3A_1019 {strides = array<i32>} : memref<2x128x32xf32, #tpu.memory_space<vmem>>, vector<16xf32>,
          %mul3A_1025 = arith.mulf %bitcast3A_1018, %broadcast_in_dim3A_1008 : vector<16xf32>
          %swap3A_1026 = arith.constant 27 : i32
          %swap3A_1027 = arith.index_cast %rem3A_221 : i32 to index
          %swap3A_1028 = arith.index_cast %swap3A_1026 : i32 to index
          %swap3A_1029 = arith.constant 16 : index
          %swap3A_1030 = tpu.vector_load %arg14[%swap3A_1027, %swap3A_1028, %swap3A_1029] {strides = array<i32>} : memref<2x128x32xf32, #tpu.memory_space<vmem>>, vector<16xf32>,
          tpu.vector_store %arg14[%swap3A_1027, %swap3A_1028, %swap3A_1029], %mul3A_1025 {strides = array<i32>} : memref<2x128x32xf32, #tpu.memory_space<vmem>>, vector<16xf32>,
          %slice3A_1031 = vector.extract_strided_slice %get3A_730 {offsets = [12], sizes = [1], strides = [1]} : vector<16xf32> to vector<1xf32>
          %squeeze3A_1032 = vector.extract %slice3A_1031[0] : f32 from vector<1xf32>
          %broadcast_in_dim3A_1033 = vector.broadcast %squeeze3A_1032 : f32 to vector<16xf32>
          %get3A_1034 = arith.constant 28 : i32
          %get3A_1035 = arith.index_cast %get3A_1034 : i32 to index
          %get3A_1036 = arith.constant 0 : index
          %get3A_1037 = tpu.vector_load %arg13[%get3A_1035, %get3A_1036] {strides = array<i32>} : memref<128x16xi32, #tpu.memory_space<vmem>>, vector<16xi32>,
          %shift_left3A_1038 = arith.constant 16 : i32
          %shift_left3A_1039 = vector.broadcast %shift_left3A_1038 : i32 to vector<16xi32>
          %shift_left3A_1040 = arith.shli %get3A_1037, %shift_left3A_1039 : vector<16xi32>
          %bitcast3A_1041 = vector.bitcast %shift_left3A_1040 : vector<16xi32> to vector<16xf32>
          %and3A_1042 = arith.andi %get3A_1037, %broadcast_in_dim3A_330 : vector<16xi32>
          %bitcast3A_1043 = vector.bitcast %and3A_1042 : vector<16xi32> to vector<16xf32>
          %mul3A_1044 = arith.mulf %bitcast3A_1041, %broadcast_in_dim3A_1033 : vector<16xf32>
          %swap3A_1045 = arith.constant 28 : i32
          %swap3A_1046 = arith.index_cast %rem3A_221 : i32 to index
          %swap3A_1047 = arith.index_cast %swap3A_1045 : i32 to index
          %swap3A_1048 = arith.constant 0 : index
          %swap3A_1049 = tpu.vector_load %arg14[%swap3A_1046, %swap3A_1047, %swap3A_1048] {strides = array<i32>} : memref<2x128x32xf32, #tpu.memory_space<vmem>>, vector<16xf32>,
          tpu.vector_store %arg14[%swap3A_1046, %swap3A_1047, %swap3A_1048], %mul3A_1044 {strides = array<i32>} : memref<2x128x32xf32, #tpu.memory_space<vmem>>, vector<16xf32>,
          %mul3A_1050 = arith.mulf %bitcast3A_1043, %broadcast_in_dim3A_1033 : vector<16xf32>
          %swap3A_1051 = arith.constant 28 : i32
          %swap3A_1052 = arith.index_cast %rem3A_221 : i32 to index
          %swap3A_1053 = arith.index_cast %swap3A_1051 : i32 to index
          %swap3A_1054 = arith.constant 16 : index
          %swap3A_1055 = tpu.vector_load %arg14[%swap3A_1052, %swap3A_1053, %swap3A_1054] {strides = array<i32>} : memref<2x128x32xf32, #tpu.memory_space<vmem>>, vector<16xf32>,
          tpu.vector_store %arg14[%swap3A_1052, %swap3A_1053, %swap3A_1054], %mul3A_1050 {strides = array<i32>} : memref<2x128x32xf32, #tpu.memory_space<vmem>>, vector<16xf32>,
          %slice3A_1056 = vector.extract_strided_slice %get3A_730 {offsets = [13], sizes = [1], strides = [1]} : vector<16xf32> to vector<1xf32>
          %squeeze3A_1057 = vector.extract %slice3A_1056[0] : f32 from vector<1xf32>
          %broadcast_in_dim3A_1058 = vector.broadcast %squeeze3A_1057 : f32 to vector<16xf32>
          %get3A_1059 = arith.constant 29 : i32
          %get3A_1060 = arith.index_cast %get3A_1059 : i32 to index
          %get3A_1061 = arith.constant 0 : index
          %get3A_1062 = tpu.vector_load %arg13[%get3A_1060, %get3A_1061] {strides = array<i32>} : memref<128x16xi32, #tpu.memory_space<vmem>>, vector<16xi32>,
          %shift_left3A_1063 = arith.constant 16 : i32
          %shift_left3A_1064 = vector.broadcast %shift_left3A_1063 : i32 to vector<16xi32>
          %shift_left3A_1065 = arith.shli %get3A_1062, %shift_left3A_1064 : vector<16xi32>
          %bitcast3A_1066 = vector.bitcast %shift_left3A_1065 : vector<16xi32> to vector<16xf32>
          %and3A_1067 = arith.andi %get3A_1062, %broadcast_in_dim3A_330 : vector<16xi32>
          %bitcast3A_1068 = vector.bitcast %and3A_1067 : vector<16xi32> to vector<16xf32>
          %mul3A_1069 = arith.mulf %bitcast3A_1066, %broadcast_in_dim3A_1058 : vector<16xf32>
          %swap3A_1070 = arith.constant 29 : i32
          %swap3A_1071 = arith.index_cast %rem3A_221 : i32 to index
          %swap3A_1072 = arith.index_cast %swap3A_1070 : i32 to index
          %swap3A_1073 = arith.constant 0 : index
          %swap3A_1074 = tpu.vector_load %arg14[%swap3A_1071, %swap3A_1072, %swap3A_1073] {strides = array<i32>} : memref<2x128x32xf32, #tpu.memory_space<vmem>>, vector<16xf32>,
          tpu.vector_store %arg14[%swap3A_1071, %swap3A_1072, %swap3A_1073], %mul3A_1069 {strides = array<i32>} : memref<2x128x32xf32, #tpu.memory_space<vmem>>, vector<16xf32>,
          %mul3A_1075 = arith.mulf %bitcast3A_1068, %broadcast_in_dim3A_1058 : vector<16xf32>
          %swap3A_1076 = arith.constant 29 : i32
          %swap3A_1077 = arith.index_cast %rem3A_221 : i32 to index
          %swap3A_1078 = arith.index_cast %swap3A_1076 : i32 to index
          %swap3A_1079 = arith.constant 16 : index
          %swap3A_1080 = tpu.vector_load %arg14[%swap3A_1077, %swap3A_1078, %swap3A_1079] {strides = array<i32>} : memref<2x128x32xf32, #tpu.memory_space<vmem>>, vector<16xf32>,
          tpu.vector_store %arg14[%swap3A_1077, %swap3A_1078, %swap3A_1079], %mul3A_1075 {strides = array<i32>} : memref<2x128x32xf32, #tpu.memory_space<vmem>>, vector<16xf32>,
          %slice3A_1081 = vector.extract_strided_slice %get3A_730 {offsets = [14], sizes = [1], strides = [1]} : vector<16xf32> to vector<1xf32>
          %squeeze3A_1082 = vector.extract %slice3A_1081[0] : f32 from vector<1xf32>
          %broadcast_in_dim3A_1083 = vector.broadcast %squeeze3A_1082 : f32 to vector<16xf32>
          %get3A_1084 = arith.constant 30 : i32
          %get3A_1085 = arith.index_cast %get3A_1084 : i32 to index
          %get3A_1086 = arith.constant 0 : index
          %get3A_1087 = tpu.vector_load %arg13[%get3A_1085, %get3A_1086] {strides = array<i32>} : memref<128x16xi32, #tpu.memory_space<vmem>>, vector<16xi32>,
          %shift_left3A_1088 = arith.constant 16 : i32
          %shift_left3A_1089 = vector.broadcast %shift_left3A_1088 : i32 to vector<16xi32>
          %shift_left3A_1090 = arith.shli %get3A_1087, %shift_left3A_1089 : vector<16xi32>
          %bitcast3A_1091 = vector.bitcast %shift_left3A_1090 : vector<16xi32> to vector<16xf32>
          %and3A_1092 = arith.andi %get3A_1087, %broadcast_in_dim3A_330 : vector<16xi32>
          %bitcast3A_1093 = vector.bitcast %and3A_1092 : vector<16xi32> to vector<16xf32>
          %mul3A_1094 = arith.mulf %bitcast3A_1091, %broadcast_in_dim3A_1083 : vector<16xf32>
          %swap3A_1095 = arith.constant 30 : i32
          %swap3A_1096 = arith.index_cast %rem3A_221 : i32 to index
          %swap3A_1097 = arith.index_cast %swap3A_1095 : i32 to index
          %swap3A_1098 = arith.constant 0 : index
          %swap3A_1099 = tpu.vector_load %arg14[%swap3A_1096, %swap3A_1097, %swap3A_1098] {strides = array<i32>} : memref<2x128x32xf32, #tpu.memory_space<vmem>>, vector<16xf32>,
          tpu.vector_store %arg14[%swap3A_1096, %swap3A_1097, %swap3A_1098], %mul3A_1094 {strides = array<i32>} : memref<2x128x32xf32, #tpu.memory_space<vmem>>, vector<16xf32>,
          %mul3A_1100 = arith.mulf %bitcast3A_1093, %broadcast_in_dim3A_1083 : vector<16xf32>
          %swap3A_1101 = arith.constant 30 : i32
          %swap3A_1102 = arith.index_cast %rem3A_221 : i32 to index
          %swap3A_1103 = arith.index_cast %swap3A_1101 : i32 to index
          %swap3A_1104 = arith.constant 16 : index
          %swap3A_1105 = tpu.vector_load %arg14[%swap3A_1102, %swap3A_1103, %swap3A_1104] {strides = array<i32>} : memref<2x128x32xf32, #tpu.memory_space<vmem>>, vector<16xf32>,
          tpu.vector_store %arg14[%swap3A_1102, %swap3A_1103, %swap3A_1104], %mul3A_1100 {strides = array<i32>} : memref<2x128x32xf32, #tpu.memory_space<vmem>>, vector<16xf32>,
          %slice3A_1106 = vector.extract_strided_slice %get3A_730 {offsets = [15], sizes = [1], strides = [1]} : vector<16xf32> to vector<1xf32>
          %squeeze3A_1107 = vector.extract %slice3A_1106[0] : f32 from vector<1xf32>
          %broadcast_in_dim3A_1108 = vector.broadcast %squeeze3A_1107 : f32 to vector<16xf32>
          %get3A_1109 = arith.constant 31 : i32
          %get3A_1110 = arith.index_cast %get3A_1109 : i32 to index
          %get3A_1111 = arith.constant 0 : index
          %get3A_1112 = tpu.vector_load %arg13[%get3A_1110, %get3A_1111] {strides = array<i32>} : memref<128x16xi32, #tpu.memory_space<vmem>>, vector<16xi32>,
          %shift_left3A_1113 = arith.constant 16 : i32
          %shift_left3A_1114 = vector.broadcast %shift_left3A_1113 : i32 to vector<16xi32>
          %shift_left3A_1115 = arith.shli %get3A_1112, %shift_left3A_1114 : vector<16xi32>
          %bitcast3A_1116 = vector.bitcast %shift_left3A_1115 : vector<16xi32> to vector<16xf32>
          %and3A_1117 = arith.andi %get3A_1112, %broadcast_in_dim3A_330 : vector<16xi32>
          %bitcast3A_1118 = vector.bitcast %and3A_1117 : vector<16xi32> to vector<16xf32>
          %mul3A_1119 = arith.mulf %bitcast3A_1116, %broadcast_in_dim3A_1108 : vector<16xf32>
          %swap3A_1120 = arith.constant 31 : i32
          %swap3A_1121 = arith.index_cast %rem3A_221 : i32 to index
          %swap3A_1122 = arith.index_cast %swap3A_1120 : i32 to index
          %swap3A_1123 = arith.constant 0 : index
          %swap3A_1124 = tpu.vector_load %arg14[%swap3A_1121, %swap3A_1122, %swap3A_1123] {strides = array<i32>} : memref<2x128x32xf32, #tpu.memory_space<vmem>>, vector<16xf32>,
          tpu.vector_store %arg14[%swap3A_1121, %swap3A_1122, %swap3A_1123], %mul3A_1119 {strides = array<i32>} : memref<2x128x32xf32, #tpu.memory_space<vmem>>, vector<16xf32>,
          %mul3A_1125 = arith.mulf %bitcast3A_1118, %broadcast_in_dim3A_1108 : vector<16xf32>
          %swap3A_1126 = arith.constant 31 : i32
          %swap3A_1127 = arith.index_cast %rem3A_221 : i32 to index
          %swap3A_1128 = arith.index_cast %swap3A_1126 : i32 to index
          %swap3A_1129 = arith.constant 16 : index
          %swap3A_1130 = tpu.vector_load %arg14[%swap3A_1127, %swap3A_1128, %swap3A_1129] {strides = array<i32>} : memref<2x128x32xf32, #tpu.memory_space<vmem>>, vector<16xf32>,
          tpu.vector_store %arg14[%swap3A_1127, %swap3A_1128, %swap3A_1129], %mul3A_1125 {strides = array<i32>} : memref<2x128x32xf32, #tpu.memory_space<vmem>>, vector<16xf32>,
          %get3A_1131 = arith.constant 32 : index
          %get3A_1132 = tpu.vector_load %arg20[%get3A_1131] {strides = array<i32>} : memref<144xf32, #tpu.memory_space<vmem>>, vector<16xf32>,
          %slice3A_1133 = vector.extract_strided_slice %get3A_1132 {offsets = [0], sizes = [1], strides = [1]} : vector<16xf32> to vector<1xf32>
          %squeeze3A_1134 = vector.extract %slice3A_1133[0] : f32 from vector<1xf32>
          %broadcast_in_dim3A_1135 = vector.broadcast %squeeze3A_1134 : f32 to vector<16xf32>
          %get3A_1136 = arith.constant 32 : i32
          %get3A_1137 = arith.index_cast %get3A_1136 : i32 to index
          %get3A_1138 = arith.constant 0 : index
          %get3A_1139 = tpu.vector_load %arg13[%get3A_1137, %get3A_1138] {strides = array<i32>} : memref<128x16xi32, #tpu.memory_space<vmem>>, vector<16xi32>,
          %shift_left3A_1140 = arith.constant 16 : i32
          %shift_left3A_1141 = vector.broadcast %shift_left3A_1140 : i32 to vector<16xi32>
          %shift_left3A_1142 = arith.shli %get3A_1139, %shift_left3A_1141 : vector<16xi32>
          %bitcast3A_1143 = vector.bitcast %shift_left3A_1142 : vector<16xi32> to vector<16xf32>
          %and3A_1144 = arith.andi %get3A_1139, %broadcast_in_dim3A_330 : vector<16xi32>
          %bitcast3A_1145 = vector.bitcast %and3A_1144 : vector<16xi32> to vector<16xf32>
          %mul3A_1146 = arith.mulf %bitcast3A_1143, %broadcast_in_dim3A_1135 : vector<16xf32>
          %swap3A_1147 = arith.constant 32 : i32
          %swap3A_1148 = arith.index_cast %rem3A_221 : i32 to index
          %swap3A_1149 = arith.index_cast %swap3A_1147 : i32 to index
          %swap3A_1150 = arith.constant 0 : index
          %swap3A_1151 = tpu.vector_load %arg14[%swap3A_1148, %swap3A_1149, %swap3A_1150] {strides = array<i32>} : memref<2x128x32xf32, #tpu.memory_space<vmem>>, vector<16xf32>,
          tpu.vector_store %arg14[%swap3A_1148, %swap3A_1149, %swap3A_1150], %mul3A_1146 {strides = array<i32>} : memref<2x128x32xf32, #tpu.memory_space<vmem>>, vector<16xf32>,
          %mul3A_1152 = arith.mulf %bitcast3A_1145, %broadcast_in_dim3A_1135 : vector<16xf32>
          %swap3A_1153 = arith.constant 32 : i32
          %swap3A_1154 = arith.index_cast %rem3A_221 : i32 to index
          %swap3A_1155 = arith.index_cast %swap3A_1153 : i32 to index
          %swap3A_1156 = arith.constant 16 : index
          %swap3A_1157 = tpu.vector_load %arg14[%swap3A_1154, %swap3A_1155, %swap3A_1156] {strides = array<i32>} : memref<2x128x32xf32, #tpu.memory_space<vmem>>, vector<16xf32>,
          tpu.vector_store %arg14[%swap3A_1154, %swap3A_1155, %swap3A_1156], %mul3A_1152 {strides = array<i32>} : memref<2x128x32xf32, #tpu.memory_space<vmem>>, vector<16xf32>,
          %slice3A_1158 = vector.extract_strided_slice %get3A_1132 {offsets = [1], sizes = [1], strides = [1]} : vector<16xf32> to vector<1xf32>
          %squeeze3A_1159 = vector.extract %slice3A_1158[0] : f32 from vector<1xf32>
          %broadcast_in_dim3A_1160 = vector.broadcast %squeeze3A_1159 : f32 to vector<16xf32>
          %get3A_1161 = arith.constant 33 : i32
          %get3A_1162 = arith.index_cast %get3A_1161 : i32 to index
          %get3A_1163 = arith.constant 0 : index
          %get3A_1164 = tpu.vector_load %arg13[%get3A_1162, %get3A_1163] {strides = array<i32>} : memref<128x16xi32, #tpu.memory_space<vmem>>, vector<16xi32>,
          %shift_left3A_1165 = arith.constant 16 : i32
          %shift_left3A_1166 = vector.broadcast %shift_left3A_1165 : i32 to vector<16xi32>
          %shift_left3A_1167 = arith.shli %get3A_1164, %shift_left3A_1166 : vector<16xi32>
          %bitcast3A_1168 = vector.bitcast %shift_left3A_1167 : vector<16xi32> to vector<16xf32>
          %and3A_1169 = arith.andi %get3A_1164, %broadcast_in_dim3A_330 : vector<16xi32>
          %bitcast3A_1170 = vector.bitcast %and3A_1169 : vector<16xi32> to vector<16xf32>
          %mul3A_1171 = arith.mulf %bitcast3A_1168, %broadcast_in_dim3A_1160 : vector<16xf32>
          %swap3A_1172 = arith.constant 33 : i32
          %swap3A_1173 = arith.index_cast %rem3A_221 : i32 to index
          %swap3A_1174 = arith.index_cast %swap3A_1172 : i32 to index
          %swap3A_1175 = arith.constant 0 : index
          %swap3A_1176 = tpu.vector_load %arg14[%swap3A_1173, %swap3A_1174, %swap3A_1175] {strides = array<i32>} : memref<2x128x32xf32, #tpu.memory_space<vmem>>, vector<16xf32>,
          tpu.vector_store %arg14[%swap3A_1173, %swap3A_1174, %swap3A_1175], %mul3A_1171 {strides = array<i32>} : memref<2x128x32xf32, #tpu.memory_space<vmem>>, vector<16xf32>,
          %mul3A_1177 = arith.mulf %bitcast3A_1170, %broadcast_in_dim3A_1160 : vector<16xf32>
          %swap3A_1178 = arith.constant 33 : i32
          %swap3A_1179 = arith.index_cast %rem3A_221 : i32 to index
          %swap3A_1180 = arith.index_cast %swap3A_1178 : i32 to index
          %swap3A_1181 = arith.constant 16 : index
          %swap3A_1182 = tpu.vector_load %arg14[%swap3A_1179, %swap3A_1180, %swap3A_1181] {strides = array<i32>} : memref<2x128x32xf32, #tpu.memory_space<vmem>>, vector<16xf32>,
          tpu.vector_store %arg14[%swap3A_1179, %swap3A_1180, %swap3A_1181], %mul3A_1177 {strides = array<i32>} : memref<2x128x32xf32, #tpu.memory_space<vmem>>, vector<16xf32>,
          %slice3A_1183 = vector.extract_strided_slice %get3A_1132 {offsets = [2], sizes = [1], strides = [1]} : vector<16xf32> to vector<1xf32>
          %squeeze3A_1184 = vector.extract %slice3A_1183[0] : f32 from vector<1xf32>
          %broadcast_in_dim3A_1185 = vector.broadcast %squeeze3A_1184 : f32 to vector<16xf32>
          %get3A_1186 = arith.constant 34 : i32
          %get3A_1187 = arith.index_cast %get3A_1186 : i32 to index
          %get3A_1188 = arith.constant 0 : index
          %get3A_1189 = tpu.vector_load %arg13[%get3A_1187, %get3A_1188] {strides = array<i32>} : memref<128x16xi32, #tpu.memory_space<vmem>>, vector<16xi32>,
          %shift_left3A_1190 = arith.constant 16 : i32
          %shift_left3A_1191 = vector.broadcast %shift_left3A_1190 : i32 to vector<16xi32>
          %shift_left3A_1192 = arith.shli %get3A_1189, %shift_left3A_1191 : vector<16xi32>
          %bitcast3A_1193 = vector.bitcast %shift_left3A_1192 : vector<16xi32> to vector<16xf32>
          %and3A_1194 = arith.andi %get3A_1189, %broadcast_in_dim3A_330 : vector<16xi32>
          %bitcast3A_1195 = vector.bitcast %and3A_1194 : vector<16xi32> to vector<16xf32>
          %mul3A_1196 = arith.mulf %bitcast3A_1193, %broadcast_in_dim3A_1185 : vector<16xf32>
          %swap3A_1197 = arith.constant 34 : i32
          %swap3A_1198 = arith.index_cast %rem3A_221 : i32 to index
          %swap3A_1199 = arith.index_cast %swap3A_1197 : i32 to index
          %swap3A_1200 = arith.constant 0 : index
          %swap3A_1201 = tpu.vector_load %arg14[%swap3A_1198, %swap3A_1199, %swap3A_1200] {strides = array<i32>} : memref<2x128x32xf32, #tpu.memory_space<vmem>>, vector<16xf32>,
          tpu.vector_store %arg14[%swap3A_1198, %swap3A_1199, %swap3A_1200], %mul3A_1196 {strides = array<i32>} : memref<2x128x32xf32, #tpu.memory_space<vmem>>, vector<16xf32>,
          %mul3A_1202 = arith.mulf %bitcast3A_1195, %broadcast_in_dim3A_1185 : vector<16xf32>
          %swap3A_1203 = arith.constant 34 : i32
          %swap3A_1204 = arith.index_cast %rem3A_221 : i32 to index
          %swap3A_1205 = arith.index_cast %swap3A_1203 : i32 to index
          %swap3A_1206 = arith.constant 16 : index
          %swap3A_1207 = tpu.vector_load %arg14[%swap3A_1204, %swap3A_1205, %swap3A_1206] {strides = array<i32>} : memref<2x128x32xf32, #tpu.memory_space<vmem>>, vector<16xf32>,
          tpu.vector_store %arg14[%swap3A_1204, %swap3A_1205, %swap3A_1206], %mul3A_1202 {strides = array<i32>} : memref<2x128x32xf32, #tpu.memory_space<vmem>>, vector<16xf32>,
          %slice3A_1208 = vector.extract_strided_slice %get3A_1132 {offsets = [3], sizes = [1], strides = [1]} : vector<16xf32> to vector<1xf32>
          %squeeze3A_1209 = vector.extract %slice3A_1208[0] : f32 from vector<1xf32>
          %broadcast_in_dim3A_1210 = vector.broadcast %squeeze3A_1209 : f32 to vector<16xf32>
          %get3A_1211 = arith.constant 35 : i32
          %get3A_1212 = arith.index_cast %get3A_1211 : i32 to index
          %get3A_1213 = arith.constant 0 : index
          %get3A_1214 = tpu.vector_load %arg13[%get3A_1212, %get3A_1213] {strides = array<i32>} : memref<128x16xi32, #tpu.memory_space<vmem>>, vector<16xi32>,
          %shift_left3A_1215 = arith.constant 16 : i32
          %shift_left3A_1216 = vector.broadcast %shift_left3A_1215 : i32 to vector<16xi32>
          %shift_left3A_1217 = arith.shli %get3A_1214, %shift_left3A_1216 : vector<16xi32>
          %bitcast3A_1218 = vector.bitcast %shift_left3A_1217 : vector<16xi32> to vector<16xf32>
          %and3A_1219 = arith.andi %get3A_1214, %broadcast_in_dim3A_330 : vector<16xi32>
          %bitcast3A_1220 = vector.bitcast %and3A_1219 : vector<16xi32> to vector<16xf32>
          %mul3A_1221 = arith.mulf %bitcast3A_1218, %broadcast_in_dim3A_1210 : vector<16xf32>
          %swap3A_1222 = arith.constant 35 : i32
          %swap3A_1223 = arith.index_cast %rem3A_221 : i32 to index
          %swap3A_1224 = arith.index_cast %swap3A_1222 : i32 to index
          %swap3A_1225 = arith.constant 0 : index
          %swap3A_1226 = tpu.vector_load %arg14[%swap3A_1223, %swap3A_1224, %swap3A_1225] {strides = array<i32>} : memref<2x128x32xf32, #tpu.memory_space<vmem>>, vector<16xf32>,
          tpu.vector_store %arg14[%swap3A_1223, %swap3A_1224, %swap3A_1225], %mul3A_1221 {strides = array<i32>} : memref<2x128x32xf32, #tpu.memory_space<vmem>>, vector<16xf32>,
          %mul3A_1227 = arith.mulf %bitcast3A_1220, %broadcast_in_dim3A_1210 : vector<16xf32>
          %swap3A_1228 = arith.constant 35 : i32
          %swap3A_1229 = arith.index_cast %rem3A_221 : i32 to index
          %swap3A_1230 = arith.index_cast %swap3A_1228 : i32 to index
          %swap3A_1231 = arith.constant 16 : index
          %swap3A_1232 = tpu.vector_load %arg14[%swap3A_1229, %swap3A_1230, %swap3A_1231] {strides = array<i32>} : memref<2x128x32xf32, #tpu.memory_space<vmem>>, vector<16xf32>,
          tpu.vector_store %arg14[%swap3A_1229, %swap3A_1230, %swap3A_1231], %mul3A_1227 {strides = array<i32>} : memref<2x128x32xf32, #tpu.memory_space<vmem>>, vector<16xf32>,
          %slice3A_1233 = vector.extract_strided_slice %get3A_1132 {offsets = [4], sizes = [1], strides = [1]} : vector<16xf32> to vector<1xf32>
          %squeeze3A_1234 = vector.extract %slice3A_1233[0] : f32 from vector<1xf32>
          %broadcast_in_dim3A_1235 = vector.broadcast %squeeze3A_1234 : f32 to vector<16xf32>
          %get3A_1236 = arith.constant 36 : i32
          %get3A_1237 = arith.index_cast %get3A_1236 : i32 to index
          %get3A_1238 = arith.constant 0 : index
          %get3A_1239 = tpu.vector_load %arg13[%get3A_1237, %get3A_1238] {strides = array<i32>} : memref<128x16xi32, #tpu.memory_space<vmem>>, vector<16xi32>,
          %shift_left3A_1240 = arith.constant 16 : i32
          %shift_left3A_1241 = vector.broadcast %shift_left3A_1240 : i32 to vector<16xi32>
          %shift_left3A_1242 = arith.shli %get3A_1239, %shift_left3A_1241 : vector<16xi32>
          %bitcast3A_1243 = vector.bitcast %shift_left3A_1242 : vector<16xi32> to vector<16xf32>
          %and3A_1244 = arith.andi %get3A_1239, %broadcast_in_dim3A_330 : vector<16xi32>
          %bitcast3A_1245 = vector.bitcast %and3A_1244 : vector<16xi32> to vector<16xf32>
          %mul3A_1246 = arith.mulf %bitcast3A_1243, %broadcast_in_dim3A_1235 : vector<16xf32>
          %swap3A_1247 = arith.constant 36 : i32
          %swap3A_1248 = arith.index_cast %rem3A_221 : i32 to index
          %swap3A_1249 = arith.index_cast %swap3A_1247 : i32 to index
          %swap3A_1250 = arith.constant 0 : index
          %swap3A_1251 = tpu.vector_load %arg14[%swap3A_1248, %swap3A_1249, %swap3A_1250] {strides = array<i32>} : memref<2x128x32xf32, #tpu.memory_space<vmem>>, vector<16xf32>,
          tpu.vector_store %arg14[%swap3A_1248, %swap3A_1249, %swap3A_1250], %mul3A_1246 {strides = array<i32>} : memref<2x128x32xf32, #tpu.memory_space<vmem>>, vector<16xf32>,
          %mul3A_1252 = arith.mulf %bitcast3A_1245, %broadcast_in_dim3A_1235 : vector<16xf32>
          %swap3A_1253 = arith.constant 36 : i32
          %swap3A_1254 = arith.index_cast %rem3A_221 : i32 to index
          %swap3A_1255 = arith.index_cast %swap3A_1253 : i32 to index
          %swap3A_1256 = arith.constant 16 : index
          %swap3A_1257 = tpu.vector_load %arg14[%swap3A_1254, %swap3A_1255, %swap3A_1256] {strides = array<i32>} : memref<2x128x32xf32, #tpu.memory_space<vmem>>, vector<16xf32>,
          tpu.vector_store %arg14[%swap3A_1254, %swap3A_1255, %swap3A_1256], %mul3A_1252 {strides = array<i32>} : memref<2x128x32xf32, #tpu.memory_space<vmem>>, vector<16xf32>,
          %slice3A_1258 = vector.extract_strided_slice %get3A_1132 {offsets = [5], sizes = [1], strides = [1]} : vector<16xf32> to vector<1xf32>
          %squeeze3A_1259 = vector.extract %slice3A_1258[0] : f32 from vector<1xf32>
          %broadcast_in_dim3A_1260 = vector.broadcast %squeeze3A_1259 : f32 to vector<16xf32>
          %get3A_1261 = arith.constant 37 : i32
          %get3A_1262 = arith.index_cast %get3A_1261 : i32 to index
          %get3A_1263 = arith.constant 0 : index
          %get3A_1264 = tpu.vector_load %arg13[%get3A_1262, %get3A_1263] {strides = array<i32>} : memref<128x16xi32, #tpu.memory_space<vmem>>, vector<16xi32>,
          %shift_left3A_1265 = arith.constant 16 : i32
          %shift_left3A_1266 = vector.broadcast %shift_left3A_1265 : i32 to vector<16xi32>
          %shift_left3A_1267 = arith.shli %get3A_1264, %shift_left3A_1266 : vector<16xi32>
          %bitcast3A_1268 = vector.bitcast %shift_left3A_1267 : vector<16xi32> to vector<16xf32>
          %and3A_1269 = arith.andi %get3A_1264, %broadcast_in_dim3A_330 : vector<16xi32>
          %bitcast3A_1270 = vector.bitcast %and3A_1269 : vector<16xi32> to vector<16xf32>
          %mul3A_1271 = arith.mulf %bitcast3A_1268, %broadcast_in_dim3A_1260 : vector<16xf32>
          %swap3A_1272 = arith.constant 37 : i32
          %swap3A_1273 = arith.index_cast %rem3A_221 : i32 to index
          %swap3A_1274 = arith.index_cast %swap3A_1272 : i32 to index
          %swap3A_1275 = arith.constant 0 : index
          %swap3A_1276 = tpu.vector_load %arg14[%swap3A_1273, %swap3A_1274, %swap3A_1275] {strides = array<i32>} : memref<2x128x32xf32, #tpu.memory_space<vmem>>, vector<16xf32>,
          tpu.vector_store %arg14[%swap3A_1273, %swap3A_1274, %swap3A_1275], %mul3A_1271 {strides = array<i32>} : memref<2x128x32xf32, #tpu.memory_space<vmem>>, vector<16xf32>,
          %mul3A_1277 = arith.mulf %bitcast3A_1270, %broadcast_in_dim3A_1260 : vector<16xf32>
          %swap3A_1278 = arith.constant 37 : i32
          %swap3A_1279 = arith.index_cast %rem3A_221 : i32 to index
          %swap3A_1280 = arith.index_cast %swap3A_1278 : i32 to index
          %swap3A_1281 = arith.constant 16 : index
          %swap3A_1282 = tpu.vector_load %arg14[%swap3A_1279, %swap3A_1280, %swap3A_1281] {strides = array<i32>} : memref<2x128x32xf32, #tpu.memory_space<vmem>>, vector<16xf32>,
          tpu.vector_store %arg14[%swap3A_1279, %swap3A_1280, %swap3A_1281], %mul3A_1277 {strides = array<i32>} : memref<2x128x32xf32, #tpu.memory_space<vmem>>, vector<16xf32>,
          %slice3A_1283 = vector.extract_strided_slice %get3A_1132 {offsets = [6], sizes = [1], strides = [1]} : vector<16xf32> to vector<1xf32>
          %squeeze3A_1284 = vector.extract %slice3A_1283[0] : f32 from vector<1xf32>
          %broadcast_in_dim3A_1285 = vector.broadcast %squeeze3A_1284 : f32 to vector<16xf32>
          %get3A_1286 = arith.constant 38 : i32
          %get3A_1287 = arith.index_cast %get3A_1286 : i32 to index
          %get3A_1288 = arith.constant 0 : index
          %get3A_1289 = tpu.vector_load %arg13[%get3A_1287, %get3A_1288] {strides = array<i32>} : memref<128x16xi32, #tpu.memory_space<vmem>>, vector<16xi32>,
          %shift_left3A_1290 = arith.constant 16 : i32
          %shift_left3A_1291 = vector.broadcast %shift_left3A_1290 : i32 to vector<16xi32>
          %shift_left3A_1292 = arith.shli %get3A_1289, %shift_left3A_1291 : vector<16xi32>
          %bitcast3A_1293 = vector.bitcast %shift_left3A_1292 : vector<16xi32> to vector<16xf32>
          %and3A_1294 = arith.andi %get3A_1289, %broadcast_in_dim3A_330 : vector<16xi32>
          %bitcast3A_1295 = vector.bitcast %and3A_1294 : vector<16xi32> to vector<16xf32>
          %mul3A_1296 = arith.mulf %bitcast3A_1293, %broadcast_in_dim3A_1285 : vector<16xf32>
          %swap3A_1297 = arith.constant 38 : i32
          %swap3A_1298 = arith.index_cast %rem3A_221 : i32 to index
          %swap3A_1299 = arith.index_cast %swap3A_1297 : i32 to index
          %swap3A_1300 = arith.constant 0 : index
          %swap3A_1301 = tpu.vector_load %arg14[%swap3A_1298, %swap3A_1299, %swap3A_1300] {strides = array<i32>} : memref<2x128x32xf32, #tpu.memory_space<vmem>>, vector<16xf32>,
          tpu.vector_store %arg14[%swap3A_1298, %swap3A_1299, %swap3A_1300], %mul3A_1296 {strides = array<i32>} : memref<2x128x32xf32, #tpu.memory_space<vmem>>, vector<16xf32>,
          %mul3A_1302 = arith.mulf %bitcast3A_1295, %broadcast_in_dim3A_1285 : vector<16xf32>
          %swap3A_1303 = arith.constant 38 : i32
          %swap3A_1304 = arith.index_cast %rem3A_221 : i32 to index
          %swap3A_1305 = arith.index_cast %swap3A_1303 : i32 to index
          %swap3A_1306 = arith.constant 16 : index
          %swap3A_1307 = tpu.vector_load %arg14[%swap3A_1304, %swap3A_1305, %swap3A_1306] {strides = array<i32>} : memref<2x128x32xf32, #tpu.memory_space<vmem>>, vector<16xf32>,
          tpu.vector_store %arg14[%swap3A_1304, %swap3A_1305, %swap3A_1306], %mul3A_1302 {strides = array<i32>} : memref<2x128x32xf32, #tpu.memory_space<vmem>>, vector<16xf32>,
          %slice3A_1308 = vector.extract_strided_slice %get3A_1132 {offsets = [7], sizes = [1], strides = [1]} : vector<16xf32> to vector<1xf32>
          %squeeze3A_1309 = vector.extract %slice3A_1308[0] : f32 from vector<1xf32>
          %broadcast_in_dim3A_1310 = vector.broadcast %squeeze3A_1309 : f32 to vector<16xf32>
          %get3A_1311 = arith.constant 39 : i32
          %get3A_1312 = arith.index_cast %get3A_1311 : i32 to index
          %get3A_1313 = arith.constant 0 : index
          %get3A_1314 = tpu.vector_load %arg13[%get3A_1312, %get3A_1313] {strides = array<i32>} : memref<128x16xi32, #tpu.memory_space<vmem>>, vector<16xi32>,
          %shift_left3A_1315 = arith.constant 16 : i32
          %shift_left3A_1316 = vector.broadcast %shift_left3A_1315 : i32 to vector<16xi32>
          %shift_left3A_1317 = arith.shli %get3A_1314, %shift_left3A_1316 : vector<16xi32>
          %bitcast3A_1318 = vector.bitcast %shift_left3A_1317 : vector<16xi32> to vector<16xf32>
          %and3A_1319 = arith.andi %get3A_1314, %broadcast_in_dim3A_330 : vector<16xi32>
          %bitcast3A_1320 = vector.bitcast %and3A_1319 : vector<16xi32> to vector<16xf32>
          %mul3A_1321 = arith.mulf %bitcast3A_1318, %broadcast_in_dim3A_1310 : vector<16xf32>
          %swap3A_1322 = arith.constant 39 : i32
          %swap3A_1323 = arith.index_cast %rem3A_221 : i32 to index
          %swap3A_1324 = arith.index_cast %swap3A_1322 : i32 to index
          %swap3A_1325 = arith.constant 0 : index
          %swap3A_1326 = tpu.vector_load %arg14[%swap3A_1323, %swap3A_1324, %swap3A_1325] {strides = array<i32>} : memref<2x128x32xf32, #tpu.memory_space<vmem>>, vector<16xf32>,
          tpu.vector_store %arg14[%swap3A_1323, %swap3A_1324, %swap3A_1325], %mul3A_1321 {strides = array<i32>} : memref<2x128x32xf32, #tpu.memory_space<vmem>>, vector<16xf32>,
          %mul3A_1327 = arith.mulf %bitcast3A_1320, %broadcast_in_dim3A_1310 : vector<16xf32>
          %swap3A_1328 = arith.constant 39 : i32
          %swap3A_1329 = arith.index_cast %rem3A_221 : i32 to index
          %swap3A_1330 = arith.index_cast %swap3A_1328 : i32 to index
          %swap3A_1331 = arith.constant 16 : index
          %swap3A_1332 = tpu.vector_load %arg14[%swap3A_1329, %swap3A_1330, %swap3A_1331] {strides = array<i32>} : memref<2x128x32xf32, #tpu.memory_space<vmem>>, vector<16xf32>,
          tpu.vector_store %arg14[%swap3A_1329, %swap3A_1330, %swap3A_1331], %mul3A_1327 {strides = array<i32>} : memref<2x128x32xf32, #tpu.memory_space<vmem>>, vector<16xf32>,
          %slice3A_1333 = vector.extract_strided_slice %get3A_1132 {offsets = [8], sizes = [1], strides = [1]} : vector<16xf32> to vector<1xf32>
          %squeeze3A_1334 = vector.extract %slice3A_1333[0] : f32 from vector<1xf32>
          %broadcast_in_dim3A_1335 = vector.broadcast %squeeze3A_1334 : f32 to vector<16xf32>
          %get3A_1336 = arith.constant 40 : i32
          %get3A_1337 = arith.index_cast %get3A_1336 : i32 to index
          %get3A_1338 = arith.constant 0 : index
          %get3A_1339 = tpu.vector_load %arg13[%get3A_1337, %get3A_1338] {strides = array<i32>} : memref<128x16xi32, #tpu.memory_space<vmem>>, vector<16xi32>,
          %shift_left3A_1340 = arith.constant 16 : i32
          %shift_left3A_1341 = vector.broadcast %shift_left3A_1340 : i32 to vector<16xi32>
          %shift_left3A_1342 = arith.shli %get3A_1339, %shift_left3A_1341 : vector<16xi32>
          %bitcast3A_1343 = vector.bitcast %shift_left3A_1342 : vector<16xi32> to vector<16xf32>
          %and3A_1344 = arith.andi %get3A_1339, %broadcast_in_dim3A_330 : vector<16xi32>
          %bitcast3A_1345 = vector.bitcast %and3A_1344 : vector<16xi32> to vector<16xf32>
          %mul3A_1346 = arith.mulf %bitcast3A_1343, %broadcast_in_dim3A_1335 : vector<16xf32>
          %swap3A_1347 = arith.constant 40 : i32
          %swap3A_1348 = arith.index_cast %rem3A_221 : i32 to index
          %swap3A_1349 = arith.index_cast %swap3A_1347 : i32 to index
          %swap3A_1350 = arith.constant 0 : index
          %swap3A_1351 = tpu.vector_load %arg14[%swap3A_1348, %swap3A_1349, %swap3A_1350] {strides = array<i32>} : memref<2x128x32xf32, #tpu.memory_space<vmem>>, vector<16xf32>,
          tpu.vector_store %arg14[%swap3A_1348, %swap3A_1349, %swap3A_1350], %mul3A_1346 {strides = array<i32>} : memref<2x128x32xf32, #tpu.memory_space<vmem>>, vector<16xf32>,
          %mul3A_1352 = arith.mulf %bitcast3A_1345, %broadcast_in_dim3A_1335 : vector<16xf32>
          %swap3A_1353 = arith.constant 40 : i32
          %swap3A_1354 = arith.index_cast %rem3A_221 : i32 to index
          %swap3A_1355 = arith.index_cast %swap3A_1353 : i32 to index
          %swap3A_1356 = arith.constant 16 : index
          %swap3A_1357 = tpu.vector_load %arg14[%swap3A_1354, %swap3A_1355, %swap3A_1356] {strides = array<i32>} : memref<2x128x32xf32, #tpu.memory_space<vmem>>, vector<16xf32>,
          tpu.vector_store %arg14[%swap3A_1354, %swap3A_1355, %swap3A_1356], %mul3A_1352 {strides = array<i32>} : memref<2x128x32xf32, #tpu.memory_space<vmem>>, vector<16xf32>,
          %slice3A_1358 = vector.extract_strided_slice %get3A_1132 {offsets = [9], sizes = [1], strides = [1]} : vector<16xf32> to vector<1xf32>
          %squeeze3A_1359 = vector.extract %slice3A_1358[0] : f32 from vector<1xf32>
          %broadcast_in_dim3A_1360 = vector.broadcast %squeeze3A_1359 : f32 to vector<16xf32>
          %get3A_1361 = arith.constant 41 : i32
          %get3A_1362 = arith.index_cast %get3A_1361 : i32 to index
          %get3A_1363 = arith.constant 0 : index
          %get3A_1364 = tpu.vector_load %arg13[%get3A_1362, %get3A_1363] {strides = array<i32>} : memref<128x16xi32, #tpu.memory_space<vmem>>, vector<16xi32>,
          %shift_left3A_1365 = arith.constant 16 : i32
          %shift_left3A_1366 = vector.broadcast %shift_left3A_1365 : i32 to vector<16xi32>
          %shift_left3A_1367 = arith.shli %get3A_1364, %shift_left3A_1366 : vector<16xi32>
          %bitcast3A_1368 = vector.bitcast %shift_left3A_1367 : vector<16xi32> to vector<16xf32>
          %and3A_1369 = arith.andi %get3A_1364, %broadcast_in_dim3A_330 : vector<16xi32>
          %bitcast3A_1370 = vector.bitcast %and3A_1369 : vector<16xi32> to vector<16xf32>
          %mul3A_1371 = arith.mulf %bitcast3A_1368, %broadcast_in_dim3A_1360 : vector<16xf32>
          %swap3A_1372 = arith.constant 41 : i32
          %swap3A_1373 = arith.index_cast %rem3A_221 : i32 to index
          %swap3A_1374 = arith.index_cast %swap3A_1372 : i32 to index
          %swap3A_1375 = arith.constant 0 : index
          %swap3A_1376 = tpu.vector_load %arg14[%swap3A_1373, %swap3A_1374, %swap3A_1375] {strides = array<i32>} : memref<2x128x32xf32, #tpu.memory_space<vmem>>, vector<16xf32>,
          tpu.vector_store %arg14[%swap3A_1373, %swap3A_1374, %swap3A_1375], %mul3A_1371 {strides = array<i32>} : memref<2x128x32xf32, #tpu.memory_space<vmem>>, vector<16xf32>,
          %mul3A_1377 = arith.mulf %bitcast3A_1370, %broadcast_in_dim3A_1360 : vector<16xf32>
          %swap3A_1378 = arith.constant 41 : i32
          %swap3A_1379 = arith.index_cast %rem3A_221 : i32 to index
          %swap3A_1380 = arith.index_cast %swap3A_1378 : i32 to index
          %swap3A_1381 = arith.constant 16 : index
          %swap3A_1382 = tpu.vector_load %arg14[%swap3A_1379, %swap3A_1380, %swap3A_1381] {strides = array<i32>} : memref<2x128x32xf32, #tpu.memory_space<vmem>>, vector<16xf32>,
          tpu.vector_store %arg14[%swap3A_1379, %swap3A_1380, %swap3A_1381], %mul3A_1377 {strides = array<i32>} : memref<2x128x32xf32, #tpu.memory_space<vmem>>, vector<16xf32>,
          %slice3A_1383 = vector.extract_strided_slice %get3A_1132 {offsets = [10], sizes = [1], strides = [1]} : vector<16xf32> to vector<1xf32>
          %squeeze3A_1384 = vector.extract %slice3A_1383[0] : f32 from vector<1xf32>
          %broadcast_in_dim3A_1385 = vector.broadcast %squeeze3A_1384 : f32 to vector<16xf32>
          %get3A_1386 = arith.constant 42 : i32
          %get3A_1387 = arith.index_cast %get3A_1386 : i32 to index
          %get3A_1388 = arith.constant 0 : index
          %get3A_1389 = tpu.vector_load %arg13[%get3A_1387, %get3A_1388] {strides = array<i32>} : memref<128x16xi32, #tpu.memory_space<vmem>>, vector<16xi32>,
          %shift_left3A_1390 = arith.constant 16 : i32
          %shift_left3A_1391 = vector.broadcast %shift_left3A_1390 : i32 to vector<16xi32>
          %shift_left3A_1392 = arith.shli %get3A_1389, %shift_left3A_1391 : vector<16xi32>
          %bitcast3A_1393 = vector.bitcast %shift_left3A_1392 : vector<16xi32> to vector<16xf32>
          %and3A_1394 = arith.andi %get3A_1389, %broadcast_in_dim3A_330 : vector<16xi32>
          %bitcast3A_1395 = vector.bitcast %and3A_1394 : vector<16xi32> to vector<16xf32>
          %mul3A_1396 = arith.mulf %bitcast3A_1393, %broadcast_in_dim3A_1385 : vector<16xf32>
          %swap3A_1397 = arith.constant 42 : i32
          %swap3A_1398 = arith.index_cast %rem3A_221 : i32 to index
          %swap3A_1399 = arith.index_cast %swap3A_1397 : i32 to index
          %swap3A_1400 = arith.constant 0 : index
          %swap3A_1401 = tpu.vector_load %arg14[%swap3A_1398, %swap3A_1399, %swap3A_1400] {strides = array<i32>} : memref<2x128x32xf32, #tpu.memory_space<vmem>>, vector<16xf32>,
          tpu.vector_store %arg14[%swap3A_1398, %swap3A_1399, %swap3A_1400], %mul3A_1396 {strides = array<i32>} : memref<2x128x32xf32, #tpu.memory_space<vmem>>, vector<16xf32>,
          %mul3A_1402 = arith.mulf %bitcast3A_1395, %broadcast_in_dim3A_1385 : vector<16xf32>
          %swap3A_1403 = arith.constant 42 : i32
          %swap3A_1404 = arith.index_cast %rem3A_221 : i32 to index
          %swap3A_1405 = arith.index_cast %swap3A_1403 : i32 to index
          %swap3A_1406 = arith.constant 16 : index
          %swap3A_1407 = tpu.vector_load %arg14[%swap3A_1404, %swap3A_1405, %swap3A_1406] {strides = array<i32>} : memref<2x128x32xf32, #tpu.memory_space<vmem>>, vector<16xf32>,
          tpu.vector_store %arg14[%swap3A_1404, %swap3A_1405, %swap3A_1406], %mul3A_1402 {strides = array<i32>} : memref<2x128x32xf32, #tpu.memory_space<vmem>>, vector<16xf32>,
          %slice3A_1408 = vector.extract_strided_slice %get3A_1132 {offsets = [11], sizes = [1], strides = [1]} : vector<16xf32> to vector<1xf32>
          %squeeze3A_1409 = vector.extract %slice3A_1408[0] : f32 from vector<1xf32>
          %broadcast_in_dim3A_1410 = vector.broadcast %squeeze3A_1409 : f32 to vector<16xf32>
          %get3A_1411 = arith.constant 43 : i32
          %get3A_1412 = arith.index_cast %get3A_1411 : i32 to index
          %get3A_1413 = arith.constant 0 : index
          %get3A_1414 = tpu.vector_load %arg13[%get3A_1412, %get3A_1413] {strides = array<i32>} : memref<128x16xi32, #tpu.memory_space<vmem>>, vector<16xi32>,
          %shift_left3A_1415 = arith.constant 16 : i32
          %shift_left3A_1416 = vector.broadcast %shift_left3A_1415 : i32 to vector<16xi32>
          %shift_left3A_1417 = arith.shli %get3A_1414, %shift_left3A_1416 : vector<16xi32>
          %bitcast3A_1418 = vector.bitcast %shift_left3A_1417 : vector<16xi32> to vector<16xf32>
          %and3A_1419 = arith.andi %get3A_1414, %broadcast_in_dim3A_330 : vector<16xi32>
          %bitcast3A_1420 = vector.bitcast %and3A_1419 : vector<16xi32> to vector<16xf32>
          %mul3A_1421 = arith.mulf %bitcast3A_1418, %broadcast_in_dim3A_1410 : vector<16xf32>
          %swap3A_1422 = arith.constant 43 : i32
          %swap3A_1423 = arith.index_cast %rem3A_221 : i32 to index
          %swap3A_1424 = arith.index_cast %swap3A_1422 : i32 to index
          %swap3A_1425 = arith.constant 0 : index
          %swap3A_1426 = tpu.vector_load %arg14[%swap3A_1423, %swap3A_1424, %swap3A_1425] {strides = array<i32>} : memref<2x128x32xf32, #tpu.memory_space<vmem>>, vector<16xf32>,
          tpu.vector_store %arg14[%swap3A_1423, %swap3A_1424, %swap3A_1425], %mul3A_1421 {strides = array<i32>} : memref<2x128x32xf32, #tpu.memory_space<vmem>>, vector<16xf32>,
          %mul3A_1427 = arith.mulf %bitcast3A_1420, %broadcast_in_dim3A_1410 : vector<16xf32>
          %swap3A_1428 = arith.constant 43 : i32
          %swap3A_1429 = arith.index_cast %rem3A_221 : i32 to index
          %swap3A_1430 = arith.index_cast %swap3A_1428 : i32 to index
          %swap3A_1431 = arith.constant 16 : index
          %swap3A_1432 = tpu.vector_load %arg14[%swap3A_1429, %swap3A_1430, %swap3A_1431] {strides = array<i32>} : memref<2x128x32xf32, #tpu.memory_space<vmem>>, vector<16xf32>,
          tpu.vector_store %arg14[%swap3A_1429, %swap3A_1430, %swap3A_1431], %mul3A_1427 {strides = array<i32>} : memref<2x128x32xf32, #tpu.memory_space<vmem>>, vector<16xf32>,
          %slice3A_1433 = vector.extract_strided_slice %get3A_1132 {offsets = [12], sizes = [1], strides = [1]} : vector<16xf32> to vector<1xf32>
          %squeeze3A_1434 = vector.extract %slice3A_1433[0] : f32 from vector<1xf32>
          %broadcast_in_dim3A_1435 = vector.broadcast %squeeze3A_1434 : f32 to vector<16xf32>
          %get3A_1436 = arith.constant 44 : i32
          %get3A_1437 = arith.index_cast %get3A_1436 : i32 to index
          %get3A_1438 = arith.constant 0 : index
          %get3A_1439 = tpu.vector_load %arg13[%get3A_1437, %get3A_1438] {strides = array<i32>} : memref<128x16xi32, #tpu.memory_space<vmem>>, vector<16xi32>,
          %shift_left3A_1440 = arith.constant 16 : i32
          %shift_left3A_1441 = vector.broadcast %shift_left3A_1440 : i32 to vector<16xi32>
          %shift_left3A_1442 = arith.shli %get3A_1439, %shift_left3A_1441 : vector<16xi32>
          %bitcast3A_1443 = vector.bitcast %shift_left3A_1442 : vector<16xi32> to vector<16xf32>
          %and3A_1444 = arith.andi %get3A_1439, %broadcast_in_dim3A_330 : vector<16xi32>
          %bitcast3A_1445 = vector.bitcast %and3A_1444 : vector<16xi32> to vector<16xf32>
          %mul3A_1446 = arith.mulf %bitcast3A_1443, %broadcast_in_dim3A_1435 : vector<16xf32>
          %swap3A_1447 = arith.constant 44 : i32
          %swap3A_1448 = arith.index_cast %rem3A_221 : i32 to index
          %swap3A_1449 = arith.index_cast %swap3A_1447 : i32 to index
          %swap3A_1450 = arith.constant 0 : index
          %swap3A_1451 = tpu.vector_load %arg14[%swap3A_1448, %swap3A_1449, %swap3A_1450] {strides = array<i32>} : memref<2x128x32xf32, #tpu.memory_space<vmem>>, vector<16xf32>,
          tpu.vector_store %arg14[%swap3A_1448, %swap3A_1449, %swap3A_1450], %mul3A_1446 {strides = array<i32>} : memref<2x128x32xf32, #tpu.memory_space<vmem>>, vector<16xf32>,
          %mul3A_1452 = arith.mulf %bitcast3A_1445, %broadcast_in_dim3A_1435 : vector<16xf32>
          %swap3A_1453 = arith.constant 44 : i32
          %swap3A_1454 = arith.index_cast %rem3A_221 : i32 to index
          %swap3A_1455 = arith.index_cast %swap3A_1453 : i32 to index
          %swap3A_1456 = arith.constant 16 : index
          %swap3A_1457 = tpu.vector_load %arg14[%swap3A_1454, %swap3A_1455, %swap3A_1456] {strides = array<i32>} : memref<2x128x32xf32, #tpu.memory_space<vmem>>, vector<16xf32>,
          tpu.vector_store %arg14[%swap3A_1454, %swap3A_1455, %swap3A_1456], %mul3A_1452 {strides = array<i32>} : memref<2x128x32xf32, #tpu.memory_space<vmem>>, vector<16xf32>,
          %slice3A_1458 = vector.extract_strided_slice %get3A_1132 {offsets = [13], sizes = [1], strides = [1]} : vector<16xf32> to vector<1xf32>
          %squeeze3A_1459 = vector.extract %slice3A_1458[0] : f32 from vector<1xf32>
          %broadcast_in_dim3A_1460 = vector.broadcast %squeeze3A_1459 : f32 to vector<16xf32>
          %get3A_1461 = arith.constant 45 : i32
          %get3A_1462 = arith.index_cast %get3A_1461 : i32 to index
          %get3A_1463 = arith.constant 0 : index
          %get3A_1464 = tpu.vector_load %arg13[%get3A_1462, %get3A_1463] {strides = array<i32>} : memref<128x16xi32, #tpu.memory_space<vmem>>, vector<16xi32>,
          %shift_left3A_1465 = arith.constant 16 : i32
          %shift_left3A_1466 = vector.broadcast %shift_left3A_1465 : i32 to vector<16xi32>
          %shift_left3A_1467 = arith.shli %get3A_1464, %shift_left3A_1466 : vector<16xi32>
          %bitcast3A_1468 = vector.bitcast %shift_left3A_1467 : vector<16xi32> to vector<16xf32>
          %and3A_1469 = arith.andi %get3A_1464, %broadcast_in_dim3A_330 : vector<16xi32>
          %bitcast3A_1470 = vector.bitcast %and3A_1469 : vector<16xi32> to vector<16xf32>
          %mul3A_1471 = arith.mulf %bitcast3A_1468, %broadcast_in_dim3A_1460 : vector<16xf32>
          %swap3A_1472 = arith.constant 45 : i32
          %swap3A_1473 = arith.index_cast %rem3A_221 : i32 to index
          %swap3A_1474 = arith.index_cast %swap3A_1472 : i32 to index
          %swap3A_1475 = arith.constant 0 : index
          %swap3A_1476 = tpu.vector_load %arg14[%swap3A_1473, %swap3A_1474, %swap3A_1475] {strides = array<i32>} : memref<2x128x32xf32, #tpu.memory_space<vmem>>, vector<16xf32>,
          tpu.vector_store %arg14[%swap3A_1473, %swap3A_1474, %swap3A_1475], %mul3A_1471 {strides = array<i32>} : memref<2x128x32xf32, #tpu.memory_space<vmem>>, vector<16xf32>,
          %mul3A_1477 = arith.mulf %bitcast3A_1470, %broadcast_in_dim3A_1460 : vector<16xf32>
          %swap3A_1478 = arith.constant 45 : i32
          %swap3A_1479 = arith.index_cast %rem3A_221 : i32 to index
          %swap3A_1480 = arith.index_cast %swap3A_1478 : i32 to index
          %swap3A_1481 = arith.constant 16 : index
          %swap3A_1482 = tpu.vector_load %arg14[%swap3A_1479, %swap3A_1480, %swap3A_1481] {strides = array<i32>} : memref<2x128x32xf32, #tpu.memory_space<vmem>>, vector<16xf32>,
          tpu.vector_store %arg14[%swap3A_1479, %swap3A_1480, %swap3A_1481], %mul3A_1477 {strides = array<i32>} : memref<2x128x32xf32, #tpu.memory_space<vmem>>, vector<16xf32>,
          %slice3A_1483 = vector.extract_strided_slice %get3A_1132 {offsets = [14], sizes = [1], strides = [1]} : vector<16xf32> to vector<1xf32>
          %squeeze3A_1484 = vector.extract %slice3A_1483[0] : f32 from vector<1xf32>
          %broadcast_in_dim3A_1485 = vector.broadcast %squeeze3A_1484 : f32 to vector<16xf32>
          %get3A_1486 = arith.constant 46 : i32
          %get3A_1487 = arith.index_cast %get3A_1486 : i32 to index
          %get3A_1488 = arith.constant 0 : index
          %get3A_1489 = tpu.vector_load %arg13[%get3A_1487, %get3A_1488] {strides = array<i32>} : memref<128x16xi32, #tpu.memory_space<vmem>>, vector<16xi32>,
          %shift_left3A_1490 = arith.constant 16 : i32
          %shift_left3A_1491 = vector.broadcast %shift_left3A_1490 : i32 to vector<16xi32>
          %shift_left3A_1492 = arith.shli %get3A_1489, %shift_left3A_1491 : vector<16xi32>
          %bitcast3A_1493 = vector.bitcast %shift_left3A_1492 : vector<16xi32> to vector<16xf32>
          %and3A_1494 = arith.andi %get3A_1489, %broadcast_in_dim3A_330 : vector<16xi32>
          %bitcast3A_1495 = vector.bitcast %and3A_1494 : vector<16xi32> to vector<16xf32>
          %mul3A_1496 = arith.mulf %bitcast3A_1493, %broadcast_in_dim3A_1485 : vector<16xf32>
          %swap3A_1497 = arith.constant 46 : i32
          %swap3A_1498 = arith.index_cast %rem3A_221 : i32 to index
          %swap3A_1499 = arith.index_cast %swap3A_1497 : i32 to index
          %swap3A_1500 = arith.constant 0 : index
          %swap3A_1501 = tpu.vector_load %arg14[%swap3A_1498, %swap3A_1499, %swap3A_1500] {strides = array<i32>} : memref<2x128x32xf32, #tpu.memory_space<vmem>>, vector<16xf32>,
          tpu.vector_store %arg14[%swap3A_1498, %swap3A_1499, %swap3A_1500], %mul3A_1496 {strides = array<i32>} : memref<2x128x32xf32, #tpu.memory_space<vmem>>, vector<16xf32>,
          %mul3A_1502 = arith.mulf %bitcast3A_1495, %broadcast_in_dim3A_1485 : vector<16xf32>
          %swap3A_1503 = arith.constant 46 : i32
          %swap3A_1504 = arith.index_cast %rem3A_221 : i32 to index
          %swap3A_1505 = arith.index_cast %swap3A_1503 : i32 to index
          %swap3A_1506 = arith.constant 16 : index
          %swap3A_1507 = tpu.vector_load %arg14[%swap3A_1504, %swap3A_1505, %swap3A_1506] {strides = array<i32>} : memref<2x128x32xf32, #tpu.memory_space<vmem>>, vector<16xf32>,
          tpu.vector_store %arg14[%swap3A_1504, %swap3A_1505, %swap3A_1506], %mul3A_1502 {strides = array<i32>} : memref<2x128x32xf32, #tpu.memory_space<vmem>>, vector<16xf32>,
          %slice3A_1508 = vector.extract_strided_slice %get3A_1132 {offsets = [15], sizes = [1], strides = [1]} : vector<16xf32> to vector<1xf32>
          %squeeze3A_1509 = vector.extract %slice3A_1508[0] : f32 from vector<1xf32>
          %broadcast_in_dim3A_1510 = vector.broadcast %squeeze3A_1509 : f32 to vector<16xf32>
          %get3A_1511 = arith.constant 47 : i32
          %get3A_1512 = arith.index_cast %get3A_1511 : i32 to index
          %get3A_1513 = arith.constant 0 : index
          %get3A_1514 = tpu.vector_load %arg13[%get3A_1512, %get3A_1513] {strides = array<i32>} : memref<128x16xi32, #tpu.memory_space<vmem>>, vector<16xi32>,
          %shift_left3A_1515 = arith.constant 16 : i32
          %shift_left3A_1516 = vector.broadcast %shift_left3A_1515 : i32 to vector<16xi32>
          %shift_left3A_1517 = arith.shli %get3A_1514, %shift_left3A_1516 : vector<16xi32>
          %bitcast3A_1518 = vector.bitcast %shift_left3A_1517 : vector<16xi32> to vector<16xf32>
          %and3A_1519 = arith.andi %get3A_1514, %broadcast_in_dim3A_330 : vector<16xi32>
          %bitcast3A_1520 = vector.bitcast %and3A_1519 : vector<16xi32> to vector<16xf32>
          %mul3A_1521 = arith.mulf %bitcast3A_1518, %broadcast_in_dim3A_1510 : vector<16xf32>
          %swap3A_1522 = arith.constant 47 : i32
          %swap3A_1523 = arith.index_cast %rem3A_221 : i32 to index
          %swap3A_1524 = arith.index_cast %swap3A_1522 : i32 to index
          %swap3A_1525 = arith.constant 0 : index
          %swap3A_1526 = tpu.vector_load %arg14[%swap3A_1523, %swap3A_1524, %swap3A_1525] {strides = array<i32>} : memref<2x128x32xf32, #tpu.memory_space<vmem>>, vector<16xf32>,
          tpu.vector_store %arg14[%swap3A_1523, %swap3A_1524, %swap3A_1525], %mul3A_1521 {strides = array<i32>} : memref<2x128x32xf32, #tpu.memory_space<vmem>>, vector<16xf32>,
          %mul3A_1527 = arith.mulf %bitcast3A_1520, %broadcast_in_dim3A_1510 : vector<16xf32>
          %swap3A_1528 = arith.constant 47 : i32
          %swap3A_1529 = arith.index_cast %rem3A_221 : i32 to index
          %swap3A_1530 = arith.index_cast %swap3A_1528 : i32 to index
          %swap3A_1531 = arith.constant 16 : index
          %swap3A_1532 = tpu.vector_load %arg14[%swap3A_1529, %swap3A_1530, %swap3A_1531] {strides = array<i32>} : memref<2x128x32xf32, #tpu.memory_space<vmem>>, vector<16xf32>,
          tpu.vector_store %arg14[%swap3A_1529, %swap3A_1530, %swap3A_1531], %mul3A_1527 {strides = array<i32>} : memref<2x128x32xf32, #tpu.memory_space<vmem>>, vector<16xf32>,
          %get3A_1533 = arith.constant 48 : index
          %get3A_1534 = tpu.vector_load %arg20[%get3A_1533] {strides = array<i32>} : memref<144xf32, #tpu.memory_space<vmem>>, vector<16xf32>,
          %slice3A_1535 = vector.extract_strided_slice %get3A_1534 {offsets = [0], sizes = [1], strides = [1]} : vector<16xf32> to vector<1xf32>
          %squeeze3A_1536 = vector.extract %slice3A_1535[0] : f32 from vector<1xf32>
          %broadcast_in_dim3A_1537 = vector.broadcast %squeeze3A_1536 : f32 to vector<16xf32>
          %get3A_1538 = arith.constant 48 : i32
          %get3A_1539 = arith.index_cast %get3A_1538 : i32 to index
          %get3A_1540 = arith.constant 0 : index
          %get3A_1541 = tpu.vector_load %arg13[%get3A_1539, %get3A_1540] {strides = array<i32>} : memref<128x16xi32, #tpu.memory_space<vmem>>, vector<16xi32>,
          %shift_left3A_1542 = arith.constant 16 : i32
          %shift_left3A_1543 = vector.broadcast %shift_left3A_1542 : i32 to vector<16xi32>
          %shift_left3A_1544 = arith.shli %get3A_1541, %shift_left3A_1543 : vector<16xi32>
          %bitcast3A_1545 = vector.bitcast %shift_left3A_1544 : vector<16xi32> to vector<16xf32>
          %and3A_1546 = arith.andi %get3A_1541, %broadcast_in_dim3A_330 : vector<16xi32>
          %bitcast3A_1547 = vector.bitcast %and3A_1546 : vector<16xi32> to vector<16xf32>
          %mul3A_1548 = arith.mulf %bitcast3A_1545, %broadcast_in_dim3A_1537 : vector<16xf32>
          %swap3A_1549 = arith.constant 48 : i32
          %swap3A_1550 = arith.index_cast %rem3A_221 : i32 to index
          %swap3A_1551 = arith.index_cast %swap3A_1549 : i32 to index
          %swap3A_1552 = arith.constant 0 : index
          %swap3A_1553 = tpu.vector_load %arg14[%swap3A_1550, %swap3A_1551, %swap3A_1552] {strides = array<i32>} : memref<2x128x32xf32, #tpu.memory_space<vmem>>, vector<16xf32>,
          tpu.vector_store %arg14[%swap3A_1550, %swap3A_1551, %swap3A_1552], %mul3A_1548 {strides = array<i32>} : memref<2x128x32xf32, #tpu.memory_space<vmem>>, vector<16xf32>,
          %mul3A_1554 = arith.mulf %bitcast3A_1547, %broadcast_in_dim3A_1537 : vector<16xf32>
          %swap3A_1555 = arith.constant 48 : i32
          %swap3A_1556 = arith.index_cast %rem3A_221 : i32 to index
          %swap3A_1557 = arith.index_cast %swap3A_1555 : i32 to index
          %swap3A_1558 = arith.constant 16 : index
          %swap3A_1559 = tpu.vector_load %arg14[%swap3A_1556, %swap3A_1557, %swap3A_1558] {strides = array<i32>} : memref<2x128x32xf32, #tpu.memory_space<vmem>>, vector<16xf32>,
          tpu.vector_store %arg14[%swap3A_1556, %swap3A_1557, %swap3A_1558], %mul3A_1554 {strides = array<i32>} : memref<2x128x32xf32, #tpu.memory_space<vmem>>, vector<16xf32>,
          %slice3A_1560 = vector.extract_strided_slice %get3A_1534 {offsets = [1], sizes = [1], strides = [1]} : vector<16xf32> to vector<1xf32>
          %squeeze3A_1561 = vector.extract %slice3A_1560[0] : f32 from vector<1xf32>
          %broadcast_in_dim3A_1562 = vector.broadcast %squeeze3A_1561 : f32 to vector<16xf32>
          %get3A_1563 = arith.constant 49 : i32
          %get3A_1564 = arith.index_cast %get3A_1563 : i32 to index
          %get3A_1565 = arith.constant 0 : index
          %get3A_1566 = tpu.vector_load %arg13[%get3A_1564, %get3A_1565] {strides = array<i32>} : memref<128x16xi32, #tpu.memory_space<vmem>>, vector<16xi32>,
          %shift_left3A_1567 = arith.constant 16 : i32
          %shift_left3A_1568 = vector.broadcast %shift_left3A_1567 : i32 to vector<16xi32>
          %shift_left3A_1569 = arith.shli %get3A_1566, %shift_left3A_1568 : vector<16xi32>
          %bitcast3A_1570 = vector.bitcast %shift_left3A_1569 : vector<16xi32> to vector<16xf32>
          %and3A_1571 = arith.andi %get3A_1566, %broadcast_in_dim3A_330 : vector<16xi32>
          %bitcast3A_1572 = vector.bitcast %and3A_1571 : vector<16xi32> to vector<16xf32>
          %mul3A_1573 = arith.mulf %bitcast3A_1570, %broadcast_in_dim3A_1562 : vector<16xf32>
          %swap3A_1574 = arith.constant 49 : i32
          %swap3A_1575 = arith.index_cast %rem3A_221 : i32 to index
          %swap3A_1576 = arith.index_cast %swap3A_1574 : i32 to index
          %swap3A_1577 = arith.constant 0 : index
          %swap3A_1578 = tpu.vector_load %arg14[%swap3A_1575, %swap3A_1576, %swap3A_1577] {strides = array<i32>} : memref<2x128x32xf32, #tpu.memory_space<vmem>>, vector<16xf32>,
          tpu.vector_store %arg14[%swap3A_1575, %swap3A_1576, %swap3A_1577], %mul3A_1573 {strides = array<i32>} : memref<2x128x32xf32, #tpu.memory_space<vmem>>, vector<16xf32>,
          %mul3A_1579 = arith.mulf %bitcast3A_1572, %broadcast_in_dim3A_1562 : vector<16xf32>
          %swap3A_1580 = arith.constant 49 : i32
          %swap3A_1581 = arith.index_cast %rem3A_221 : i32 to index
          %swap3A_1582 = arith.index_cast %swap3A_1580 : i32 to index
          %swap3A_1583 = arith.constant 16 : index
          %swap3A_1584 = tpu.vector_load %arg14[%swap3A_1581, %swap3A_1582, %swap3A_1583] {strides = array<i32>} : memref<2x128x32xf32, #tpu.memory_space<vmem>>, vector<16xf32>,
          tpu.vector_store %arg14[%swap3A_1581, %swap3A_1582, %swap3A_1583], %mul3A_1579 {strides = array<i32>} : memref<2x128x32xf32, #tpu.memory_space<vmem>>, vector<16xf32>,
          %slice3A_1585 = vector.extract_strided_slice %get3A_1534 {offsets = [2], sizes = [1], strides = [1]} : vector<16xf32> to vector<1xf32>
          %squeeze3A_1586 = vector.extract %slice3A_1585[0] : f32 from vector<1xf32>
          %broadcast_in_dim3A_1587 = vector.broadcast %squeeze3A_1586 : f32 to vector<16xf32>
          %get3A_1588 = arith.constant 50 : i32
          %get3A_1589 = arith.index_cast %get3A_1588 : i32 to index
          %get3A_1590 = arith.constant 0 : index
          %get3A_1591 = tpu.vector_load %arg13[%get3A_1589, %get3A_1590] {strides = array<i32>} : memref<128x16xi32, #tpu.memory_space<vmem>>, vector<16xi32>,
          %shift_left3A_1592 = arith.constant 16 : i32
          %shift_left3A_1593 = vector.broadcast %shift_left3A_1592 : i32 to vector<16xi32>
          %shift_left3A_1594 = arith.shli %get3A_1591, %shift_left3A_1593 : vector<16xi32>
          %bitcast3A_1595 = vector.bitcast %shift_left3A_1594 : vector<16xi32> to vector<16xf32>
          %and3A_1596 = arith.andi %get3A_1591, %broadcast_in_dim3A_330 : vector<16xi32>
          %bitcast3A_1597 = vector.bitcast %and3A_1596 : vector<16xi32> to vector<16xf32>
          %mul3A_1598 = arith.mulf %bitcast3A_1595, %broadcast_in_dim3A_1587 : vector<16xf32>
          %swap3A_1599 = arith.constant 50 : i32
          %swap3A_1600 = arith.index_cast %rem3A_221 : i32 to index
          %swap3A_1601 = arith.index_cast %swap3A_1599 : i32 to index
          %swap3A_1602 = arith.constant 0 : index
          %swap3A_1603 = tpu.vector_load %arg14[%swap3A_1600, %swap3A_1601, %swap3A_1602] {strides = array<i32>} : memref<2x128x32xf32, #tpu.memory_space<vmem>>, vector<16xf32>,
          tpu.vector_store %arg14[%swap3A_1600, %swap3A_1601, %swap3A_1602], %mul3A_1598 {strides = array<i32>} : memref<2x128x32xf32, #tpu.memory_space<vmem>>, vector<16xf32>,
          %mul3A_1604 = arith.mulf %bitcast3A_1597, %broadcast_in_dim3A_1587 : vector<16xf32>
          %swap3A_1605 = arith.constant 50 : i32
          %swap3A_1606 = arith.index_cast %rem3A_221 : i32 to index
          %swap3A_1607 = arith.index_cast %swap3A_1605 : i32 to index
          %swap3A_1608 = arith.constant 16 : index
          %swap3A_1609 = tpu.vector_load %arg14[%swap3A_1606, %swap3A_1607, %swap3A_1608] {strides = array<i32>} : memref<2x128x32xf32, #tpu.memory_space<vmem>>, vector<16xf32>,
          tpu.vector_store %arg14[%swap3A_1606, %swap3A_1607, %swap3A_1608], %mul3A_1604 {strides = array<i32>} : memref<2x128x32xf32, #tpu.memory_space<vmem>>, vector<16xf32>,
          %slice3A_1610 = vector.extract_strided_slice %get3A_1534 {offsets = [3], sizes = [1], strides = [1]} : vector<16xf32> to vector<1xf32>
          %squeeze3A_1611 = vector.extract %slice3A_1610[0] : f32 from vector<1xf32>
          %broadcast_in_dim3A_1612 = vector.broadcast %squeeze3A_1611 : f32 to vector<16xf32>
          %get3A_1613 = arith.constant 51 : i32
          %get3A_1614 = arith.index_cast %get3A_1613 : i32 to index
          %get3A_1615 = arith.constant 0 : index
          %get3A_1616 = tpu.vector_load %arg13[%get3A_1614, %get3A_1615] {strides = array<i32>} : memref<128x16xi32, #tpu.memory_space<vmem>>, vector<16xi32>,
          %shift_left3A_1617 = arith.constant 16 : i32
          %shift_left3A_1618 = vector.broadcast %shift_left3A_1617 : i32 to vector<16xi32>
          %shift_left3A_1619 = arith.shli %get3A_1616, %shift_left3A_1618 : vector<16xi32>
          %bitcast3A_1620 = vector.bitcast %shift_left3A_1619 : vector<16xi32> to vector<16xf32>
          %and3A_1621 = arith.andi %get3A_1616, %broadcast_in_dim3A_330 : vector<16xi32>
          %bitcast3A_1622 = vector.bitcast %and3A_1621 : vector<16xi32> to vector<16xf32>
          %mul3A_1623 = arith.mulf %bitcast3A_1620, %broadcast_in_dim3A_1612 : vector<16xf32>
          %swap3A_1624 = arith.constant 51 : i32
          %swap3A_1625 = arith.index_cast %rem3A_221 : i32 to index
          %swap3A_1626 = arith.index_cast %swap3A_1624 : i32 to index
          %swap3A_1627 = arith.constant 0 : index
          %swap3A_1628 = tpu.vector_load %arg14[%swap3A_1625, %swap3A_1626, %swap3A_1627] {strides = array<i32>} : memref<2x128x32xf32, #tpu.memory_space<vmem>>, vector<16xf32>,
          tpu.vector_store %arg14[%swap3A_1625, %swap3A_1626, %swap3A_1627], %mul3A_1623 {strides = array<i32>} : memref<2x128x32xf32, #tpu.memory_space<vmem>>, vector<16xf32>,
          %mul3A_1629 = arith.mulf %bitcast3A_1622, %broadcast_in_dim3A_1612 : vector<16xf32>
          %swap3A_1630 = arith.constant 51 : i32
          %swap3A_1631 = arith.index_cast %rem3A_221 : i32 to index
          %swap3A_1632 = arith.index_cast %swap3A_1630 : i32 to index
          %swap3A_1633 = arith.constant 16 : index
          %swap3A_1634 = tpu.vector_load %arg14[%swap3A_1631, %swap3A_1632, %swap3A_1633] {strides = array<i32>} : memref<2x128x32xf32, #tpu.memory_space<vmem>>, vector<16xf32>,
          tpu.vector_store %arg14[%swap3A_1631, %swap3A_1632, %swap3A_1633], %mul3A_1629 {strides = array<i32>} : memref<2x128x32xf32, #tpu.memory_space<vmem>>, vector<16xf32>,
          %slice3A_1635 = vector.extract_strided_slice %get3A_1534 {offsets = [4], sizes = [1], strides = [1]} : vector<16xf32> to vector<1xf32>
          %squeeze3A_1636 = vector.extract %slice3A_1635[0] : f32 from vector<1xf32>
          %broadcast_in_dim3A_1637 = vector.broadcast %squeeze3A_1636 : f32 to vector<16xf32>
          %get3A_1638 = arith.constant 52 : i32
          %get3A_1639 = arith.index_cast %get3A_1638 : i32 to index
          %get3A_1640 = arith.constant 0 : index
          %get3A_1641 = tpu.vector_load %arg13[%get3A_1639, %get3A_1640] {strides = array<i32>} : memref<128x16xi32, #tpu.memory_space<vmem>>, vector<16xi32>,
          %shift_left3A_1642 = arith.constant 16 : i32
          %shift_left3A_1643 = vector.broadcast %shift_left3A_1642 : i32 to vector<16xi32>
          %shift_left3A_1644 = arith.shli %get3A_1641, %shift_left3A_1643 : vector<16xi32>
          %bitcast3A_1645 = vector.bitcast %shift_left3A_1644 : vector<16xi32> to vector<16xf32>
          %and3A_1646 = arith.andi %get3A_1641, %broadcast_in_dim3A_330 : vector<16xi32>
          %bitcast3A_1647 = vector.bitcast %and3A_1646 : vector<16xi32> to vector<16xf32>
          %mul3A_1648 = arith.mulf %bitcast3A_1645, %broadcast_in_dim3A_1637 : vector<16xf32>
          %swap3A_1649 = arith.constant 52 : i32
          %swap3A_1650 = arith.index_cast %rem3A_221 : i32 to index
          %swap3A_1651 = arith.index_cast %swap3A_1649 : i32 to index
          %swap3A_1652 = arith.constant 0 : index
          %swap3A_1653 = tpu.vector_load %arg14[%swap3A_1650, %swap3A_1651, %swap3A_1652] {strides = array<i32>} : memref<2x128x32xf32, #tpu.memory_space<vmem>>, vector<16xf32>,
          tpu.vector_store %arg14[%swap3A_1650, %swap3A_1651, %swap3A_1652], %mul3A_1648 {strides = array<i32>} : memref<2x128x32xf32, #tpu.memory_space<vmem>>, vector<16xf32>,
          %mul3A_1654 = arith.mulf %bitcast3A_1647, %broadcast_in_dim3A_1637 : vector<16xf32>
          %swap3A_1655 = arith.constant 52 : i32
          %swap3A_1656 = arith.index_cast %rem3A_221 : i32 to index
          %swap3A_1657 = arith.index_cast %swap3A_1655 : i32 to index
          %swap3A_1658 = arith.constant 16 : index
          %swap3A_1659 = tpu.vector_load %arg14[%swap3A_1656, %swap3A_1657, %swap3A_1658] {strides = array<i32>} : memref<2x128x32xf32, #tpu.memory_space<vmem>>, vector<16xf32>,
          tpu.vector_store %arg14[%swap3A_1656, %swap3A_1657, %swap3A_1658], %mul3A_1654 {strides = array<i32>} : memref<2x128x32xf32, #tpu.memory_space<vmem>>, vector<16xf32>,
          %slice3A_1660 = vector.extract_strided_slice %get3A_1534 {offsets = [5], sizes = [1], strides = [1]} : vector<16xf32> to vector<1xf32>
          %squeeze3A_1661 = vector.extract %slice3A_1660[0] : f32 from vector<1xf32>
          %broadcast_in_dim3A_1662 = vector.broadcast %squeeze3A_1661 : f32 to vector<16xf32>
          %get3A_1663 = arith.constant 53 : i32
          %get3A_1664 = arith.index_cast %get3A_1663 : i32 to index
          %get3A_1665 = arith.constant 0 : index
          %get3A_1666 = tpu.vector_load %arg13[%get3A_1664, %get3A_1665] {strides = array<i32>} : memref<128x16xi32, #tpu.memory_space<vmem>>, vector<16xi32>,
          %shift_left3A_1667 = arith.constant 16 : i32
          %shift_left3A_1668 = vector.broadcast %shift_left3A_1667 : i32 to vector<16xi32>
          %shift_left3A_1669 = arith.shli %get3A_1666, %shift_left3A_1668 : vector<16xi32>
          %bitcast3A_1670 = vector.bitcast %shift_left3A_1669 : vector<16xi32> to vector<16xf32>
          %and3A_1671 = arith.andi %get3A_1666, %broadcast_in_dim3A_330 : vector<16xi32>
          %bitcast3A_1672 = vector.bitcast %and3A_1671 : vector<16xi32> to vector<16xf32>
          %mul3A_1673 = arith.mulf %bitcast3A_1670, %broadcast_in_dim3A_1662 : vector<16xf32>
          %swap3A_1674 = arith.constant 53 : i32
          %swap3A_1675 = arith.index_cast %rem3A_221 : i32 to index
          %swap3A_1676 = arith.index_cast %swap3A_1674 : i32 to index
          %swap3A_1677 = arith.constant 0 : index
          %swap3A_1678 = tpu.vector_load %arg14[%swap3A_1675, %swap3A_1676, %swap3A_1677] {strides = array<i32>} : memref<2x128x32xf32, #tpu.memory_space<vmem>>, vector<16xf32>,
          tpu.vector_store %arg14[%swap3A_1675, %swap3A_1676, %swap3A_1677], %mul3A_1673 {strides = array<i32>} : memref<2x128x32xf32, #tpu.memory_space<vmem>>, vector<16xf32>,
          %mul3A_1679 = arith.mulf %bitcast3A_1672, %broadcast_in_dim3A_1662 : vector<16xf32>
          %swap3A_1680 = arith.constant 53 : i32
          %swap3A_1681 = arith.index_cast %rem3A_221 : i32 to index
          %swap3A_1682 = arith.index_cast %swap3A_1680 : i32 to index
          %swap3A_1683 = arith.constant 16 : index
          %swap3A_1684 = tpu.vector_load %arg14[%swap3A_1681, %swap3A_1682, %swap3A_1683] {strides = array<i32>} : memref<2x128x32xf32, #tpu.memory_space<vmem>>, vector<16xf32>,
          tpu.vector_store %arg14[%swap3A_1681, %swap3A_1682, %swap3A_1683], %mul3A_1679 {strides = array<i32>} : memref<2x128x32xf32, #tpu.memory_space<vmem>>, vector<16xf32>,
          %slice3A_1685 = vector.extract_strided_slice %get3A_1534 {offsets = [6], sizes = [1], strides = [1]} : vector<16xf32> to vector<1xf32>
          %squeeze3A_1686 = vector.extract %slice3A_1685[0] : f32 from vector<1xf32>
          %broadcast_in_dim3A_1687 = vector.broadcast %squeeze3A_1686 : f32 to vector<16xf32>
          %get3A_1688 = arith.constant 54 : i32
          %get3A_1689 = arith.index_cast %get3A_1688 : i32 to index
          %get3A_1690 = arith.constant 0 : index
          %get3A_1691 = tpu.vector_load %arg13[%get3A_1689, %get3A_1690] {strides = array<i32>} : memref<128x16xi32, #tpu.memory_space<vmem>>, vector<16xi32>,
          %shift_left3A_1692 = arith.constant 16 : i32
          %shift_left3A_1693 = vector.broadcast %shift_left3A_1692 : i32 to vector<16xi32>
          %shift_left3A_1694 = arith.shli %get3A_1691, %shift_left3A_1693 : vector<16xi32>
          %bitcast3A_1695 = vector.bitcast %shift_left3A_1694 : vector<16xi32> to vector<16xf32>
          %and3A_1696 = arith.andi %get3A_1691, %broadcast_in_dim3A_330 : vector<16xi32>
          %bitcast3A_1697 = vector.bitcast %and3A_1696 : vector<16xi32> to vector<16xf32>
          %mul3A_1698 = arith.mulf %bitcast3A_1695, %broadcast_in_dim3A_1687 : vector<16xf32>
          %swap3A_1699 = arith.constant 54 : i32
          %swap3A_1700 = arith.index_cast %rem3A_221 : i32 to index
          %swap3A_1701 = arith.index_cast %swap3A_1699 : i32 to index
          %swap3A_1702 = arith.constant 0 : index
          %swap3A_1703 = tpu.vector_load %arg14[%swap3A_1700, %swap3A_1701, %swap3A_1702] {strides = array<i32>} : memref<2x128x32xf32, #tpu.memory_space<vmem>>, vector<16xf32>,
          tpu.vector_store %arg14[%swap3A_1700, %swap3A_1701, %swap3A_1702], %mul3A_1698 {strides = array<i32>} : memref<2x128x32xf32, #tpu.memory_space<vmem>>, vector<16xf32>,
          %mul3A_1704 = arith.mulf %bitcast3A_1697, %broadcast_in_dim3A_1687 : vector<16xf32>
          %swap3A_1705 = arith.constant 54 : i32
          %swap3A_1706 = arith.index_cast %rem3A_221 : i32 to index
          %swap3A_1707 = arith.index_cast %swap3A_1705 : i32 to index
          %swap3A_1708 = arith.constant 16 : index
          %swap3A_1709 = tpu.vector_load %arg14[%swap3A_1706, %swap3A_1707, %swap3A_1708] {strides = array<i32>} : memref<2x128x32xf32, #tpu.memory_space<vmem>>, vector<16xf32>,
          tpu.vector_store %arg14[%swap3A_1706, %swap3A_1707, %swap3A_1708], %mul3A_1704 {strides = array<i32>} : memref<2x128x32xf32, #tpu.memory_space<vmem>>, vector<16xf32>,
          %slice3A_1710 = vector.extract_strided_slice %get3A_1534 {offsets = [7], sizes = [1], strides = [1]} : vector<16xf32> to vector<1xf32>
          %squeeze3A_1711 = vector.extract %slice3A_1710[0] : f32 from vector<1xf32>
          %broadcast_in_dim3A_1712 = vector.broadcast %squeeze3A_1711 : f32 to vector<16xf32>
          %get3A_1713 = arith.constant 55 : i32
          %get3A_1714 = arith.index_cast %get3A_1713 : i32 to index
          %get3A_1715 = arith.constant 0 : index
          %get3A_1716 = tpu.vector_load %arg13[%get3A_1714, %get3A_1715] {strides = array<i32>} : memref<128x16xi32, #tpu.memory_space<vmem>>, vector<16xi32>,
          %shift_left3A_1717 = arith.constant 16 : i32
          %shift_left3A_1718 = vector.broadcast %shift_left3A_1717 : i32 to vector<16xi32>
          %shift_left3A_1719 = arith.shli %get3A_1716, %shift_left3A_1718 : vector<16xi32>
          %bitcast3A_1720 = vector.bitcast %shift_left3A_1719 : vector<16xi32> to vector<16xf32>
          %and3A_1721 = arith.andi %get3A_1716, %broadcast_in_dim3A_330 : vector<16xi32>
          %bitcast3A_1722 = vector.bitcast %and3A_1721 : vector<16xi32> to vector<16xf32>
          %mul3A_1723 = arith.mulf %bitcast3A_1720, %broadcast_in_dim3A_1712 : vector<16xf32>
          %swap3A_1724 = arith.constant 55 : i32
          %swap3A_1725 = arith.index_cast %rem3A_221 : i32 to index
          %swap3A_1726 = arith.index_cast %swap3A_1724 : i32 to index
          %swap3A_1727 = arith.constant 0 : index
          %swap3A_1728 = tpu.vector_load %arg14[%swap3A_1725, %swap3A_1726, %swap3A_1727] {strides = array<i32>} : memref<2x128x32xf32, #tpu.memory_space<vmem>>, vector<16xf32>,
          tpu.vector_store %arg14[%swap3A_1725, %swap3A_1726, %swap3A_1727], %mul3A_1723 {strides = array<i32>} : memref<2x128x32xf32, #tpu.memory_space<vmem>>, vector<16xf32>,
          %mul3A_1729 = arith.mulf %bitcast3A_1722, %broadcast_in_dim3A_1712 : vector<16xf32>
          %swap3A_1730 = arith.constant 55 : i32
          %swap3A_1731 = arith.index_cast %rem3A_221 : i32 to index
          %swap3A_1732 = arith.index_cast %swap3A_1730 : i32 to index
          %swap3A_1733 = arith.constant 16 : index
          %swap3A_1734 = tpu.vector_load %arg14[%swap3A_1731, %swap3A_1732, %swap3A_1733] {strides = array<i32>} : memref<2x128x32xf32, #tpu.memory_space<vmem>>, vector<16xf32>,
          tpu.vector_store %arg14[%swap3A_1731, %swap3A_1732, %swap3A_1733], %mul3A_1729 {strides = array<i32>} : memref<2x128x32xf32, #tpu.memory_space<vmem>>, vector<16xf32>,
          %slice3A_1735 = vector.extract_strided_slice %get3A_1534 {offsets = [8], sizes = [1], strides = [1]} : vector<16xf32> to vector<1xf32>
          %squeeze3A_1736 = vector.extract %slice3A_1735[0] : f32 from vector<1xf32>
          %broadcast_in_dim3A_1737 = vector.broadcast %squeeze3A_1736 : f32 to vector<16xf32>
          %get3A_1738 = arith.constant 56 : i32
          %get3A_1739 = arith.index_cast %get3A_1738 : i32 to index
          %get3A_1740 = arith.constant 0 : index
          %get3A_1741 = tpu.vector_load %arg13[%get3A_1739, %get3A_1740] {strides = array<i32>} : memref<128x16xi32, #tpu.memory_space<vmem>>, vector<16xi32>,
          %shift_left3A_1742 = arith.constant 16 : i32
          %shift_left3A_1743 = vector.broadcast %shift_left3A_1742 : i32 to vector<16xi32>
          %shift_left3A_1744 = arith.shli %get3A_1741, %shift_left3A_1743 : vector<16xi32>
          %bitcast3A_1745 = vector.bitcast %shift_left3A_1744 : vector<16xi32> to vector<16xf32>
          %and3A_1746 = arith.andi %get3A_1741, %broadcast_in_dim3A_330 : vector<16xi32>
          %bitcast3A_1747 = vector.bitcast %and3A_1746 : vector<16xi32> to vector<16xf32>
          %mul3A_1748 = arith.mulf %bitcast3A_1745, %broadcast_in_dim3A_1737 : vector<16xf32>
          %swap3A_1749 = arith.constant 56 : i32
          %swap3A_1750 = arith.index_cast %rem3A_221 : i32 to index
          %swap3A_1751 = arith.index_cast %swap3A_1749 : i32 to index
          %swap3A_1752 = arith.constant 0 : index
          %swap3A_1753 = tpu.vector_load %arg14[%swap3A_1750, %swap3A_1751, %swap3A_1752] {strides = array<i32>} : memref<2x128x32xf32, #tpu.memory_space<vmem>>, vector<16xf32>,
          tpu.vector_store %arg14[%swap3A_1750, %swap3A_1751, %swap3A_1752], %mul3A_1748 {strides = array<i32>} : memref<2x128x32xf32, #tpu.memory_space<vmem>>, vector<16xf32>,
          %mul3A_1754 = arith.mulf %bitcast3A_1747, %broadcast_in_dim3A_1737 : vector<16xf32>
          %swap3A_1755 = arith.constant 56 : i32
          %swap3A_1756 = arith.index_cast %rem3A_221 : i32 to index
          %swap3A_1757 = arith.index_cast %swap3A_1755 : i32 to index
          %swap3A_1758 = arith.constant 16 : index
          %swap3A_1759 = tpu.vector_load %arg14[%swap3A_1756, %swap3A_1757, %swap3A_1758] {strides = array<i32>} : memref<2x128x32xf32, #tpu.memory_space<vmem>>, vector<16xf32>,
          tpu.vector_store %arg14[%swap3A_1756, %swap3A_1757, %swap3A_1758], %mul3A_1754 {strides = array<i32>} : memref<2x128x32xf32, #tpu.memory_space<vmem>>, vector<16xf32>,
          %slice3A_1760 = vector.extract_strided_slice %get3A_1534 {offsets = [9], sizes = [1], strides = [1]} : vector<16xf32> to vector<1xf32>
          %squeeze3A_1761 = vector.extract %slice3A_1760[0] : f32 from vector<1xf32>
          %broadcast_in_dim3A_1762 = vector.broadcast %squeeze3A_1761 : f32 to vector<16xf32>
          %get3A_1763 = arith.constant 57 : i32
          %get3A_1764 = arith.index_cast %get3A_1763 : i32 to index
          %get3A_1765 = arith.constant 0 : index
          %get3A_1766 = tpu.vector_load %arg13[%get3A_1764, %get3A_1765] {strides = array<i32>} : memref<128x16xi32, #tpu.memory_space<vmem>>, vector<16xi32>,
          %shift_left3A_1767 = arith.constant 16 : i32
          %shift_left3A_1768 = vector.broadcast %shift_left3A_1767 : i32 to vector<16xi32>
          %shift_left3A_1769 = arith.shli %get3A_1766, %shift_left3A_1768 : vector<16xi32>
          %bitcast3A_1770 = vector.bitcast %shift_left3A_1769 : vector<16xi32> to vector<16xf32>
          %and3A_1771 = arith.andi %get3A_1766, %broadcast_in_dim3A_330 : vector<16xi32>
          %bitcast3A_1772 = vector.bitcast %and3A_1771 : vector<16xi32> to vector<16xf32>
          %mul3A_1773 = arith.mulf %bitcast3A_1770, %broadcast_in_dim3A_1762 : vector<16xf32>
          %swap3A_1774 = arith.constant 57 : i32
          %swap3A_1775 = arith.index_cast %rem3A_221 : i32 to index
          %swap3A_1776 = arith.index_cast %swap3A_1774 : i32 to index
          %swap3A_1777 = arith.constant 0 : index
          %swap3A_1778 = tpu.vector_load %arg14[%swap3A_1775, %swap3A_1776, %swap3A_1777] {strides = array<i32>} : memref<2x128x32xf32, #tpu.memory_space<vmem>>, vector<16xf32>,
          tpu.vector_store %arg14[%swap3A_1775, %swap3A_1776, %swap3A_1777], %mul3A_1773 {strides = array<i32>} : memref<2x128x32xf32, #tpu.memory_space<vmem>>, vector<16xf32>,
          %mul3A_1779 = arith.mulf %bitcast3A_1772, %broadcast_in_dim3A_1762 : vector<16xf32>
          %swap3A_1780 = arith.constant 57 : i32
          %swap3A_1781 = arith.index_cast %rem3A_221 : i32 to index
          %swap3A_1782 = arith.index_cast %swap3A_1780 : i32 to index
          %swap3A_1783 = arith.constant 16 : index
          %swap3A_1784 = tpu.vector_load %arg14[%swap3A_1781, %swap3A_1782, %swap3A_1783] {strides = array<i32>} : memref<2x128x32xf32, #tpu.memory_space<vmem>>, vector<16xf32>,
          tpu.vector_store %arg14[%swap3A_1781, %swap3A_1782, %swap3A_1783], %mul3A_1779 {strides = array<i32>} : memref<2x128x32xf32, #tpu.memory_space<vmem>>, vector<16xf32>,
          %slice3A_1785 = vector.extract_strided_slice %get3A_1534 {offsets = [10], sizes = [1], strides = [1]} : vector<16xf32> to vector<1xf32>
          %squeeze3A_1786 = vector.extract %slice3A_1785[0] : f32 from vector<1xf32>
          %broadcast_in_dim3A_1787 = vector.broadcast %squeeze3A_1786 : f32 to vector<16xf32>
          %get3A_1788 = arith.constant 58 : i32
          %get3A_1789 = arith.index_cast %get3A_1788 : i32 to index
          %get3A_1790 = arith.constant 0 : index
          %get3A_1791 = tpu.vector_load %arg13[%get3A_1789, %get3A_1790] {strides = array<i32>} : memref<128x16xi32, #tpu.memory_space<vmem>>, vector<16xi32>,
          %shift_left3A_1792 = arith.constant 16 : i32
          %shift_left3A_1793 = vector.broadcast %shift_left3A_1792 : i32 to vector<16xi32>
          %shift_left3A_1794 = arith.shli %get3A_1791, %shift_left3A_1793 : vector<16xi32>
          %bitcast3A_1795 = vector.bitcast %shift_left3A_1794 : vector<16xi32> to vector<16xf32>
          %and3A_1796 = arith.andi %get3A_1791, %broadcast_in_dim3A_330 : vector<16xi32>
          %bitcast3A_1797 = vector.bitcast %and3A_1796 : vector<16xi32> to vector<16xf32>
          %mul3A_1798 = arith.mulf %bitcast3A_1795, %broadcast_in_dim3A_1787 : vector<16xf32>
          %swap3A_1799 = arith.constant 58 : i32
          %swap3A_1800 = arith.index_cast %rem3A_221 : i32 to index
          %swap3A_1801 = arith.index_cast %swap3A_1799 : i32 to index
          %swap3A_1802 = arith.constant 0 : index
          %swap3A_1803 = tpu.vector_load %arg14[%swap3A_1800, %swap3A_1801, %swap3A_1802] {strides = array<i32>} : memref<2x128x32xf32, #tpu.memory_space<vmem>>, vector<16xf32>,
          tpu.vector_store %arg14[%swap3A_1800, %swap3A_1801, %swap3A_1802], %mul3A_1798 {strides = array<i32>} : memref<2x128x32xf32, #tpu.memory_space<vmem>>, vector<16xf32>,
          %mul3A_1804 = arith.mulf %bitcast3A_1797, %broadcast_in_dim3A_1787 : vector<16xf32>
          %swap3A_1805 = arith.constant 58 : i32
          %swap3A_1806 = arith.index_cast %rem3A_221 : i32 to index
          %swap3A_1807 = arith.index_cast %swap3A_1805 : i32 to index
          %swap3A_1808 = arith.constant 16 : index
          %swap3A_1809 = tpu.vector_load %arg14[%swap3A_1806, %swap3A_1807, %swap3A_1808] {strides = array<i32>} : memref<2x128x32xf32, #tpu.memory_space<vmem>>, vector<16xf32>,
          tpu.vector_store %arg14[%swap3A_1806, %swap3A_1807, %swap3A_1808], %mul3A_1804 {strides = array<i32>} : memref<2x128x32xf32, #tpu.memory_space<vmem>>, vector<16xf32>,
          %slice3A_1810 = vector.extract_strided_slice %get3A_1534 {offsets = [11], sizes = [1], strides = [1]} : vector<16xf32> to vector<1xf32>
          %squeeze3A_1811 = vector.extract %slice3A_1810[0] : f32 from vector<1xf32>
          %broadcast_in_dim3A_1812 = vector.broadcast %squeeze3A_1811 : f32 to vector<16xf32>
          %get3A_1813 = arith.constant 59 : i32
          %get3A_1814 = arith.index_cast %get3A_1813 : i32 to index
          %get3A_1815 = arith.constant 0 : index
          %get3A_1816 = tpu.vector_load %arg13[%get3A_1814, %get3A_1815] {strides = array<i32>} : memref<128x16xi32, #tpu.memory_space<vmem>>, vector<16xi32>,
          %shift_left3A_1817 = arith.constant 16 : i32
          %shift_left3A_1818 = vector.broadcast %shift_left3A_1817 : i32 to vector<16xi32>
          %shift_left3A_1819 = arith.shli %get3A_1816, %shift_left3A_1818 : vector<16xi32>
          %bitcast3A_1820 = vector.bitcast %shift_left3A_1819 : vector<16xi32> to vector<16xf32>
          %and3A_1821 = arith.andi %get3A_1816, %broadcast_in_dim3A_330 : vector<16xi32>
          %bitcast3A_1822 = vector.bitcast %and3A_1821 : vector<16xi32> to vector<16xf32>
          %mul3A_1823 = arith.mulf %bitcast3A_1820, %broadcast_in_dim3A_1812 : vector<16xf32>
          %swap3A_1824 = arith.constant 59 : i32
          %swap3A_1825 = arith.index_cast %rem3A_221 : i32 to index
          %swap3A_1826 = arith.index_cast %swap3A_1824 : i32 to index
          %swap3A_1827 = arith.constant 0 : index
          %swap3A_1828 = tpu.vector_load %arg14[%swap3A_1825, %swap3A_1826, %swap3A_1827] {strides = array<i32>} : memref<2x128x32xf32, #tpu.memory_space<vmem>>, vector<16xf32>,
          tpu.vector_store %arg14[%swap3A_1825, %swap3A_1826, %swap3A_1827], %mul3A_1823 {strides = array<i32>} : memref<2x128x32xf32, #tpu.memory_space<vmem>>, vector<16xf32>,
          %mul3A_1829 = arith.mulf %bitcast3A_1822, %broadcast_in_dim3A_1812 : vector<16xf32>
          %swap3A_1830 = arith.constant 59 : i32
          %swap3A_1831 = arith.index_cast %rem3A_221 : i32 to index
          %swap3A_1832 = arith.index_cast %swap3A_1830 : i32 to index
          %swap3A_1833 = arith.constant 16 : index
          %swap3A_1834 = tpu.vector_load %arg14[%swap3A_1831, %swap3A_1832, %swap3A_1833] {strides = array<i32>} : memref<2x128x32xf32, #tpu.memory_space<vmem>>, vector<16xf32>,
          tpu.vector_store %arg14[%swap3A_1831, %swap3A_1832, %swap3A_1833], %mul3A_1829 {strides = array<i32>} : memref<2x128x32xf32, #tpu.memory_space<vmem>>, vector<16xf32>,
          %slice3A_1835 = vector.extract_strided_slice %get3A_1534 {offsets = [12], sizes = [1], strides = [1]} : vector<16xf32> to vector<1xf32>
          %squeeze3A_1836 = vector.extract %slice3A_1835[0] : f32 from vector<1xf32>
          %broadcast_in_dim3A_1837 = vector.broadcast %squeeze3A_1836 : f32 to vector<16xf32>
          %get3A_1838 = arith.constant 60 : i32
          %get3A_1839 = arith.index_cast %get3A_1838 : i32 to index
          %get3A_1840 = arith.constant 0 : index
          %get3A_1841 = tpu.vector_load %arg13[%get3A_1839, %get3A_1840] {strides = array<i32>} : memref<128x16xi32, #tpu.memory_space<vmem>>, vector<16xi32>,
          %shift_left3A_1842 = arith.constant 16 : i32
          %shift_left3A_1843 = vector.broadcast %shift_left3A_1842 : i32 to vector<16xi32>
          %shift_left3A_1844 = arith.shli %get3A_1841, %shift_left3A_1843 : vector<16xi32>
          %bitcast3A_1845 = vector.bitcast %shift_left3A_1844 : vector<16xi32> to vector<16xf32>
          %and3A_1846 = arith.andi %get3A_1841, %broadcast_in_dim3A_330 : vector<16xi32>
          %bitcast3A_1847 = vector.bitcast %and3A_1846 : vector<16xi32> to vector<16xf32>
          %mul3A_1848 = arith.mulf %bitcast3A_1845, %broadcast_in_dim3A_1837 : vector<16xf32>
          %swap3A_1849 = arith.constant 60 : i32
          %swap3A_1850 = arith.index_cast %rem3A_221 : i32 to index
          %swap3A_1851 = arith.index_cast %swap3A_1849 : i32 to index
          %swap3A_1852 = arith.constant 0 : index
          %swap3A_1853 = tpu.vector_load %arg14[%swap3A_1850, %swap3A_1851, %swap3A_1852] {strides = array<i32>} : memref<2x128x32xf32, #tpu.memory_space<vmem>>, vector<16xf32>,
          tpu.vector_store %arg14[%swap3A_1850, %swap3A_1851, %swap3A_1852], %mul3A_1848 {strides = array<i32>} : memref<2x128x32xf32, #tpu.memory_space<vmem>>, vector<16xf32>,
          %mul3A_1854 = arith.mulf %bitcast3A_1847, %broadcast_in_dim3A_1837 : vector<16xf32>
          %swap3A_1855 = arith.constant 60 : i32
          %swap3A_1856 = arith.index_cast %rem3A_221 : i32 to index
          %swap3A_1857 = arith.index_cast %swap3A_1855 : i32 to index
          %swap3A_1858 = arith.constant 16 : index
          %swap3A_1859 = tpu.vector_load %arg14[%swap3A_1856, %swap3A_1857, %swap3A_1858] {strides = array<i32>} : memref<2x128x32xf32, #tpu.memory_space<vmem>>, vector<16xf32>,
          tpu.vector_store %arg14[%swap3A_1856, %swap3A_1857, %swap3A_1858], %mul3A_1854 {strides = array<i32>} : memref<2x128x32xf32, #tpu.memory_space<vmem>>, vector<16xf32>,
          %slice3A_1860 = vector.extract_strided_slice %get3A_1534 {offsets = [13], sizes = [1], strides = [1]} : vector<16xf32> to vector<1xf32>
          %squeeze3A_1861 = vector.extract %slice3A_1860[0] : f32 from vector<1xf32>
          %broadcast_in_dim3A_1862 = vector.broadcast %squeeze3A_1861 : f32 to vector<16xf32>
          %get3A_1863 = arith.constant 61 : i32
          %get3A_1864 = arith.index_cast %get3A_1863 : i32 to index
          %get3A_1865 = arith.constant 0 : index
          %get3A_1866 = tpu.vector_load %arg13[%get3A_1864, %get3A_1865] {strides = array<i32>} : memref<128x16xi32, #tpu.memory_space<vmem>>, vector<16xi32>,
          %shift_left3A_1867 = arith.constant 16 : i32
          %shift_left3A_1868 = vector.broadcast %shift_left3A_1867 : i32 to vector<16xi32>
          %shift_left3A_1869 = arith.shli %get3A_1866, %shift_left3A_1868 : vector<16xi32>
          %bitcast3A_1870 = vector.bitcast %shift_left3A_1869 : vector<16xi32> to vector<16xf32>
          %and3A_1871 = arith.andi %get3A_1866, %broadcast_in_dim3A_330 : vector<16xi32>
          %bitcast3A_1872 = vector.bitcast %and3A_1871 : vector<16xi32> to vector<16xf32>
          %mul3A_1873 = arith.mulf %bitcast3A_1870, %broadcast_in_dim3A_1862 : vector<16xf32>
          %swap3A_1874 = arith.constant 61 : i32
          %swap3A_1875 = arith.index_cast %rem3A_221 : i32 to index
          %swap3A_1876 = arith.index_cast %swap3A_1874 : i32 to index
          %swap3A_1877 = arith.constant 0 : index
          %swap3A_1878 = tpu.vector_load %arg14[%swap3A_1875, %swap3A_1876, %swap3A_1877] {strides = array<i32>} : memref<2x128x32xf32, #tpu.memory_space<vmem>>, vector<16xf32>,
          tpu.vector_store %arg14[%swap3A_1875, %swap3A_1876, %swap3A_1877], %mul3A_1873 {strides = array<i32>} : memref<2x128x32xf32, #tpu.memory_space<vmem>>, vector<16xf32>,
          %mul3A_1879 = arith.mulf %bitcast3A_1872, %broadcast_in_dim3A_1862 : vector<16xf32>
          %swap3A_1880 = arith.constant 61 : i32
          %swap3A_1881 = arith.index_cast %rem3A_221 : i32 to index
          %swap3A_1882 = arith.index_cast %swap3A_1880 : i32 to index
          %swap3A_1883 = arith.constant 16 : index
          %swap3A_1884 = tpu.vector_load %arg14[%swap3A_1881, %swap3A_1882, %swap3A_1883] {strides = array<i32>} : memref<2x128x32xf32, #tpu.memory_space<vmem>>, vector<16xf32>,
          tpu.vector_store %arg14[%swap3A_1881, %swap3A_1882, %swap3A_1883], %mul3A_1879 {strides = array<i32>} : memref<2x128x32xf32, #tpu.memory_space<vmem>>, vector<16xf32>,
          %slice3A_1885 = vector.extract_strided_slice %get3A_1534 {offsets = [14], sizes = [1], strides = [1]} : vector<16xf32> to vector<1xf32>
          %squeeze3A_1886 = vector.extract %slice3A_1885[0] : f32 from vector<1xf32>
          %broadcast_in_dim3A_1887 = vector.broadcast %squeeze3A_1886 : f32 to vector<16xf32>
          %get3A_1888 = arith.constant 62 : i32
          %get3A_1889 = arith.index_cast %get3A_1888 : i32 to index
          %get3A_1890 = arith.constant 0 : index
          %get3A_1891 = tpu.vector_load %arg13[%get3A_1889, %get3A_1890] {strides = array<i32>} : memref<128x16xi32, #tpu.memory_space<vmem>>, vector<16xi32>,
          %shift_left3A_1892 = arith.constant 16 : i32
          %shift_left3A_1893 = vector.broadcast %shift_left3A_1892 : i32 to vector<16xi32>
          %shift_left3A_1894 = arith.shli %get3A_1891, %shift_left3A_1893 : vector<16xi32>
          %bitcast3A_1895 = vector.bitcast %shift_left3A_1894 : vector<16xi32> to vector<16xf32>
          %and3A_1896 = arith.andi %get3A_1891, %broadcast_in_dim3A_330 : vector<16xi32>
          %bitcast3A_1897 = vector.bitcast %and3A_1896 : vector<16xi32> to vector<16xf32>
          %mul3A_1898 = arith.mulf %bitcast3A_1895, %broadcast_in_dim3A_1887 : vector<16xf32>
          %swap3A_1899 = arith.constant 62 : i32
          %swap3A_1900 = arith.index_cast %rem3A_221 : i32 to index
          %swap3A_1901 = arith.index_cast %swap3A_1899 : i32 to index
          %swap3A_1902 = arith.constant 0 : index
          %swap3A_1903 = tpu.vector_load %arg14[%swap3A_1900, %swap3A_1901, %swap3A_1902] {strides = array<i32>} : memref<2x128x32xf32, #tpu.memory_space<vmem>>, vector<16xf32>,
          tpu.vector_store %arg14[%swap3A_1900, %swap3A_1901, %swap3A_1902], %mul3A_1898 {strides = array<i32>} : memref<2x128x32xf32, #tpu.memory_space<vmem>>, vector<16xf32>,
          %mul3A_1904 = arith.mulf %bitcast3A_1897, %broadcast_in_dim3A_1887 : vector<16xf32>
          %swap3A_1905 = arith.constant 62 : i32
          %swap3A_1906 = arith.index_cast %rem3A_221 : i32 to index
          %swap3A_1907 = arith.index_cast %swap3A_1905 : i32 to index
          %swap3A_1908 = arith.constant 16 : index
          %swap3A_1909 = tpu.vector_load %arg14[%swap3A_1906, %swap3A_1907, %swap3A_1908] {strides = array<i32>} : memref<2x128x32xf32, #tpu.memory_space<vmem>>, vector<16xf32>,
          tpu.vector_store %arg14[%swap3A_1906, %swap3A_1907, %swap3A_1908], %mul3A_1904 {strides = array<i32>} : memref<2x128x32xf32, #tpu.memory_space<vmem>>, vector<16xf32>,
          %slice3A_1910 = vector.extract_strided_slice %get3A_1534 {offsets = [15], sizes = [1], strides = [1]} : vector<16xf32> to vector<1xf32>
          %squeeze3A_1911 = vector.extract %slice3A_1910[0] : f32 from vector<1xf32>
          %broadcast_in_dim3A_1912 = vector.broadcast %squeeze3A_1911 : f32 to vector<16xf32>
          %get3A_1913 = arith.constant 63 : i32
          %get3A_1914 = arith.index_cast %get3A_1913 : i32 to index
          %get3A_1915 = arith.constant 0 : index
          %get3A_1916 = tpu.vector_load %arg13[%get3A_1914, %get3A_1915] {strides = array<i32>} : memref<128x16xi32, #tpu.memory_space<vmem>>, vector<16xi32>,
          %shift_left3A_1917 = arith.constant 16 : i32
          %shift_left3A_1918 = vector.broadcast %shift_left3A_1917 : i32 to vector<16xi32>
          %shift_left3A_1919 = arith.shli %get3A_1916, %shift_left3A_1918 : vector<16xi32>
          %bitcast3A_1920 = vector.bitcast %shift_left3A_1919 : vector<16xi32> to vector<16xf32>
          %and3A_1921 = arith.andi %get3A_1916, %broadcast_in_dim3A_330 : vector<16xi32>
          %bitcast3A_1922 = vector.bitcast %and3A_1921 : vector<16xi32> to vector<16xf32>
          %mul3A_1923 = arith.mulf %bitcast3A_1920, %broadcast_in_dim3A_1912 : vector<16xf32>
          %swap3A_1924 = arith.constant 63 : i32
          %swap3A_1925 = arith.index_cast %rem3A_221 : i32 to index
          %swap3A_1926 = arith.index_cast %swap3A_1924 : i32 to index
          %swap3A_1927 = arith.constant 0 : index
          %swap3A_1928 = tpu.vector_load %arg14[%swap3A_1925, %swap3A_1926, %swap3A_1927] {strides = array<i32>} : memref<2x128x32xf32, #tpu.memory_space<vmem>>, vector<16xf32>,
          tpu.vector_store %arg14[%swap3A_1925, %swap3A_1926, %swap3A_1927], %mul3A_1923 {strides = array<i32>} : memref<2x128x32xf32, #tpu.memory_space<vmem>>, vector<16xf32>,
          %mul3A_1929 = arith.mulf %bitcast3A_1922, %broadcast_in_dim3A_1912 : vector<16xf32>
          %swap3A_1930 = arith.constant 63 : i32
          %swap3A_1931 = arith.index_cast %rem3A_221 : i32 to index
          %swap3A_1932 = arith.index_cast %swap3A_1930 : i32 to index
          %swap3A_1933 = arith.constant 16 : index
          %swap3A_1934 = tpu.vector_load %arg14[%swap3A_1931, %swap3A_1932, %swap3A_1933] {strides = array<i32>} : memref<2x128x32xf32, #tpu.memory_space<vmem>>, vector<16xf32>,
          tpu.vector_store %arg14[%swap3A_1931, %swap3A_1932, %swap3A_1933], %mul3A_1929 {strides = array<i32>} : memref<2x128x32xf32, #tpu.memory_space<vmem>>, vector<16xf32>,
          %get3A_1935 = arith.constant 64 : index
          %get3A_1936 = tpu.vector_load %arg20[%get3A_1935] {strides = array<i32>} : memref<144xf32, #tpu.memory_space<vmem>>, vector<16xf32>,
          %slice3A_1937 = vector.extract_strided_slice %get3A_1936 {offsets = [0], sizes = [1], strides = [1]} : vector<16xf32> to vector<1xf32>
          %squeeze3A_1938 = vector.extract %slice3A_1937[0] : f32 from vector<1xf32>
          %broadcast_in_dim3A_1939 = vector.broadcast %squeeze3A_1938 : f32 to vector<16xf32>
          %get3A_1940 = arith.constant 64 : i32
          %get3A_1941 = arith.index_cast %get3A_1940 : i32 to index
          %get3A_1942 = arith.constant 0 : index
          %get3A_1943 = tpu.vector_load %arg13[%get3A_1941, %get3A_1942] {strides = array<i32>} : memref<128x16xi32, #tpu.memory_space<vmem>>, vector<16xi32>,
          %shift_left3A_1944 = arith.constant 16 : i32
          %shift_left3A_1945 = vector.broadcast %shift_left3A_1944 : i32 to vector<16xi32>
          %shift_left3A_1946 = arith.shli %get3A_1943, %shift_left3A_1945 : vector<16xi32>
          %bitcast3A_1947 = vector.bitcast %shift_left3A_1946 : vector<16xi32> to vector<16xf32>
          %and3A_1948 = arith.andi %get3A_1943, %broadcast_in_dim3A_330 : vector<16xi32>
          %bitcast3A_1949 = vector.bitcast %and3A_1948 : vector<16xi32> to vector<16xf32>
          %mul3A_1950 = arith.mulf %bitcast3A_1947, %broadcast_in_dim3A_1939 : vector<16xf32>
          %swap3A_1951 = arith.constant 64 : i32
          %swap3A_1952 = arith.index_cast %rem3A_221 : i32 to index
          %swap3A_1953 = arith.index_cast %swap3A_1951 : i32 to index
          %swap3A_1954 = arith.constant 0 : index
          %swap3A_1955 = tpu.vector_load %arg14[%swap3A_1952, %swap3A_1953, %swap3A_1954] {strides = array<i32>} : memref<2x128x32xf32, #tpu.memory_space<vmem>>, vector<16xf32>,
          tpu.vector_store %arg14[%swap3A_1952, %swap3A_1953, %swap3A_1954], %mul3A_1950 {strides = array<i32>} : memref<2x128x32xf32, #tpu.memory_space<vmem>>, vector<16xf32>,
          %mul3A_1956 = arith.mulf %bitcast3A_1949, %broadcast_in_dim3A_1939 : vector<16xf32>
          %swap3A_1957 = arith.constant 64 : i32
          %swap3A_1958 = arith.index_cast %rem3A_221 : i32 to index
          %swap3A_1959 = arith.index_cast %swap3A_1957 : i32 to index
          %swap3A_1960 = arith.constant 16 : index
          %swap3A_1961 = tpu.vector_load %arg14[%swap3A_1958, %swap3A_1959, %swap3A_1960] {strides = array<i32>} : memref<2x128x32xf32, #tpu.memory_space<vmem>>, vector<16xf32>,
          tpu.vector_store %arg14[%swap3A_1958, %swap3A_1959, %swap3A_1960], %mul3A_1956 {strides = array<i32>} : memref<2x128x32xf32, #tpu.memory_space<vmem>>, vector<16xf32>,
          %slice3A_1962 = vector.extract_strided_slice %get3A_1936 {offsets = [1], sizes = [1], strides = [1]} : vector<16xf32> to vector<1xf32>
          %squeeze3A_1963 = vector.extract %slice3A_1962[0] : f32 from vector<1xf32>
          %broadcast_in_dim3A_1964 = vector.broadcast %squeeze3A_1963 : f32 to vector<16xf32>
          %get3A_1965 = arith.constant 65 : i32
          %get3A_1966 = arith.index_cast %get3A_1965 : i32 to index
          %get3A_1967 = arith.constant 0 : index
          %get3A_1968 = tpu.vector_load %arg13[%get3A_1966, %get3A_1967] {strides = array<i32>} : memref<128x16xi32, #tpu.memory_space<vmem>>, vector<16xi32>,
          %shift_left3A_1969 = arith.constant 16 : i32
          %shift_left3A_1970 = vector.broadcast %shift_left3A_1969 : i32 to vector<16xi32>
          %shift_left3A_1971 = arith.shli %get3A_1968, %shift_left3A_1970 : vector<16xi32>
          %bitcast3A_1972 = vector.bitcast %shift_left3A_1971 : vector<16xi32> to vector<16xf32>
          %and3A_1973 = arith.andi %get3A_1968, %broadcast_in_dim3A_330 : vector<16xi32>
          %bitcast3A_1974 = vector.bitcast %and3A_1973 : vector<16xi32> to vector<16xf32>
          %mul3A_1975 = arith.mulf %bitcast3A_1972, %broadcast_in_dim3A_1964 : vector<16xf32>
          %swap3A_1976 = arith.constant 65 : i32
          %swap3A_1977 = arith.index_cast %rem3A_221 : i32 to index
          %swap3A_1978 = arith.index_cast %swap3A_1976 : i32 to index
          %swap3A_1979 = arith.constant 0 : index
          %swap3A_1980 = tpu.vector_load %arg14[%swap3A_1977, %swap3A_1978, %swap3A_1979] {strides = array<i32>} : memref<2x128x32xf32, #tpu.memory_space<vmem>>, vector<16xf32>,
          tpu.vector_store %arg14[%swap3A_1977, %swap3A_1978, %swap3A_1979], %mul3A_1975 {strides = array<i32>} : memref<2x128x32xf32, #tpu.memory_space<vmem>>, vector<16xf32>,
          %mul3A_1981 = arith.mulf %bitcast3A_1974, %broadcast_in_dim3A_1964 : vector<16xf32>
          %swap3A_1982 = arith.constant 65 : i32
          %swap3A_1983 = arith.index_cast %rem3A_221 : i32 to index
          %swap3A_1984 = arith.index_cast %swap3A_1982 : i32 to index
          %swap3A_1985 = arith.constant 16 : index
          %swap3A_1986 = tpu.vector_load %arg14[%swap3A_1983, %swap3A_1984, %swap3A_1985] {strides = array<i32>} : memref<2x128x32xf32, #tpu.memory_space<vmem>>, vector<16xf32>,
          tpu.vector_store %arg14[%swap3A_1983, %swap3A_1984, %swap3A_1985], %mul3A_1981 {strides = array<i32>} : memref<2x128x32xf32, #tpu.memory_space<vmem>>, vector<16xf32>,
          %slice3A_1987 = vector.extract_strided_slice %get3A_1936 {offsets = [2], sizes = [1], strides = [1]} : vector<16xf32> to vector<1xf32>
          %squeeze3A_1988 = vector.extract %slice3A_1987[0] : f32 from vector<1xf32>
          %broadcast_in_dim3A_1989 = vector.broadcast %squeeze3A_1988 : f32 to vector<16xf32>
          %get3A_1990 = arith.constant 66 : i32
          %get3A_1991 = arith.index_cast %get3A_1990 : i32 to index
          %get3A_1992 = arith.constant 0 : index
          %get3A_1993 = tpu.vector_load %arg13[%get3A_1991, %get3A_1992] {strides = array<i32>} : memref<128x16xi32, #tpu.memory_space<vmem>>, vector<16xi32>,
          %shift_left3A_1994 = arith.constant 16 : i32
          %shift_left3A_1995 = vector.broadcast %shift_left3A_1994 : i32 to vector<16xi32>
          %shift_left3A_1996 = arith.shli %get3A_1993, %shift_left3A_1995 : vector<16xi32>
          %bitcast3A_1997 = vector.bitcast %shift_left3A_1996 : vector<16xi32> to vector<16xf32>
          %and3A_1998 = arith.andi %get3A_1993, %broadcast_in_dim3A_330 : vector<16xi32>
          %bitcast3A_1999 = vector.bitcast %and3A_1998 : vector<16xi32> to vector<16xf32>
          %mul3A_2000 = arith.mulf %bitcast3A_1997, %broadcast_in_dim3A_1989 : vector<16xf32>
          %swap3A_2001 = arith.constant 66 : i32
          %swap3A_2002 = arith.index_cast %rem3A_221 : i32 to index
          %swap3A_2003 = arith.index_cast %swap3A_2001 : i32 to index
          %swap3A_2004 = arith.constant 0 : index
          %swap3A_2005 = tpu.vector_load %arg14[%swap3A_2002, %swap3A_2003, %swap3A_2004] {strides = array<i32>} : memref<2x128x32xf32, #tpu.memory_space<vmem>>, vector<16xf32>,
          tpu.vector_store %arg14[%swap3A_2002, %swap3A_2003, %swap3A_2004], %mul3A_2000 {strides = array<i32>} : memref<2x128x32xf32, #tpu.memory_space<vmem>>, vector<16xf32>,
          %mul3A_2006 = arith.mulf %bitcast3A_1999, %broadcast_in_dim3A_1989 : vector<16xf32>
          %swap3A_2007 = arith.constant 66 : i32
          %swap3A_2008 = arith.index_cast %rem3A_221 : i32 to index
          %swap3A_2009 = arith.index_cast %swap3A_2007 : i32 to index
          %swap3A_2010 = arith.constant 16 : index
          %swap3A_2011 = tpu.vector_load %arg14[%swap3A_2008, %swap3A_2009, %swap3A_2010] {strides = array<i32>} : memref<2x128x32xf32, #tpu.memory_space<vmem>>, vector<16xf32>,
          tpu.vector_store %arg14[%swap3A_2008, %swap3A_2009, %swap3A_2010], %mul3A_2006 {strides = array<i32>} : memref<2x128x32xf32, #tpu.memory_space<vmem>>, vector<16xf32>,
          %slice3A_2012 = vector.extract_strided_slice %get3A_1936 {offsets = [3], sizes = [1], strides = [1]} : vector<16xf32> to vector<1xf32>
          %squeeze3A_2013 = vector.extract %slice3A_2012[0] : f32 from vector<1xf32>
          %broadcast_in_dim3A_2014 = vector.broadcast %squeeze3A_2013 : f32 to vector<16xf32>
          %get3A_2015 = arith.constant 67 : i32
          %get3A_2016 = arith.index_cast %get3A_2015 : i32 to index
          %get3A_2017 = arith.constant 0 : index
          %get3A_2018 = tpu.vector_load %arg13[%get3A_2016, %get3A_2017] {strides = array<i32>} : memref<128x16xi32, #tpu.memory_space<vmem>>, vector<16xi32>,
          %shift_left3A_2019 = arith.constant 16 : i32
          %shift_left3A_2020 = vector.broadcast %shift_left3A_2019 : i32 to vector<16xi32>
          %shift_left3A_2021 = arith.shli %get3A_2018, %shift_left3A_2020 : vector<16xi32>
          %bitcast3A_2022 = vector.bitcast %shift_left3A_2021 : vector<16xi32> to vector<16xf32>
          %and3A_2023 = arith.andi %get3A_2018, %broadcast_in_dim3A_330 : vector<16xi32>
          %bitcast3A_2024 = vector.bitcast %and3A_2023 : vector<16xi32> to vector<16xf32>
          %mul3A_2025 = arith.mulf %bitcast3A_2022, %broadcast_in_dim3A_2014 : vector<16xf32>
          %swap3A_2026 = arith.constant 67 : i32
          %swap3A_2027 = arith.index_cast %rem3A_221 : i32 to index
          %swap3A_2028 = arith.index_cast %swap3A_2026 : i32 to index
          %swap3A_2029 = arith.constant 0 : index
          %swap3A_2030 = tpu.vector_load %arg14[%swap3A_2027, %swap3A_2028, %swap3A_2029] {strides = array<i32>} : memref<2x128x32xf32, #tpu.memory_space<vmem>>, vector<16xf32>,
          tpu.vector_store %arg14[%swap3A_2027, %swap3A_2028, %swap3A_2029], %mul3A_2025 {strides = array<i32>} : memref<2x128x32xf32, #tpu.memory_space<vmem>>, vector<16xf32>,
          %mul3A_2031 = arith.mulf %bitcast3A_2024, %broadcast_in_dim3A_2014 : vector<16xf32>
          %swap3A_2032 = arith.constant 67 : i32
          %swap3A_2033 = arith.index_cast %rem3A_221 : i32 to index
          %swap3A_2034 = arith.index_cast %swap3A_2032 : i32 to index
          %swap3A_2035 = arith.constant 16 : index
          %swap3A_2036 = tpu.vector_load %arg14[%swap3A_2033, %swap3A_2034, %swap3A_2035] {strides = array<i32>} : memref<2x128x32xf32, #tpu.memory_space<vmem>>, vector<16xf32>,
          tpu.vector_store %arg14[%swap3A_2033, %swap3A_2034, %swap3A_2035], %mul3A_2031 {strides = array<i32>} : memref<2x128x32xf32, #tpu.memory_space<vmem>>, vector<16xf32>,
          %slice3A_2037 = vector.extract_strided_slice %get3A_1936 {offsets = [4], sizes = [1], strides = [1]} : vector<16xf32> to vector<1xf32>
          %squeeze3A_2038 = vector.extract %slice3A_2037[0] : f32 from vector<1xf32>
          %broadcast_in_dim3A_2039 = vector.broadcast %squeeze3A_2038 : f32 to vector<16xf32>
          %get3A_2040 = arith.constant 68 : i32
          %get3A_2041 = arith.index_cast %get3A_2040 : i32 to index
          %get3A_2042 = arith.constant 0 : index
          %get3A_2043 = tpu.vector_load %arg13[%get3A_2041, %get3A_2042] {strides = array<i32>} : memref<128x16xi32, #tpu.memory_space<vmem>>, vector<16xi32>,
          %shift_left3A_2044 = arith.constant 16 : i32
          %shift_left3A_2045 = vector.broadcast %shift_left3A_2044 : i32 to vector<16xi32>
          %shift_left3A_2046 = arith.shli %get3A_2043, %shift_left3A_2045 : vector<16xi32>
          %bitcast3A_2047 = vector.bitcast %shift_left3A_2046 : vector<16xi32> to vector<16xf32>
          %and3A_2048 = arith.andi %get3A_2043, %broadcast_in_dim3A_330 : vector<16xi32>
          %bitcast3A_2049 = vector.bitcast %and3A_2048 : vector<16xi32> to vector<16xf32>
          %mul3A_2050 = arith.mulf %bitcast3A_2047, %broadcast_in_dim3A_2039 : vector<16xf32>
          %swap3A_2051 = arith.constant 68 : i32
          %swap3A_2052 = arith.index_cast %rem3A_221 : i32 to index
          %swap3A_2053 = arith.index_cast %swap3A_2051 : i32 to index
          %swap3A_2054 = arith.constant 0 : index
          %swap3A_2055 = tpu.vector_load %arg14[%swap3A_2052, %swap3A_2053, %swap3A_2054] {strides = array<i32>} : memref<2x128x32xf32, #tpu.memory_space<vmem>>, vector<16xf32>,
          tpu.vector_store %arg14[%swap3A_2052, %swap3A_2053, %swap3A_2054], %mul3A_2050 {strides = array<i32>} : memref<2x128x32xf32, #tpu.memory_space<vmem>>, vector<16xf32>,
          %mul3A_2056 = arith.mulf %bitcast3A_2049, %broadcast_in_dim3A_2039 : vector<16xf32>
          %swap3A_2057 = arith.constant 68 : i32
          %swap3A_2058 = arith.index_cast %rem3A_221 : i32 to index
          %swap3A_2059 = arith.index_cast %swap3A_2057 : i32 to index
          %swap3A_2060 = arith.constant 16 : index
          %swap3A_2061 = tpu.vector_load %arg14[%swap3A_2058, %swap3A_2059, %swap3A_2060] {strides = array<i32>} : memref<2x128x32xf32, #tpu.memory_space<vmem>>, vector<16xf32>,
          tpu.vector_store %arg14[%swap3A_2058, %swap3A_2059, %swap3A_2060], %mul3A_2056 {strides = array<i32>} : memref<2x128x32xf32, #tpu.memory_space<vmem>>, vector<16xf32>,
          %slice3A_2062 = vector.extract_strided_slice %get3A_1936 {offsets = [5], sizes = [1], strides = [1]} : vector<16xf32> to vector<1xf32>
          %squeeze3A_2063 = vector.extract %slice3A_2062[0] : f32 from vector<1xf32>
          %broadcast_in_dim3A_2064 = vector.broadcast %squeeze3A_2063 : f32 to vector<16xf32>
          %get3A_2065 = arith.constant 69 : i32
          %get3A_2066 = arith.index_cast %get3A_2065 : i32 to index
          %get3A_2067 = arith.constant 0 : index
          %get3A_2068 = tpu.vector_load %arg13[%get3A_2066, %get3A_2067] {strides = array<i32>} : memref<128x16xi32, #tpu.memory_space<vmem>>, vector<16xi32>,
          %shift_left3A_2069 = arith.constant 16 : i32
          %shift_left3A_2070 = vector.broadcast %shift_left3A_2069 : i32 to vector<16xi32>
          %shift_left3A_2071 = arith.shli %get3A_2068, %shift_left3A_2070 : vector<16xi32>
          %bitcast3A_2072 = vector.bitcast %shift_left3A_2071 : vector<16xi32> to vector<16xf32>
          %and3A_2073 = arith.andi %get3A_2068, %broadcast_in_dim3A_330 : vector<16xi32>
          %bitcast3A_2074 = vector.bitcast %and3A_2073 : vector<16xi32> to vector<16xf32>
          %mul3A_2075 = arith.mulf %bitcast3A_2072, %broadcast_in_dim3A_2064 : vector<16xf32>
          %swap3A_2076 = arith.constant 69 : i32
          %swap3A_2077 = arith.index_cast %rem3A_221 : i32 to index
          %swap3A_2078 = arith.index_cast %swap3A_2076 : i32 to index
          %swap3A_2079 = arith.constant 0 : index
          %swap3A_2080 = tpu.vector_load %arg14[%swap3A_2077, %swap3A_2078, %swap3A_2079] {strides = array<i32>} : memref<2x128x32xf32, #tpu.memory_space<vmem>>, vector<16xf32>,
          tpu.vector_store %arg14[%swap3A_2077, %swap3A_2078, %swap3A_2079], %mul3A_2075 {strides = array<i32>} : memref<2x128x32xf32, #tpu.memory_space<vmem>>, vector<16xf32>,
          %mul3A_2081 = arith.mulf %bitcast3A_2074, %broadcast_in_dim3A_2064 : vector<16xf32>
          %swap3A_2082 = arith.constant 69 : i32
          %swap3A_2083 = arith.index_cast %rem3A_221 : i32 to index
          %swap3A_2084 = arith.index_cast %swap3A_2082 : i32 to index
          %swap3A_2085 = arith.constant 16 : index
          %swap3A_2086 = tpu.vector_load %arg14[%swap3A_2083, %swap3A_2084, %swap3A_2085] {strides = array<i32>} : memref<2x128x32xf32, #tpu.memory_space<vmem>>, vector<16xf32>,
          tpu.vector_store %arg14[%swap3A_2083, %swap3A_2084, %swap3A_2085], %mul3A_2081 {strides = array<i32>} : memref<2x128x32xf32, #tpu.memory_space<vmem>>, vector<16xf32>,
          %slice3A_2087 = vector.extract_strided_slice %get3A_1936 {offsets = [6], sizes = [1], strides = [1]} : vector<16xf32> to vector<1xf32>
          %squeeze3A_2088 = vector.extract %slice3A_2087[0] : f32 from vector<1xf32>
          %broadcast_in_dim3A_2089 = vector.broadcast %squeeze3A_2088 : f32 to vector<16xf32>
          %get3A_2090 = arith.constant 70 : i32
          %get3A_2091 = arith.index_cast %get3A_2090 : i32 to index
          %get3A_2092 = arith.constant 0 : index
          %get3A_2093 = tpu.vector_load %arg13[%get3A_2091, %get3A_2092] {strides = array<i32>} : memref<128x16xi32, #tpu.memory_space<vmem>>, vector<16xi32>,
          %shift_left3A_2094 = arith.constant 16 : i32
          %shift_left3A_2095 = vector.broadcast %shift_left3A_2094 : i32 to vector<16xi32>
          %shift_left3A_2096 = arith.shli %get3A_2093, %shift_left3A_2095 : vector<16xi32>
          %bitcast3A_2097 = vector.bitcast %shift_left3A_2096 : vector<16xi32> to vector<16xf32>
          %and3A_2098 = arith.andi %get3A_2093, %broadcast_in_dim3A_330 : vector<16xi32>
          %bitcast3A_2099 = vector.bitcast %and3A_2098 : vector<16xi32> to vector<16xf32>
          %mul3A_2100 = arith.mulf %bitcast3A_2097, %broadcast_in_dim3A_2089 : vector<16xf32>
          %swap3A_2101 = arith.constant 70 : i32
          %swap3A_2102 = arith.index_cast %rem3A_221 : i32 to index
          %swap3A_2103 = arith.index_cast %swap3A_2101 : i32 to index
          %swap3A_2104 = arith.constant 0 : index
          %swap3A_2105 = tpu.vector_load %arg14[%swap3A_2102, %swap3A_2103, %swap3A_2104] {strides = array<i32>} : memref<2x128x32xf32, #tpu.memory_space<vmem>>, vector<16xf32>,
          tpu.vector_store %arg14[%swap3A_2102, %swap3A_2103, %swap3A_2104], %mul3A_2100 {strides = array<i32>} : memref<2x128x32xf32, #tpu.memory_space<vmem>>, vector<16xf32>,
          %mul3A_2106 = arith.mulf %bitcast3A_2099, %broadcast_in_dim3A_2089 : vector<16xf32>
          %swap3A_2107 = arith.constant 70 : i32
          %swap3A_2108 = arith.index_cast %rem3A_221 : i32 to index
          %swap3A_2109 = arith.index_cast %swap3A_2107 : i32 to index
          %swap3A_2110 = arith.constant 16 : index
          %swap3A_2111 = tpu.vector_load %arg14[%swap3A_2108, %swap3A_2109, %swap3A_2110] {strides = array<i32>} : memref<2x128x32xf32, #tpu.memory_space<vmem>>, vector<16xf32>,
          tpu.vector_store %arg14[%swap3A_2108, %swap3A_2109, %swap3A_2110], %mul3A_2106 {strides = array<i32>} : memref<2x128x32xf32, #tpu.memory_space<vmem>>, vector<16xf32>,
          %slice3A_2112 = vector.extract_strided_slice %get3A_1936 {offsets = [7], sizes = [1], strides = [1]} : vector<16xf32> to vector<1xf32>
          %squeeze3A_2113 = vector.extract %slice3A_2112[0] : f32 from vector<1xf32>
          %broadcast_in_dim3A_2114 = vector.broadcast %squeeze3A_2113 : f32 to vector<16xf32>
          %get3A_2115 = arith.constant 71 : i32
          %get3A_2116 = arith.index_cast %get3A_2115 : i32 to index
          %get3A_2117 = arith.constant 0 : index
          %get3A_2118 = tpu.vector_load %arg13[%get3A_2116, %get3A_2117] {strides = array<i32>} : memref<128x16xi32, #tpu.memory_space<vmem>>, vector<16xi32>,
          %shift_left3A_2119 = arith.constant 16 : i32
          %shift_left3A_2120 = vector.broadcast %shift_left3A_2119 : i32 to vector<16xi32>
          %shift_left3A_2121 = arith.shli %get3A_2118, %shift_left3A_2120 : vector<16xi32>
          %bitcast3A_2122 = vector.bitcast %shift_left3A_2121 : vector<16xi32> to vector<16xf32>
          %and3A_2123 = arith.andi %get3A_2118, %broadcast_in_dim3A_330 : vector<16xi32>
          %bitcast3A_2124 = vector.bitcast %and3A_2123 : vector<16xi32> to vector<16xf32>
          %mul3A_2125 = arith.mulf %bitcast3A_2122, %broadcast_in_dim3A_2114 : vector<16xf32>
          %swap3A_2126 = arith.constant 71 : i32
          %swap3A_2127 = arith.index_cast %rem3A_221 : i32 to index
          %swap3A_2128 = arith.index_cast %swap3A_2126 : i32 to index
          %swap3A_2129 = arith.constant 0 : index
          %swap3A_2130 = tpu.vector_load %arg14[%swap3A_2127, %swap3A_2128, %swap3A_2129] {strides = array<i32>} : memref<2x128x32xf32, #tpu.memory_space<vmem>>, vector<16xf32>,
          tpu.vector_store %arg14[%swap3A_2127, %swap3A_2128, %swap3A_2129], %mul3A_2125 {strides = array<i32>} : memref<2x128x32xf32, #tpu.memory_space<vmem>>, vector<16xf32>,
          %mul3A_2131 = arith.mulf %bitcast3A_2124, %broadcast_in_dim3A_2114 : vector<16xf32>
          %swap3A_2132 = arith.constant 71 : i32
          %swap3A_2133 = arith.index_cast %rem3A_221 : i32 to index
          %swap3A_2134 = arith.index_cast %swap3A_2132 : i32 to index
          %swap3A_2135 = arith.constant 16 : index
          %swap3A_2136 = tpu.vector_load %arg14[%swap3A_2133, %swap3A_2134, %swap3A_2135] {strides = array<i32>} : memref<2x128x32xf32, #tpu.memory_space<vmem>>, vector<16xf32>,
          tpu.vector_store %arg14[%swap3A_2133, %swap3A_2134, %swap3A_2135], %mul3A_2131 {strides = array<i32>} : memref<2x128x32xf32, #tpu.memory_space<vmem>>, vector<16xf32>,
          %slice3A_2137 = vector.extract_strided_slice %get3A_1936 {offsets = [8], sizes = [1], strides = [1]} : vector<16xf32> to vector<1xf32>
          %squeeze3A_2138 = vector.extract %slice3A_2137[0] : f32 from vector<1xf32>
          %broadcast_in_dim3A_2139 = vector.broadcast %squeeze3A_2138 : f32 to vector<16xf32>
          %get3A_2140 = arith.constant 72 : i32
          %get3A_2141 = arith.index_cast %get3A_2140 : i32 to index
          %get3A_2142 = arith.constant 0 : index
          %get3A_2143 = tpu.vector_load %arg13[%get3A_2141, %get3A_2142] {strides = array<i32>} : memref<128x16xi32, #tpu.memory_space<vmem>>, vector<16xi32>,
          %shift_left3A_2144 = arith.constant 16 : i32
          %shift_left3A_2145 = vector.broadcast %shift_left3A_2144 : i32 to vector<16xi32>
          %shift_left3A_2146 = arith.shli %get3A_2143, %shift_left3A_2145 : vector<16xi32>
          %bitcast3A_2147 = vector.bitcast %shift_left3A_2146 : vector<16xi32> to vector<16xf32>
          %and3A_2148 = arith.andi %get3A_2143, %broadcast_in_dim3A_330 : vector<16xi32>
          %bitcast3A_2149 = vector.bitcast %and3A_2148 : vector<16xi32> to vector<16xf32>
          %mul3A_2150 = arith.mulf %bitcast3A_2147, %broadcast_in_dim3A_2139 : vector<16xf32>
          %swap3A_2151 = arith.constant 72 : i32
          %swap3A_2152 = arith.index_cast %rem3A_221 : i32 to index
          %swap3A_2153 = arith.index_cast %swap3A_2151 : i32 to index
          %swap3A_2154 = arith.constant 0 : index
          %swap3A_2155 = tpu.vector_load %arg14[%swap3A_2152, %swap3A_2153, %swap3A_2154] {strides = array<i32>} : memref<2x128x32xf32, #tpu.memory_space<vmem>>, vector<16xf32>,
          tpu.vector_store %arg14[%swap3A_2152, %swap3A_2153, %swap3A_2154], %mul3A_2150 {strides = array<i32>} : memref<2x128x32xf32, #tpu.memory_space<vmem>>, vector<16xf32>,
          %mul3A_2156 = arith.mulf %bitcast3A_2149, %broadcast_in_dim3A_2139 : vector<16xf32>
          %swap3A_2157 = arith.constant 72 : i32
          %swap3A_2158 = arith.index_cast %rem3A_221 : i32 to index
          %swap3A_2159 = arith.index_cast %swap3A_2157 : i32 to index
          %swap3A_2160 = arith.constant 16 : index
          %swap3A_2161 = tpu.vector_load %arg14[%swap3A_2158, %swap3A_2159, %swap3A_2160] {strides = array<i32>} : memref<2x128x32xf32, #tpu.memory_space<vmem>>, vector<16xf32>,
          tpu.vector_store %arg14[%swap3A_2158, %swap3A_2159, %swap3A_2160], %mul3A_2156 {strides = array<i32>} : memref<2x128x32xf32, #tpu.memory_space<vmem>>, vector<16xf32>,
          %slice3A_2162 = vector.extract_strided_slice %get3A_1936 {offsets = [9], sizes = [1], strides = [1]} : vector<16xf32> to vector<1xf32>
          %squeeze3A_2163 = vector.extract %slice3A_2162[0] : f32 from vector<1xf32>
          %broadcast_in_dim3A_2164 = vector.broadcast %squeeze3A_2163 : f32 to vector<16xf32>
          %get3A_2165 = arith.constant 73 : i32
          %get3A_2166 = arith.index_cast %get3A_2165 : i32 to index
          %get3A_2167 = arith.constant 0 : index
          %get3A_2168 = tpu.vector_load %arg13[%get3A_2166, %get3A_2167] {strides = array<i32>} : memref<128x16xi32, #tpu.memory_space<vmem>>, vector<16xi32>,
          %shift_left3A_2169 = arith.constant 16 : i32
          %shift_left3A_2170 = vector.broadcast %shift_left3A_2169 : i32 to vector<16xi32>
          %shift_left3A_2171 = arith.shli %get3A_2168, %shift_left3A_2170 : vector<16xi32>
          %bitcast3A_2172 = vector.bitcast %shift_left3A_2171 : vector<16xi32> to vector<16xf32>
          %and3A_2173 = arith.andi %get3A_2168, %broadcast_in_dim3A_330 : vector<16xi32>
          %bitcast3A_2174 = vector.bitcast %and3A_2173 : vector<16xi32> to vector<16xf32>
          %mul3A_2175 = arith.mulf %bitcast3A_2172, %broadcast_in_dim3A_2164 : vector<16xf32>
          %swap3A_2176 = arith.constant 73 : i32
          %swap3A_2177 = arith.index_cast %rem3A_221 : i32 to index
          %swap3A_2178 = arith.index_cast %swap3A_2176 : i32 to index
          %swap3A_2179 = arith.constant 0 : index
          %swap3A_2180 = tpu.vector_load %arg14[%swap3A_2177, %swap3A_2178, %swap3A_2179] {strides = array<i32>} : memref<2x128x32xf32, #tpu.memory_space<vmem>>, vector<16xf32>,
          tpu.vector_store %arg14[%swap3A_2177, %swap3A_2178, %swap3A_2179], %mul3A_2175 {strides = array<i32>} : memref<2x128x32xf32, #tpu.memory_space<vmem>>, vector<16xf32>,
          %mul3A_2181 = arith.mulf %bitcast3A_2174, %broadcast_in_dim3A_2164 : vector<16xf32>
          %swap3A_2182 = arith.constant 73 : i32
          %swap3A_2183 = arith.index_cast %rem3A_221 : i32 to index
          %swap3A_2184 = arith.index_cast %swap3A_2182 : i32 to index
          %swap3A_2185 = arith.constant 16 : index
          %swap3A_2186 = tpu.vector_load %arg14[%swap3A_2183, %swap3A_2184, %swap3A_2185] {strides = array<i32>} : memref<2x128x32xf32, #tpu.memory_space<vmem>>, vector<16xf32>,
          tpu.vector_store %arg14[%swap3A_2183, %swap3A_2184, %swap3A_2185], %mul3A_2181 {strides = array<i32>} : memref<2x128x32xf32, #tpu.memory_space<vmem>>, vector<16xf32>,
          %slice3A_2187 = vector.extract_strided_slice %get3A_1936 {offsets = [10], sizes = [1], strides = [1]} : vector<16xf32> to vector<1xf32>
          %squeeze3A_2188 = vector.extract %slice3A_2187[0] : f32 from vector<1xf32>
          %broadcast_in_dim3A_2189 = vector.broadcast %squeeze3A_2188 : f32 to vector<16xf32>
          %get3A_2190 = arith.constant 74 : i32
          %get3A_2191 = arith.index_cast %get3A_2190 : i32 to index
          %get3A_2192 = arith.constant 0 : index
          %get3A_2193 = tpu.vector_load %arg13[%get3A_2191, %get3A_2192] {strides = array<i32>} : memref<128x16xi32, #tpu.memory_space<vmem>>, vector<16xi32>,
          %shift_left3A_2194 = arith.constant 16 : i32
          %shift_left3A_2195 = vector.broadcast %shift_left3A_2194 : i32 to vector<16xi32>
          %shift_left3A_2196 = arith.shli %get3A_2193, %shift_left3A_2195 : vector<16xi32>
          %bitcast3A_2197 = vector.bitcast %shift_left3A_2196 : vector<16xi32> to vector<16xf32>
          %and3A_2198 = arith.andi %get3A_2193, %broadcast_in_dim3A_330 : vector<16xi32>
          %bitcast3A_2199 = vector.bitcast %and3A_2198 : vector<16xi32> to vector<16xf32>
          %mul3A_2200 = arith.mulf %bitcast3A_2197, %broadcast_in_dim3A_2189 : vector<16xf32>
          %swap3A_2201 = arith.constant 74 : i32
          %swap3A_2202 = arith.index_cast %rem3A_221 : i32 to index
          %swap3A_2203 = arith.index_cast %swap3A_2201 : i32 to index
          %swap3A_2204 = arith.constant 0 : index
          %swap3A_2205 = tpu.vector_load %arg14[%swap3A_2202, %swap3A_2203, %swap3A_2204] {strides = array<i32>} : memref<2x128x32xf32, #tpu.memory_space<vmem>>, vector<16xf32>,
          tpu.vector_store %arg14[%swap3A_2202, %swap3A_2203, %swap3A_2204], %mul3A_2200 {strides = array<i32>} : memref<2x128x32xf32, #tpu.memory_space<vmem>>, vector<16xf32>,
          %mul3A_2206 = arith.mulf %bitcast3A_2199, %broadcast_in_dim3A_2189 : vector<16xf32>
          %swap3A_2207 = arith.constant 74 : i32
          %swap3A_2208 = arith.index_cast %rem3A_221 : i32 to index
          %swap3A_2209 = arith.index_cast %swap3A_2207 : i32 to index
          %swap3A_2210 = arith.constant 16 : index
          %swap3A_2211 = tpu.vector_load %arg14[%swap3A_2208, %swap3A_2209, %swap3A_2210] {strides = array<i32>} : memref<2x128x32xf32, #tpu.memory_space<vmem>>, vector<16xf32>,
          tpu.vector_store %arg14[%swap3A_2208, %swap3A_2209, %swap3A_2210], %mul3A_2206 {strides = array<i32>} : memref<2x128x32xf32, #tpu.memory_space<vmem>>, vector<16xf32>,
          %slice3A_2212 = vector.extract_strided_slice %get3A_1936 {offsets = [11], sizes = [1], strides = [1]} : vector<16xf32> to vector<1xf32>
          %squeeze3A_2213 = vector.extract %slice3A_2212[0] : f32 from vector<1xf32>
          %broadcast_in_dim3A_2214 = vector.broadcast %squeeze3A_2213 : f32 to vector<16xf32>
          %get3A_2215 = arith.constant 75 : i32
          %get3A_2216 = arith.index_cast %get3A_2215 : i32 to index
          %get3A_2217 = arith.constant 0 : index
          %get3A_2218 = tpu.vector_load %arg13[%get3A_2216, %get3A_2217] {strides = array<i32>} : memref<128x16xi32, #tpu.memory_space<vmem>>, vector<16xi32>,
          %shift_left3A_2219 = arith.constant 16 : i32
          %shift_left3A_2220 = vector.broadcast %shift_left3A_2219 : i32 to vector<16xi32>
          %shift_left3A_2221 = arith.shli %get3A_2218, %shift_left3A_2220 : vector<16xi32>
          %bitcast3A_2222 = vector.bitcast %shift_left3A_2221 : vector<16xi32> to vector<16xf32>
          %and3A_2223 = arith.andi %get3A_2218, %broadcast_in_dim3A_330 : vector<16xi32>
          %bitcast3A_2224 = vector.bitcast %and3A_2223 : vector<16xi32> to vector<16xf32>
          %mul3A_2225 = arith.mulf %bitcast3A_2222, %broadcast_in_dim3A_2214 : vector<16xf32>
          %swap3A_2226 = arith.constant 75 : i32
          %swap3A_2227 = arith.index_cast %rem3A_221 : i32 to index
          %swap3A_2228 = arith.index_cast %swap3A_2226 : i32 to index
          %swap3A_2229 = arith.constant 0 : index
          %swap3A_2230 = tpu.vector_load %arg14[%swap3A_2227, %swap3A_2228, %swap3A_2229] {strides = array<i32>} : memref<2x128x32xf32, #tpu.memory_space<vmem>>, vector<16xf32>,
          tpu.vector_store %arg14[%swap3A_2227, %swap3A_2228, %swap3A_2229], %mul3A_2225 {strides = array<i32>} : memref<2x128x32xf32, #tpu.memory_space<vmem>>, vector<16xf32>,
          %mul3A_2231 = arith.mulf %bitcast3A_2224, %broadcast_in_dim3A_2214 : vector<16xf32>
          %swap3A_2232 = arith.constant 75 : i32
          %swap3A_2233 = arith.index_cast %rem3A_221 : i32 to index
          %swap3A_2234 = arith.index_cast %swap3A_2232 : i32 to index
          %swap3A_2235 = arith.constant 16 : index
          %swap3A_2236 = tpu.vector_load %arg14[%swap3A_2233, %swap3A_2234, %swap3A_2235] {strides = array<i32>} : memref<2x128x32xf32, #tpu.memory_space<vmem>>, vector<16xf32>,
          tpu.vector_store %arg14[%swap3A_2233, %swap3A_2234, %swap3A_2235], %mul3A_2231 {strides = array<i32>} : memref<2x128x32xf32, #tpu.memory_space<vmem>>, vector<16xf32>,
          %slice3A_2237 = vector.extract_strided_slice %get3A_1936 {offsets = [12], sizes = [1], strides = [1]} : vector<16xf32> to vector<1xf32>
          %squeeze3A_2238 = vector.extract %slice3A_2237[0] : f32 from vector<1xf32>
          %broadcast_in_dim3A_2239 = vector.broadcast %squeeze3A_2238 : f32 to vector<16xf32>
          %get3A_2240 = arith.constant 76 : i32
          %get3A_2241 = arith.index_cast %get3A_2240 : i32 to index
          %get3A_2242 = arith.constant 0 : index
          %get3A_2243 = tpu.vector_load %arg13[%get3A_2241, %get3A_2242] {strides = array<i32>} : memref<128x16xi32, #tpu.memory_space<vmem>>, vector<16xi32>,
          %shift_left3A_2244 = arith.constant 16 : i32
          %shift_left3A_2245 = vector.broadcast %shift_left3A_2244 : i32 to vector<16xi32>
          %shift_left3A_2246 = arith.shli %get3A_2243, %shift_left3A_2245 : vector<16xi32>
          %bitcast3A_2247 = vector.bitcast %shift_left3A_2246 : vector<16xi32> to vector<16xf32>
          %and3A_2248 = arith.andi %get3A_2243, %broadcast_in_dim3A_330 : vector<16xi32>
          %bitcast3A_2249 = vector.bitcast %and3A_2248 : vector<16xi32> to vector<16xf32>
          %mul3A_2250 = arith.mulf %bitcast3A_2247, %broadcast_in_dim3A_2239 : vector<16xf32>
          %swap3A_2251 = arith.constant 76 : i32
          %swap3A_2252 = arith.index_cast %rem3A_221 : i32 to index
          %swap3A_2253 = arith.index_cast %swap3A_2251 : i32 to index
          %swap3A_2254 = arith.constant 0 : index
          %swap3A_2255 = tpu.vector_load %arg14[%swap3A_2252, %swap3A_2253, %swap3A_2254] {strides = array<i32>} : memref<2x128x32xf32, #tpu.memory_space<vmem>>, vector<16xf32>,
          tpu.vector_store %arg14[%swap3A_2252, %swap3A_2253, %swap3A_2254], %mul3A_2250 {strides = array<i32>} : memref<2x128x32xf32, #tpu.memory_space<vmem>>, vector<16xf32>,
          %mul3A_2256 = arith.mulf %bitcast3A_2249, %broadcast_in_dim3A_2239 : vector<16xf32>
          %swap3A_2257 = arith.constant 76 : i32
          %swap3A_2258 = arith.index_cast %rem3A_221 : i32 to index
          %swap3A_2259 = arith.index_cast %swap3A_2257 : i32 to index
          %swap3A_2260 = arith.constant 16 : index
          %swap3A_2261 = tpu.vector_load %arg14[%swap3A_2258, %swap3A_2259, %swap3A_2260] {strides = array<i32>} : memref<2x128x32xf32, #tpu.memory_space<vmem>>, vector<16xf32>,
          tpu.vector_store %arg14[%swap3A_2258, %swap3A_2259, %swap3A_2260], %mul3A_2256 {strides = array<i32>} : memref<2x128x32xf32, #tpu.memory_space<vmem>>, vector<16xf32>,
          %slice3A_2262 = vector.extract_strided_slice %get3A_1936 {offsets = [13], sizes = [1], strides = [1]} : vector<16xf32> to vector<1xf32>
          %squeeze3A_2263 = vector.extract %slice3A_2262[0] : f32 from vector<1xf32>
          %broadcast_in_dim3A_2264 = vector.broadcast %squeeze3A_2263 : f32 to vector<16xf32>
          %get3A_2265 = arith.constant 77 : i32
          %get3A_2266 = arith.index_cast %get3A_2265 : i32 to index
          %get3A_2267 = arith.constant 0 : index
          %get3A_2268 = tpu.vector_load %arg13[%get3A_2266, %get3A_2267] {strides = array<i32>} : memref<128x16xi32, #tpu.memory_space<vmem>>, vector<16xi32>,
          %shift_left3A_2269 = arith.constant 16 : i32
          %shift_left3A_2270 = vector.broadcast %shift_left3A_2269 : i32 to vector<16xi32>
          %shift_left3A_2271 = arith.shli %get3A_2268, %shift_left3A_2270 : vector<16xi32>
          %bitcast3A_2272 = vector.bitcast %shift_left3A_2271 : vector<16xi32> to vector<16xf32>
          %and3A_2273 = arith.andi %get3A_2268, %broadcast_in_dim3A_330 : vector<16xi32>
          %bitcast3A_2274 = vector.bitcast %and3A_2273 : vector<16xi32> to vector<16xf32>
          %mul3A_2275 = arith.mulf %bitcast3A_2272, %broadcast_in_dim3A_2264 : vector<16xf32>
          %swap3A_2276 = arith.constant 77 : i32
          %swap3A_2277 = arith.index_cast %rem3A_221 : i32 to index
          %swap3A_2278 = arith.index_cast %swap3A_2276 : i32 to index
          %swap3A_2279 = arith.constant 0 : index
          %swap3A_2280 = tpu.vector_load %arg14[%swap3A_2277, %swap3A_2278, %swap3A_2279] {strides = array<i32>} : memref<2x128x32xf32, #tpu.memory_space<vmem>>, vector<16xf32>,
          tpu.vector_store %arg14[%swap3A_2277, %swap3A_2278, %swap3A_2279], %mul3A_2275 {strides = array<i32>} : memref<2x128x32xf32, #tpu.memory_space<vmem>>, vector<16xf32>,
          %mul3A_2281 = arith.mulf %bitcast3A_2274, %broadcast_in_dim3A_2264 : vector<16xf32>
          %swap3A_2282 = arith.constant 77 : i32
          %swap3A_2283 = arith.index_cast %rem3A_221 : i32 to index
          %swap3A_2284 = arith.index_cast %swap3A_2282 : i32 to index
          %swap3A_2285 = arith.constant 16 : index
          %swap3A_2286 = tpu.vector_load %arg14[%swap3A_2283, %swap3A_2284, %swap3A_2285] {strides = array<i32>} : memref<2x128x32xf32, #tpu.memory_space<vmem>>, vector<16xf32>,
          tpu.vector_store %arg14[%swap3A_2283, %swap3A_2284, %swap3A_2285], %mul3A_2281 {strides = array<i32>} : memref<2x128x32xf32, #tpu.memory_space<vmem>>, vector<16xf32>,
          %slice3A_2287 = vector.extract_strided_slice %get3A_1936 {offsets = [14], sizes = [1], strides = [1]} : vector<16xf32> to vector<1xf32>
          %squeeze3A_2288 = vector.extract %slice3A_2287[0] : f32 from vector<1xf32>
          %broadcast_in_dim3A_2289 = vector.broadcast %squeeze3A_2288 : f32 to vector<16xf32>
          %get3A_2290 = arith.constant 78 : i32
          %get3A_2291 = arith.index_cast %get3A_2290 : i32 to index
          %get3A_2292 = arith.constant 0 : index
          %get3A_2293 = tpu.vector_load %arg13[%get3A_2291, %get3A_2292] {strides = array<i32>} : memref<128x16xi32, #tpu.memory_space<vmem>>, vector<16xi32>,
          %shift_left3A_2294 = arith.constant 16 : i32
          %shift_left3A_2295 = vector.broadcast %shift_left3A_2294 : i32 to vector<16xi32>
          %shift_left3A_2296 = arith.shli %get3A_2293, %shift_left3A_2295 : vector<16xi32>
          %bitcast3A_2297 = vector.bitcast %shift_left3A_2296 : vector<16xi32> to vector<16xf32>
          %and3A_2298 = arith.andi %get3A_2293, %broadcast_in_dim3A_330 : vector<16xi32>
          %bitcast3A_2299 = vector.bitcast %and3A_2298 : vector<16xi32> to vector<16xf32>
          %mul3A_2300 = arith.mulf %bitcast3A_2297, %broadcast_in_dim3A_2289 : vector<16xf32>
          %swap3A_2301 = arith.constant 78 : i32
          %swap3A_2302 = arith.index_cast %rem3A_221 : i32 to index
          %swap3A_2303 = arith.index_cast %swap3A_2301 : i32 to index
          %swap3A_2304 = arith.constant 0 : index
          %swap3A_2305 = tpu.vector_load %arg14[%swap3A_2302, %swap3A_2303, %swap3A_2304] {strides = array<i32>} : memref<2x128x32xf32, #tpu.memory_space<vmem>>, vector<16xf32>,
          tpu.vector_store %arg14[%swap3A_2302, %swap3A_2303, %swap3A_2304], %mul3A_2300 {strides = array<i32>} : memref<2x128x32xf32, #tpu.memory_space<vmem>>, vector<16xf32>,
          %mul3A_2306 = arith.mulf %bitcast3A_2299, %broadcast_in_dim3A_2289 : vector<16xf32>
          %swap3A_2307 = arith.constant 78 : i32
          %swap3A_2308 = arith.index_cast %rem3A_221 : i32 to index
          %swap3A_2309 = arith.index_cast %swap3A_2307 : i32 to index
          %swap3A_2310 = arith.constant 16 : index
          %swap3A_2311 = tpu.vector_load %arg14[%swap3A_2308, %swap3A_2309, %swap3A_2310] {strides = array<i32>} : memref<2x128x32xf32, #tpu.memory_space<vmem>>, vector<16xf32>,
          tpu.vector_store %arg14[%swap3A_2308, %swap3A_2309, %swap3A_2310], %mul3A_2306 {strides = array<i32>} : memref<2x128x32xf32, #tpu.memory_space<vmem>>, vector<16xf32>,
          %slice3A_2312 = vector.extract_strided_slice %get3A_1936 {offsets = [15], sizes = [1], strides = [1]} : vector<16xf32> to vector<1xf32>
          %squeeze3A_2313 = vector.extract %slice3A_2312[0] : f32 from vector<1xf32>
          %broadcast_in_dim3A_2314 = vector.broadcast %squeeze3A_2313 : f32 to vector<16xf32>
          %get3A_2315 = arith.constant 79 : i32
          %get3A_2316 = arith.index_cast %get3A_2315 : i32 to index
          %get3A_2317 = arith.constant 0 : index
          %get3A_2318 = tpu.vector_load %arg13[%get3A_2316, %get3A_2317] {strides = array<i32>} : memref<128x16xi32, #tpu.memory_space<vmem>>, vector<16xi32>,
          %shift_left3A_2319 = arith.constant 16 : i32
          %shift_left3A_2320 = vector.broadcast %shift_left3A_2319 : i32 to vector<16xi32>
          %shift_left3A_2321 = arith.shli %get3A_2318, %shift_left3A_2320 : vector<16xi32>
          %bitcast3A_2322 = vector.bitcast %shift_left3A_2321 : vector<16xi32> to vector<16xf32>
          %and3A_2323 = arith.andi %get3A_2318, %broadcast_in_dim3A_330 : vector<16xi32>
          %bitcast3A_2324 = vector.bitcast %and3A_2323 : vector<16xi32> to vector<16xf32>
          %mul3A_2325 = arith.mulf %bitcast3A_2322, %broadcast_in_dim3A_2314 : vector<16xf32>
          %swap3A_2326 = arith.constant 79 : i32
          %swap3A_2327 = arith.index_cast %rem3A_221 : i32 to index
          %swap3A_2328 = arith.index_cast %swap3A_2326 : i32 to index
          %swap3A_2329 = arith.constant 0 : index
          %swap3A_2330 = tpu.vector_load %arg14[%swap3A_2327, %swap3A_2328, %swap3A_2329] {strides = array<i32>} : memref<2x128x32xf32, #tpu.memory_space<vmem>>, vector<16xf32>,
          tpu.vector_store %arg14[%swap3A_2327, %swap3A_2328, %swap3A_2329], %mul3A_2325 {strides = array<i32>} : memref<2x128x32xf32, #tpu.memory_space<vmem>>, vector<16xf32>,
          %mul3A_2331 = arith.mulf %bitcast3A_2324, %broadcast_in_dim3A_2314 : vector<16xf32>
          %swap3A_2332 = arith.constant 79 : i32
          %swap3A_2333 = arith.index_cast %rem3A_221 : i32 to index
          %swap3A_2334 = arith.index_cast %swap3A_2332 : i32 to index
          %swap3A_2335 = arith.constant 16 : index
          %swap3A_2336 = tpu.vector_load %arg14[%swap3A_2333, %swap3A_2334, %swap3A_2335] {strides = array<i32>} : memref<2x128x32xf32, #tpu.memory_space<vmem>>, vector<16xf32>,
          tpu.vector_store %arg14[%swap3A_2333, %swap3A_2334, %swap3A_2335], %mul3A_2331 {strides = array<i32>} : memref<2x128x32xf32, #tpu.memory_space<vmem>>, vector<16xf32>,
          %get3A_2337 = arith.constant 80 : index
          %get3A_2338 = tpu.vector_load %arg20[%get3A_2337] {strides = array<i32>} : memref<144xf32, #tpu.memory_space<vmem>>, vector<16xf32>,
          %slice3A_2339 = vector.extract_strided_slice %get3A_2338 {offsets = [0], sizes = [1], strides = [1]} : vector<16xf32> to vector<1xf32>
          %squeeze3A_2340 = vector.extract %slice3A_2339[0] : f32 from vector<1xf32>
          %broadcast_in_dim3A_2341 = vector.broadcast %squeeze3A_2340 : f32 to vector<16xf32>
          %get3A_2342 = arith.constant 80 : i32
          %get3A_2343 = arith.index_cast %get3A_2342 : i32 to index
          %get3A_2344 = arith.constant 0 : index
          %get3A_2345 = tpu.vector_load %arg13[%get3A_2343, %get3A_2344] {strides = array<i32>} : memref<128x16xi32, #tpu.memory_space<vmem>>, vector<16xi32>,
          %shift_left3A_2346 = arith.constant 16 : i32
          %shift_left3A_2347 = vector.broadcast %shift_left3A_2346 : i32 to vector<16xi32>
          %shift_left3A_2348 = arith.shli %get3A_2345, %shift_left3A_2347 : vector<16xi32>
          %bitcast3A_2349 = vector.bitcast %shift_left3A_2348 : vector<16xi32> to vector<16xf32>
          %and3A_2350 = arith.andi %get3A_2345, %broadcast_in_dim3A_330 : vector<16xi32>
          %bitcast3A_2351 = vector.bitcast %and3A_2350 : vector<16xi32> to vector<16xf32>
          %mul3A_2352 = arith.mulf %bitcast3A_2349, %broadcast_in_dim3A_2341 : vector<16xf32>
          %swap3A_2353 = arith.constant 80 : i32
          %swap3A_2354 = arith.index_cast %rem3A_221 : i32 to index
          %swap3A_2355 = arith.index_cast %swap3A_2353 : i32 to index
          %swap3A_2356 = arith.constant 0 : index
          %swap3A_2357 = tpu.vector_load %arg14[%swap3A_2354, %swap3A_2355, %swap3A_2356] {strides = array<i32>} : memref<2x128x32xf32, #tpu.memory_space<vmem>>, vector<16xf32>,
          tpu.vector_store %arg14[%swap3A_2354, %swap3A_2355, %swap3A_2356], %mul3A_2352 {strides = array<i32>} : memref<2x128x32xf32, #tpu.memory_space<vmem>>, vector<16xf32>,
          %mul3A_2358 = arith.mulf %bitcast3A_2351, %broadcast_in_dim3A_2341 : vector<16xf32>
          %swap3A_2359 = arith.constant 80 : i32
          %swap3A_2360 = arith.index_cast %rem3A_221 : i32 to index
          %swap3A_2361 = arith.index_cast %swap3A_2359 : i32 to index
          %swap3A_2362 = arith.constant 16 : index
          %swap3A_2363 = tpu.vector_load %arg14[%swap3A_2360, %swap3A_2361, %swap3A_2362] {strides = array<i32>} : memref<2x128x32xf32, #tpu.memory_space<vmem>>, vector<16xf32>,
          tpu.vector_store %arg14[%swap3A_2360, %swap3A_2361, %swap3A_2362], %mul3A_2358 {strides = array<i32>} : memref<2x128x32xf32, #tpu.memory_space<vmem>>, vector<16xf32>,
          %slice3A_2364 = vector.extract_strided_slice %get3A_2338 {offsets = [1], sizes = [1], strides = [1]} : vector<16xf32> to vector<1xf32>
          %squeeze3A_2365 = vector.extract %slice3A_2364[0] : f32 from vector<1xf32>
          %broadcast_in_dim3A_2366 = vector.broadcast %squeeze3A_2365 : f32 to vector<16xf32>
          %get3A_2367 = arith.constant 81 : i32
          %get3A_2368 = arith.index_cast %get3A_2367 : i32 to index
          %get3A_2369 = arith.constant 0 : index
          %get3A_2370 = tpu.vector_load %arg13[%get3A_2368, %get3A_2369] {strides = array<i32>} : memref<128x16xi32, #tpu.memory_space<vmem>>, vector<16xi32>,
          %shift_left3A_2371 = arith.constant 16 : i32
          %shift_left3A_2372 = vector.broadcast %shift_left3A_2371 : i32 to vector<16xi32>
          %shift_left3A_2373 = arith.shli %get3A_2370, %shift_left3A_2372 : vector<16xi32>
          %bitcast3A_2374 = vector.bitcast %shift_left3A_2373 : vector<16xi32> to vector<16xf32>
          %and3A_2375 = arith.andi %get3A_2370, %broadcast_in_dim3A_330 : vector<16xi32>
          %bitcast3A_2376 = vector.bitcast %and3A_2375 : vector<16xi32> to vector<16xf32>
          %mul3A_2377 = arith.mulf %bitcast3A_2374, %broadcast_in_dim3A_2366 : vector<16xf32>
          %swap3A_2378 = arith.constant 81 : i32
          %swap3A_2379 = arith.index_cast %rem3A_221 : i32 to index
          %swap3A_2380 = arith.index_cast %swap3A_2378 : i32 to index
          %swap3A_2381 = arith.constant 0 : index
          %swap3A_2382 = tpu.vector_load %arg14[%swap3A_2379, %swap3A_2380, %swap3A_2381] {strides = array<i32>} : memref<2x128x32xf32, #tpu.memory_space<vmem>>, vector<16xf32>,
          tpu.vector_store %arg14[%swap3A_2379, %swap3A_2380, %swap3A_2381], %mul3A_2377 {strides = array<i32>} : memref<2x128x32xf32, #tpu.memory_space<vmem>>, vector<16xf32>,
          %mul3A_2383 = arith.mulf %bitcast3A_2376, %broadcast_in_dim3A_2366 : vector<16xf32>
          %swap3A_2384 = arith.constant 81 : i32
          %swap3A_2385 = arith.index_cast %rem3A_221 : i32 to index
          %swap3A_2386 = arith.index_cast %swap3A_2384 : i32 to index
          %swap3A_2387 = arith.constant 16 : index
          %swap3A_2388 = tpu.vector_load %arg14[%swap3A_2385, %swap3A_2386, %swap3A_2387] {strides = array<i32>} : memref<2x128x32xf32, #tpu.memory_space<vmem>>, vector<16xf32>,
          tpu.vector_store %arg14[%swap3A_2385, %swap3A_2386, %swap3A_2387], %mul3A_2383 {strides = array<i32>} : memref<2x128x32xf32, #tpu.memory_space<vmem>>, vector<16xf32>,
          %slice3A_2389 = vector.extract_strided_slice %get3A_2338 {offsets = [2], sizes = [1], strides = [1]} : vector<16xf32> to vector<1xf32>
          %squeeze3A_2390 = vector.extract %slice3A_2389[0] : f32 from vector<1xf32>
          %broadcast_in_dim3A_2391 = vector.broadcast %squeeze3A_2390 : f32 to vector<16xf32>
          %get3A_2392 = arith.constant 82 : i32
          %get3A_2393 = arith.index_cast %get3A_2392 : i32 to index
          %get3A_2394 = arith.constant 0 : index
          %get3A_2395 = tpu.vector_load %arg13[%get3A_2393, %get3A_2394] {strides = array<i32>} : memref<128x16xi32, #tpu.memory_space<vmem>>, vector<16xi32>,
          %shift_left3A_2396 = arith.constant 16 : i32
          %shift_left3A_2397 = vector.broadcast %shift_left3A_2396 : i32 to vector<16xi32>
          %shift_left3A_2398 = arith.shli %get3A_2395, %shift_left3A_2397 : vector<16xi32>
          %bitcast3A_2399 = vector.bitcast %shift_left3A_2398 : vector<16xi32> to vector<16xf32>
          %and3A_2400 = arith.andi %get3A_2395, %broadcast_in_dim3A_330 : vector<16xi32>
          %bitcast3A_2401 = vector.bitcast %and3A_2400 : vector<16xi32> to vector<16xf32>
          %mul3A_2402 = arith.mulf %bitcast3A_2399, %broadcast_in_dim3A_2391 : vector<16xf32>
          %swap3A_2403 = arith.constant 82 : i32
          %swap3A_2404 = arith.index_cast %rem3A_221 : i32 to index
          %swap3A_2405 = arith.index_cast %swap3A_2403 : i32 to index
          %swap3A_2406 = arith.constant 0 : index
          %swap3A_2407 = tpu.vector_load %arg14[%swap3A_2404, %swap3A_2405, %swap3A_2406] {strides = array<i32>} : memref<2x128x32xf32, #tpu.memory_space<vmem>>, vector<16xf32>,
          tpu.vector_store %arg14[%swap3A_2404, %swap3A_2405, %swap3A_2406], %mul3A_2402 {strides = array<i32>} : memref<2x128x32xf32, #tpu.memory_space<vmem>>, vector<16xf32>,
          %mul3A_2408 = arith.mulf %bitcast3A_2401, %broadcast_in_dim3A_2391 : vector<16xf32>
          %swap3A_2409 = arith.constant 82 : i32
          %swap3A_2410 = arith.index_cast %rem3A_221 : i32 to index
          %swap3A_2411 = arith.index_cast %swap3A_2409 : i32 to index
          %swap3A_2412 = arith.constant 16 : index
          %swap3A_2413 = tpu.vector_load %arg14[%swap3A_2410, %swap3A_2411, %swap3A_2412] {strides = array<i32>} : memref<2x128x32xf32, #tpu.memory_space<vmem>>, vector<16xf32>,
          tpu.vector_store %arg14[%swap3A_2410, %swap3A_2411, %swap3A_2412], %mul3A_2408 {strides = array<i32>} : memref<2x128x32xf32, #tpu.memory_space<vmem>>, vector<16xf32>,
          %slice3A_2414 = vector.extract_strided_slice %get3A_2338 {offsets = [3], sizes = [1], strides = [1]} : vector<16xf32> to vector<1xf32>
          %squeeze3A_2415 = vector.extract %slice3A_2414[0] : f32 from vector<1xf32>
          %broadcast_in_dim3A_2416 = vector.broadcast %squeeze3A_2415 : f32 to vector<16xf32>
          %get3A_2417 = arith.constant 83 : i32
          %get3A_2418 = arith.index_cast %get3A_2417 : i32 to index
          %get3A_2419 = arith.constant 0 : index
          %get3A_2420 = tpu.vector_load %arg13[%get3A_2418, %get3A_2419] {strides = array<i32>} : memref<128x16xi32, #tpu.memory_space<vmem>>, vector<16xi32>,
          %shift_left3A_2421 = arith.constant 16 : i32
          %shift_left3A_2422 = vector.broadcast %shift_left3A_2421 : i32 to vector<16xi32>
          %shift_left3A_2423 = arith.shli %get3A_2420, %shift_left3A_2422 : vector<16xi32>
          %bitcast3A_2424 = vector.bitcast %shift_left3A_2423 : vector<16xi32> to vector<16xf32>
          %and3A_2425 = arith.andi %get3A_2420, %broadcast_in_dim3A_330 : vector<16xi32>
          %bitcast3A_2426 = vector.bitcast %and3A_2425 : vector<16xi32> to vector<16xf32>
          %mul3A_2427 = arith.mulf %bitcast3A_2424, %broadcast_in_dim3A_2416 : vector<16xf32>
          %swap3A_2428 = arith.constant 83 : i32
          %swap3A_2429 = arith.index_cast %rem3A_221 : i32 to index
          %swap3A_2430 = arith.index_cast %swap3A_2428 : i32 to index
          %swap3A_2431 = arith.constant 0 : index
          %swap3A_2432 = tpu.vector_load %arg14[%swap3A_2429, %swap3A_2430, %swap3A_2431] {strides = array<i32>} : memref<2x128x32xf32, #tpu.memory_space<vmem>>, vector<16xf32>,
          tpu.vector_store %arg14[%swap3A_2429, %swap3A_2430, %swap3A_2431], %mul3A_2427 {strides = array<i32>} : memref<2x128x32xf32, #tpu.memory_space<vmem>>, vector<16xf32>,
          %mul3A_2433 = arith.mulf %bitcast3A_2426, %broadcast_in_dim3A_2416 : vector<16xf32>
          %swap3A_2434 = arith.constant 83 : i32
          %swap3A_2435 = arith.index_cast %rem3A_221 : i32 to index
          %swap3A_2436 = arith.index_cast %swap3A_2434 : i32 to index
          %swap3A_2437 = arith.constant 16 : index
          %swap3A_2438 = tpu.vector_load %arg14[%swap3A_2435, %swap3A_2436, %swap3A_2437] {strides = array<i32>} : memref<2x128x32xf32, #tpu.memory_space<vmem>>, vector<16xf32>,
          tpu.vector_store %arg14[%swap3A_2435, %swap3A_2436, %swap3A_2437], %mul3A_2433 {strides = array<i32>} : memref<2x128x32xf32, #tpu.memory_space<vmem>>, vector<16xf32>,
          %slice3A_2439 = vector.extract_strided_slice %get3A_2338 {offsets = [4], sizes = [1], strides = [1]} : vector<16xf32> to vector<1xf32>
          %squeeze3A_2440 = vector.extract %slice3A_2439[0] : f32 from vector<1xf32>
          %broadcast_in_dim3A_2441 = vector.broadcast %squeeze3A_2440 : f32 to vector<16xf32>
          %get3A_2442 = arith.constant 84 : i32
          %get3A_2443 = arith.index_cast %get3A_2442 : i32 to index
          %get3A_2444 = arith.constant 0 : index
          %get3A_2445 = tpu.vector_load %arg13[%get3A_2443, %get3A_2444] {strides = array<i32>} : memref<128x16xi32, #tpu.memory_space<vmem>>, vector<16xi32>,
          %shift_left3A_2446 = arith.constant 16 : i32
          %shift_left3A_2447 = vector.broadcast %shift_left3A_2446 : i32 to vector<16xi32>
          %shift_left3A_2448 = arith.shli %get3A_2445, %shift_left3A_2447 : vector<16xi32>
          %bitcast3A_2449 = vector.bitcast %shift_left3A_2448 : vector<16xi32> to vector<16xf32>
          %and3A_2450 = arith.andi %get3A_2445, %broadcast_in_dim3A_330 : vector<16xi32>
          %bitcast3A_2451 = vector.bitcast %and3A_2450 : vector<16xi32> to vector<16xf32>
          %mul3A_2452 = arith.mulf %bitcast3A_2449, %broadcast_in_dim3A_2441 : vector<16xf32>
          %swap3A_2453 = arith.constant 84 : i32
          %swap3A_2454 = arith.index_cast %rem3A_221 : i32 to index
          %swap3A_2455 = arith.index_cast %swap3A_2453 : i32 to index
          %swap3A_2456 = arith.constant 0 : index
          %swap3A_2457 = tpu.vector_load %arg14[%swap3A_2454, %swap3A_2455, %swap3A_2456] {strides = array<i32>} : memref<2x128x32xf32, #tpu.memory_space<vmem>>, vector<16xf32>,
          tpu.vector_store %arg14[%swap3A_2454, %swap3A_2455, %swap3A_2456], %mul3A_2452 {strides = array<i32>} : memref<2x128x32xf32, #tpu.memory_space<vmem>>, vector<16xf32>,
          %mul3A_2458 = arith.mulf %bitcast3A_2451, %broadcast_in_dim3A_2441 : vector<16xf32>
          %swap3A_2459 = arith.constant 84 : i32
          %swap3A_2460 = arith.index_cast %rem3A_221 : i32 to index
          %swap3A_2461 = arith.index_cast %swap3A_2459 : i32 to index
          %swap3A_2462 = arith.constant 16 : index
          %swap3A_2463 = tpu.vector_load %arg14[%swap3A_2460, %swap3A_2461, %swap3A_2462] {strides = array<i32>} : memref<2x128x32xf32, #tpu.memory_space<vmem>>, vector<16xf32>,
          tpu.vector_store %arg14[%swap3A_2460, %swap3A_2461, %swap3A_2462], %mul3A_2458 {strides = array<i32>} : memref<2x128x32xf32, #tpu.memory_space<vmem>>, vector<16xf32>,
          %slice3A_2464 = vector.extract_strided_slice %get3A_2338 {offsets = [5], sizes = [1], strides = [1]} : vector<16xf32> to vector<1xf32>
          %squeeze3A_2465 = vector.extract %slice3A_2464[0] : f32 from vector<1xf32>
          %broadcast_in_dim3A_2466 = vector.broadcast %squeeze3A_2465 : f32 to vector<16xf32>
          %get3A_2467 = arith.constant 85 : i32
          %get3A_2468 = arith.index_cast %get3A_2467 : i32 to index
          %get3A_2469 = arith.constant 0 : index
          %get3A_2470 = tpu.vector_load %arg13[%get3A_2468, %get3A_2469] {strides = array<i32>} : memref<128x16xi32, #tpu.memory_space<vmem>>, vector<16xi32>,
          %shift_left3A_2471 = arith.constant 16 : i32
          %shift_left3A_2472 = vector.broadcast %shift_left3A_2471 : i32 to vector<16xi32>
          %shift_left3A_2473 = arith.shli %get3A_2470, %shift_left3A_2472 : vector<16xi32>
          %bitcast3A_2474 = vector.bitcast %shift_left3A_2473 : vector<16xi32> to vector<16xf32>
          %and3A_2475 = arith.andi %get3A_2470, %broadcast_in_dim3A_330 : vector<16xi32>
          %bitcast3A_2476 = vector.bitcast %and3A_2475 : vector<16xi32> to vector<16xf32>
          %mul3A_2477 = arith.mulf %bitcast3A_2474, %broadcast_in_dim3A_2466 : vector<16xf32>
          %swap3A_2478 = arith.constant 85 : i32
          %swap3A_2479 = arith.index_cast %rem3A_221 : i32 to index
          %swap3A_2480 = arith.index_cast %swap3A_2478 : i32 to index
          %swap3A_2481 = arith.constant 0 : index
          %swap3A_2482 = tpu.vector_load %arg14[%swap3A_2479, %swap3A_2480, %swap3A_2481] {strides = array<i32>} : memref<2x128x32xf32, #tpu.memory_space<vmem>>, vector<16xf32>,
          tpu.vector_store %arg14[%swap3A_2479, %swap3A_2480, %swap3A_2481], %mul3A_2477 {strides = array<i32>} : memref<2x128x32xf32, #tpu.memory_space<vmem>>, vector<16xf32>,
          %mul3A_2483 = arith.mulf %bitcast3A_2476, %broadcast_in_dim3A_2466 : vector<16xf32>
          %swap3A_2484 = arith.constant 85 : i32
          %swap3A_2485 = arith.index_cast %rem3A_221 : i32 to index
          %swap3A_2486 = arith.index_cast %swap3A_2484 : i32 to index
          %swap3A_2487 = arith.constant 16 : index
          %swap3A_2488 = tpu.vector_load %arg14[%swap3A_2485, %swap3A_2486, %swap3A_2487] {strides = array<i32>} : memref<2x128x32xf32, #tpu.memory_space<vmem>>, vector<16xf32>,
          tpu.vector_store %arg14[%swap3A_2485, %swap3A_2486, %swap3A_2487], %mul3A_2483 {strides = array<i32>} : memref<2x128x32xf32, #tpu.memory_space<vmem>>, vector<16xf32>,
          %slice3A_2489 = vector.extract_strided_slice %get3A_2338 {offsets = [6], sizes = [1], strides = [1]} : vector<16xf32> to vector<1xf32>
          %squeeze3A_2490 = vector.extract %slice3A_2489[0] : f32 from vector<1xf32>
          %broadcast_in_dim3A_2491 = vector.broadcast %squeeze3A_2490 : f32 to vector<16xf32>
          %get3A_2492 = arith.constant 86 : i32
          %get3A_2493 = arith.index_cast %get3A_2492 : i32 to index
          %get3A_2494 = arith.constant 0 : index
          %get3A_2495 = tpu.vector_load %arg13[%get3A_2493, %get3A_2494] {strides = array<i32>} : memref<128x16xi32, #tpu.memory_space<vmem>>, vector<16xi32>,
          %shift_left3A_2496 = arith.constant 16 : i32
          %shift_left3A_2497 = vector.broadcast %shift_left3A_2496 : i32 to vector<16xi32>
          %shift_left3A_2498 = arith.shli %get3A_2495, %shift_left3A_2497 : vector<16xi32>
          %bitcast3A_2499 = vector.bitcast %shift_left3A_2498 : vector<16xi32> to vector<16xf32>
          %and3A_2500 = arith.andi %get3A_2495, %broadcast_in_dim3A_330 : vector<16xi32>
          %bitcast3A_2501 = vector.bitcast %and3A_2500 : vector<16xi32> to vector<16xf32>
          %mul3A_2502 = arith.mulf %bitcast3A_2499, %broadcast_in_dim3A_2491 : vector<16xf32>
          %swap3A_2503 = arith.constant 86 : i32
          %swap3A_2504 = arith.index_cast %rem3A_221 : i32 to index
          %swap3A_2505 = arith.index_cast %swap3A_2503 : i32 to index
          %swap3A_2506 = arith.constant 0 : index
          %swap3A_2507 = tpu.vector_load %arg14[%swap3A_2504, %swap3A_2505, %swap3A_2506] {strides = array<i32>} : memref<2x128x32xf32, #tpu.memory_space<vmem>>, vector<16xf32>,
          tpu.vector_store %arg14[%swap3A_2504, %swap3A_2505, %swap3A_2506], %mul3A_2502 {strides = array<i32>} : memref<2x128x32xf32, #tpu.memory_space<vmem>>, vector<16xf32>,
          %mul3A_2508 = arith.mulf %bitcast3A_2501, %broadcast_in_dim3A_2491 : vector<16xf32>
          %swap3A_2509 = arith.constant 86 : i32
          %swap3A_2510 = arith.index_cast %rem3A_221 : i32 to index
          %swap3A_2511 = arith.index_cast %swap3A_2509 : i32 to index
          %swap3A_2512 = arith.constant 16 : index
          %swap3A_2513 = tpu.vector_load %arg14[%swap3A_2510, %swap3A_2511, %swap3A_2512] {strides = array<i32>} : memref<2x128x32xf32, #tpu.memory_space<vmem>>, vector<16xf32>,
          tpu.vector_store %arg14[%swap3A_2510, %swap3A_2511, %swap3A_2512], %mul3A_2508 {strides = array<i32>} : memref<2x128x32xf32, #tpu.memory_space<vmem>>, vector<16xf32>,
          %slice3A_2514 = vector.extract_strided_slice %get3A_2338 {offsets = [7], sizes = [1], strides = [1]} : vector<16xf32> to vector<1xf32>
          %squeeze3A_2515 = vector.extract %slice3A_2514[0] : f32 from vector<1xf32>
          %broadcast_in_dim3A_2516 = vector.broadcast %squeeze3A_2515 : f32 to vector<16xf32>
          %get3A_2517 = arith.constant 87 : i32
          %get3A_2518 = arith.index_cast %get3A_2517 : i32 to index
          %get3A_2519 = arith.constant 0 : index
          %get3A_2520 = tpu.vector_load %arg13[%get3A_2518, %get3A_2519] {strides = array<i32>} : memref<128x16xi32, #tpu.memory_space<vmem>>, vector<16xi32>,
          %shift_left3A_2521 = arith.constant 16 : i32
          %shift_left3A_2522 = vector.broadcast %shift_left3A_2521 : i32 to vector<16xi32>
          %shift_left3A_2523 = arith.shli %get3A_2520, %shift_left3A_2522 : vector<16xi32>
          %bitcast3A_2524 = vector.bitcast %shift_left3A_2523 : vector<16xi32> to vector<16xf32>
          %and3A_2525 = arith.andi %get3A_2520, %broadcast_in_dim3A_330 : vector<16xi32>
          %bitcast3A_2526 = vector.bitcast %and3A_2525 : vector<16xi32> to vector<16xf32>
          %mul3A_2527 = arith.mulf %bitcast3A_2524, %broadcast_in_dim3A_2516 : vector<16xf32>
          %swap3A_2528 = arith.constant 87 : i32
          %swap3A_2529 = arith.index_cast %rem3A_221 : i32 to index
          %swap3A_2530 = arith.index_cast %swap3A_2528 : i32 to index
          %swap3A_2531 = arith.constant 0 : index
          %swap3A_2532 = tpu.vector_load %arg14[%swap3A_2529, %swap3A_2530, %swap3A_2531] {strides = array<i32>} : memref<2x128x32xf32, #tpu.memory_space<vmem>>, vector<16xf32>,
          tpu.vector_store %arg14[%swap3A_2529, %swap3A_2530, %swap3A_2531], %mul3A_2527 {strides = array<i32>} : memref<2x128x32xf32, #tpu.memory_space<vmem>>, vector<16xf32>,
          %mul3A_2533 = arith.mulf %bitcast3A_2526, %broadcast_in_dim3A_2516 : vector<16xf32>
          %swap3A_2534 = arith.constant 87 : i32
          %swap3A_2535 = arith.index_cast %rem3A_221 : i32 to index
          %swap3A_2536 = arith.index_cast %swap3A_2534 : i32 to index
          %swap3A_2537 = arith.constant 16 : index
          %swap3A_2538 = tpu.vector_load %arg14[%swap3A_2535, %swap3A_2536, %swap3A_2537] {strides = array<i32>} : memref<2x128x32xf32, #tpu.memory_space<vmem>>, vector<16xf32>,
          tpu.vector_store %arg14[%swap3A_2535, %swap3A_2536, %swap3A_2537], %mul3A_2533 {strides = array<i32>} : memref<2x128x32xf32, #tpu.memory_space<vmem>>, vector<16xf32>,
          %slice3A_2539 = vector.extract_strided_slice %get3A_2338 {offsets = [8], sizes = [1], strides = [1]} : vector<16xf32> to vector<1xf32>
          %squeeze3A_2540 = vector.extract %slice3A_2539[0] : f32 from vector<1xf32>
          %broadcast_in_dim3A_2541 = vector.broadcast %squeeze3A_2540 : f32 to vector<16xf32>
          %get3A_2542 = arith.constant 88 : i32
          %get3A_2543 = arith.index_cast %get3A_2542 : i32 to index
          %get3A_2544 = arith.constant 0 : index
          %get3A_2545 = tpu.vector_load %arg13[%get3A_2543, %get3A_2544] {strides = array<i32>} : memref<128x16xi32, #tpu.memory_space<vmem>>, vector<16xi32>,
          %shift_left3A_2546 = arith.constant 16 : i32
          %shift_left3A_2547 = vector.broadcast %shift_left3A_2546 : i32 to vector<16xi32>
          %shift_left3A_2548 = arith.shli %get3A_2545, %shift_left3A_2547 : vector<16xi32>
          %bitcast3A_2549 = vector.bitcast %shift_left3A_2548 : vector<16xi32> to vector<16xf32>
          %and3A_2550 = arith.andi %get3A_2545, %broadcast_in_dim3A_330 : vector<16xi32>
          %bitcast3A_2551 = vector.bitcast %and3A_2550 : vector<16xi32> to vector<16xf32>
          %mul3A_2552 = arith.mulf %bitcast3A_2549, %broadcast_in_dim3A_2541 : vector<16xf32>
          %swap3A_2553 = arith.constant 88 : i32
          %swap3A_2554 = arith.index_cast %rem3A_221 : i32 to index
          %swap3A_2555 = arith.index_cast %swap3A_2553 : i32 to index
          %swap3A_2556 = arith.constant 0 : index
          %swap3A_2557 = tpu.vector_load %arg14[%swap3A_2554, %swap3A_2555, %swap3A_2556] {strides = array<i32>} : memref<2x128x32xf32, #tpu.memory_space<vmem>>, vector<16xf32>,
          tpu.vector_store %arg14[%swap3A_2554, %swap3A_2555, %swap3A_2556], %mul3A_2552 {strides = array<i32>} : memref<2x128x32xf32, #tpu.memory_space<vmem>>, vector<16xf32>,
          %mul3A_2558 = arith.mulf %bitcast3A_2551, %broadcast_in_dim3A_2541 : vector<16xf32>
          %swap3A_2559 = arith.constant 88 : i32
          %swap3A_2560 = arith.index_cast %rem3A_221 : i32 to index
          %swap3A_2561 = arith.index_cast %swap3A_2559 : i32 to index
          %swap3A_2562 = arith.constant 16 : index
          %swap3A_2563 = tpu.vector_load %arg14[%swap3A_2560, %swap3A_2561, %swap3A_2562] {strides = array<i32>} : memref<2x128x32xf32, #tpu.memory_space<vmem>>, vector<16xf32>,
          tpu.vector_store %arg14[%swap3A_2560, %swap3A_2561, %swap3A_2562], %mul3A_2558 {strides = array<i32>} : memref<2x128x32xf32, #tpu.memory_space<vmem>>, vector<16xf32>,
          %slice3A_2564 = vector.extract_strided_slice %get3A_2338 {offsets = [9], sizes = [1], strides = [1]} : vector<16xf32> to vector<1xf32>
          %squeeze3A_2565 = vector.extract %slice3A_2564[0] : f32 from vector<1xf32>
          %broadcast_in_dim3A_2566 = vector.broadcast %squeeze3A_2565 : f32 to vector<16xf32>
          %get3A_2567 = arith.constant 89 : i32
          %get3A_2568 = arith.index_cast %get3A_2567 : i32 to index
          %get3A_2569 = arith.constant 0 : index
          %get3A_2570 = tpu.vector_load %arg13[%get3A_2568, %get3A_2569] {strides = array<i32>} : memref<128x16xi32, #tpu.memory_space<vmem>>, vector<16xi32>,
          %shift_left3A_2571 = arith.constant 16 : i32
          %shift_left3A_2572 = vector.broadcast %shift_left3A_2571 : i32 to vector<16xi32>
          %shift_left3A_2573 = arith.shli %get3A_2570, %shift_left3A_2572 : vector<16xi32>
          %bitcast3A_2574 = vector.bitcast %shift_left3A_2573 : vector<16xi32> to vector<16xf32>
          %and3A_2575 = arith.andi %get3A_2570, %broadcast_in_dim3A_330 : vector<16xi32>
          %bitcast3A_2576 = vector.bitcast %and3A_2575 : vector<16xi32> to vector<16xf32>
          %mul3A_2577 = arith.mulf %bitcast3A_2574, %broadcast_in_dim3A_2566 : vector<16xf32>
          %swap3A_2578 = arith.constant 89 : i32
          %swap3A_2579 = arith.index_cast %rem3A_221 : i32 to index
          %swap3A_2580 = arith.index_cast %swap3A_2578 : i32 to index
          %swap3A_2581 = arith.constant 0 : index
          %swap3A_2582 = tpu.vector_load %arg14[%swap3A_2579, %swap3A_2580, %swap3A_2581] {strides = array<i32>} : memref<2x128x32xf32, #tpu.memory_space<vmem>>, vector<16xf32>,
          tpu.vector_store %arg14[%swap3A_2579, %swap3A_2580, %swap3A_2581], %mul3A_2577 {strides = array<i32>} : memref<2x128x32xf32, #tpu.memory_space<vmem>>, vector<16xf32>,
          %mul3A_2583 = arith.mulf %bitcast3A_2576, %broadcast_in_dim3A_2566 : vector<16xf32>
          %swap3A_2584 = arith.constant 89 : i32
          %swap3A_2585 = arith.index_cast %rem3A_221 : i32 to index
          %swap3A_2586 = arith.index_cast %swap3A_2584 : i32 to index
          %swap3A_2587 = arith.constant 16 : index
          %swap3A_2588 = tpu.vector_load %arg14[%swap3A_2585, %swap3A_2586, %swap3A_2587] {strides = array<i32>} : memref<2x128x32xf32, #tpu.memory_space<vmem>>, vector<16xf32>,
          tpu.vector_store %arg14[%swap3A_2585, %swap3A_2586, %swap3A_2587], %mul3A_2583 {strides = array<i32>} : memref<2x128x32xf32, #tpu.memory_space<vmem>>, vector<16xf32>,
          %slice3A_2589 = vector.extract_strided_slice %get3A_2338 {offsets = [10], sizes = [1], strides = [1]} : vector<16xf32> to vector<1xf32>
          %squeeze3A_2590 = vector.extract %slice3A_2589[0] : f32 from vector<1xf32>
          %broadcast_in_dim3A_2591 = vector.broadcast %squeeze3A_2590 : f32 to vector<16xf32>
          %get3A_2592 = arith.constant 90 : i32
          %get3A_2593 = arith.index_cast %get3A_2592 : i32 to index
          %get3A_2594 = arith.constant 0 : index
          %get3A_2595 = tpu.vector_load %arg13[%get3A_2593, %get3A_2594] {strides = array<i32>} : memref<128x16xi32, #tpu.memory_space<vmem>>, vector<16xi32>,
          %shift_left3A_2596 = arith.constant 16 : i32
          %shift_left3A_2597 = vector.broadcast %shift_left3A_2596 : i32 to vector<16xi32>
          %shift_left3A_2598 = arith.shli %get3A_2595, %shift_left3A_2597 : vector<16xi32>
          %bitcast3A_2599 = vector.bitcast %shift_left3A_2598 : vector<16xi32> to vector<16xf32>
          %and3A_2600 = arith.andi %get3A_2595, %broadcast_in_dim3A_330 : vector<16xi32>
          %bitcast3A_2601 = vector.bitcast %and3A_2600 : vector<16xi32> to vector<16xf32>
          %mul3A_2602 = arith.mulf %bitcast3A_2599, %broadcast_in_dim3A_2591 : vector<16xf32>
          %swap3A_2603 = arith.constant 90 : i32
          %swap3A_2604 = arith.index_cast %rem3A_221 : i32 to index
          %swap3A_2605 = arith.index_cast %swap3A_2603 : i32 to index
          %swap3A_2606 = arith.constant 0 : index
          %swap3A_2607 = tpu.vector_load %arg14[%swap3A_2604, %swap3A_2605, %swap3A_2606] {strides = array<i32>} : memref<2x128x32xf32, #tpu.memory_space<vmem>>, vector<16xf32>,
          tpu.vector_store %arg14[%swap3A_2604, %swap3A_2605, %swap3A_2606], %mul3A_2602 {strides = array<i32>} : memref<2x128x32xf32, #tpu.memory_space<vmem>>, vector<16xf32>,
          %mul3A_2608 = arith.mulf %bitcast3A_2601, %broadcast_in_dim3A_2591 : vector<16xf32>
          %swap3A_2609 = arith.constant 90 : i32
          %swap3A_2610 = arith.index_cast %rem3A_221 : i32 to index
          %swap3A_2611 = arith.index_cast %swap3A_2609 : i32 to index
          %swap3A_2612 = arith.constant 16 : index
          %swap3A_2613 = tpu.vector_load %arg14[%swap3A_2610, %swap3A_2611, %swap3A_2612] {strides = array<i32>} : memref<2x128x32xf32, #tpu.memory_space<vmem>>, vector<16xf32>,
          tpu.vector_store %arg14[%swap3A_2610, %swap3A_2611, %swap3A_2612], %mul3A_2608 {strides = array<i32>} : memref<2x128x32xf32, #tpu.memory_space<vmem>>, vector<16xf32>,
          %slice3A_2614 = vector.extract_strided_slice %get3A_2338 {offsets = [11], sizes = [1], strides = [1]} : vector<16xf32> to vector<1xf32>
          %squeeze3A_2615 = vector.extract %slice3A_2614[0] : f32 from vector<1xf32>
          %broadcast_in_dim3A_2616 = vector.broadcast %squeeze3A_2615 : f32 to vector<16xf32>
          %get3A_2617 = arith.constant 91 : i32
          %get3A_2618 = arith.index_cast %get3A_2617 : i32 to index
          %get3A_2619 = arith.constant 0 : index
          %get3A_2620 = tpu.vector_load %arg13[%get3A_2618, %get3A_2619] {strides = array<i32>} : memref<128x16xi32, #tpu.memory_space<vmem>>, vector<16xi32>,
          %shift_left3A_2621 = arith.constant 16 : i32
          %shift_left3A_2622 = vector.broadcast %shift_left3A_2621 : i32 to vector<16xi32>
          %shift_left3A_2623 = arith.shli %get3A_2620, %shift_left3A_2622 : vector<16xi32>
          %bitcast3A_2624 = vector.bitcast %shift_left3A_2623 : vector<16xi32> to vector<16xf32>
          %and3A_2625 = arith.andi %get3A_2620, %broadcast_in_dim3A_330 : vector<16xi32>
          %bitcast3A_2626 = vector.bitcast %and3A_2625 : vector<16xi32> to vector<16xf32>
          %mul3A_2627 = arith.mulf %bitcast3A_2624, %broadcast_in_dim3A_2616 : vector<16xf32>
          %swap3A_2628 = arith.constant 91 : i32
          %swap3A_2629 = arith.index_cast %rem3A_221 : i32 to index
          %swap3A_2630 = arith.index_cast %swap3A_2628 : i32 to index
          %swap3A_2631 = arith.constant 0 : index
          %swap3A_2632 = tpu.vector_load %arg14[%swap3A_2629, %swap3A_2630, %swap3A_2631] {strides = array<i32>} : memref<2x128x32xf32, #tpu.memory_space<vmem>>, vector<16xf32>,
          tpu.vector_store %arg14[%swap3A_2629, %swap3A_2630, %swap3A_2631], %mul3A_2627 {strides = array<i32>} : memref<2x128x32xf32, #tpu.memory_space<vmem>>, vector<16xf32>,
          %mul3A_2633 = arith.mulf %bitcast3A_2626, %broadcast_in_dim3A_2616 : vector<16xf32>
          %swap3A_2634 = arith.constant 91 : i32
          %swap3A_2635 = arith.index_cast %rem3A_221 : i32 to index
          %swap3A_2636 = arith.index_cast %swap3A_2634 : i32 to index
          %swap3A_2637 = arith.constant 16 : index
          %swap3A_2638 = tpu.vector_load %arg14[%swap3A_2635, %swap3A_2636, %swap3A_2637] {strides = array<i32>} : memref<2x128x32xf32, #tpu.memory_space<vmem>>, vector<16xf32>,
          tpu.vector_store %arg14[%swap3A_2635, %swap3A_2636, %swap3A_2637], %mul3A_2633 {strides = array<i32>} : memref<2x128x32xf32, #tpu.memory_space<vmem>>, vector<16xf32>,
          %slice3A_2639 = vector.extract_strided_slice %get3A_2338 {offsets = [12], sizes = [1], strides = [1]} : vector<16xf32> to vector<1xf32>
          %squeeze3A_2640 = vector.extract %slice3A_2639[0] : f32 from vector<1xf32>
          %broadcast_in_dim3A_2641 = vector.broadcast %squeeze3A_2640 : f32 to vector<16xf32>
          %get3A_2642 = arith.constant 92 : i32
          %get3A_2643 = arith.index_cast %get3A_2642 : i32 to index
          %get3A_2644 = arith.constant 0 : index
          %get3A_2645 = tpu.vector_load %arg13[%get3A_2643, %get3A_2644] {strides = array<i32>} : memref<128x16xi32, #tpu.memory_space<vmem>>, vector<16xi32>,
          %shift_left3A_2646 = arith.constant 16 : i32
          %shift_left3A_2647 = vector.broadcast %shift_left3A_2646 : i32 to vector<16xi32>
          %shift_left3A_2648 = arith.shli %get3A_2645, %shift_left3A_2647 : vector<16xi32>
          %bitcast3A_2649 = vector.bitcast %shift_left3A_2648 : vector<16xi32> to vector<16xf32>
          %and3A_2650 = arith.andi %get3A_2645, %broadcast_in_dim3A_330 : vector<16xi32>
          %bitcast3A_2651 = vector.bitcast %and3A_2650 : vector<16xi32> to vector<16xf32>
          %mul3A_2652 = arith.mulf %bitcast3A_2649, %broadcast_in_dim3A_2641 : vector<16xf32>
          %swap3A_2653 = arith.constant 92 : i32
          %swap3A_2654 = arith.index_cast %rem3A_221 : i32 to index
          %swap3A_2655 = arith.index_cast %swap3A_2653 : i32 to index
          %swap3A_2656 = arith.constant 0 : index
          %swap3A_2657 = tpu.vector_load %arg14[%swap3A_2654, %swap3A_2655, %swap3A_2656] {strides = array<i32>} : memref<2x128x32xf32, #tpu.memory_space<vmem>>, vector<16xf32>,
          tpu.vector_store %arg14[%swap3A_2654, %swap3A_2655, %swap3A_2656], %mul3A_2652 {strides = array<i32>} : memref<2x128x32xf32, #tpu.memory_space<vmem>>, vector<16xf32>,
          %mul3A_2658 = arith.mulf %bitcast3A_2651, %broadcast_in_dim3A_2641 : vector<16xf32>
          %swap3A_2659 = arith.constant 92 : i32
          %swap3A_2660 = arith.index_cast %rem3A_221 : i32 to index
          %swap3A_2661 = arith.index_cast %swap3A_2659 : i32 to index
          %swap3A_2662 = arith.constant 16 : index
          %swap3A_2663 = tpu.vector_load %arg14[%swap3A_2660, %swap3A_2661, %swap3A_2662] {strides = array<i32>} : memref<2x128x32xf32, #tpu.memory_space<vmem>>, vector<16xf32>,
          tpu.vector_store %arg14[%swap3A_2660, %swap3A_2661, %swap3A_2662], %mul3A_2658 {strides = array<i32>} : memref<2x128x32xf32, #tpu.memory_space<vmem>>, vector<16xf32>,
          %slice3A_2664 = vector.extract_strided_slice %get3A_2338 {offsets = [13], sizes = [1], strides = [1]} : vector<16xf32> to vector<1xf32>
          %squeeze3A_2665 = vector.extract %slice3A_2664[0] : f32 from vector<1xf32>
          %broadcast_in_dim3A_2666 = vector.broadcast %squeeze3A_2665 : f32 to vector<16xf32>
          %get3A_2667 = arith.constant 93 : i32
          %get3A_2668 = arith.index_cast %get3A_2667 : i32 to index
          %get3A_2669 = arith.constant 0 : index
          %get3A_2670 = tpu.vector_load %arg13[%get3A_2668, %get3A_2669] {strides = array<i32>} : memref<128x16xi32, #tpu.memory_space<vmem>>, vector<16xi32>,
          %shift_left3A_2671 = arith.constant 16 : i32
          %shift_left3A_2672 = vector.broadcast %shift_left3A_2671 : i32 to vector<16xi32>
          %shift_left3A_2673 = arith.shli %get3A_2670, %shift_left3A_2672 : vector<16xi32>
          %bitcast3A_2674 = vector.bitcast %shift_left3A_2673 : vector<16xi32> to vector<16xf32>
          %and3A_2675 = arith.andi %get3A_2670, %broadcast_in_dim3A_330 : vector<16xi32>
          %bitcast3A_2676 = vector.bitcast %and3A_2675 : vector<16xi32> to vector<16xf32>
          %mul3A_2677 = arith.mulf %bitcast3A_2674, %broadcast_in_dim3A_2666 : vector<16xf32>
          %swap3A_2678 = arith.constant 93 : i32
          %swap3A_2679 = arith.index_cast %rem3A_221 : i32 to index
          %swap3A_2680 = arith.index_cast %swap3A_2678 : i32 to index
          %swap3A_2681 = arith.constant 0 : index
          %swap3A_2682 = tpu.vector_load %arg14[%swap3A_2679, %swap3A_2680, %swap3A_2681] {strides = array<i32>} : memref<2x128x32xf32, #tpu.memory_space<vmem>>, vector<16xf32>,
          tpu.vector_store %arg14[%swap3A_2679, %swap3A_2680, %swap3A_2681], %mul3A_2677 {strides = array<i32>} : memref<2x128x32xf32, #tpu.memory_space<vmem>>, vector<16xf32>,
          %mul3A_2683 = arith.mulf %bitcast3A_2676, %broadcast_in_dim3A_2666 : vector<16xf32>
          %swap3A_2684 = arith.constant 93 : i32
          %swap3A_2685 = arith.index_cast %rem3A_221 : i32 to index
          %swap3A_2686 = arith.index_cast %swap3A_2684 : i32 to index
          %swap3A_2687 = arith.constant 16 : index
          %swap3A_2688 = tpu.vector_load %arg14[%swap3A_2685, %swap3A_2686, %swap3A_2687] {strides = array<i32>} : memref<2x128x32xf32, #tpu.memory_space<vmem>>, vector<16xf32>,
          tpu.vector_store %arg14[%swap3A_2685, %swap3A_2686, %swap3A_2687], %mul3A_2683 {strides = array<i32>} : memref<2x128x32xf32, #tpu.memory_space<vmem>>, vector<16xf32>,
          %slice3A_2689 = vector.extract_strided_slice %get3A_2338 {offsets = [14], sizes = [1], strides = [1]} : vector<16xf32> to vector<1xf32>
          %squeeze3A_2690 = vector.extract %slice3A_2689[0] : f32 from vector<1xf32>
          %broadcast_in_dim3A_2691 = vector.broadcast %squeeze3A_2690 : f32 to vector<16xf32>
          %get3A_2692 = arith.constant 94 : i32
          %get3A_2693 = arith.index_cast %get3A_2692 : i32 to index
          %get3A_2694 = arith.constant 0 : index
          %get3A_2695 = tpu.vector_load %arg13[%get3A_2693, %get3A_2694] {strides = array<i32>} : memref<128x16xi32, #tpu.memory_space<vmem>>, vector<16xi32>,
          %shift_left3A_2696 = arith.constant 16 : i32
          %shift_left3A_2697 = vector.broadcast %shift_left3A_2696 : i32 to vector<16xi32>
          %shift_left3A_2698 = arith.shli %get3A_2695, %shift_left3A_2697 : vector<16xi32>
          %bitcast3A_2699 = vector.bitcast %shift_left3A_2698 : vector<16xi32> to vector<16xf32>
          %and3A_2700 = arith.andi %get3A_2695, %broadcast_in_dim3A_330 : vector<16xi32>
          %bitcast3A_2701 = vector.bitcast %and3A_2700 : vector<16xi32> to vector<16xf32>
          %mul3A_2702 = arith.mulf %bitcast3A_2699, %broadcast_in_dim3A_2691 : vector<16xf32>
          %swap3A_2703 = arith.constant 94 : i32
          %swap3A_2704 = arith.index_cast %rem3A_221 : i32 to index
          %swap3A_2705 = arith.index_cast %swap3A_2703 : i32 to index
          %swap3A_2706 = arith.constant 0 : index
          %swap3A_2707 = tpu.vector_load %arg14[%swap3A_2704, %swap3A_2705, %swap3A_2706] {strides = array<i32>} : memref<2x128x32xf32, #tpu.memory_space<vmem>>, vector<16xf32>,
          tpu.vector_store %arg14[%swap3A_2704, %swap3A_2705, %swap3A_2706], %mul3A_2702 {strides = array<i32>} : memref<2x128x32xf32, #tpu.memory_space<vmem>>, vector<16xf32>,
          %mul3A_2708 = arith.mulf %bitcast3A_2701, %broadcast_in_dim3A_2691 : vector<16xf32>
          %swap3A_2709 = arith.constant 94 : i32
          %swap3A_2710 = arith.index_cast %rem3A_221 : i32 to index
          %swap3A_2711 = arith.index_cast %swap3A_2709 : i32 to index
          %swap3A_2712 = arith.constant 16 : index
          %swap3A_2713 = tpu.vector_load %arg14[%swap3A_2710, %swap3A_2711, %swap3A_2712] {strides = array<i32>} : memref<2x128x32xf32, #tpu.memory_space<vmem>>, vector<16xf32>,
          tpu.vector_store %arg14[%swap3A_2710, %swap3A_2711, %swap3A_2712], %mul3A_2708 {strides = array<i32>} : memref<2x128x32xf32, #tpu.memory_space<vmem>>, vector<16xf32>,
          %slice3A_2714 = vector.extract_strided_slice %get3A_2338 {offsets = [15], sizes = [1], strides = [1]} : vector<16xf32> to vector<1xf32>
          %squeeze3A_2715 = vector.extract %slice3A_2714[0] : f32 from vector<1xf32>
          %broadcast_in_dim3A_2716 = vector.broadcast %squeeze3A_2715 : f32 to vector<16xf32>
          %get3A_2717 = arith.constant 95 : i32
          %get3A_2718 = arith.index_cast %get3A_2717 : i32 to index
          %get3A_2719 = arith.constant 0 : index
          %get3A_2720 = tpu.vector_load %arg13[%get3A_2718, %get3A_2719] {strides = array<i32>} : memref<128x16xi32, #tpu.memory_space<vmem>>, vector<16xi32>,
          %shift_left3A_2721 = arith.constant 16 : i32
          %shift_left3A_2722 = vector.broadcast %shift_left3A_2721 : i32 to vector<16xi32>
          %shift_left3A_2723 = arith.shli %get3A_2720, %shift_left3A_2722 : vector<16xi32>
          %bitcast3A_2724 = vector.bitcast %shift_left3A_2723 : vector<16xi32> to vector<16xf32>
          %and3A_2725 = arith.andi %get3A_2720, %broadcast_in_dim3A_330 : vector<16xi32>
          %bitcast3A_2726 = vector.bitcast %and3A_2725 : vector<16xi32> to vector<16xf32>
          %mul3A_2727 = arith.mulf %bitcast3A_2724, %broadcast_in_dim3A_2716 : vector<16xf32>
          %swap3A_2728 = arith.constant 95 : i32
          %swap3A_2729 = arith.index_cast %rem3A_221 : i32 to index
          %swap3A_2730 = arith.index_cast %swap3A_2728 : i32 to index
          %swap3A_2731 = arith.constant 0 : index
          %swap3A_2732 = tpu.vector_load %arg14[%swap3A_2729, %swap3A_2730, %swap3A_2731] {strides = array<i32>} : memref<2x128x32xf32, #tpu.memory_space<vmem>>, vector<16xf32>,
          tpu.vector_store %arg14[%swap3A_2729, %swap3A_2730, %swap3A_2731], %mul3A_2727 {strides = array<i32>} : memref<2x128x32xf32, #tpu.memory_space<vmem>>, vector<16xf32>,
          %mul3A_2733 = arith.mulf %bitcast3A_2726, %broadcast_in_dim3A_2716 : vector<16xf32>
          %swap3A_2734 = arith.constant 95 : i32
          %swap3A_2735 = arith.index_cast %rem3A_221 : i32 to index
          %swap3A_2736 = arith.index_cast %swap3A_2734 : i32 to index
          %swap3A_2737 = arith.constant 16 : index
          %swap3A_2738 = tpu.vector_load %arg14[%swap3A_2735, %swap3A_2736, %swap3A_2737] {strides = array<i32>} : memref<2x128x32xf32, #tpu.memory_space<vmem>>, vector<16xf32>,
          tpu.vector_store %arg14[%swap3A_2735, %swap3A_2736, %swap3A_2737], %mul3A_2733 {strides = array<i32>} : memref<2x128x32xf32, #tpu.memory_space<vmem>>, vector<16xf32>,
          %get3A_2739 = arith.constant 96 : index
          %get3A_2740 = tpu.vector_load %arg20[%get3A_2739] {strides = array<i32>} : memref<144xf32, #tpu.memory_space<vmem>>, vector<16xf32>,
          %slice3A_2741 = vector.extract_strided_slice %get3A_2740 {offsets = [0], sizes = [1], strides = [1]} : vector<16xf32> to vector<1xf32>
          %squeeze3A_2742 = vector.extract %slice3A_2741[0] : f32 from vector<1xf32>
          %broadcast_in_dim3A_2743 = vector.broadcast %squeeze3A_2742 : f32 to vector<16xf32>
          %get3A_2744 = arith.constant 96 : i32
          %get3A_2745 = arith.index_cast %get3A_2744 : i32 to index
          %get3A_2746 = arith.constant 0 : index
          %get3A_2747 = tpu.vector_load %arg13[%get3A_2745, %get3A_2746] {strides = array<i32>} : memref<128x16xi32, #tpu.memory_space<vmem>>, vector<16xi32>,
          %shift_left3A_2748 = arith.constant 16 : i32
          %shift_left3A_2749 = vector.broadcast %shift_left3A_2748 : i32 to vector<16xi32>
          %shift_left3A_2750 = arith.shli %get3A_2747, %shift_left3A_2749 : vector<16xi32>
          %bitcast3A_2751 = vector.bitcast %shift_left3A_2750 : vector<16xi32> to vector<16xf32>
          %and3A_2752 = arith.andi %get3A_2747, %broadcast_in_dim3A_330 : vector<16xi32>
          %bitcast3A_2753 = vector.bitcast %and3A_2752 : vector<16xi32> to vector<16xf32>
          %mul3A_2754 = arith.mulf %bitcast3A_2751, %broadcast_in_dim3A_2743 : vector<16xf32>
          %swap3A_2755 = arith.constant 96 : i32
          %swap3A_2756 = arith.index_cast %rem3A_221 : i32 to index
          %swap3A_2757 = arith.index_cast %swap3A_2755 : i32 to index
          %swap3A_2758 = arith.constant 0 : index
          %swap3A_2759 = tpu.vector_load %arg14[%swap3A_2756, %swap3A_2757, %swap3A_2758] {strides = array<i32>} : memref<2x128x32xf32, #tpu.memory_space<vmem>>, vector<16xf32>,
          tpu.vector_store %arg14[%swap3A_2756, %swap3A_2757, %swap3A_2758], %mul3A_2754 {strides = array<i32>} : memref<2x128x32xf32, #tpu.memory_space<vmem>>, vector<16xf32>,
          %mul3A_2760 = arith.mulf %bitcast3A_2753, %broadcast_in_dim3A_2743 : vector<16xf32>
          %swap3A_2761 = arith.constant 96 : i32
          %swap3A_2762 = arith.index_cast %rem3A_221 : i32 to index
          %swap3A_2763 = arith.index_cast %swap3A_2761 : i32 to index
          %swap3A_2764 = arith.constant 16 : index
          %swap3A_2765 = tpu.vector_load %arg14[%swap3A_2762, %swap3A_2763, %swap3A_2764] {strides = array<i32>} : memref<2x128x32xf32, #tpu.memory_space<vmem>>, vector<16xf32>,
          tpu.vector_store %arg14[%swap3A_2762, %swap3A_2763, %swap3A_2764], %mul3A_2760 {strides = array<i32>} : memref<2x128x32xf32, #tpu.memory_space<vmem>>, vector<16xf32>,
          %slice3A_2766 = vector.extract_strided_slice %get3A_2740 {offsets = [1], sizes = [1], strides = [1]} : vector<16xf32> to vector<1xf32>
          %squeeze3A_2767 = vector.extract %slice3A_2766[0] : f32 from vector<1xf32>
          %broadcast_in_dim3A_2768 = vector.broadcast %squeeze3A_2767 : f32 to vector<16xf32>
          %get3A_2769 = arith.constant 97 : i32
          %get3A_2770 = arith.index_cast %get3A_2769 : i32 to index
          %get3A_2771 = arith.constant 0 : index
          %get3A_2772 = tpu.vector_load %arg13[%get3A_2770, %get3A_2771] {strides = array<i32>} : memref<128x16xi32, #tpu.memory_space<vmem>>, vector<16xi32>,
          %shift_left3A_2773 = arith.constant 16 : i32
          %shift_left3A_2774 = vector.broadcast %shift_left3A_2773 : i32 to vector<16xi32>
          %shift_left3A_2775 = arith.shli %get3A_2772, %shift_left3A_2774 : vector<16xi32>
          %bitcast3A_2776 = vector.bitcast %shift_left3A_2775 : vector<16xi32> to vector<16xf32>
          %and3A_2777 = arith.andi %get3A_2772, %broadcast_in_dim3A_330 : vector<16xi32>
          %bitcast3A_2778 = vector.bitcast %and3A_2777 : vector<16xi32> to vector<16xf32>
          %mul3A_2779 = arith.mulf %bitcast3A_2776, %broadcast_in_dim3A_2768 : vector<16xf32>
          %swap3A_2780 = arith.constant 97 : i32
          %swap3A_2781 = arith.index_cast %rem3A_221 : i32 to index
          %swap3A_2782 = arith.index_cast %swap3A_2780 : i32 to index
          %swap3A_2783 = arith.constant 0 : index
          %swap3A_2784 = tpu.vector_load %arg14[%swap3A_2781, %swap3A_2782, %swap3A_2783] {strides = array<i32>} : memref<2x128x32xf32, #tpu.memory_space<vmem>>, vector<16xf32>,
          tpu.vector_store %arg14[%swap3A_2781, %swap3A_2782, %swap3A_2783], %mul3A_2779 {strides = array<i32>} : memref<2x128x32xf32, #tpu.memory_space<vmem>>, vector<16xf32>,
          %mul3A_2785 = arith.mulf %bitcast3A_2778, %broadcast_in_dim3A_2768 : vector<16xf32>
          %swap3A_2786 = arith.constant 97 : i32
          %swap3A_2787 = arith.index_cast %rem3A_221 : i32 to index
          %swap3A_2788 = arith.index_cast %swap3A_2786 : i32 to index
          %swap3A_2789 = arith.constant 16 : index
          %swap3A_2790 = tpu.vector_load %arg14[%swap3A_2787, %swap3A_2788, %swap3A_2789] {strides = array<i32>} : memref<2x128x32xf32, #tpu.memory_space<vmem>>, vector<16xf32>,
          tpu.vector_store %arg14[%swap3A_2787, %swap3A_2788, %swap3A_2789], %mul3A_2785 {strides = array<i32>} : memref<2x128x32xf32, #tpu.memory_space<vmem>>, vector<16xf32>,
          %slice3A_2791 = vector.extract_strided_slice %get3A_2740 {offsets = [2], sizes = [1], strides = [1]} : vector<16xf32> to vector<1xf32>
          %squeeze3A_2792 = vector.extract %slice3A_2791[0] : f32 from vector<1xf32>
          %broadcast_in_dim3A_2793 = vector.broadcast %squeeze3A_2792 : f32 to vector<16xf32>
          %get3A_2794 = arith.constant 98 : i32
          %get3A_2795 = arith.index_cast %get3A_2794 : i32 to index
          %get3A_2796 = arith.constant 0 : index
          %get3A_2797 = tpu.vector_load %arg13[%get3A_2795, %get3A_2796] {strides = array<i32>} : memref<128x16xi32, #tpu.memory_space<vmem>>, vector<16xi32>,
          %shift_left3A_2798 = arith.constant 16 : i32
          %shift_left3A_2799 = vector.broadcast %shift_left3A_2798 : i32 to vector<16xi32>
          %shift_left3A_2800 = arith.shli %get3A_2797, %shift_left3A_2799 : vector<16xi32>
          %bitcast3A_2801 = vector.bitcast %shift_left3A_2800 : vector<16xi32> to vector<16xf32>
          %and3A_2802 = arith.andi %get3A_2797, %broadcast_in_dim3A_330 : vector<16xi32>
          %bitcast3A_2803 = vector.bitcast %and3A_2802 : vector<16xi32> to vector<16xf32>
          %mul3A_2804 = arith.mulf %bitcast3A_2801, %broadcast_in_dim3A_2793 : vector<16xf32>
          %swap3A_2805 = arith.constant 98 : i32
          %swap3A_2806 = arith.index_cast %rem3A_221 : i32 to index
          %swap3A_2807 = arith.index_cast %swap3A_2805 : i32 to index
          %swap3A_2808 = arith.constant 0 : index
          %swap3A_2809 = tpu.vector_load %arg14[%swap3A_2806, %swap3A_2807, %swap3A_2808] {strides = array<i32>} : memref<2x128x32xf32, #tpu.memory_space<vmem>>, vector<16xf32>,
          tpu.vector_store %arg14[%swap3A_2806, %swap3A_2807, %swap3A_2808], %mul3A_2804 {strides = array<i32>} : memref<2x128x32xf32, #tpu.memory_space<vmem>>, vector<16xf32>,
          %mul3A_2810 = arith.mulf %bitcast3A_2803, %broadcast_in_dim3A_2793 : vector<16xf32>
          %swap3A_2811 = arith.constant 98 : i32
          %swap3A_2812 = arith.index_cast %rem3A_221 : i32 to index
          %swap3A_2813 = arith.index_cast %swap3A_2811 : i32 to index
          %swap3A_2814 = arith.constant 16 : index
          %swap3A_2815 = tpu.vector_load %arg14[%swap3A_2812, %swap3A_2813, %swap3A_2814] {strides = array<i32>} : memref<2x128x32xf32, #tpu.memory_space<vmem>>, vector<16xf32>,
          tpu.vector_store %arg14[%swap3A_2812, %swap3A_2813, %swap3A_2814], %mul3A_2810 {strides = array<i32>} : memref<2x128x32xf32, #tpu.memory_space<vmem>>, vector<16xf32>,
          %slice3A_2816 = vector.extract_strided_slice %get3A_2740 {offsets = [3], sizes = [1], strides = [1]} : vector<16xf32> to vector<1xf32>
          %squeeze3A_2817 = vector.extract %slice3A_2816[0] : f32 from vector<1xf32>
          %broadcast_in_dim3A_2818 = vector.broadcast %squeeze3A_2817 : f32 to vector<16xf32>
          %get3A_2819 = arith.constant 99 : i32
          %get3A_2820 = arith.index_cast %get3A_2819 : i32 to index
          %get3A_2821 = arith.constant 0 : index
          %get3A_2822 = tpu.vector_load %arg13[%get3A_2820, %get3A_2821] {strides = array<i32>} : memref<128x16xi32, #tpu.memory_space<vmem>>, vector<16xi32>,
          %shift_left3A_2823 = arith.constant 16 : i32
          %shift_left3A_2824 = vector.broadcast %shift_left3A_2823 : i32 to vector<16xi32>
          %shift_left3A_2825 = arith.shli %get3A_2822, %shift_left3A_2824 : vector<16xi32>
          %bitcast3A_2826 = vector.bitcast %shift_left3A_2825 : vector<16xi32> to vector<16xf32>
          %and3A_2827 = arith.andi %get3A_2822, %broadcast_in_dim3A_330 : vector<16xi32>
          %bitcast3A_2828 = vector.bitcast %and3A_2827 : vector<16xi32> to vector<16xf32>
          %mul3A_2829 = arith.mulf %bitcast3A_2826, %broadcast_in_dim3A_2818 : vector<16xf32>
          %swap3A_2830 = arith.constant 99 : i32
          %swap3A_2831 = arith.index_cast %rem3A_221 : i32 to index
          %swap3A_2832 = arith.index_cast %swap3A_2830 : i32 to index
          %swap3A_2833 = arith.constant 0 : index
          %swap3A_2834 = tpu.vector_load %arg14[%swap3A_2831, %swap3A_2832, %swap3A_2833] {strides = array<i32>} : memref<2x128x32xf32, #tpu.memory_space<vmem>>, vector<16xf32>,
          tpu.vector_store %arg14[%swap3A_2831, %swap3A_2832, %swap3A_2833], %mul3A_2829 {strides = array<i32>} : memref<2x128x32xf32, #tpu.memory_space<vmem>>, vector<16xf32>,
          %mul3A_2835 = arith.mulf %bitcast3A_2828, %broadcast_in_dim3A_2818 : vector<16xf32>
          %swap3A_2836 = arith.constant 99 : i32
          %swap3A_2837 = arith.index_cast %rem3A_221 : i32 to index
          %swap3A_2838 = arith.index_cast %swap3A_2836 : i32 to index
          %swap3A_2839 = arith.constant 16 : index
          %swap3A_2840 = tpu.vector_load %arg14[%swap3A_2837, %swap3A_2838, %swap3A_2839] {strides = array<i32>} : memref<2x128x32xf32, #tpu.memory_space<vmem>>, vector<16xf32>,
          tpu.vector_store %arg14[%swap3A_2837, %swap3A_2838, %swap3A_2839], %mul3A_2835 {strides = array<i32>} : memref<2x128x32xf32, #tpu.memory_space<vmem>>, vector<16xf32>,
          %slice3A_2841 = vector.extract_strided_slice %get3A_2740 {offsets = [4], sizes = [1], strides = [1]} : vector<16xf32> to vector<1xf32>
          %squeeze3A_2842 = vector.extract %slice3A_2841[0] : f32 from vector<1xf32>
          %broadcast_in_dim3A_2843 = vector.broadcast %squeeze3A_2842 : f32 to vector<16xf32>
          %get3A_2844 = arith.constant 100 : i32
          %get3A_2845 = arith.index_cast %get3A_2844 : i32 to index
          %get3A_2846 = arith.constant 0 : index
          %get3A_2847 = tpu.vector_load %arg13[%get3A_2845, %get3A_2846] {strides = array<i32>} : memref<128x16xi32, #tpu.memory_space<vmem>>, vector<16xi32>,
          %shift_left3A_2848 = arith.constant 16 : i32
          %shift_left3A_2849 = vector.broadcast %shift_left3A_2848 : i32 to vector<16xi32>
          %shift_left3A_2850 = arith.shli %get3A_2847, %shift_left3A_2849 : vector<16xi32>
          %bitcast3A_2851 = vector.bitcast %shift_left3A_2850 : vector<16xi32> to vector<16xf32>
          %and3A_2852 = arith.andi %get3A_2847, %broadcast_in_dim3A_330 : vector<16xi32>
          %bitcast3A_2853 = vector.bitcast %and3A_2852 : vector<16xi32> to vector<16xf32>
          %mul3A_2854 = arith.mulf %bitcast3A_2851, %broadcast_in_dim3A_2843 : vector<16xf32>
          %swap3A_2855 = arith.constant 100 : i32
          %swap3A_2856 = arith.index_cast %rem3A_221 : i32 to index
          %swap3A_2857 = arith.index_cast %swap3A_2855 : i32 to index
          %swap3A_2858 = arith.constant 0 : index
          %swap3A_2859 = tpu.vector_load %arg14[%swap3A_2856, %swap3A_2857, %swap3A_2858] {strides = array<i32>} : memref<2x128x32xf32, #tpu.memory_space<vmem>>, vector<16xf32>,
          tpu.vector_store %arg14[%swap3A_2856, %swap3A_2857, %swap3A_2858], %mul3A_2854 {strides = array<i32>} : memref<2x128x32xf32, #tpu.memory_space<vmem>>, vector<16xf32>,
          %mul3A_2860 = arith.mulf %bitcast3A_2853, %broadcast_in_dim3A_2843 : vector<16xf32>
          %swap3A_2861 = arith.constant 100 : i32
          %swap3A_2862 = arith.index_cast %rem3A_221 : i32 to index
          %swap3A_2863 = arith.index_cast %swap3A_2861 : i32 to index
          %swap3A_2864 = arith.constant 16 : index
          %swap3A_2865 = tpu.vector_load %arg14[%swap3A_2862, %swap3A_2863, %swap3A_2864] {strides = array<i32>} : memref<2x128x32xf32, #tpu.memory_space<vmem>>, vector<16xf32>,
          tpu.vector_store %arg14[%swap3A_2862, %swap3A_2863, %swap3A_2864], %mul3A_2860 {strides = array<i32>} : memref<2x128x32xf32, #tpu.memory_space<vmem>>, vector<16xf32>,
          %slice3A_2866 = vector.extract_strided_slice %get3A_2740 {offsets = [5], sizes = [1], strides = [1]} : vector<16xf32> to vector<1xf32>
          %squeeze3A_2867 = vector.extract %slice3A_2866[0] : f32 from vector<1xf32>
          %broadcast_in_dim3A_2868 = vector.broadcast %squeeze3A_2867 : f32 to vector<16xf32>
          %get3A_2869 = arith.constant 101 : i32
          %get3A_2870 = arith.index_cast %get3A_2869 : i32 to index
          %get3A_2871 = arith.constant 0 : index
          %get3A_2872 = tpu.vector_load %arg13[%get3A_2870, %get3A_2871] {strides = array<i32>} : memref<128x16xi32, #tpu.memory_space<vmem>>, vector<16xi32>,
          %shift_left3A_2873 = arith.constant 16 : i32
          %shift_left3A_2874 = vector.broadcast %shift_left3A_2873 : i32 to vector<16xi32>
          %shift_left3A_2875 = arith.shli %get3A_2872, %shift_left3A_2874 : vector<16xi32>
          %bitcast3A_2876 = vector.bitcast %shift_left3A_2875 : vector<16xi32> to vector<16xf32>
          %and3A_2877 = arith.andi %get3A_2872, %broadcast_in_dim3A_330 : vector<16xi32>
          %bitcast3A_2878 = vector.bitcast %and3A_2877 : vector<16xi32> to vector<16xf32>
          %mul3A_2879 = arith.mulf %bitcast3A_2876, %broadcast_in_dim3A_2868 : vector<16xf32>
          %swap3A_2880 = arith.constant 101 : i32
          %swap3A_2881 = arith.index_cast %rem3A_221 : i32 to index
          %swap3A_2882 = arith.index_cast %swap3A_2880 : i32 to index
          %swap3A_2883 = arith.constant 0 : index
          %swap3A_2884 = tpu.vector_load %arg14[%swap3A_2881, %swap3A_2882, %swap3A_2883] {strides = array<i32>} : memref<2x128x32xf32, #tpu.memory_space<vmem>>, vector<16xf32>,
          tpu.vector_store %arg14[%swap3A_2881, %swap3A_2882, %swap3A_2883], %mul3A_2879 {strides = array<i32>} : memref<2x128x32xf32, #tpu.memory_space<vmem>>, vector<16xf32>,
          %mul3A_2885 = arith.mulf %bitcast3A_2878, %broadcast_in_dim3A_2868 : vector<16xf32>
          %swap3A_2886 = arith.constant 101 : i32
          %swap3A_2887 = arith.index_cast %rem3A_221 : i32 to index
          %swap3A_2888 = arith.index_cast %swap3A_2886 : i32 to index
          %swap3A_2889 = arith.constant 16 : index
          %swap3A_2890 = tpu.vector_load %arg14[%swap3A_2887, %swap3A_2888, %swap3A_2889] {strides = array<i32>} : memref<2x128x32xf32, #tpu.memory_space<vmem>>, vector<16xf32>,
          tpu.vector_store %arg14[%swap3A_2887, %swap3A_2888, %swap3A_2889], %mul3A_2885 {strides = array<i32>} : memref<2x128x32xf32, #tpu.memory_space<vmem>>, vector<16xf32>,
          %slice3A_2891 = vector.extract_strided_slice %get3A_2740 {offsets = [6], sizes = [1], strides = [1]} : vector<16xf32> to vector<1xf32>
          %squeeze3A_2892 = vector.extract %slice3A_2891[0] : f32 from vector<1xf32>
          %broadcast_in_dim3A_2893 = vector.broadcast %squeeze3A_2892 : f32 to vector<16xf32>
          %get3A_2894 = arith.constant 102 : i32
          %get3A_2895 = arith.index_cast %get3A_2894 : i32 to index
          %get3A_2896 = arith.constant 0 : index
          %get3A_2897 = tpu.vector_load %arg13[%get3A_2895, %get3A_2896] {strides = array<i32>} : memref<128x16xi32, #tpu.memory_space<vmem>>, vector<16xi32>,
          %shift_left3A_2898 = arith.constant 16 : i32
          %shift_left3A_2899 = vector.broadcast %shift_left3A_2898 : i32 to vector<16xi32>
          %shift_left3A_2900 = arith.shli %get3A_2897, %shift_left3A_2899 : vector<16xi32>
          %bitcast3A_2901 = vector.bitcast %shift_left3A_2900 : vector<16xi32> to vector<16xf32>
          %and3A_2902 = arith.andi %get3A_2897, %broadcast_in_dim3A_330 : vector<16xi32>
          %bitcast3A_2903 = vector.bitcast %and3A_2902 : vector<16xi32> to vector<16xf32>
          %mul3A_2904 = arith.mulf %bitcast3A_2901, %broadcast_in_dim3A_2893 : vector<16xf32>
          %swap3A_2905 = arith.constant 102 : i32
          %swap3A_2906 = arith.index_cast %rem3A_221 : i32 to index
          %swap3A_2907 = arith.index_cast %swap3A_2905 : i32 to index
          %swap3A_2908 = arith.constant 0 : index
          %swap3A_2909 = tpu.vector_load %arg14[%swap3A_2906, %swap3A_2907, %swap3A_2908] {strides = array<i32>} : memref<2x128x32xf32, #tpu.memory_space<vmem>>, vector<16xf32>,
          tpu.vector_store %arg14[%swap3A_2906, %swap3A_2907, %swap3A_2908], %mul3A_2904 {strides = array<i32>} : memref<2x128x32xf32, #tpu.memory_space<vmem>>, vector<16xf32>,
          %mul3A_2910 = arith.mulf %bitcast3A_2903, %broadcast_in_dim3A_2893 : vector<16xf32>
          %swap3A_2911 = arith.constant 102 : i32
          %swap3A_2912 = arith.index_cast %rem3A_221 : i32 to index
          %swap3A_2913 = arith.index_cast %swap3A_2911 : i32 to index
          %swap3A_2914 = arith.constant 16 : index
          %swap3A_2915 = tpu.vector_load %arg14[%swap3A_2912, %swap3A_2913, %swap3A_2914] {strides = array<i32>} : memref<2x128x32xf32, #tpu.memory_space<vmem>>, vector<16xf32>,
          tpu.vector_store %arg14[%swap3A_2912, %swap3A_2913, %swap3A_2914], %mul3A_2910 {strides = array<i32>} : memref<2x128x32xf32, #tpu.memory_space<vmem>>, vector<16xf32>,
          %slice3A_2916 = vector.extract_strided_slice %get3A_2740 {offsets = [7], sizes = [1], strides = [1]} : vector<16xf32> to vector<1xf32>
          %squeeze3A_2917 = vector.extract %slice3A_2916[0] : f32 from vector<1xf32>
          %broadcast_in_dim3A_2918 = vector.broadcast %squeeze3A_2917 : f32 to vector<16xf32>
          %get3A_2919 = arith.constant 103 : i32
          %get3A_2920 = arith.index_cast %get3A_2919 : i32 to index
          %get3A_2921 = arith.constant 0 : index
          %get3A_2922 = tpu.vector_load %arg13[%get3A_2920, %get3A_2921] {strides = array<i32>} : memref<128x16xi32, #tpu.memory_space<vmem>>, vector<16xi32>,
          %shift_left3A_2923 = arith.constant 16 : i32
          %shift_left3A_2924 = vector.broadcast %shift_left3A_2923 : i32 to vector<16xi32>
          %shift_left3A_2925 = arith.shli %get3A_2922, %shift_left3A_2924 : vector<16xi32>
          %bitcast3A_2926 = vector.bitcast %shift_left3A_2925 : vector<16xi32> to vector<16xf32>
          %and3A_2927 = arith.andi %get3A_2922, %broadcast_in_dim3A_330 : vector<16xi32>
          %bitcast3A_2928 = vector.bitcast %and3A_2927 : vector<16xi32> to vector<16xf32>
          %mul3A_2929 = arith.mulf %bitcast3A_2926, %broadcast_in_dim3A_2918 : vector<16xf32>
          %swap3A_2930 = arith.constant 103 : i32
          %swap3A_2931 = arith.index_cast %rem3A_221 : i32 to index
          %swap3A_2932 = arith.index_cast %swap3A_2930 : i32 to index
          %swap3A_2933 = arith.constant 0 : index
          %swap3A_2934 = tpu.vector_load %arg14[%swap3A_2931, %swap3A_2932, %swap3A_2933] {strides = array<i32>} : memref<2x128x32xf32, #tpu.memory_space<vmem>>, vector<16xf32>,
          tpu.vector_store %arg14[%swap3A_2931, %swap3A_2932, %swap3A_2933], %mul3A_2929 {strides = array<i32>} : memref<2x128x32xf32, #tpu.memory_space<vmem>>, vector<16xf32>,
          %mul3A_2935 = arith.mulf %bitcast3A_2928, %broadcast_in_dim3A_2918 : vector<16xf32>
          %swap3A_2936 = arith.constant 103 : i32
          %swap3A_2937 = arith.index_cast %rem3A_221 : i32 to index
          %swap3A_2938 = arith.index_cast %swap3A_2936 : i32 to index
          %swap3A_2939 = arith.constant 16 : index
          %swap3A_2940 = tpu.vector_load %arg14[%swap3A_2937, %swap3A_2938, %swap3A_2939] {strides = array<i32>} : memref<2x128x32xf32, #tpu.memory_space<vmem>>, vector<16xf32>,
          tpu.vector_store %arg14[%swap3A_2937, %swap3A_2938, %swap3A_2939], %mul3A_2935 {strides = array<i32>} : memref<2x128x32xf32, #tpu.memory_space<vmem>>, vector<16xf32>,
          %slice3A_2941 = vector.extract_strided_slice %get3A_2740 {offsets = [8], sizes = [1], strides = [1]} : vector<16xf32> to vector<1xf32>
          %squeeze3A_2942 = vector.extract %slice3A_2941[0] : f32 from vector<1xf32>
          %broadcast_in_dim3A_2943 = vector.broadcast %squeeze3A_2942 : f32 to vector<16xf32>
          %get3A_2944 = arith.constant 104 : i32
          %get3A_2945 = arith.index_cast %get3A_2944 : i32 to index
          %get3A_2946 = arith.constant 0 : index
          %get3A_2947 = tpu.vector_load %arg13[%get3A_2945, %get3A_2946] {strides = array<i32>} : memref<128x16xi32, #tpu.memory_space<vmem>>, vector<16xi32>,
          %shift_left3A_2948 = arith.constant 16 : i32
          %shift_left3A_2949 = vector.broadcast %shift_left3A_2948 : i32 to vector<16xi32>
          %shift_left3A_2950 = arith.shli %get3A_2947, %shift_left3A_2949 : vector<16xi32>
          %bitcast3A_2951 = vector.bitcast %shift_left3A_2950 : vector<16xi32> to vector<16xf32>
          %and3A_2952 = arith.andi %get3A_2947, %broadcast_in_dim3A_330 : vector<16xi32>
          %bitcast3A_2953 = vector.bitcast %and3A_2952 : vector<16xi32> to vector<16xf32>
          %mul3A_2954 = arith.mulf %bitcast3A_2951, %broadcast_in_dim3A_2943 : vector<16xf32>
          %swap3A_2955 = arith.constant 104 : i32
          %swap3A_2956 = arith.index_cast %rem3A_221 : i32 to index
          %swap3A_2957 = arith.index_cast %swap3A_2955 : i32 to index
          %swap3A_2958 = arith.constant 0 : index
          %swap3A_2959 = tpu.vector_load %arg14[%swap3A_2956, %swap3A_2957, %swap3A_2958] {strides = array<i32>} : memref<2x128x32xf32, #tpu.memory_space<vmem>>, vector<16xf32>,
          tpu.vector_store %arg14[%swap3A_2956, %swap3A_2957, %swap3A_2958], %mul3A_2954 {strides = array<i32>} : memref<2x128x32xf32, #tpu.memory_space<vmem>>, vector<16xf32>,
          %mul3A_2960 = arith.mulf %bitcast3A_2953, %broadcast_in_dim3A_2943 : vector<16xf32>
          %swap3A_2961 = arith.constant 104 : i32
          %swap3A_2962 = arith.index_cast %rem3A_221 : i32 to index
          %swap3A_2963 = arith.index_cast %swap3A_2961 : i32 to index
          %swap3A_2964 = arith.constant 16 : index
          %swap3A_2965 = tpu.vector_load %arg14[%swap3A_2962, %swap3A_2963, %swap3A_2964] {strides = array<i32>} : memref<2x128x32xf32, #tpu.memory_space<vmem>>, vector<16xf32>,
          tpu.vector_store %arg14[%swap3A_2962, %swap3A_2963, %swap3A_2964], %mul3A_2960 {strides = array<i32>} : memref<2x128x32xf32, #tpu.memory_space<vmem>>, vector<16xf32>,
          %slice3A_2966 = vector.extract_strided_slice %get3A_2740 {offsets = [9], sizes = [1], strides = [1]} : vector<16xf32> to vector<1xf32>
          %squeeze3A_2967 = vector.extract %slice3A_2966[0] : f32 from vector<1xf32>
          %broadcast_in_dim3A_2968 = vector.broadcast %squeeze3A_2967 : f32 to vector<16xf32>
          %get3A_2969 = arith.constant 105 : i32
          %get3A_2970 = arith.index_cast %get3A_2969 : i32 to index
          %get3A_2971 = arith.constant 0 : index
          %get3A_2972 = tpu.vector_load %arg13[%get3A_2970, %get3A_2971] {strides = array<i32>} : memref<128x16xi32, #tpu.memory_space<vmem>>, vector<16xi32>,
          %shift_left3A_2973 = arith.constant 16 : i32
          %shift_left3A_2974 = vector.broadcast %shift_left3A_2973 : i32 to vector<16xi32>
          %shift_left3A_2975 = arith.shli %get3A_2972, %shift_left3A_2974 : vector<16xi32>
          %bitcast3A_2976 = vector.bitcast %shift_left3A_2975 : vector<16xi32> to vector<16xf32>
          %and3A_2977 = arith.andi %get3A_2972, %broadcast_in_dim3A_330 : vector<16xi32>
          %bitcast3A_2978 = vector.bitcast %and3A_2977 : vector<16xi32> to vector<16xf32>
          %mul3A_2979 = arith.mulf %bitcast3A_2976, %broadcast_in_dim3A_2968 : vector<16xf32>
          %swap3A_2980 = arith.constant 105 : i32
          %swap3A_2981 = arith.index_cast %rem3A_221 : i32 to index
          %swap3A_2982 = arith.index_cast %swap3A_2980 : i32 to index
          %swap3A_2983 = arith.constant 0 : index
          %swap3A_2984 = tpu.vector_load %arg14[%swap3A_2981, %swap3A_2982, %swap3A_2983] {strides = array<i32>} : memref<2x128x32xf32, #tpu.memory_space<vmem>>, vector<16xf32>,
          tpu.vector_store %arg14[%swap3A_2981, %swap3A_2982, %swap3A_2983], %mul3A_2979 {strides = array<i32>} : memref<2x128x32xf32, #tpu.memory_space<vmem>>, vector<16xf32>,
          %mul3A_2985 = arith.mulf %bitcast3A_2978, %broadcast_in_dim3A_2968 : vector<16xf32>
          %swap3A_2986 = arith.constant 105 : i32
          %swap3A_2987 = arith.index_cast %rem3A_221 : i32 to index
          %swap3A_2988 = arith.index_cast %swap3A_2986 : i32 to index
          %swap3A_2989 = arith.constant 16 : index
          %swap3A_2990 = tpu.vector_load %arg14[%swap3A_2987, %swap3A_2988, %swap3A_2989] {strides = array<i32>} : memref<2x128x32xf32, #tpu.memory_space<vmem>>, vector<16xf32>,
          tpu.vector_store %arg14[%swap3A_2987, %swap3A_2988, %swap3A_2989], %mul3A_2985 {strides = array<i32>} : memref<2x128x32xf32, #tpu.memory_space<vmem>>, vector<16xf32>,
          %slice3A_2991 = vector.extract_strided_slice %get3A_2740 {offsets = [10], sizes = [1], strides = [1]} : vector<16xf32> to vector<1xf32>
          %squeeze3A_2992 = vector.extract %slice3A_2991[0] : f32 from vector<1xf32>
          %broadcast_in_dim3A_2993 = vector.broadcast %squeeze3A_2992 : f32 to vector<16xf32>
          %get3A_2994 = arith.constant 106 : i32
          %get3A_2995 = arith.index_cast %get3A_2994 : i32 to index
          %get3A_2996 = arith.constant 0 : index
          %get3A_2997 = tpu.vector_load %arg13[%get3A_2995, %get3A_2996] {strides = array<i32>} : memref<128x16xi32, #tpu.memory_space<vmem>>, vector<16xi32>,
          %shift_left3A_2998 = arith.constant 16 : i32
          %shift_left3A_2999 = vector.broadcast %shift_left3A_2998 : i32 to vector<16xi32>
          %shift_left3A_3000 = arith.shli %get3A_2997, %shift_left3A_2999 : vector<16xi32>
          %bitcast3A_3001 = vector.bitcast %shift_left3A_3000 : vector<16xi32> to vector<16xf32>
          %and3A_3002 = arith.andi %get3A_2997, %broadcast_in_dim3A_330 : vector<16xi32>
          %bitcast3A_3003 = vector.bitcast %and3A_3002 : vector<16xi32> to vector<16xf32>
          %mul3A_3004 = arith.mulf %bitcast3A_3001, %broadcast_in_dim3A_2993 : vector<16xf32>
          %swap3A_3005 = arith.constant 106 : i32
          %swap3A_3006 = arith.index_cast %rem3A_221 : i32 to index
          %swap3A_3007 = arith.index_cast %swap3A_3005 : i32 to index
          %swap3A_3008 = arith.constant 0 : index
          %swap3A_3009 = tpu.vector_load %arg14[%swap3A_3006, %swap3A_3007, %swap3A_3008] {strides = array<i32>} : memref<2x128x32xf32, #tpu.memory_space<vmem>>, vector<16xf32>,
          tpu.vector_store %arg14[%swap3A_3006, %swap3A_3007, %swap3A_3008], %mul3A_3004 {strides = array<i32>} : memref<2x128x32xf32, #tpu.memory_space<vmem>>, vector<16xf32>,
          %mul3A_3010 = arith.mulf %bitcast3A_3003, %broadcast_in_dim3A_2993 : vector<16xf32>
          %swap3A_3011 = arith.constant 106 : i32
          %swap3A_3012 = arith.index_cast %rem3A_221 : i32 to index
          %swap3A_3013 = arith.index_cast %swap3A_3011 : i32 to index
          %swap3A_3014 = arith.constant 16 : index
          %swap3A_3015 = tpu.vector_load %arg14[%swap3A_3012, %swap3A_3013, %swap3A_3014] {strides = array<i32>} : memref<2x128x32xf32, #tpu.memory_space<vmem>>, vector<16xf32>,
          tpu.vector_store %arg14[%swap3A_3012, %swap3A_3013, %swap3A_3014], %mul3A_3010 {strides = array<i32>} : memref<2x128x32xf32, #tpu.memory_space<vmem>>, vector<16xf32>,
          %slice3A_3016 = vector.extract_strided_slice %get3A_2740 {offsets = [11], sizes = [1], strides = [1]} : vector<16xf32> to vector<1xf32>
          %squeeze3A_3017 = vector.extract %slice3A_3016[0] : f32 from vector<1xf32>
          %broadcast_in_dim3A_3018 = vector.broadcast %squeeze3A_3017 : f32 to vector<16xf32>
          %get3A_3019 = arith.constant 107 : i32
          %get3A_3020 = arith.index_cast %get3A_3019 : i32 to index
          %get3A_3021 = arith.constant 0 : index
          %get3A_3022 = tpu.vector_load %arg13[%get3A_3020, %get3A_3021] {strides = array<i32>} : memref<128x16xi32, #tpu.memory_space<vmem>>, vector<16xi32>,
          %shift_left3A_3023 = arith.constant 16 : i32
          %shift_left3A_3024 = vector.broadcast %shift_left3A_3023 : i32 to vector<16xi32>
          %shift_left3A_3025 = arith.shli %get3A_3022, %shift_left3A_3024 : vector<16xi32>
          %bitcast3A_3026 = vector.bitcast %shift_left3A_3025 : vector<16xi32> to vector<16xf32>
          %and3A_3027 = arith.andi %get3A_3022, %broadcast_in_dim3A_330 : vector<16xi32>
          %bitcast3A_3028 = vector.bitcast %and3A_3027 : vector<16xi32> to vector<16xf32>
          %mul3A_3029 = arith.mulf %bitcast3A_3026, %broadcast_in_dim3A_3018 : vector<16xf32>
          %swap3A_3030 = arith.constant 107 : i32
          %swap3A_3031 = arith.index_cast %rem3A_221 : i32 to index
          %swap3A_3032 = arith.index_cast %swap3A_3030 : i32 to index
          %swap3A_3033 = arith.constant 0 : index
          %swap3A_3034 = tpu.vector_load %arg14[%swap3A_3031, %swap3A_3032, %swap3A_3033] {strides = array<i32>} : memref<2x128x32xf32, #tpu.memory_space<vmem>>, vector<16xf32>,
          tpu.vector_store %arg14[%swap3A_3031, %swap3A_3032, %swap3A_3033], %mul3A_3029 {strides = array<i32>} : memref<2x128x32xf32, #tpu.memory_space<vmem>>, vector<16xf32>,
          %mul3A_3035 = arith.mulf %bitcast3A_3028, %broadcast_in_dim3A_3018 : vector<16xf32>
          %swap3A_3036 = arith.constant 107 : i32
          %swap3A_3037 = arith.index_cast %rem3A_221 : i32 to index
          %swap3A_3038 = arith.index_cast %swap3A_3036 : i32 to index
          %swap3A_3039 = arith.constant 16 : index
          %swap3A_3040 = tpu.vector_load %arg14[%swap3A_3037, %swap3A_3038, %swap3A_3039] {strides = array<i32>} : memref<2x128x32xf32, #tpu.memory_space<vmem>>, vector<16xf32>,
          tpu.vector_store %arg14[%swap3A_3037, %swap3A_3038, %swap3A_3039], %mul3A_3035 {strides = array<i32>} : memref<2x128x32xf32, #tpu.memory_space<vmem>>, vector<16xf32>,
          %slice3A_3041 = vector.extract_strided_slice %get3A_2740 {offsets = [12], sizes = [1], strides = [1]} : vector<16xf32> to vector<1xf32>
          %squeeze3A_3042 = vector.extract %slice3A_3041[0] : f32 from vector<1xf32>
          %broadcast_in_dim3A_3043 = vector.broadcast %squeeze3A_3042 : f32 to vector<16xf32>
          %get3A_3044 = arith.constant 108 : i32
          %get3A_3045 = arith.index_cast %get3A_3044 : i32 to index
          %get3A_3046 = arith.constant 0 : index
          %get3A_3047 = tpu.vector_load %arg13[%get3A_3045, %get3A_3046] {strides = array<i32>} : memref<128x16xi32, #tpu.memory_space<vmem>>, vector<16xi32>,
          %shift_left3A_3048 = arith.constant 16 : i32
          %shift_left3A_3049 = vector.broadcast %shift_left3A_3048 : i32 to vector<16xi32>
          %shift_left3A_3050 = arith.shli %get3A_3047, %shift_left3A_3049 : vector<16xi32>
          %bitcast3A_3051 = vector.bitcast %shift_left3A_3050 : vector<16xi32> to vector<16xf32>
          %and3A_3052 = arith.andi %get3A_3047, %broadcast_in_dim3A_330 : vector<16xi32>
          %bitcast3A_3053 = vector.bitcast %and3A_3052 : vector<16xi32> to vector<16xf32>
          %mul3A_3054 = arith.mulf %bitcast3A_3051, %broadcast_in_dim3A_3043 : vector<16xf32>
          %swap3A_3055 = arith.constant 108 : i32
          %swap3A_3056 = arith.index_cast %rem3A_221 : i32 to index
          %swap3A_3057 = arith.index_cast %swap3A_3055 : i32 to index
          %swap3A_3058 = arith.constant 0 : index
          %swap3A_3059 = tpu.vector_load %arg14[%swap3A_3056, %swap3A_3057, %swap3A_3058] {strides = array<i32>} : memref<2x128x32xf32, #tpu.memory_space<vmem>>, vector<16xf32>,
          tpu.vector_store %arg14[%swap3A_3056, %swap3A_3057, %swap3A_3058], %mul3A_3054 {strides = array<i32>} : memref<2x128x32xf32, #tpu.memory_space<vmem>>, vector<16xf32>,
          %mul3A_3060 = arith.mulf %bitcast3A_3053, %broadcast_in_dim3A_3043 : vector<16xf32>
          %swap3A_3061 = arith.constant 108 : i32
          %swap3A_3062 = arith.index_cast %rem3A_221 : i32 to index
          %swap3A_3063 = arith.index_cast %swap3A_3061 : i32 to index
          %swap3A_3064 = arith.constant 16 : index
          %swap3A_3065 = tpu.vector_load %arg14[%swap3A_3062, %swap3A_3063, %swap3A_3064] {strides = array<i32>} : memref<2x128x32xf32, #tpu.memory_space<vmem>>, vector<16xf32>,
          tpu.vector_store %arg14[%swap3A_3062, %swap3A_3063, %swap3A_3064], %mul3A_3060 {strides = array<i32>} : memref<2x128x32xf32, #tpu.memory_space<vmem>>, vector<16xf32>,
          %slice3A_3066 = vector.extract_strided_slice %get3A_2740 {offsets = [13], sizes = [1], strides = [1]} : vector<16xf32> to vector<1xf32>
          %squeeze3A_3067 = vector.extract %slice3A_3066[0] : f32 from vector<1xf32>
          %broadcast_in_dim3A_3068 = vector.broadcast %squeeze3A_3067 : f32 to vector<16xf32>
          %get3A_3069 = arith.constant 109 : i32
          %get3A_3070 = arith.index_cast %get3A_3069 : i32 to index
          %get3A_3071 = arith.constant 0 : index
          %get3A_3072 = tpu.vector_load %arg13[%get3A_3070, %get3A_3071] {strides = array<i32>} : memref<128x16xi32, #tpu.memory_space<vmem>>, vector<16xi32>,
          %shift_left3A_3073 = arith.constant 16 : i32
          %shift_left3A_3074 = vector.broadcast %shift_left3A_3073 : i32 to vector<16xi32>
          %shift_left3A_3075 = arith.shli %get3A_3072, %shift_left3A_3074 : vector<16xi32>
          %bitcast3A_3076 = vector.bitcast %shift_left3A_3075 : vector<16xi32> to vector<16xf32>
          %and3A_3077 = arith.andi %get3A_3072, %broadcast_in_dim3A_330 : vector<16xi32>
          %bitcast3A_3078 = vector.bitcast %and3A_3077 : vector<16xi32> to vector<16xf32>
          %mul3A_3079 = arith.mulf %bitcast3A_3076, %broadcast_in_dim3A_3068 : vector<16xf32>
          %swap3A_3080 = arith.constant 109 : i32
          %swap3A_3081 = arith.index_cast %rem3A_221 : i32 to index
          %swap3A_3082 = arith.index_cast %swap3A_3080 : i32 to index
          %swap3A_3083 = arith.constant 0 : index
          %swap3A_3084 = tpu.vector_load %arg14[%swap3A_3081, %swap3A_3082, %swap3A_3083] {strides = array<i32>} : memref<2x128x32xf32, #tpu.memory_space<vmem>>, vector<16xf32>,
          tpu.vector_store %arg14[%swap3A_3081, %swap3A_3082, %swap3A_3083], %mul3A_3079 {strides = array<i32>} : memref<2x128x32xf32, #tpu.memory_space<vmem>>, vector<16xf32>,
          %mul3A_3085 = arith.mulf %bitcast3A_3078, %broadcast_in_dim3A_3068 : vector<16xf32>
          %swap3A_3086 = arith.constant 109 : i32
          %swap3A_3087 = arith.index_cast %rem3A_221 : i32 to index
          %swap3A_3088 = arith.index_cast %swap3A_3086 : i32 to index
          %swap3A_3089 = arith.constant 16 : index
          %swap3A_3090 = tpu.vector_load %arg14[%swap3A_3087, %swap3A_3088, %swap3A_3089] {strides = array<i32>} : memref<2x128x32xf32, #tpu.memory_space<vmem>>, vector<16xf32>,
          tpu.vector_store %arg14[%swap3A_3087, %swap3A_3088, %swap3A_3089], %mul3A_3085 {strides = array<i32>} : memref<2x128x32xf32, #tpu.memory_space<vmem>>, vector<16xf32>,
          %slice3A_3091 = vector.extract_strided_slice %get3A_2740 {offsets = [14], sizes = [1], strides = [1]} : vector<16xf32> to vector<1xf32>
          %squeeze3A_3092 = vector.extract %slice3A_3091[0] : f32 from vector<1xf32>
          %broadcast_in_dim3A_3093 = vector.broadcast %squeeze3A_3092 : f32 to vector<16xf32>
          %get3A_3094 = arith.constant 110 : i32
          %get3A_3095 = arith.index_cast %get3A_3094 : i32 to index
          %get3A_3096 = arith.constant 0 : index
          %get3A_3097 = tpu.vector_load %arg13[%get3A_3095, %get3A_3096] {strides = array<i32>} : memref<128x16xi32, #tpu.memory_space<vmem>>, vector<16xi32>,
          %shift_left3A_3098 = arith.constant 16 : i32
          %shift_left3A_3099 = vector.broadcast %shift_left3A_3098 : i32 to vector<16xi32>
          %shift_left3A_3100 = arith.shli %get3A_3097, %shift_left3A_3099 : vector<16xi32>
          %bitcast3A_3101 = vector.bitcast %shift_left3A_3100 : vector<16xi32> to vector<16xf32>
          %and3A_3102 = arith.andi %get3A_3097, %broadcast_in_dim3A_330 : vector<16xi32>
          %bitcast3A_3103 = vector.bitcast %and3A_3102 : vector<16xi32> to vector<16xf32>
          %mul3A_3104 = arith.mulf %bitcast3A_3101, %broadcast_in_dim3A_3093 : vector<16xf32>
          %swap3A_3105 = arith.constant 110 : i32
          %swap3A_3106 = arith.index_cast %rem3A_221 : i32 to index
          %swap3A_3107 = arith.index_cast %swap3A_3105 : i32 to index
          %swap3A_3108 = arith.constant 0 : index
          %swap3A_3109 = tpu.vector_load %arg14[%swap3A_3106, %swap3A_3107, %swap3A_3108] {strides = array<i32>} : memref<2x128x32xf32, #tpu.memory_space<vmem>>, vector<16xf32>,
          tpu.vector_store %arg14[%swap3A_3106, %swap3A_3107, %swap3A_3108], %mul3A_3104 {strides = array<i32>} : memref<2x128x32xf32, #tpu.memory_space<vmem>>, vector<16xf32>,
          %mul3A_3110 = arith.mulf %bitcast3A_3103, %broadcast_in_dim3A_3093 : vector<16xf32>
          %swap3A_3111 = arith.constant 110 : i32
          %swap3A_3112 = arith.index_cast %rem3A_221 : i32 to index
          %swap3A_3113 = arith.index_cast %swap3A_3111 : i32 to index
          %swap3A_3114 = arith.constant 16 : index
          %swap3A_3115 = tpu.vector_load %arg14[%swap3A_3112, %swap3A_3113, %swap3A_3114] {strides = array<i32>} : memref<2x128x32xf32, #tpu.memory_space<vmem>>, vector<16xf32>,
          tpu.vector_store %arg14[%swap3A_3112, %swap3A_3113, %swap3A_3114], %mul3A_3110 {strides = array<i32>} : memref<2x128x32xf32, #tpu.memory_space<vmem>>, vector<16xf32>,
          %slice3A_3116 = vector.extract_strided_slice %get3A_2740 {offsets = [15], sizes = [1], strides = [1]} : vector<16xf32> to vector<1xf32>
          %squeeze3A_3117 = vector.extract %slice3A_3116[0] : f32 from vector<1xf32>
          %broadcast_in_dim3A_3118 = vector.broadcast %squeeze3A_3117 : f32 to vector<16xf32>
          %get3A_3119 = arith.constant 111 : i32
          %get3A_3120 = arith.index_cast %get3A_3119 : i32 to index
          %get3A_3121 = arith.constant 0 : index
          %get3A_3122 = tpu.vector_load %arg13[%get3A_3120, %get3A_3121] {strides = array<i32>} : memref<128x16xi32, #tpu.memory_space<vmem>>, vector<16xi32>,
          %shift_left3A_3123 = arith.constant 16 : i32
          %shift_left3A_3124 = vector.broadcast %shift_left3A_3123 : i32 to vector<16xi32>
          %shift_left3A_3125 = arith.shli %get3A_3122, %shift_left3A_3124 : vector<16xi32>
          %bitcast3A_3126 = vector.bitcast %shift_left3A_3125 : vector<16xi32> to vector<16xf32>
          %and3A_3127 = arith.andi %get3A_3122, %broadcast_in_dim3A_330 : vector<16xi32>
          %bitcast3A_3128 = vector.bitcast %and3A_3127 : vector<16xi32> to vector<16xf32>
          %mul3A_3129 = arith.mulf %bitcast3A_3126, %broadcast_in_dim3A_3118 : vector<16xf32>
          %swap3A_3130 = arith.constant 111 : i32
          %swap3A_3131 = arith.index_cast %rem3A_221 : i32 to index
          %swap3A_3132 = arith.index_cast %swap3A_3130 : i32 to index
          %swap3A_3133 = arith.constant 0 : index
          %swap3A_3134 = tpu.vector_load %arg14[%swap3A_3131, %swap3A_3132, %swap3A_3133] {strides = array<i32>} : memref<2x128x32xf32, #tpu.memory_space<vmem>>, vector<16xf32>,
          tpu.vector_store %arg14[%swap3A_3131, %swap3A_3132, %swap3A_3133], %mul3A_3129 {strides = array<i32>} : memref<2x128x32xf32, #tpu.memory_space<vmem>>, vector<16xf32>,
          %mul3A_3135 = arith.mulf %bitcast3A_3128, %broadcast_in_dim3A_3118 : vector<16xf32>
          %swap3A_3136 = arith.constant 111 : i32
          %swap3A_3137 = arith.index_cast %rem3A_221 : i32 to index
          %swap3A_3138 = arith.index_cast %swap3A_3136 : i32 to index
          %swap3A_3139 = arith.constant 16 : index
          %swap3A_3140 = tpu.vector_load %arg14[%swap3A_3137, %swap3A_3138, %swap3A_3139] {strides = array<i32>} : memref<2x128x32xf32, #tpu.memory_space<vmem>>, vector<16xf32>,
          tpu.vector_store %arg14[%swap3A_3137, %swap3A_3138, %swap3A_3139], %mul3A_3135 {strides = array<i32>} : memref<2x128x32xf32, #tpu.memory_space<vmem>>, vector<16xf32>,
          %get3A_3141 = arith.constant 112 : index
          %get3A_3142 = tpu.vector_load %arg20[%get3A_3141] {strides = array<i32>} : memref<144xf32, #tpu.memory_space<vmem>>, vector<16xf32>,
          %slice3A_3143 = vector.extract_strided_slice %get3A_3142 {offsets = [0], sizes = [1], strides = [1]} : vector<16xf32> to vector<1xf32>
          %squeeze3A_3144 = vector.extract %slice3A_3143[0] : f32 from vector<1xf32>
          %broadcast_in_dim3A_3145 = vector.broadcast %squeeze3A_3144 : f32 to vector<16xf32>
          %get3A_3146 = arith.constant 112 : i32
          %get3A_3147 = arith.index_cast %get3A_3146 : i32 to index
          %get3A_3148 = arith.constant 0 : index
          %get3A_3149 = tpu.vector_load %arg13[%get3A_3147, %get3A_3148] {strides = array<i32>} : memref<128x16xi32, #tpu.memory_space<vmem>>, vector<16xi32>,
          %shift_left3A_3150 = arith.constant 16 : i32
          %shift_left3A_3151 = vector.broadcast %shift_left3A_3150 : i32 to vector<16xi32>
          %shift_left3A_3152 = arith.shli %get3A_3149, %shift_left3A_3151 : vector<16xi32>
          %bitcast3A_3153 = vector.bitcast %shift_left3A_3152 : vector<16xi32> to vector<16xf32>
          %and3A_3154 = arith.andi %get3A_3149, %broadcast_in_dim3A_330 : vector<16xi32>
          %bitcast3A_3155 = vector.bitcast %and3A_3154 : vector<16xi32> to vector<16xf32>
          %mul3A_3156 = arith.mulf %bitcast3A_3153, %broadcast_in_dim3A_3145 : vector<16xf32>
          %swap3A_3157 = arith.constant 112 : i32
          %swap3A_3158 = arith.index_cast %rem3A_221 : i32 to index
          %swap3A_3159 = arith.index_cast %swap3A_3157 : i32 to index
          %swap3A_3160 = arith.constant 0 : index
          %swap3A_3161 = tpu.vector_load %arg14[%swap3A_3158, %swap3A_3159, %swap3A_3160] {strides = array<i32>} : memref<2x128x32xf32, #tpu.memory_space<vmem>>, vector<16xf32>,
          tpu.vector_store %arg14[%swap3A_3158, %swap3A_3159, %swap3A_3160], %mul3A_3156 {strides = array<i32>} : memref<2x128x32xf32, #tpu.memory_space<vmem>>, vector<16xf32>,
          %mul3A_3162 = arith.mulf %bitcast3A_3155, %broadcast_in_dim3A_3145 : vector<16xf32>
          %swap3A_3163 = arith.constant 112 : i32
          %swap3A_3164 = arith.index_cast %rem3A_221 : i32 to index
          %swap3A_3165 = arith.index_cast %swap3A_3163 : i32 to index
          %swap3A_3166 = arith.constant 16 : index
          %swap3A_3167 = tpu.vector_load %arg14[%swap3A_3164, %swap3A_3165, %swap3A_3166] {strides = array<i32>} : memref<2x128x32xf32, #tpu.memory_space<vmem>>, vector<16xf32>,
          tpu.vector_store %arg14[%swap3A_3164, %swap3A_3165, %swap3A_3166], %mul3A_3162 {strides = array<i32>} : memref<2x128x32xf32, #tpu.memory_space<vmem>>, vector<16xf32>,
          %slice3A_3168 = vector.extract_strided_slice %get3A_3142 {offsets = [1], sizes = [1], strides = [1]} : vector<16xf32> to vector<1xf32>
          %squeeze3A_3169 = vector.extract %slice3A_3168[0] : f32 from vector<1xf32>
          %broadcast_in_dim3A_3170 = vector.broadcast %squeeze3A_3169 : f32 to vector<16xf32>
          %get3A_3171 = arith.constant 113 : i32
          %get3A_3172 = arith.index_cast %get3A_3171 : i32 to index
          %get3A_3173 = arith.constant 0 : index
          %get3A_3174 = tpu.vector_load %arg13[%get3A_3172, %get3A_3173] {strides = array<i32>} : memref<128x16xi32, #tpu.memory_space<vmem>>, vector<16xi32>,
          %shift_left3A_3175 = arith.constant 16 : i32
          %shift_left3A_3176 = vector.broadcast %shift_left3A_3175 : i32 to vector<16xi32>
          %shift_left3A_3177 = arith.shli %get3A_3174, %shift_left3A_3176 : vector<16xi32>
          %bitcast3A_3178 = vector.bitcast %shift_left3A_3177 : vector<16xi32> to vector<16xf32>
          %and3A_3179 = arith.andi %get3A_3174, %broadcast_in_dim3A_330 : vector<16xi32>
          %bitcast3A_3180 = vector.bitcast %and3A_3179 : vector<16xi32> to vector<16xf32>
          %mul3A_3181 = arith.mulf %bitcast3A_3178, %broadcast_in_dim3A_3170 : vector<16xf32>
          %swap3A_3182 = arith.constant 113 : i32
          %swap3A_3183 = arith.index_cast %rem3A_221 : i32 to index
          %swap3A_3184 = arith.index_cast %swap3A_3182 : i32 to index
          %swap3A_3185 = arith.constant 0 : index
          %swap3A_3186 = tpu.vector_load %arg14[%swap3A_3183, %swap3A_3184, %swap3A_3185] {strides = array<i32>} : memref<2x128x32xf32, #tpu.memory_space<vmem>>, vector<16xf32>,
          tpu.vector_store %arg14[%swap3A_3183, %swap3A_3184, %swap3A_3185], %mul3A_3181 {strides = array<i32>} : memref<2x128x32xf32, #tpu.memory_space<vmem>>, vector<16xf32>,
          %mul3A_3187 = arith.mulf %bitcast3A_3180, %broadcast_in_dim3A_3170 : vector<16xf32>
          %swap3A_3188 = arith.constant 113 : i32
          %swap3A_3189 = arith.index_cast %rem3A_221 : i32 to index
          %swap3A_3190 = arith.index_cast %swap3A_3188 : i32 to index
          %swap3A_3191 = arith.constant 16 : index
          %swap3A_3192 = tpu.vector_load %arg14[%swap3A_3189, %swap3A_3190, %swap3A_3191] {strides = array<i32>} : memref<2x128x32xf32, #tpu.memory_space<vmem>>, vector<16xf32>,
          tpu.vector_store %arg14[%swap3A_3189, %swap3A_3190, %swap3A_3191], %mul3A_3187 {strides = array<i32>} : memref<2x128x32xf32, #tpu.memory_space<vmem>>, vector<16xf32>,
          %slice3A_3193 = vector.extract_strided_slice %get3A_3142 {offsets = [2], sizes = [1], strides = [1]} : vector<16xf32> to vector<1xf32>
          %squeeze3A_3194 = vector.extract %slice3A_3193[0] : f32 from vector<1xf32>
          %broadcast_in_dim3A_3195 = vector.broadcast %squeeze3A_3194 : f32 to vector<16xf32>
          %get3A_3196 = arith.constant 114 : i32
          %get3A_3197 = arith.index_cast %get3A_3196 : i32 to index
          %get3A_3198 = arith.constant 0 : index
          %get3A_3199 = tpu.vector_load %arg13[%get3A_3197, %get3A_3198] {strides = array<i32>} : memref<128x16xi32, #tpu.memory_space<vmem>>, vector<16xi32>,
          %shift_left3A_3200 = arith.constant 16 : i32
          %shift_left3A_3201 = vector.broadcast %shift_left3A_3200 : i32 to vector<16xi32>
          %shift_left3A_3202 = arith.shli %get3A_3199, %shift_left3A_3201 : vector<16xi32>
          %bitcast3A_3203 = vector.bitcast %shift_left3A_3202 : vector<16xi32> to vector<16xf32>
          %and3A_3204 = arith.andi %get3A_3199, %broadcast_in_dim3A_330 : vector<16xi32>
          %bitcast3A_3205 = vector.bitcast %and3A_3204 : vector<16xi32> to vector<16xf32>
          %mul3A_3206 = arith.mulf %bitcast3A_3203, %broadcast_in_dim3A_3195 : vector<16xf32>
          %swap3A_3207 = arith.constant 114 : i32
          %swap3A_3208 = arith.index_cast %rem3A_221 : i32 to index
          %swap3A_3209 = arith.index_cast %swap3A_3207 : i32 to index
          %swap3A_3210 = arith.constant 0 : index
          %swap3A_3211 = tpu.vector_load %arg14[%swap3A_3208, %swap3A_3209, %swap3A_3210] {strides = array<i32>} : memref<2x128x32xf32, #tpu.memory_space<vmem>>, vector<16xf32>,
          tpu.vector_store %arg14[%swap3A_3208, %swap3A_3209, %swap3A_3210], %mul3A_3206 {strides = array<i32>} : memref<2x128x32xf32, #tpu.memory_space<vmem>>, vector<16xf32>,
          %mul3A_3212 = arith.mulf %bitcast3A_3205, %broadcast_in_dim3A_3195 : vector<16xf32>
          %swap3A_3213 = arith.constant 114 : i32
          %swap3A_3214 = arith.index_cast %rem3A_221 : i32 to index
          %swap3A_3215 = arith.index_cast %swap3A_3213 : i32 to index
          %swap3A_3216 = arith.constant 16 : index
          %swap3A_3217 = tpu.vector_load %arg14[%swap3A_3214, %swap3A_3215, %swap3A_3216] {strides = array<i32>} : memref<2x128x32xf32, #tpu.memory_space<vmem>>, vector<16xf32>,
          tpu.vector_store %arg14[%swap3A_3214, %swap3A_3215, %swap3A_3216], %mul3A_3212 {strides = array<i32>} : memref<2x128x32xf32, #tpu.memory_space<vmem>>, vector<16xf32>,
          %slice3A_3218 = vector.extract_strided_slice %get3A_3142 {offsets = [3], sizes = [1], strides = [1]} : vector<16xf32> to vector<1xf32>
          %squeeze3A_3219 = vector.extract %slice3A_3218[0] : f32 from vector<1xf32>
          %broadcast_in_dim3A_3220 = vector.broadcast %squeeze3A_3219 : f32 to vector<16xf32>
          %get3A_3221 = arith.constant 115 : i32
          %get3A_3222 = arith.index_cast %get3A_3221 : i32 to index
          %get3A_3223 = arith.constant 0 : index
          %get3A_3224 = tpu.vector_load %arg13[%get3A_3222, %get3A_3223] {strides = array<i32>} : memref<128x16xi32, #tpu.memory_space<vmem>>, vector<16xi32>,
          %shift_left3A_3225 = arith.constant 16 : i32
          %shift_left3A_3226 = vector.broadcast %shift_left3A_3225 : i32 to vector<16xi32>
          %shift_left3A_3227 = arith.shli %get3A_3224, %shift_left3A_3226 : vector<16xi32>
          %bitcast3A_3228 = vector.bitcast %shift_left3A_3227 : vector<16xi32> to vector<16xf32>
          %and3A_3229 = arith.andi %get3A_3224, %broadcast_in_dim3A_330 : vector<16xi32>
          %bitcast3A_3230 = vector.bitcast %and3A_3229 : vector<16xi32> to vector<16xf32>
          %mul3A_3231 = arith.mulf %bitcast3A_3228, %broadcast_in_dim3A_3220 : vector<16xf32>
          %swap3A_3232 = arith.constant 115 : i32
          %swap3A_3233 = arith.index_cast %rem3A_221 : i32 to index
          %swap3A_3234 = arith.index_cast %swap3A_3232 : i32 to index
          %swap3A_3235 = arith.constant 0 : index
          %swap3A_3236 = tpu.vector_load %arg14[%swap3A_3233, %swap3A_3234, %swap3A_3235] {strides = array<i32>} : memref<2x128x32xf32, #tpu.memory_space<vmem>>, vector<16xf32>,
          tpu.vector_store %arg14[%swap3A_3233, %swap3A_3234, %swap3A_3235], %mul3A_3231 {strides = array<i32>} : memref<2x128x32xf32, #tpu.memory_space<vmem>>, vector<16xf32>,
          %mul3A_3237 = arith.mulf %bitcast3A_3230, %broadcast_in_dim3A_3220 : vector<16xf32>
          %swap3A_3238 = arith.constant 115 : i32
          %swap3A_3239 = arith.index_cast %rem3A_221 : i32 to index
          %swap3A_3240 = arith.index_cast %swap3A_3238 : i32 to index
          %swap3A_3241 = arith.constant 16 : index
          %swap3A_3242 = tpu.vector_load %arg14[%swap3A_3239, %swap3A_3240, %swap3A_3241] {strides = array<i32>} : memref<2x128x32xf32, #tpu.memory_space<vmem>>, vector<16xf32>,
          tpu.vector_store %arg14[%swap3A_3239, %swap3A_3240, %swap3A_3241], %mul3A_3237 {strides = array<i32>} : memref<2x128x32xf32, #tpu.memory_space<vmem>>, vector<16xf32>,
          %slice3A_3243 = vector.extract_strided_slice %get3A_3142 {offsets = [4], sizes = [1], strides = [1]} : vector<16xf32> to vector<1xf32>
          %squeeze3A_3244 = vector.extract %slice3A_3243[0] : f32 from vector<1xf32>
          %broadcast_in_dim3A_3245 = vector.broadcast %squeeze3A_3244 : f32 to vector<16xf32>
          %get3A_3246 = arith.constant 116 : i32
          %get3A_3247 = arith.index_cast %get3A_3246 : i32 to index
          %get3A_3248 = arith.constant 0 : index
          %get3A_3249 = tpu.vector_load %arg13[%get3A_3247, %get3A_3248] {strides = array<i32>} : memref<128x16xi32, #tpu.memory_space<vmem>>, vector<16xi32>,
          %shift_left3A_3250 = arith.constant 16 : i32
          %shift_left3A_3251 = vector.broadcast %shift_left3A_3250 : i32 to vector<16xi32>
          %shift_left3A_3252 = arith.shli %get3A_3249, %shift_left3A_3251 : vector<16xi32>
          %bitcast3A_3253 = vector.bitcast %shift_left3A_3252 : vector<16xi32> to vector<16xf32>
          %and3A_3254 = arith.andi %get3A_3249, %broadcast_in_dim3A_330 : vector<16xi32>
          %bitcast3A_3255 = vector.bitcast %and3A_3254 : vector<16xi32> to vector<16xf32>
          %mul3A_3256 = arith.mulf %bitcast3A_3253, %broadcast_in_dim3A_3245 : vector<16xf32>
          %swap3A_3257 = arith.constant 116 : i32
          %swap3A_3258 = arith.index_cast %rem3A_221 : i32 to index
          %swap3A_3259 = arith.index_cast %swap3A_3257 : i32 to index
          %swap3A_3260 = arith.constant 0 : index
          %swap3A_3261 = tpu.vector_load %arg14[%swap3A_3258, %swap3A_3259, %swap3A_3260] {strides = array<i32>} : memref<2x128x32xf32, #tpu.memory_space<vmem>>, vector<16xf32>,
          tpu.vector_store %arg14[%swap3A_3258, %swap3A_3259, %swap3A_3260], %mul3A_3256 {strides = array<i32>} : memref<2x128x32xf32, #tpu.memory_space<vmem>>, vector<16xf32>,
          %mul3A_3262 = arith.mulf %bitcast3A_3255, %broadcast_in_dim3A_3245 : vector<16xf32>
          %swap3A_3263 = arith.constant 116 : i32
          %swap3A_3264 = arith.index_cast %rem3A_221 : i32 to index
          %swap3A_3265 = arith.index_cast %swap3A_3263 : i32 to index
          %swap3A_3266 = arith.constant 16 : index
          %swap3A_3267 = tpu.vector_load %arg14[%swap3A_3264, %swap3A_3265, %swap3A_3266] {strides = array<i32>} : memref<2x128x32xf32, #tpu.memory_space<vmem>>, vector<16xf32>,
          tpu.vector_store %arg14[%swap3A_3264, %swap3A_3265, %swap3A_3266], %mul3A_3262 {strides = array<i32>} : memref<2x128x32xf32, #tpu.memory_space<vmem>>, vector<16xf32>,
          %slice3A_3268 = vector.extract_strided_slice %get3A_3142 {offsets = [5], sizes = [1], strides = [1]} : vector<16xf32> to vector<1xf32>
          %squeeze3A_3269 = vector.extract %slice3A_3268[0] : f32 from vector<1xf32>
          %broadcast_in_dim3A_3270 = vector.broadcast %squeeze3A_3269 : f32 to vector<16xf32>
          %get3A_3271 = arith.constant 117 : i32
          %get3A_3272 = arith.index_cast %get3A_3271 : i32 to index
          %get3A_3273 = arith.constant 0 : index
          %get3A_3274 = tpu.vector_load %arg13[%get3A_3272, %get3A_3273] {strides = array<i32>} : memref<128x16xi32, #tpu.memory_space<vmem>>, vector<16xi32>,
          %shift_left3A_3275 = arith.constant 16 : i32
          %shift_left3A_3276 = vector.broadcast %shift_left3A_3275 : i32 to vector<16xi32>
          %shift_left3A_3277 = arith.shli %get3A_3274, %shift_left3A_3276 : vector<16xi32>
          %bitcast3A_3278 = vector.bitcast %shift_left3A_3277 : vector<16xi32> to vector<16xf32>
          %and3A_3279 = arith.andi %get3A_3274, %broadcast_in_dim3A_330 : vector<16xi32>
          %bitcast3A_3280 = vector.bitcast %and3A_3279 : vector<16xi32> to vector<16xf32>
          %mul3A_3281 = arith.mulf %bitcast3A_3278, %broadcast_in_dim3A_3270 : vector<16xf32>
          %swap3A_3282 = arith.constant 117 : i32
          %swap3A_3283 = arith.index_cast %rem3A_221 : i32 to index
          %swap3A_3284 = arith.index_cast %swap3A_3282 : i32 to index
          %swap3A_3285 = arith.constant 0 : index
          %swap3A_3286 = tpu.vector_load %arg14[%swap3A_3283, %swap3A_3284, %swap3A_3285] {strides = array<i32>} : memref<2x128x32xf32, #tpu.memory_space<vmem>>, vector<16xf32>,
          tpu.vector_store %arg14[%swap3A_3283, %swap3A_3284, %swap3A_3285], %mul3A_3281 {strides = array<i32>} : memref<2x128x32xf32, #tpu.memory_space<vmem>>, vector<16xf32>,
          %mul3A_3287 = arith.mulf %bitcast3A_3280, %broadcast_in_dim3A_3270 : vector<16xf32>
          %swap3A_3288 = arith.constant 117 : i32
          %swap3A_3289 = arith.index_cast %rem3A_221 : i32 to index
          %swap3A_3290 = arith.index_cast %swap3A_3288 : i32 to index
          %swap3A_3291 = arith.constant 16 : index
          %swap3A_3292 = tpu.vector_load %arg14[%swap3A_3289, %swap3A_3290, %swap3A_3291] {strides = array<i32>} : memref<2x128x32xf32, #tpu.memory_space<vmem>>, vector<16xf32>,
          tpu.vector_store %arg14[%swap3A_3289, %swap3A_3290, %swap3A_3291], %mul3A_3287 {strides = array<i32>} : memref<2x128x32xf32, #tpu.memory_space<vmem>>, vector<16xf32>,
          %slice3A_3293 = vector.extract_strided_slice %get3A_3142 {offsets = [6], sizes = [1], strides = [1]} : vector<16xf32> to vector<1xf32>
          %squeeze3A_3294 = vector.extract %slice3A_3293[0] : f32 from vector<1xf32>
          %broadcast_in_dim3A_3295 = vector.broadcast %squeeze3A_3294 : f32 to vector<16xf32>
          %get3A_3296 = arith.constant 118 : i32
          %get3A_3297 = arith.index_cast %get3A_3296 : i32 to index
          %get3A_3298 = arith.constant 0 : index
          %get3A_3299 = tpu.vector_load %arg13[%get3A_3297, %get3A_3298] {strides = array<i32>} : memref<128x16xi32, #tpu.memory_space<vmem>>, vector<16xi32>,
          %shift_left3A_3300 = arith.constant 16 : i32
          %shift_left3A_3301 = vector.broadcast %shift_left3A_3300 : i32 to vector<16xi32>
          %shift_left3A_3302 = arith.shli %get3A_3299, %shift_left3A_3301 : vector<16xi32>
          %bitcast3A_3303 = vector.bitcast %shift_left3A_3302 : vector<16xi32> to vector<16xf32>
          %and3A_3304 = arith.andi %get3A_3299, %broadcast_in_dim3A_330 : vector<16xi32>
          %bitcast3A_3305 = vector.bitcast %and3A_3304 : vector<16xi32> to vector<16xf32>
          %mul3A_3306 = arith.mulf %bitcast3A_3303, %broadcast_in_dim3A_3295 : vector<16xf32>
          %swap3A_3307 = arith.constant 118 : i32
          %swap3A_3308 = arith.index_cast %rem3A_221 : i32 to index
          %swap3A_3309 = arith.index_cast %swap3A_3307 : i32 to index
          %swap3A_3310 = arith.constant 0 : index
          %swap3A_3311 = tpu.vector_load %arg14[%swap3A_3308, %swap3A_3309, %swap3A_3310] {strides = array<i32>} : memref<2x128x32xf32, #tpu.memory_space<vmem>>, vector<16xf32>,
          tpu.vector_store %arg14[%swap3A_3308, %swap3A_3309, %swap3A_3310], %mul3A_3306 {strides = array<i32>} : memref<2x128x32xf32, #tpu.memory_space<vmem>>, vector<16xf32>,
          %mul3A_3312 = arith.mulf %bitcast3A_3305, %broadcast_in_dim3A_3295 : vector<16xf32>
          %swap3A_3313 = arith.constant 118 : i32
          %swap3A_3314 = arith.index_cast %rem3A_221 : i32 to index
          %swap3A_3315 = arith.index_cast %swap3A_3313 : i32 to index
          %swap3A_3316 = arith.constant 16 : index
          %swap3A_3317 = tpu.vector_load %arg14[%swap3A_3314, %swap3A_3315, %swap3A_3316] {strides = array<i32>} : memref<2x128x32xf32, #tpu.memory_space<vmem>>, vector<16xf32>,
          tpu.vector_store %arg14[%swap3A_3314, %swap3A_3315, %swap3A_3316], %mul3A_3312 {strides = array<i32>} : memref<2x128x32xf32, #tpu.memory_space<vmem>>, vector<16xf32>,
          %slice3A_3318 = vector.extract_strided_slice %get3A_3142 {offsets = [7], sizes = [1], strides = [1]} : vector<16xf32> to vector<1xf32>
          %squeeze3A_3319 = vector.extract %slice3A_3318[0] : f32 from vector<1xf32>
          %broadcast_in_dim3A_3320 = vector.broadcast %squeeze3A_3319 : f32 to vector<16xf32>
          %get3A_3321 = arith.constant 119 : i32
          %get3A_3322 = arith.index_cast %get3A_3321 : i32 to index
          %get3A_3323 = arith.constant 0 : index
          %get3A_3324 = tpu.vector_load %arg13[%get3A_3322, %get3A_3323] {strides = array<i32>} : memref<128x16xi32, #tpu.memory_space<vmem>>, vector<16xi32>,
          %shift_left3A_3325 = arith.constant 16 : i32
          %shift_left3A_3326 = vector.broadcast %shift_left3A_3325 : i32 to vector<16xi32>
          %shift_left3A_3327 = arith.shli %get3A_3324, %shift_left3A_3326 : vector<16xi32>
          %bitcast3A_3328 = vector.bitcast %shift_left3A_3327 : vector<16xi32> to vector<16xf32>
          %and3A_3329 = arith.andi %get3A_3324, %broadcast_in_dim3A_330 : vector<16xi32>
          %bitcast3A_3330 = vector.bitcast %and3A_3329 : vector<16xi32> to vector<16xf32>
          %mul3A_3331 = arith.mulf %bitcast3A_3328, %broadcast_in_dim3A_3320 : vector<16xf32>
          %swap3A_3332 = arith.constant 119 : i32
          %swap3A_3333 = arith.index_cast %rem3A_221 : i32 to index
          %swap3A_3334 = arith.index_cast %swap3A_3332 : i32 to index
          %swap3A_3335 = arith.constant 0 : index
          %swap3A_3336 = tpu.vector_load %arg14[%swap3A_3333, %swap3A_3334, %swap3A_3335] {strides = array<i32>} : memref<2x128x32xf32, #tpu.memory_space<vmem>>, vector<16xf32>,
          tpu.vector_store %arg14[%swap3A_3333, %swap3A_3334, %swap3A_3335], %mul3A_3331 {strides = array<i32>} : memref<2x128x32xf32, #tpu.memory_space<vmem>>, vector<16xf32>,
          %mul3A_3337 = arith.mulf %bitcast3A_3330, %broadcast_in_dim3A_3320 : vector<16xf32>
          %swap3A_3338 = arith.constant 119 : i32
          %swap3A_3339 = arith.index_cast %rem3A_221 : i32 to index
          %swap3A_3340 = arith.index_cast %swap3A_3338 : i32 to index
          %swap3A_3341 = arith.constant 16 : index
          %swap3A_3342 = tpu.vector_load %arg14[%swap3A_3339, %swap3A_3340, %swap3A_3341] {strides = array<i32>} : memref<2x128x32xf32, #tpu.memory_space<vmem>>, vector<16xf32>,
          tpu.vector_store %arg14[%swap3A_3339, %swap3A_3340, %swap3A_3341], %mul3A_3337 {strides = array<i32>} : memref<2x128x32xf32, #tpu.memory_space<vmem>>, vector<16xf32>,
          %slice3A_3343 = vector.extract_strided_slice %get3A_3142 {offsets = [8], sizes = [1], strides = [1]} : vector<16xf32> to vector<1xf32>
          %squeeze3A_3344 = vector.extract %slice3A_3343[0] : f32 from vector<1xf32>
          %broadcast_in_dim3A_3345 = vector.broadcast %squeeze3A_3344 : f32 to vector<16xf32>
          %get3A_3346 = arith.constant 120 : i32
          %get3A_3347 = arith.index_cast %get3A_3346 : i32 to index
          %get3A_3348 = arith.constant 0 : index
          %get3A_3349 = tpu.vector_load %arg13[%get3A_3347, %get3A_3348] {strides = array<i32>} : memref<128x16xi32, #tpu.memory_space<vmem>>, vector<16xi32>,
          %shift_left3A_3350 = arith.constant 16 : i32
          %shift_left3A_3351 = vector.broadcast %shift_left3A_3350 : i32 to vector<16xi32>
          %shift_left3A_3352 = arith.shli %get3A_3349, %shift_left3A_3351 : vector<16xi32>
          %bitcast3A_3353 = vector.bitcast %shift_left3A_3352 : vector<16xi32> to vector<16xf32>
          %and3A_3354 = arith.andi %get3A_3349, %broadcast_in_dim3A_330 : vector<16xi32>
          %bitcast3A_3355 = vector.bitcast %and3A_3354 : vector<16xi32> to vector<16xf32>
          %mul3A_3356 = arith.mulf %bitcast3A_3353, %broadcast_in_dim3A_3345 : vector<16xf32>
          %swap3A_3357 = arith.constant 120 : i32
          %swap3A_3358 = arith.index_cast %rem3A_221 : i32 to index
          %swap3A_3359 = arith.index_cast %swap3A_3357 : i32 to index
          %swap3A_3360 = arith.constant 0 : index
          %swap3A_3361 = tpu.vector_load %arg14[%swap3A_3358, %swap3A_3359, %swap3A_3360] {strides = array<i32>} : memref<2x128x32xf32, #tpu.memory_space<vmem>>, vector<16xf32>,
          tpu.vector_store %arg14[%swap3A_3358, %swap3A_3359, %swap3A_3360], %mul3A_3356 {strides = array<i32>} : memref<2x128x32xf32, #tpu.memory_space<vmem>>, vector<16xf32>,
          %mul3A_3362 = arith.mulf %bitcast3A_3355, %broadcast_in_dim3A_3345 : vector<16xf32>
          %swap3A_3363 = arith.constant 120 : i32
          %swap3A_3364 = arith.index_cast %rem3A_221 : i32 to index
          %swap3A_3365 = arith.index_cast %swap3A_3363 : i32 to index
          %swap3A_3366 = arith.constant 16 : index
          %swap3A_3367 = tpu.vector_load %arg14[%swap3A_3364, %swap3A_3365, %swap3A_3366] {strides = array<i32>} : memref<2x128x32xf32, #tpu.memory_space<vmem>>, vector<16xf32>,
          tpu.vector_store %arg14[%swap3A_3364, %swap3A_3365, %swap3A_3366], %mul3A_3362 {strides = array<i32>} : memref<2x128x32xf32, #tpu.memory_space<vmem>>, vector<16xf32>,
          %slice3A_3368 = vector.extract_strided_slice %get3A_3142 {offsets = [9], sizes = [1], strides = [1]} : vector<16xf32> to vector<1xf32>
          %squeeze3A_3369 = vector.extract %slice3A_3368[0] : f32 from vector<1xf32>
          %broadcast_in_dim3A_3370 = vector.broadcast %squeeze3A_3369 : f32 to vector<16xf32>
          %get3A_3371 = arith.constant 121 : i32
          %get3A_3372 = arith.index_cast %get3A_3371 : i32 to index
          %get3A_3373 = arith.constant 0 : index
          %get3A_3374 = tpu.vector_load %arg13[%get3A_3372, %get3A_3373] {strides = array<i32>} : memref<128x16xi32, #tpu.memory_space<vmem>>, vector<16xi32>,
          %shift_left3A_3375 = arith.constant 16 : i32
          %shift_left3A_3376 = vector.broadcast %shift_left3A_3375 : i32 to vector<16xi32>
          %shift_left3A_3377 = arith.shli %get3A_3374, %shift_left3A_3376 : vector<16xi32>
          %bitcast3A_3378 = vector.bitcast %shift_left3A_3377 : vector<16xi32> to vector<16xf32>
          %and3A_3379 = arith.andi %get3A_3374, %broadcast_in_dim3A_330 : vector<16xi32>
          %bitcast3A_3380 = vector.bitcast %and3A_3379 : vector<16xi32> to vector<16xf32>
          %mul3A_3381 = arith.mulf %bitcast3A_3378, %broadcast_in_dim3A_3370 : vector<16xf32>
          %swap3A_3382 = arith.constant 121 : i32
          %swap3A_3383 = arith.index_cast %rem3A_221 : i32 to index
          %swap3A_3384 = arith.index_cast %swap3A_3382 : i32 to index
          %swap3A_3385 = arith.constant 0 : index
          %swap3A_3386 = tpu.vector_load %arg14[%swap3A_3383, %swap3A_3384, %swap3A_3385] {strides = array<i32>} : memref<2x128x32xf32, #tpu.memory_space<vmem>>, vector<16xf32>,
          tpu.vector_store %arg14[%swap3A_3383, %swap3A_3384, %swap3A_3385], %mul3A_3381 {strides = array<i32>} : memref<2x128x32xf32, #tpu.memory_space<vmem>>, vector<16xf32>,
          %mul3A_3387 = arith.mulf %bitcast3A_3380, %broadcast_in_dim3A_3370 : vector<16xf32>
          %swap3A_3388 = arith.constant 121 : i32
          %swap3A_3389 = arith.index_cast %rem3A_221 : i32 to index
          %swap3A_3390 = arith.index_cast %swap3A_3388 : i32 to index
          %swap3A_3391 = arith.constant 16 : index
          %swap3A_3392 = tpu.vector_load %arg14[%swap3A_3389, %swap3A_3390, %swap3A_3391] {strides = array<i32>} : memref<2x128x32xf32, #tpu.memory_space<vmem>>, vector<16xf32>,
          tpu.vector_store %arg14[%swap3A_3389, %swap3A_3390, %swap3A_3391], %mul3A_3387 {strides = array<i32>} : memref<2x128x32xf32, #tpu.memory_space<vmem>>, vector<16xf32>,
          %slice3A_3393 = vector.extract_strided_slice %get3A_3142 {offsets = [10], sizes = [1], strides = [1]} : vector<16xf32> to vector<1xf32>
          %squeeze3A_3394 = vector.extract %slice3A_3393[0] : f32 from vector<1xf32>
          %broadcast_in_dim3A_3395 = vector.broadcast %squeeze3A_3394 : f32 to vector<16xf32>
          %get3A_3396 = arith.constant 122 : i32
          %get3A_3397 = arith.index_cast %get3A_3396 : i32 to index
          %get3A_3398 = arith.constant 0 : index
          %get3A_3399 = tpu.vector_load %arg13[%get3A_3397, %get3A_3398] {strides = array<i32>} : memref<128x16xi32, #tpu.memory_space<vmem>>, vector<16xi32>,
          %shift_left3A_3400 = arith.constant 16 : i32
          %shift_left3A_3401 = vector.broadcast %shift_left3A_3400 : i32 to vector<16xi32>
          %shift_left3A_3402 = arith.shli %get3A_3399, %shift_left3A_3401 : vector<16xi32>
          %bitcast3A_3403 = vector.bitcast %shift_left3A_3402 : vector<16xi32> to vector<16xf32>
          %and3A_3404 = arith.andi %get3A_3399, %broadcast_in_dim3A_330 : vector<16xi32>
          %bitcast3A_3405 = vector.bitcast %and3A_3404 : vector<16xi32> to vector<16xf32>
          %mul3A_3406 = arith.mulf %bitcast3A_3403, %broadcast_in_dim3A_3395 : vector<16xf32>
          %swap3A_3407 = arith.constant 122 : i32
          %swap3A_3408 = arith.index_cast %rem3A_221 : i32 to index
          %swap3A_3409 = arith.index_cast %swap3A_3407 : i32 to index
          %swap3A_3410 = arith.constant 0 : index
          %swap3A_3411 = tpu.vector_load %arg14[%swap3A_3408, %swap3A_3409, %swap3A_3410] {strides = array<i32>} : memref<2x128x32xf32, #tpu.memory_space<vmem>>, vector<16xf32>,
          tpu.vector_store %arg14[%swap3A_3408, %swap3A_3409, %swap3A_3410], %mul3A_3406 {strides = array<i32>} : memref<2x128x32xf32, #tpu.memory_space<vmem>>, vector<16xf32>,
          %mul3A_3412 = arith.mulf %bitcast3A_3405, %broadcast_in_dim3A_3395 : vector<16xf32>
          %swap3A_3413 = arith.constant 122 : i32
          %swap3A_3414 = arith.index_cast %rem3A_221 : i32 to index
          %swap3A_3415 = arith.index_cast %swap3A_3413 : i32 to index
          %swap3A_3416 = arith.constant 16 : index
          %swap3A_3417 = tpu.vector_load %arg14[%swap3A_3414, %swap3A_3415, %swap3A_3416] {strides = array<i32>} : memref<2x128x32xf32, #tpu.memory_space<vmem>>, vector<16xf32>,
          tpu.vector_store %arg14[%swap3A_3414, %swap3A_3415, %swap3A_3416], %mul3A_3412 {strides = array<i32>} : memref<2x128x32xf32, #tpu.memory_space<vmem>>, vector<16xf32>,
          %slice3A_3418 = vector.extract_strided_slice %get3A_3142 {offsets = [11], sizes = [1], strides = [1]} : vector<16xf32> to vector<1xf32>
          %squeeze3A_3419 = vector.extract %slice3A_3418[0] : f32 from vector<1xf32>
          %broadcast_in_dim3A_3420 = vector.broadcast %squeeze3A_3419 : f32 to vector<16xf32>
          %get3A_3421 = arith.constant 123 : i32
          %get3A_3422 = arith.index_cast %get3A_3421 : i32 to index
          %get3A_3423 = arith.constant 0 : index
          %get3A_3424 = tpu.vector_load %arg13[%get3A_3422, %get3A_3423] {strides = array<i32>} : memref<128x16xi32, #tpu.memory_space<vmem>>, vector<16xi32>,
          %shift_left3A_3425 = arith.constant 16 : i32
          %shift_left3A_3426 = vector.broadcast %shift_left3A_3425 : i32 to vector<16xi32>
          %shift_left3A_3427 = arith.shli %get3A_3424, %shift_left3A_3426 : vector<16xi32>
          %bitcast3A_3428 = vector.bitcast %shift_left3A_3427 : vector<16xi32> to vector<16xf32>
          %and3A_3429 = arith.andi %get3A_3424, %broadcast_in_dim3A_330 : vector<16xi32>
          %bitcast3A_3430 = vector.bitcast %and3A_3429 : vector<16xi32> to vector<16xf32>
          %mul3A_3431 = arith.mulf %bitcast3A_3428, %broadcast_in_dim3A_3420 : vector<16xf32>
          %swap3A_3432 = arith.constant 123 : i32
          %swap3A_3433 = arith.index_cast %rem3A_221 : i32 to index
          %swap3A_3434 = arith.index_cast %swap3A_3432 : i32 to index
          %swap3A_3435 = arith.constant 0 : index
          %swap3A_3436 = tpu.vector_load %arg14[%swap3A_3433, %swap3A_3434, %swap3A_3435] {strides = array<i32>} : memref<2x128x32xf32, #tpu.memory_space<vmem>>, vector<16xf32>,
          tpu.vector_store %arg14[%swap3A_3433, %swap3A_3434, %swap3A_3435], %mul3A_3431 {strides = array<i32>} : memref<2x128x32xf32, #tpu.memory_space<vmem>>, vector<16xf32>,
          %mul3A_3437 = arith.mulf %bitcast3A_3430, %broadcast_in_dim3A_3420 : vector<16xf32>
          %swap3A_3438 = arith.constant 123 : i32
          %swap3A_3439 = arith.index_cast %rem3A_221 : i32 to index
          %swap3A_3440 = arith.index_cast %swap3A_3438 : i32 to index
          %swap3A_3441 = arith.constant 16 : index
          %swap3A_3442 = tpu.vector_load %arg14[%swap3A_3439, %swap3A_3440, %swap3A_3441] {strides = array<i32>} : memref<2x128x32xf32, #tpu.memory_space<vmem>>, vector<16xf32>,
          tpu.vector_store %arg14[%swap3A_3439, %swap3A_3440, %swap3A_3441], %mul3A_3437 {strides = array<i32>} : memref<2x128x32xf32, #tpu.memory_space<vmem>>, vector<16xf32>,
          %slice3A_3443 = vector.extract_strided_slice %get3A_3142 {offsets = [12], sizes = [1], strides = [1]} : vector<16xf32> to vector<1xf32>
          %squeeze3A_3444 = vector.extract %slice3A_3443[0] : f32 from vector<1xf32>
          %broadcast_in_dim3A_3445 = vector.broadcast %squeeze3A_3444 : f32 to vector<16xf32>
          %get3A_3446 = arith.constant 124 : i32
          %get3A_3447 = arith.index_cast %get3A_3446 : i32 to index
          %get3A_3448 = arith.constant 0 : index
          %get3A_3449 = tpu.vector_load %arg13[%get3A_3447, %get3A_3448] {strides = array<i32>} : memref<128x16xi32, #tpu.memory_space<vmem>>, vector<16xi32>,
          %shift_left3A_3450 = arith.constant 16 : i32
          %shift_left3A_3451 = vector.broadcast %shift_left3A_3450 : i32 to vector<16xi32>
          %shift_left3A_3452 = arith.shli %get3A_3449, %shift_left3A_3451 : vector<16xi32>
          %bitcast3A_3453 = vector.bitcast %shift_left3A_3452 : vector<16xi32> to vector<16xf32>
          %and3A_3454 = arith.andi %get3A_3449, %broadcast_in_dim3A_330 : vector<16xi32>
          %bitcast3A_3455 = vector.bitcast %and3A_3454 : vector<16xi32> to vector<16xf32>
          %mul3A_3456 = arith.mulf %bitcast3A_3453, %broadcast_in_dim3A_3445 : vector<16xf32>
          %swap3A_3457 = arith.constant 124 : i32
          %swap3A_3458 = arith.index_cast %rem3A_221 : i32 to index
          %swap3A_3459 = arith.index_cast %swap3A_3457 : i32 to index
          %swap3A_3460 = arith.constant 0 : index
          %swap3A_3461 = tpu.vector_load %arg14[%swap3A_3458, %swap3A_3459, %swap3A_3460] {strides = array<i32>} : memref<2x128x32xf32, #tpu.memory_space<vmem>>, vector<16xf32>,
          tpu.vector_store %arg14[%swap3A_3458, %swap3A_3459, %swap3A_3460], %mul3A_3456 {strides = array<i32>} : memref<2x128x32xf32, #tpu.memory_space<vmem>>, vector<16xf32>,
          %mul3A_3462 = arith.mulf %bitcast3A_3455, %broadcast_in_dim3A_3445 : vector<16xf32>
          %swap3A_3463 = arith.constant 124 : i32
          %swap3A_3464 = arith.index_cast %rem3A_221 : i32 to index
          %swap3A_3465 = arith.index_cast %swap3A_3463 : i32 to index
          %swap3A_3466 = arith.constant 16 : index
          %swap3A_3467 = tpu.vector_load %arg14[%swap3A_3464, %swap3A_3465, %swap3A_3466] {strides = array<i32>} : memref<2x128x32xf32, #tpu.memory_space<vmem>>, vector<16xf32>,
          tpu.vector_store %arg14[%swap3A_3464, %swap3A_3465, %swap3A_3466], %mul3A_3462 {strides = array<i32>} : memref<2x128x32xf32, #tpu.memory_space<vmem>>, vector<16xf32>,
          %slice3A_3468 = vector.extract_strided_slice %get3A_3142 {offsets = [13], sizes = [1], strides = [1]} : vector<16xf32> to vector<1xf32>
          %squeeze3A_3469 = vector.extract %slice3A_3468[0] : f32 from vector<1xf32>
          %broadcast_in_dim3A_3470 = vector.broadcast %squeeze3A_3469 : f32 to vector<16xf32>
          %get3A_3471 = arith.constant 125 : i32
          %get3A_3472 = arith.index_cast %get3A_3471 : i32 to index
          %get3A_3473 = arith.constant 0 : index
          %get3A_3474 = tpu.vector_load %arg13[%get3A_3472, %get3A_3473] {strides = array<i32>} : memref<128x16xi32, #tpu.memory_space<vmem>>, vector<16xi32>,
          %shift_left3A_3475 = arith.constant 16 : i32
          %shift_left3A_3476 = vector.broadcast %shift_left3A_3475 : i32 to vector<16xi32>
          %shift_left3A_3477 = arith.shli %get3A_3474, %shift_left3A_3476 : vector<16xi32>
          %bitcast3A_3478 = vector.bitcast %shift_left3A_3477 : vector<16xi32> to vector<16xf32>
          %and3A_3479 = arith.andi %get3A_3474, %broadcast_in_dim3A_330 : vector<16xi32>
          %bitcast3A_3480 = vector.bitcast %and3A_3479 : vector<16xi32> to vector<16xf32>
          %mul3A_3481 = arith.mulf %bitcast3A_3478, %broadcast_in_dim3A_3470 : vector<16xf32>
          %swap3A_3482 = arith.constant 125 : i32
          %swap3A_3483 = arith.index_cast %rem3A_221 : i32 to index
          %swap3A_3484 = arith.index_cast %swap3A_3482 : i32 to index
          %swap3A_3485 = arith.constant 0 : index
          %swap3A_3486 = tpu.vector_load %arg14[%swap3A_3483, %swap3A_3484, %swap3A_3485] {strides = array<i32>} : memref<2x128x32xf32, #tpu.memory_space<vmem>>, vector<16xf32>,
          tpu.vector_store %arg14[%swap3A_3483, %swap3A_3484, %swap3A_3485], %mul3A_3481 {strides = array<i32>} : memref<2x128x32xf32, #tpu.memory_space<vmem>>, vector<16xf32>,
          %mul3A_3487 = arith.mulf %bitcast3A_3480, %broadcast_in_dim3A_3470 : vector<16xf32>
          %swap3A_3488 = arith.constant 125 : i32
          %swap3A_3489 = arith.index_cast %rem3A_221 : i32 to index
          %swap3A_3490 = arith.index_cast %swap3A_3488 : i32 to index
          %swap3A_3491 = arith.constant 16 : index
          %swap3A_3492 = tpu.vector_load %arg14[%swap3A_3489, %swap3A_3490, %swap3A_3491] {strides = array<i32>} : memref<2x128x32xf32, #tpu.memory_space<vmem>>, vector<16xf32>,
          tpu.vector_store %arg14[%swap3A_3489, %swap3A_3490, %swap3A_3491], %mul3A_3487 {strides = array<i32>} : memref<2x128x32xf32, #tpu.memory_space<vmem>>, vector<16xf32>,
          %slice3A_3493 = vector.extract_strided_slice %get3A_3142 {offsets = [14], sizes = [1], strides = [1]} : vector<16xf32> to vector<1xf32>
          %squeeze3A_3494 = vector.extract %slice3A_3493[0] : f32 from vector<1xf32>
          %broadcast_in_dim3A_3495 = vector.broadcast %squeeze3A_3494 : f32 to vector<16xf32>
          %get3A_3496 = arith.constant 126 : i32
          %get3A_3497 = arith.index_cast %get3A_3496 : i32 to index
          %get3A_3498 = arith.constant 0 : index
          %get3A_3499 = tpu.vector_load %arg13[%get3A_3497, %get3A_3498] {strides = array<i32>} : memref<128x16xi32, #tpu.memory_space<vmem>>, vector<16xi32>,
          %shift_left3A_3500 = arith.constant 16 : i32
          %shift_left3A_3501 = vector.broadcast %shift_left3A_3500 : i32 to vector<16xi32>
          %shift_left3A_3502 = arith.shli %get3A_3499, %shift_left3A_3501 : vector<16xi32>
          %bitcast3A_3503 = vector.bitcast %shift_left3A_3502 : vector<16xi32> to vector<16xf32>
          %and3A_3504 = arith.andi %get3A_3499, %broadcast_in_dim3A_330 : vector<16xi32>
          %bitcast3A_3505 = vector.bitcast %and3A_3504 : vector<16xi32> to vector<16xf32>
          %mul3A_3506 = arith.mulf %bitcast3A_3503, %broadcast_in_dim3A_3495 : vector<16xf32>
          %swap3A_3507 = arith.constant 126 : i32
          %swap3A_3508 = arith.index_cast %rem3A_221 : i32 to index
          %swap3A_3509 = arith.index_cast %swap3A_3507 : i32 to index
          %swap3A_3510 = arith.constant 0 : index
          %swap3A_3511 = tpu.vector_load %arg14[%swap3A_3508, %swap3A_3509, %swap3A_3510] {strides = array<i32>} : memref<2x128x32xf32, #tpu.memory_space<vmem>>, vector<16xf32>,
          tpu.vector_store %arg14[%swap3A_3508, %swap3A_3509, %swap3A_3510], %mul3A_3506 {strides = array<i32>} : memref<2x128x32xf32, #tpu.memory_space<vmem>>, vector<16xf32>,
          %mul3A_3512 = arith.mulf %bitcast3A_3505, %broadcast_in_dim3A_3495 : vector<16xf32>
          %swap3A_3513 = arith.constant 126 : i32
          %swap3A_3514 = arith.index_cast %rem3A_221 : i32 to index
          %swap3A_3515 = arith.index_cast %swap3A_3513 : i32 to index
          %swap3A_3516 = arith.constant 16 : index
          %swap3A_3517 = tpu.vector_load %arg14[%swap3A_3514, %swap3A_3515, %swap3A_3516] {strides = array<i32>} : memref<2x128x32xf32, #tpu.memory_space<vmem>>, vector<16xf32>,
          tpu.vector_store %arg14[%swap3A_3514, %swap3A_3515, %swap3A_3516], %mul3A_3512 {strides = array<i32>} : memref<2x128x32xf32, #tpu.memory_space<vmem>>, vector<16xf32>,
          %slice3A_3518 = vector.extract_strided_slice %get3A_3142 {offsets = [15], sizes = [1], strides = [1]} : vector<16xf32> to vector<1xf32>
          %squeeze3A_3519 = vector.extract %slice3A_3518[0] : f32 from vector<1xf32>
          %broadcast_in_dim3A_3520 = vector.broadcast %squeeze3A_3519 : f32 to vector<16xf32>
          %get3A_3521 = arith.constant 127 : i32
          %get3A_3522 = arith.index_cast %get3A_3521 : i32 to index
          %get3A_3523 = arith.constant 0 : index
          %get3A_3524 = tpu.vector_load %arg13[%get3A_3522, %get3A_3523] {strides = array<i32>} : memref<128x16xi32, #tpu.memory_space<vmem>>, vector<16xi32>,
          %shift_left3A_3525 = arith.constant 16 : i32
          %shift_left3A_3526 = vector.broadcast %shift_left3A_3525 : i32 to vector<16xi32>
          %shift_left3A_3527 = arith.shli %get3A_3524, %shift_left3A_3526 : vector<16xi32>
          %bitcast3A_3528 = vector.bitcast %shift_left3A_3527 : vector<16xi32> to vector<16xf32>
          %and3A_3529 = arith.andi %get3A_3524, %broadcast_in_dim3A_330 : vector<16xi32>
          %bitcast3A_3530 = vector.bitcast %and3A_3529 : vector<16xi32> to vector<16xf32>
          %mul3A_3531 = arith.mulf %bitcast3A_3528, %broadcast_in_dim3A_3520 : vector<16xf32>
          %swap3A_3532 = arith.constant 127 : i32
          %swap3A_3533 = arith.index_cast %rem3A_221 : i32 to index
          %swap3A_3534 = arith.index_cast %swap3A_3532 : i32 to index
          %swap3A_3535 = arith.constant 0 : index
          %swap3A_3536 = tpu.vector_load %arg14[%swap3A_3533, %swap3A_3534, %swap3A_3535] {strides = array<i32>} : memref<2x128x32xf32, #tpu.memory_space<vmem>>, vector<16xf32>,
          tpu.vector_store %arg14[%swap3A_3533, %swap3A_3534, %swap3A_3535], %mul3A_3531 {strides = array<i32>} : memref<2x128x32xf32, #tpu.memory_space<vmem>>, vector<16xf32>,
          %mul3A_3537 = arith.mulf %bitcast3A_3530, %broadcast_in_dim3A_3520 : vector<16xf32>
          %swap3A_3538 = arith.constant 127 : i32
          %swap3A_3539 = arith.index_cast %rem3A_221 : i32 to index
          %swap3A_3540 = arith.index_cast %swap3A_3538 : i32 to index
          %swap3A_3541 = arith.constant 16 : index
          %swap3A_3542 = tpu.vector_load %arg14[%swap3A_3539, %swap3A_3540, %swap3A_3541] {strides = array<i32>} : memref<2x128x32xf32, #tpu.memory_space<vmem>>, vector<16xf32>,
          tpu.vector_store %arg14[%swap3A_3539, %swap3A_3540, %swap3A_3541], %mul3A_3537 {strides = array<i32>} : memref<2x128x32xf32, #tpu.memory_space<vmem>>, vector<16xf32>,
          %dma_start3A_3543 = arith.constant 0 : i32
          %dma_start3A_3544 = arith.constant 0 : i32
          %dma_start3A_3545 = tpu.memref_slice %arg14[%rem3A_221, %dma_start3A_3543, %dma_start3A_3544] : memref<2x128x32xf32, #tpu.memory_space<vmem>> -> memref<1x128x32xf32, #tpu.memory_space<vmem>>
          %dma_start3A_3546 = tpu.memref_squeeze %dma_start3A_3545 : memref<1x128x32xf32, #tpu.memory_space<vmem>> -> memref<128x32xf32, #tpu.memory_space<vmem>>
          %dma_start3A_3547 = arith.constant 0 : i32
          %dma_start3A_3548 = tpu.memref_slice %arg15[%rem3A_221, %dma_start3A_3547] : memref<2x128xi32, #tpu.memory_space<vmem>> -> memref<1x128xi32, #tpu.memory_space<vmem>>
          %dma_start3A_3549 = tpu.memref_squeeze %dma_start3A_3548 : memref<1x128xi32, #tpu.memory_space<vmem>> -> memref<128xi32, #tpu.memory_space<vmem>>
          %dma_start3A_3550 = arith.constant 0 : i32
          %dma_start3A_3551 = arith.constant 0 : i32
          %dma_start3A_3552 = tpu.memref_slice %arg23[%dma_start3A_3550, %dma_start3A_3551] : memref<40968x32xf32, #tpu.memory_space<vmem_shared>> -> memref<40968x32xf32, #tpu.memory_space<vmem_shared>>
          %dma_start3A_3553 = arith.constant 40960 : i32
          %dma_start3A_3554 = tpu.memref_slice %arg25[%rem3A_221] : memref<2x!tpu.dma_semaphore, #tpu.memory_space<semaphore_mem>> -> memref<1x!tpu.dma_semaphore, #tpu.memory_space<semaphore_mem>>
          %dma_start3A_3555 = tpu.memref_squeeze %dma_start3A_3554 : memref<1x!tpu.dma_semaphore, #tpu.memory_space<semaphore_mem>> -> memref<!tpu.dma_semaphore, #tpu.memory_space<semaphore_mem>>
          tpu.enqueue_indirect_dma source(%dma_start3A_3546 : memref<128x32xf32, #tpu.memory_space<vmem>>) target(%dma_start3A_3552 : memref<40968x32xf32, #tpu.memory_space<vmem_shared>>) offsets(%dma_start3A_3549 : memref<128xi32, #tpu.memory_space<vmem>>) offset_filter(%dma_start3A_3553) semaphore(%dma_start3A_3555 : memref<!tpu.dma_semaphore, #tpu.memory_space<semaphore_mem>>) {add = true}
        } else {
        }
      }
      %scan3A_74 = arith.constant 1280 : i32
      %dma_wait3A = arith.constant 0 : i32
      %dma_wait3A_75 = arith.constant 0 : i32
      %dma_wait3A_76 = arith.constant 0 : i32
      %dma_wait3A_77 = arith.constant 0 : i32
      %dma_wait3A_78 = arith.constant 0 : i32
      %dma_wait3A_79 = tpu.memref_slice %arg14[%dma_wait3A, %dma_wait3A_77, %dma_wait3A_78] : memref<2x128x32xf32, #tpu.memory_space<vmem>> -> memref<1x128x32xf32, #tpu.memory_space<vmem>>
      %dma_wait3A_80 = tpu.memref_squeeze %dma_wait3A_79 : memref<1x128x32xf32, #tpu.memory_space<vmem>> -> memref<128x32xf32, #tpu.memory_space<vmem>>
      %dma_wait3A_81 = arith.constant 0 : i32
      %dma_wait3A_82 = tpu.memref_slice %arg15[%dma_wait3A_75, %dma_wait3A_81] : memref<2x128xi32, #tpu.memory_space<vmem>> -> memref<1x128xi32, #tpu.memory_space<vmem>>
      %dma_wait3A_83 = tpu.memref_squeeze %dma_wait3A_82 : memref<1x128xi32, #tpu.memory_space<vmem>> -> memref<128xi32, #tpu.memory_space<vmem>>
      %dma_wait3A_84 = arith.constant 0 : i32
      %dma_wait3A_85 = arith.constant 0 : i32
      %dma_wait3A_86 = tpu.memref_slice %arg23[%dma_wait3A_84, %dma_wait3A_85] : memref<40968x32xf32, #tpu.memory_space<vmem_shared>> -> memref<40968x32xf32, #tpu.memory_space<vmem_shared>>
      %dma_wait3A_87 = tpu.memref_slice %arg25[%dma_wait3A_76] : memref<2x!tpu.dma_semaphore, #tpu.memory_space<semaphore_mem>> -> memref<1x!tpu.dma_semaphore, #tpu.memory_space<semaphore_mem>>
      %dma_wait3A_88 = tpu.memref_squeeze %dma_wait3A_87 : memref<1x!tpu.dma_semaphore, #tpu.memory_space<semaphore_mem>> -> memref<!tpu.dma_semaphore, #tpu.memory_space<semaphore_mem>>
      tpu.wait_indirect_dma semaphore(%dma_wait3A_88 : memref<!tpu.dma_semaphore, #tpu.memory_space<semaphore_mem>>) src(%dma_wait3A_80 : memref<128x32xf32, #tpu.memory_space<vmem>>) dst(%dma_wait3A_86 : memref<40968x32xf32, #tpu.memory_space<vmem_shared>>)
      %dma_wait3A_89 = arith.constant 1 : i32
      %dma_wait3A_90 = arith.constant 1 : i32
      %dma_wait3A_91 = arith.constant 1 : i32
      %dma_wait3A_92 = arith.constant 0 : i32
      %dma_wait3A_93 = arith.constant 0 : i32
      %dma_wait3A_94 = tpu.memref_slice %arg14[%dma_wait3A_89, %dma_wait3A_92, %dma_wait3A_93] : memref<2x128x32xf32, #tpu.memory_space<vmem>> -> memref<1x128x32xf32, #tpu.memory_space<vmem>>
      %dma_wait3A_95 = tpu.memref_squeeze %dma_wait3A_94 : memref<1x128x32xf32, #tpu.memory_space<vmem>> -> memref<128x32xf32, #tpu.memory_space<vmem>>
      %dma_wait3A_96 = arith.constant 0 : i32
      %dma_wait3A_97 = tpu.memref_slice %arg15[%dma_wait3A_90, %dma_wait3A_96] : memref<2x128xi32, #tpu.memory_space<vmem>> -> memref<1x128xi32, #tpu.memory_space<vmem>>
      %dma_wait3A_98 = tpu.memref_squeeze %dma_wait3A_97 : memref<1x128xi32, #tpu.memory_space<vmem>> -> memref<128xi32, #tpu.memory_space<vmem>>
      %dma_wait3A_99 = arith.constant 0 : i32
      %dma_wait3A_100 = arith.constant 0 : i32
      %dma_wait3A_101 = tpu.memref_slice %arg23[%dma_wait3A_99, %dma_wait3A_100] : memref<40968x32xf32, #tpu.memory_space<vmem_shared>> -> memref<40968x32xf32, #tpu.memory_space<vmem_shared>>
      %dma_wait3A_102 = tpu.memref_slice %arg25[%dma_wait3A_91] : memref<2x!tpu.dma_semaphore, #tpu.memory_space<semaphore_mem>> -> memref<1x!tpu.dma_semaphore, #tpu.memory_space<semaphore_mem>>
      %dma_wait3A_103 = tpu.memref_squeeze %dma_wait3A_102 : memref<1x!tpu.dma_semaphore, #tpu.memory_space<semaphore_mem>> -> memref<!tpu.dma_semaphore, #tpu.memory_space<semaphore_mem>>
      tpu.wait_indirect_dma semaphore(%dma_wait3A_103 : memref<!tpu.dma_semaphore, #tpu.memory_space<semaphore_mem>>) src(%dma_wait3A_95 : memref<128x32xf32, #tpu.memory_space<vmem>>) dst(%dma_wait3A_101 : memref<40968x32xf32, #tpu.memory_space<vmem_shared>>)
      %barrier3A_104 = arith.constant 0 : index
      tpu.barrier barrier_id(%barrier3A_104)
      %mul3A_105 = arith.constant 2560 : i32
      %mul3A_106 = arith.muli %arg1, %mul3A_105 : i32
      %mul3A_107 = arith.constant 40960 : i32
      %mul3A_108 = arith.muli %add3A, %mul3A_107 : i32
      %mul3A_109 = arith.constant 2560 : i32
      %mul3A_110 = arith.muli %arg1, %mul3A_109 : i32
      %add3A_111 = arith.addi %mul3A_108, %mul3A_110 : i32
      %multiple_of3A_112 = tpu.assume_multiple %add3A_111, 8 : i32
      "tpu.region"() ({
        %run_scoped3A = tpu.sem_alloc : memref<!tpu.dma_semaphore, #tpu.memory_space<semaphore_mem>>
        %dma_start3A_113 = arith.constant 0 : i32
        %dma_start3A_114 = tpu.memref_slice %arg8[%multiple_of3A_112, %dma_start3A_113] : memref<327680x32xf32, #tpu.memory_space<hbm>> -> memref<2560x32xf32, #tpu.memory_space<hbm>>
        %dma_start3A_115 = arith.constant 0 : i32
        %dma_start3A_116 = tpu.memref_slice %arg23[%mul3A_106, %dma_start3A_115] : memref<40968x32xf32, #tpu.memory_space<vmem_shared>> -> memref<2560x32xf32, #tpu.memory_space<vmem_shared>>
        tpu.enqueue_dma source(%dma_start3A_116 : memref<2560x32xf32, #tpu.memory_space<vmem_shared>>) target(%dma_start3A_114 : memref<2560x32xf32, #tpu.memory_space<hbm>>) target_semaphore(%run_scoped3A : memref<!tpu.dma_semaphore, #tpu.memory_space<semaphore_mem>>)
        %dma_wait3A_117 = arith.constant 0 : i32
        %dma_wait3A_118 = tpu.memref_slice %arg8[%multiple_of3A_112, %dma_wait3A_117] : memref<327680x32xf32, #tpu.memory_space<hbm>> -> memref<2560x32xf32, #tpu.memory_space<hbm>>
        %dma_wait3A_119 = arith.constant 0 : i32
        %dma_wait3A_120 = tpu.memref_slice %arg23[%mul3A_106, %dma_wait3A_119] : memref<40968x32xf32, #tpu.memory_space<vmem_shared>> -> memref<2560x32xf32, #tpu.memory_space<vmem_shared>>
        tpu.wait_dma2 semaphore(%run_scoped3A : memref<!tpu.dma_semaphore, #tpu.memory_space<semaphore_mem>>) src(%dma_wait3A_120 : memref<2560x32xf32, #tpu.memory_space<vmem_shared>>) dst(%dma_wait3A_118 : memref<2560x32xf32, #tpu.memory_space<hbm>>)
        tpu.yield
      }) : () -> ()
    }
    %scan3A_7 = arith.constant 4 : i32
    return
  }
}

module attributes {stable_mosaic.version = 14 : i64} {
  func.func @_u_tc_kernel(%arg0: i32, %arg1: memref<1000x128xf32, #tpu.memory_space<vmem>>, %arg2: memref<32x8xf32, #tpu.memory_space<vmem>>, %arg3: memref<1000x32xf32, #tpu.memory_space<vmem>>) attributes {dimension_semantics = [#tpu.dimension_semantics<arbitrary>], iteration_bounds = array<i64: 10>, scalar_prefetch = 0 : i64, scratch_operands = 0 : i64, tpu.core_type = #tpu.core_type<tc>, window_params = [{transform_indices = @transform_0, window_bounds = array<i64: 1000, 128>}, {pipeline_mode = #tpu.pipeline_mode<synchronous>, transform_indices = @transform_1, window_bounds = array<i64: 32, 8>}, {transform_indices = @transform_2, window_bounds = array<i64: 1000, 32>}]} {
    %get3A = arith.constant 0 : index
    %get3A_0 = arith.constant 0 : index
    %get3A_1 = vector.load %arg1[%get3A, %get3A_0] : memref<1000x128xf32, #tpu.memory_space<vmem>>, vector<1000x32xf32>
    %get3A_2 = arith.constant 0 : index
    %get3A_3 = arith.constant 0 : index
    %get3A_4 = vector.load %arg2[%get3A_2, %get3A_3] : memref<32x8xf32, #tpu.memory_space<vmem>>, vector<32x8xf32>
    %dot_general3A = arith.constant dense<0.000000e+00> : vector<1000x8xf32>
    %dot_general3A_5 = tpu.matmul %get3A_1, %get3A_4, %dot_general3A {dimension_numbers = #tpu.dot_dimension_numbers<[1], [0], [0], [1], [0, 0, 1, 1], [], []>, transpose_lhs_hint = false} : vector<1000x32xf32>, vector<32x8xf32>, vector<1000x8xf32> -> vector<1000x8xf32>
    %swap3A = arith.constant 0 : index
    %swap3A_6 = arith.constant 0 : index
    %swap3A_7 = vector.load %arg3[%swap3A, %swap3A_6] : memref<1000x32xf32, #tpu.memory_space<vmem>>, vector<1000x8xf32>
    tpu.vector_store %arg3[%swap3A, %swap3A_6], %dot_general3A_5 {strides = array<i32>} : memref<1000x32xf32, #tpu.memory_space<vmem>>, vector<1000x8xf32>,
    %get3A_8 = arith.constant 0 : index
    %get3A_9 = arith.constant 32 : index
    %get3A_10 = vector.load %arg1[%get3A_8, %get3A_9] : memref<1000x128xf32, #tpu.memory_space<vmem>>, vector<1000x32xf32>
    %get3A_11 = arith.constant 0 : index
    %get3A_12 = arith.constant 0 : index
    %get3A_13 = vector.load %arg2[%get3A_11, %get3A_12] : memref<32x8xf32, #tpu.memory_space<vmem>>, vector<32x8xf32>
    %dot_general3A_14 = arith.constant dense<0.000000e+00> : vector<1000x8xf32>
    %dot_general3A_15 = tpu.matmul %get3A_10, %get3A_13, %dot_general3A_14 {dimension_numbers = #tpu.dot_dimension_numbers<[1], [0], [0], [1], [0, 0, 1, 1], [], []>, transpose_lhs_hint = false} : vector<1000x32xf32>, vector<32x8xf32>, vector<1000x8xf32> -> vector<1000x8xf32>
    %swap3A_16 = arith.constant 0 : index
    %swap3A_17 = arith.constant 8 : index
    %swap3A_18 = vector.load %arg3[%swap3A_16, %swap3A_17] : memref<1000x32xf32, #tpu.memory_space<vmem>>, vector<1000x8xf32>
    tpu.vector_store %arg3[%swap3A_16, %swap3A_17], %dot_general3A_15 {strides = array<i32>} : memref<1000x32xf32, #tpu.memory_space<vmem>>, vector<1000x8xf32>,
    %get3A_19 = arith.constant 0 : index
    %get3A_20 = arith.constant 64 : index
    %get3A_21 = vector.load %arg1[%get3A_19, %get3A_20] : memref<1000x128xf32, #tpu.memory_space<vmem>>, vector<1000x32xf32>
    %get3A_22 = arith.constant 0 : index
    %get3A_23 = arith.constant 0 : index
    %get3A_24 = vector.load %arg2[%get3A_22, %get3A_23] : memref<32x8xf32, #tpu.memory_space<vmem>>, vector<32x8xf32>
    %dot_general3A_25 = arith.constant dense<0.000000e+00> : vector<1000x8xf32>
    %dot_general3A_26 = tpu.matmul %get3A_21, %get3A_24, %dot_general3A_25 {dimension_numbers = #tpu.dot_dimension_numbers<[1], [0], [0], [1], [0, 0, 1, 1], [], []>, transpose_lhs_hint = false} : vector<1000x32xf32>, vector<32x8xf32>, vector<1000x8xf32> -> vector<1000x8xf32>
    %swap3A_27 = arith.constant 0 : index
    %swap3A_28 = arith.constant 16 : index
    %swap3A_29 = vector.load %arg3[%swap3A_27, %swap3A_28] : memref<1000x32xf32, #tpu.memory_space<vmem>>, vector<1000x8xf32>
    tpu.vector_store %arg3[%swap3A_27, %swap3A_28], %dot_general3A_26 {strides = array<i32>} : memref<1000x32xf32, #tpu.memory_space<vmem>>, vector<1000x8xf32>,
    %get3A_30 = arith.constant 0 : index
    %get3A_31 = arith.constant 96 : index
    %get3A_32 = vector.load %arg1[%get3A_30, %get3A_31] : memref<1000x128xf32, #tpu.memory_space<vmem>>, vector<1000x32xf32>
    %get3A_33 = arith.constant 0 : index
    %get3A_34 = arith.constant 0 : index
    %get3A_35 = vector.load %arg2[%get3A_33, %get3A_34] : memref<32x8xf32, #tpu.memory_space<vmem>>, vector<32x8xf32>
    %dot_general3A_36 = arith.constant dense<0.000000e+00> : vector<1000x8xf32>
    %dot_general3A_37 = tpu.matmul %get3A_32, %get3A_35, %dot_general3A_36 {dimension_numbers = #tpu.dot_dimension_numbers<[1], [0], [0], [1], [0, 0, 1, 1], [], []>, transpose_lhs_hint = false} : vector<1000x32xf32>, vector<32x8xf32>, vector<1000x8xf32> -> vector<1000x8xf32>
    %swap3A_38 = arith.constant 0 : index
    %swap3A_39 = arith.constant 24 : index
    %swap3A_40 = vector.load %arg3[%swap3A_38, %swap3A_39] : memref<1000x32xf32, #tpu.memory_space<vmem>>, vector<1000x8xf32>
    tpu.vector_store %arg3[%swap3A_38, %swap3A_39], %dot_general3A_37 {strides = array<i32>} : memref<1000x32xf32, #tpu.memory_space<vmem>>, vector<1000x8xf32>,
    return
  }
  func.func @transform_0(%arg0: i32) -> (i32, i32) {
    %c0_i32 = arith.constant 0 : i32
    %c0_i32_0 = arith.constant 0 : i32
    return %arg0, %c0_i32 : i32, i32
  }
  func.func @transform_1(%arg0: i32) -> (i32, i32) {
    %c0_i32 = arith.constant 0 : i32
    %c0_i32_0 = arith.constant 0 : i32
    %c0_i32_1 = arith.constant 0 : i32
    return %c0_i32, %c0_i32_0 : i32, i32
  }
  func.func @transform_2(%arg0: i32) -> (i32, i32) {
    %c0_i32 = arith.constant 0 : i32
    %c0_i32_0 = arith.constant 0 : i32
    return %arg0, %c0_i32 : i32, i32
  }
}

module attributes {stable_mosaic.version = 14 : i64} {
  func.func @_h_tc_kernel(%arg0: i32, %arg1: memref<1000x1024xf32, #tpu.memory_space<vmem>>, %arg2: memref<1024x128xf32, #tpu.memory_space<vmem>>, %arg3: memref<1000x128xf32, #tpu.memory_space<vmem>>) attributes {dimension_semantics = [#tpu.dimension_semantics<arbitrary>], iteration_bounds = array<i64: 10>, scalar_prefetch = 0 : i64, scratch_operands = 0 : i64, tpu.core_type = #tpu.core_type<tc>, window_params = [{transform_indices = @transform_0, window_bounds = array<i64: 1000, 1024>}, {pipeline_mode = #tpu.pipeline_mode<synchronous>, transform_indices = @transform_1, window_bounds = array<i64: 1024, 128>}, {transform_indices = @transform_2, window_bounds = array<i64: 1000, 128>}]} {
    %get3A = arith.constant 0 : index
    %get3A_0 = arith.constant 0 : index
    %get3A_1 = vector.load %arg1[%get3A, %get3A_0] : memref<1000x1024xf32, #tpu.memory_space<vmem>>, vector<1000x1024xf32>
    %get3A_2 = arith.constant 0 : index
    %get3A_3 = arith.constant 0 : index
    %get3A_4 = vector.load %arg2[%get3A_2, %get3A_3] : memref<1024x128xf32, #tpu.memory_space<vmem>>, vector<1024x128xf32>
    %dot_general3A = arith.constant dense<0.000000e+00> : vector<1000x128xf32>
    %dot_general3A_5 = tpu.matmul %get3A_1, %get3A_4, %dot_general3A {dimension_numbers = #tpu.dot_dimension_numbers<[1], [0], [0], [1], [0, 0, 1, 1], [], []>, transpose_lhs_hint = false} : vector<1000x1024xf32>, vector<1024x128xf32>, vector<1000x128xf32> -> vector<1000x128xf32>
    %swap3A = arith.constant 0 : index
    %swap3A_6 = arith.constant 0 : index
    %swap3A_7 = vector.load %arg3[%swap3A, %swap3A_6] : memref<1000x128xf32, #tpu.memory_space<vmem>>, vector<1000x128xf32>
    tpu.vector_store %arg3[%swap3A, %swap3A_6], %dot_general3A_5 {strides = array<i32>} : memref<1000x128xf32, #tpu.memory_space<vmem>>, vector<1000x128xf32>,
    return
  }
  func.func @transform_0(%arg0: i32) -> (i32, i32) {
    %c0_i32 = arith.constant 0 : i32
    %c0_i32_0 = arith.constant 0 : i32
    return %arg0, %c0_i32 : i32, i32
  }
  func.func @transform_1(%arg0: i32) -> (i32, i32) {
    %c0_i32 = arith.constant 0 : i32
    %c0_i32_0 = arith.constant 0 : i32
    %c0_i32_1 = arith.constant 0 : i32
    return %c0_i32, %c0_i32_0 : i32, i32
  }
  func.func @transform_2(%arg0: i32) -> (i32, i32) {
    %c0_i32 = arith.constant 0 : i32
    %c0_i32_0 = arith.constant 0 : i32
    return %arg0, %c0_i32 : i32, i32
  }
}

</mosaic_0001>

<sc_bundles>
// kernel: kernel.5.cloned.1.call-start
scs
__scs_entry_jumppad:
0x0: {  	(pc) =	sbr.rel $0x88, $3  }
0x1: {  	(tag) =	ssettag $0x0;
	lr =	simm.s32 $0x1  }
0x2: {  	[smem:$0x3F9B] =	sst lr;
	_ =	strace $0xD0000000  }
0x3: {  	_ = 	snop  }
0x4: {  	_ = 	snop  }
0x5: {  	_ = 	snop  }
0x6: {  	_ = 	snop  }
0x7: {  	_ = 	snop  }
__scs_overlays_trampoline_lowered:
0x8: {  	[smem:$0x3FAA] =	sst s0  }
0x9: {  	[smem:$0x3FAB] =	sst s1  }
0xa: {  	[smem:$0x3FAC] =	sst s2  }
0xb: {  	[smem:$0x3FAD] =	sst s3  }
0xc: {  	[smem:$0x3FAE] =	sst s4  }
0xd: {  	[smem:$0x3FAF] =	sst s5  }
0xe: {  	[smem:$0x3FB0] =	sst s6  }
0xf: {  	[smem:$0x3FB1] =	sst s7  }
0x10: {  	[smem:$0x3FB2] =	sst s8  }
0x11: {  	[smem:$0x3FB3] =	sst s9;
	s0 =	simm.s32 @!p0 $0x0  }
0x12: {  	s1 =	sld [smem:$0x3F99];
	s0 =	simm.s32 @p0 $0x1  }
0x13: {  	[smem:$0x3FB4] =	sst s0;
	s0 =	simm.s32 @!p1 $0x0  }
0x14: {  	s2 =	sld [smem:$0x3F98];
	s0 =	simm.s32 @p1 $0x1  }
0x15: {  	[smem:$0x3FB5] =	sst s0;
	s0 =	simm.s32 @!p2 $0x0  }
0x16: {  	s3 =	sld [smem:$0x3FDB];
	s0 =	simm.s32 @p2 $0x1  }
0x17: {  	s4 =	simm.s32 $0x1BF5;
	[smem:$0x3FB7] =	sst s0  }
0x18: {  	s0 =	sld [smem:$0x3F9A];
	_ =	swait.ge [sflag:s4], $0x0  }
0x19: {  	s7 =	sld [smem:$0x3F9B]  }
0x1a: {  	s8 =	sadd.s32 $0xFFFFE003, lr  }
0x1b: {  	s9 =	sadd.s32 $0xFFFFFEF7, lr;
	s5 =	simm.s32 $0xFFFFFFFF;
	p2 =	slt.u32 s8, $0xFFFFF086  }
0x1c: {  	p1 =	slt.u32 s9, $0xF7A;
	s5 =	simm.s32 @!p2 $0x0  }
0x1d: {  	s5 =	simm.s32 @p1 $0x1;
	p0 =	seq.s32 s7, s2  }
0x1e: {  	s7 =	smul.u32 @!p0 $0xF7A, s2;
	p2 =	seq.s32 @!p0 s5, $0x0  }
0x1f: {  	s9 =	smul.u32 $0xF7A, s1;
	s8 =	simm.s32 @!p0 $0x1BF5;
	p2 =	por !p2, p0  }
0x20: {  	[sflag:s8] =	ssyncset.s32 @!p0 $0xFFFFF086;
	s6 =	sadd.s32 @!p0 s3, s7;
	s7 =	simm.s32 @!p0 $0x108  }
0x21: {  	s3 =	sadd.s32 s3, s9;
	s6 =	sadd.s32 @!p0 $0x88, s6;
	s7 =	simm.s32 @p2 $0x1082  }
0x22: {  	[simem:s7], [sflag:s8] =	dma.local @!p0 [hbm:s6], $0xF7A  }
0x23: {  	s9 =	sor.u32 $0xD0000000, s2;
	s6 =	simm.s32 $0x108;
	_ =	swait.ge @!p0 [sflag:s8], $0x0  }
0x24: {  	s3 =	sadd.s32 $0x88, s3;
	s6 =	simm.s32 @!p1 $0x1082;
	[sflag:s4] =	ssyncset.s32 $0xFFFFF086  }
0x25: {  	[simem:s6], [sflag:s4] =	dma.local [hbm:s3], $0xF7A  }
0x26: {  	[smem:$0x3F9B] =	sst s1;
	(tag) =	ssettag s2;
	_ =	strace s9  }
0x27: {  	s1 =	sld [smem:$0x3FAB]  }
0x28: {  	s2 =	sld [smem:$0x3FAC]  }
0x29: {  	s4 =	sld [smem:$0x3FAE]  }
0x2a: {  	p0 =	seq.s32 s5, $0x0;
	s5 =	sld [smem:$0x3FAF]  }
0x2b: {  	s6 =	sld [smem:$0x3FB0]  }
0x2c: {  	s7 =	sld [smem:$0x3FB1]  }
0x2d: {  	s3 =	simm.s32 $0x108;
	s8 =	sld [smem:$0x3FB2]  }
0x2e: {  	s3 =	simm.s32 @!p0 $0x1082;
	s9 =	sld [smem:$0x3FB3]  }
0x2f: {  	lr =	sadd.s32 s0, s3;
	s0 =	sld [smem:$0x3FAA]  }
0x30: {  	s3 =	sld [smem:$0x3FAD]  }
0x31: {  	[smem:$0x3FB6] =	sst s10  }
0x32: {  	s10 =	sld [smem:$0x3FB4];
	_ =	sdelay $0x3  }
0x33: {  	p0 =	seq.s32 s10, $0x1;
	s10 =	sld [smem:$0x3FB6];
	_ =	sdelay $0x3  }
0x34: {  	[smem:$0x3FB6] =	sst s10  }
0x35: {  	s10 =	sld [smem:$0x3FB5];
	_ =	sdelay $0x3  }
0x36: {  	p1 =	seq.s32 s10, $0x1;
	s10 =	sld [smem:$0x3FB6];
	_ =	sdelay $0x3  }
0x37: {  	[smem:$0x3FB6] =	sst s10  }
0x38: {  	s10 =	sld [smem:$0x3FB7]  }
0x39: {  	_ = 	snop;
	(pc) =	sbr.ind lr, $3  }
0x3a: {  	_ = 	snop  }
0x3b: {  	_ = 	snop  }
0x3c: {  	p2 =	seq.s32 s10, $0x1;
	s10 =	sld [smem:$0x3FB6]  }
0x3d: {  	_ =	shalt  }
0x3e: {  	_ =	shalt  }
0x3f: {  	_ =	shalt  }
0x40: {  	_ =	shalt  }
0x41: {  	_ =	shalt  }
0x42: {  	_ =	shalt  }
0x43: {  	_ =	shalt  }
0x44: {  	_ =	shalt  }
0x45: {  	_ =	shalt  }
0x46: {  	_ =	shalt  }
0x47: {  	_ =	shalt  }
0x48: {  	_ =	shalt  }
0x49: {  	_ =	shalt  }
0x4a: {  	_ =	shalt  }
0x4b: {  	_ =	shalt  }
0x4c: {  	_ =	shalt  }
0x4d: {  	_ =	shalt  }
0x4e: {  	_ =	shalt  }
0x4f: {  	_ =	shalt  }
0x50: {  	_ =	shalt  }
0x51: {  	_ =	shalt  }
0x52: {  	_ =	shalt  }
0x53: {  	_ =	shalt  }
0x54: {  	_ =	shalt  }
0x55: {  	_ =	shalt  }
0x56: {  	_ =	shalt  }
0x57: {  	_ =	shalt  }
0x58: {  	_ =	shalt  }
0x59: {  	_ =	shalt  }
0x5a: {  	_ =	shalt  }
0x5b: {  	_ =	shalt  }
0x5c: {  	_ =	shalt  }
0x5d: {  	_ =	shalt  }
0x5e: {  	_ =	shalt  }
0x5f: {  	_ =	shalt  }
0x60: {  	_ =	shalt  }
0x61: {  	_ =	shalt  }
0x62: {  	_ =	shalt  }
0x63: {  	_ =	shalt  }
0x64: {  	_ =	shalt  }
0x65: {  	_ =	shalt  }
0x66: {  	_ =	shalt  }
0x67: {  	_ =	shalt  }
0x68: {  	_ =	shalt  }
0x69: {  	_ =	shalt  }
0x6a: {  	_ =	shalt  }
0x6b: {  	_ =	shalt  }
0x6c: {  	_ =	shalt  }
0x6d: {  	_ =	shalt  }
0x6e: {  	_ =	shalt  }
0x6f: {  	_ =	shalt  }
0x70: {  	_ =	shalt  }
0x71: {  	_ =	shalt  }
0x72: {  	_ =	shalt  }
0x73: {  	_ =	shalt  }
0x74: {  	_ =	shalt  }
0x75: {  	_ =	shalt  }
0x76: {  	_ =	shalt  }
0x77: {  	_ =	shalt  }
0x78: {  	_ =	shalt  }
0x79: {  	_ =	shalt  }
0x7a: {  	_ =	shalt  }
0x7b: {  	_ =	shalt  }
0x7c: {  	_ =	shalt  }
0x7d: {  	_ =	shalt  }
0x7e: {  	_ =	shalt  }
0x7f: {  	_ =	shalt  }
0x80: {  	_ =	shalt  }
0x81: {  	_ =	shalt  }
0x82: {  	_ =	shalt  }
0x83: {  	_ =	shalt  }
0x84: {  	_ =	shalt  }
0x85: {  	_ =	shalt  }
0x86: {  	_ =	shalt  }
0x87: {  	_ =	shalt  }
.Lfunc_end0:
.L_simem_size_0:
called_computation_lowered:
.L_overlay_start_0:
0x88: {  	s2 =	sld [smem:$0x3FD9]  }
0x89: {  	s3 =	sld [smem:$0x3FFE];
	_ =	sdelay $0x1  }
0x8a: {  	s1 =	srdreg.scid  }
0x8b: {  	s0 =	sand.u32 $0x1, s1  }
0x8c: {  	s17 =	sshll.u32 s0, $0xA;
	s2 =	sadd.s32 s3, s2  }
0x8d: {  	s2 =	sadd.s32 s2, s17  }
0x8e: {  	[smem:$0x3FC2] =	sst s2  }
0x8f: {  	_ = 	snop  }
0x90: {  	s2 =	sld [smem:$0x3FD0];
	(tm) =	ssettm $0x1  }
0x91: {  	s18 =	sld [smem:$0x3FFB];
	_ =	sdelay $0x3  }
0x92: {  	_ =	strace s18  }
0x93: {  	s3 =	sld [smem:$0x3FFC];
	_ =	sdelay $0x3  }
0x94: {  	_ =	strace s3  }
0x95: {  	s3 =	sld [smem:$0x3FFD];
	_ =	sdelay $0x3  }
0x96: {  	_ =	strace s3  }
0x97: {  	_ =	strace $0x8FFFFFFF  }
0x98: {  	s19 =	sld [smem:$0x3FDB];
	_ =	sdelay $0x1  }
0x99: {  	s4 =	simm.s32 $_scs_section_size  }
0x9a: {  	s5 =	simm.s32 $_size__tile_overlayer_lowered;
	s6 =	simm.s32 $_tile_overlayer_lowered  }
0x9b: {  	s22 =	simm.s32 $0x1BFF;
	s21 =	sshll.u32 s6, $0x1;
	s3 =	sadd.s32 s4, s19  }
0x9c: {  	s7 =	simm.s32 $0x0;
	s20 =	sshll.u32 s5, $0x1;
	s5 =	sadd.s32 s21, s3  }
0x9d: {  	[timem:s7], [sflag:s22] =	dma.local [hbm:s5], s20  }
0x9e: {  	_ =	swait.ge [sflag:s22], s20  }
0x9f: {  	s4 =	ssub.s32 $0x0, s20;
	[sflag:s22] =	ssyncset.done $0x0  }
0xa0: {  	[sflag:s22] =	ssyncadd.s32 s4;
	_ =	sdelay $0x1  }
0xa1: {  	s23 =	simm.s32 $0x1B8B  }
0xa2: {  	_ =	swait.ge [sflag:s23], $0x1  }
0xa3: {  	[sflag:s23] =	ssyncset.done $0x0  }
0xa4: {  	s25 =	simm.s32 $0x1B8E;
	s24 =	sld [smem:$0x3FFE];
	[sflag:s23] =	ssyncadd.s32 $0xFFFFFFFF  }
0xa5: {  	s26 =	simm.s32 $execute0_lowered;
	[smem:$0x3FD2] =	sst s25  }
0xa6: {  	s5 =	sshll.u32 s26, $0x1;
	_ =	strace $0x80000046;
	[dreg:$0x1] =	wrdreg $0xFFFFFFFF  }
0xa7: {  	s28 =	simm.s32 $_size_execute0_lowered;
	s3 =	sadd.s32 s3, s5;
	[dreg:$0x0] =	wrdreg $0x0  }
0xa8: {  	s5 =	sshll.u32 s28, $0x1;
	[dreg:$0x2] =	wrdreg s3  }
0xa9: {  	[dreg:$0x3] =	wrdreg s5  }
0xaa: {  	[dreg:$0x4] =	wrdreg $0xC0  }
0xab: {  	_ =	task [dreg:s7], $0x5FFFF  }
0xac: {  	[dreg:$0x1] =	wrdreg $0xFFFFFFFF  }
0xad: {  	[dreg:$0x0] =	wrdreg $0x60  }
0xae: {  	[dreg:$0x2] =	wrdreg s24  }
0xaf: {  	[dreg:$0x3] =	wrdreg s2  }
0xb0: {  	[dreg:$0x4] =	wrdreg $0x43B00  }
0xb1: {  	[dreg:$0x5] =	wrdreg $0x6AC00  }
0xb2: {  	[dreg:$0x6] =	wrdreg $0x9  }
0xb3: {  	_ =	task.clear_ibuf [dreg:s7], $0x7FFFF;
	_ =	strace $0x90000046  }
0xb4: {  	s29 =	simm.s32 $0x9;
	_ =	strace $0x80000048  }
0xb5: {  	_ =	swait.ge [sflag:s29], $0x1  }
0xb6: {  	[sflag:s29] =	ssyncadd.s32 $0xFFFFFFFF  }
0xb7: {  	_ =	strace $0x90000048  }
0xb8: {  	_ =	sfence  }
0xb9: {  	s30 =	sld [smem:$0x0];
	_ =	sdelay $0x2  }
0xba: {  	s31 =	sshll.u32 s1, $0xD;
	s1 =	sshrl.u32 s1, $0x2  }
0xbb: {  	s3 =	sand.u32 $0x4000, s31;
	s1 =	sadd.s32 s1, s30  }
0xbc: {  	s0 =	sor.u32 s3, s0;
	s1 =	sshll.u32 s1, $0x11  }
0xbd: {  	s0 =	sor.u32 s1, s0  }
0xbe: {  	s0 =	sadd.s32 $0x8F2B, s0  }
0xbf: {  	[sflag:s0] =	ssyncadd.remote.s32 $0x1  }
0xc0: {  	_ =	sfence.sel $0xFFFF  }
0xc1: {  	[dreg:$0x0] =	wrdreg $0xFFFFFFFF;
	(pc) =	sbr.abs _section_cstart, $3  }
0xc2: {  	[dreg:$0x1] =	wrdreg $0xFFFFFFFF  }
0xc3: {  	_ =	task.clear_ibuf [dreg:s7], $0x2FFFF;
	_ =	strace $0x9FFFFFFF  }
0xc4: {  	(tm) =	ssettm $0x7FFFFFFF  }
0xc5: {  	_ =	shalt  }
tec
execute0_lowered:
.L_overlay_start_1:
0x0: {  	(tag) =	ssettag $0x1  }
0x1: {  	s8 =	rddreg [dreg:$0x0]  }
0x2: {  	s2 =	rddreg [dreg:$0x1]  }
0x3: {  	s3 =	rddreg [dreg:$0x2]  }
0x4: {  	s4 =	rddreg [dreg:$0x3];
	s0 =	simm.s32 $0x0;
	s22 =	srdreg.scid  }
0x5: {  	s9 =	stileid.u32;
	s29 =	simm.s32 $0x80;
	s30 =	simm.s32 $0x3900  }
0x6: {  	s31 =	simm.s32 $0x1000;
	[smem:$0x7FF] =	sst s0;
	s6 =	sadd.s32 $0xF000, s8  }
0x7: {  	s7 =	sadd.s32 $0x5000, s8;
	s0 =	sand.u32 $0x1, s22;
	s1 =	smul.u32 $0x50000, s9  }
0x8: {  	s10 =	sadd.s32 $0x19000, s8;
	s5 =	sadd.s32 $0x23000, s8;
	s12 =	smul.u32 $0x5000, s9  }
0x9: {  	s8 =	sadd.s32 $0x23200, s8;
	s24 =	sadd.s32 $0x140000, s4;
	s20 =	smul.u32 $0xA00, s9  }
0xa: {  	p0 =	sne.s32 s9, $0x0;
	s22 =	simm.s32 $0x3980;
	p1 =	sne.s32 s9, $0xF  }
0xb: {  	s9 =	simm.s32 $0x0;
	_ =	strace $0x80000047;
	[dreg:$0x5] =	wrdreg s5  }
0xc: {  	s17 =	smov.u32 s0;
	s0 =	ssub.s32 $0x2, s0;
	[dreg:$0x6] =	wrdreg s8  }
0xd: {  	[dreg:$0x7] =	wrdreg s24;
	s5 =	simm.s32 $0x3;
	s23 =	sshrl.u32 s0, $0x1  }
0xe: {  	s1 =	sshrl.u32 s1, $0x2;
	s25 =	sshrl.u32 s12, $0x3;
	s0 =	ssub.s32 s0, s23  }
.Ltmp0:
0xf: {  	s14 =	sadd.s32 s1, s4;
	s26 =	sadd.s32 s2, s25;
	(pc) =	sbr.rel .LBB2_1-.Ltmp0, $4  }
0x10: {  	s28 =	sadd.s32 s6, s25;
	s18 =	sadd.s32 s7, s25;
	[dreg:$0x8] =	wrdreg s26  }
0x11: {  	s19 =	sadd.s32 s10, s25;
	[dreg:$0x9] =	wrdreg s28;
	s0 =	smax.u32 s0, $0x1  }
0x12: {  	s23 =	simm.s32 $0x6;
	[dreg:$0xa] =	wrdreg s0;
	s0 =	sshrl.u32 @!p0 s3, $0x3  }
0x13: {  	s1 =	simm.s32 $0x4;
	[dreg:$0xb] =	wrdreg s0;
	s0 =	simm.s32 $0x5  }
.LBB2_9:
0x14: {  	s9 =	rddreg [dreg:$0xc]  }
0x15: {  	s8 =	rddreg [dreg:$0xa];
	s9 =	sadd.s32 $0x1, s9  }
0x16: {  	p2 =	sne.s32 s9, s8  }
.Ltmp1:
0x17: {  	_ = 	snop;
	(pc) =	sbr.rel @!p2 .LBB2_10-.Ltmp1, $1  }
0x18: {  	_ =	sdelay $0x3  }
.LBB2_1:
0x19: {  	[dreg:$0xc] =	wrdreg s9  }
0x1a: {  	s8 =	simm.s32 $0x0;
	s28 =	rddreg [dreg:$0x5]  }
0x1b: {  	[tilespmem:s22], [sflag:$0x6] =	stream.linear.gather [hbm4b:s28+s8], $0x800, $0x38;
	[tilespmem:$0x1AAD0] =	vst v63  }
0x1c: {  	_ =	swait.ge [sflag:s23], $0x800  }
0x1d: {  	[sflag:s23] =	ssyncset.done $0x0  }
0x1e: {  	s11 =	rddreg [dreg:$0xb];
	[sflag:s23] =	ssyncadd.s32 $0xFFFFF800  }
0x1f: {  	s9 =	simm.s32 @!p0 $0x1C06;
	s8 =	rddreg [dreg:$0x0]  }
0x20: {  	[spmem:s11], [sflag:s9] =	dma.local @!p0 [hbm:s8], $0x4E20  }
.Ltmp2:
0x21: {  	_ = 	snop;
	(pc) =	sbr.rel .LBB2_2-.Ltmp2, $4  }
0x22: {  	s9 =	simm.s32 @!p0 $0x6  }
0x23: {  	_ =	swait.ge @!p0 [sflag:s9], $0x4E20  }
0x24: {  	[sflag:s9] =	ssyncset.done @!p0 $0x0  }
0x25: {  	s21 =	simm.s32 $0x0;
	[sflag:s9] =	ssyncadd.s32 @!p0 $0xFFFFB1E0  }
.LBB2_8:
0x26: {  	_ =	swait.ge [sflag:s5], $0x1000  }
0x27: {  	[sflag:s5] =	ssyncset.done $0x0  }
0x28: {  	[sflag:s5] =	ssyncadd.s32 $0xFFFFF000  }
0x29: {  	_ =	swait.ge [sflag:s1], $0x1000  }
0x2a: {  	s8 =	smul.u32 $0xA000, s24;
	s9 =	stileid.u32;
	[sflag:s1] =	ssyncset.done $0x0  }
0x2b: {  	s28 =	sshrl.u32 s14, $0x3;
	s21 =	sadd.s32 $0x1, s21;
	[sflag:s1] =	ssyncadd.s32 $0xFFFFF000  }
0x2c: {  	s9 =	sshll.u32 s9, $0x6;
	s8 =	sadd.s32 s20, s8;
	[bflag:$0x0] =	sbarrier.arrive $0xFFFF  }
0x2d: {  	p2 =	sne.s32 s21, $0x4;
	s8 =	sshll.u32 s8, $0x2;
	s11 =	rddreg [dreg:$0x6]  }
.Ltmp3:
0x2e: {  	s9 =	sor.u32 $0x1C06, s9;
	s8 =	sadd.s32 s11, s8;
	(pc) =	sbr.rel @!p2 .LBB2_9-.Ltmp3, $4  }
0x2f: {  	[hbm:s8], [sflag:s9] =	dma.local [spmem:s28], $0x2800  }
0x30: {  	_ =	swait.ge [sflag:s23], $0x2800  }
0x31: {  	[sflag:s23] =	ssyncset.done $0x0  }
0x32: {  	[sflag:s23] =	ssyncadd.s32 $0xFFFFD800  }
.LBB2_2:
0x33: {  	s9 =	sadd.s32 $0x0, s14  }
0x34: {  	[spmem:s9] =	stream.linear.scatter [tilespmem:s22], [sflag:$0x6], $0x800, $0x38;
	[tilespmem:$0x1AAD0] =	vst v63  }
0x35: {  	s9 =	simm.s32 $0x2000;
	_ =	swait.ge [sflag:s23], $0x800  }
.LBB2_3:
0x36: {  	s11 =	sshra.s32 s9, $0x2;
	[sflag:s23] =	ssyncset.done $0x0;
	p2 =	sne.s32 s9, $0x4E000  }
.Ltmp4:
0x37: {  	s11 =	sadd.s32 s11, s14;
	[sflag:s23] =	ssyncadd.s32 $0xFFFFF800;
	(pc) =	sbr.rel @p2 .LBB2_3-.Ltmp4, $3  }
0x38: {  	[spmem:s11] =	stream.linear.scatter [tilespmem:s22], [sflag:$0x6], $0x800, $0x38;
	[tilespmem:$0x1AAD0] =	vst v63  }
0x39: {  	s9 =	sadd.s32 $0x2000, s9;
	_ =	sdelay $0x1  }
0x3a: {  	_ =	swait.ge [sflag:s23], $0x800  }
0x3b: {  	[sflag:s23] =	ssyncset.done $0x0  }
0x3c: {  	s9 =	simm.s32 @!p1 $0x3980;
	s8 =	rddreg [dreg:$0x7];
	[sflag:s23] =	ssyncadd.s32 $0xFFFFF800  }
0x3d: {  	[spmem:s8] =	stream.linear.scatter @!p1 [tilespmem:s9], [sflag:$0x6], $0x100, $0x38;
	[tilespmem:$0x1AAD0] =	vst v63  }
0x3e: {  	s9 =	simm.s32 @!p1 $0x6  }
0x3f: {  	_ =	swait.ge @!p1 [sflag:s9], $0x100  }
0x40: {  	[sflag:s9] =	ssyncset.done @!p1 $0x0  }
0x41: {  	[sflag:s9] =	ssyncadd.s32 @!p1 $0xFFFFFF00  }
0x42: {  	[bflag:$0x0] =	sbarrier.arrive $0xFFFF  }
0x43: {  	s11 =	simm.s32 $0x0;
	s16 =	rddreg [dreg:$0x8]  }
0x44: {  	[tilespmem:s11], [sflag:$0x1] =	stream.linear.gather [hbm4b:s16+s11], $0x200, $0x38;
	[tilespmem:$0x1AAD0] =	vst v63  }
0x45: {  	s24 =	sshll.u32 s21, $0x1;
	s13 =	simm.s32 $0x400;
	s25 =	rddreg [dreg:$0x9]  }
0x46: {  	[tilespmem:s13], [sflag:$0x1] =	stream.linear.gather [hbm4b:s25+s11], $0x200, $0x38;
	[tilespmem:$0x1AAD0] =	vst v63  }
.Ltmp5:
0x47: {  	s24 =	sor.u32 s17, s24;
	(pc) =	sbr.rel .LBB2_5-.Ltmp5, $4  }
0x48: {  	s26 =	simm.s32 $0x800;
	s9 =	smul.u32 $0x500, s24  }
0x49: {  	[tilespmem:s26], [sflag:$0x1] =	stream.linear.gather [hbm4b:s18+s11], $0x200, $0x38;
	[tilespmem:$0x1AAD0] =	vst v63  }
0x4a: {  	s28 =	simm.s32 $0xC00;
	s25 =	sadd.s32 $0x500, s9  }
0x4b: {  	v0 =	vmov s9;
	v1 =	vmov s25;
	[tilespmem:s28], [sflag:$0x1] =	stream.linear.gather [hbm4b:s19+s11], $0x200, $0x38;
	[tilespmem:$0x1AAD0] =	vst v63  }
.LBB2_7:
0x4c: {  	s11 =	sadd.s32 $0x1, s11  }
0x4d: {  	p2 =	sne.s32 s11, $0x500  }
.Ltmp6:
0x4e: {  	_ = 	snop;
	(pc) =	sbr.rel @!p2 .LBB2_8-.Ltmp6, $1  }
0x4f: {  	_ =	sdelay $0x3  }
.LBB2_5:
0x50: {  	s9 =	sshrl.u32 s11, $0x5;
	s25 =	sand.u32 $0x1F, s11  }
0x51: {  	s26 =	sand.u32 $0x1, s9;
	p3 =	sne.s32 s25, $0x0  }
0x52: {  	s28 =	sadd.s32 @!p3 $0x1, s26  }
0x53: {  	_ =	swait.ge @!p3 [sflag:s28], $0x200  }
0x54: {  	[sflag:s28] =	ssyncset.done @!p3 $0x0  }
0x55: {  	[sflag:s28] =	ssyncadd.s32 @!p3 $0xFFFFFE00  }
0x56: {  	_ =	swait.ge @!p3 [sflag:s28], $0x200  }
0x57: {  	p2 =	sgt.u32 @!p3 s11, $0x4DF;
	[sflag:s28] =	ssyncset.done @!p3 $0x0  }
0x58: {  	p2 =	por p2, p3;
	[sflag:s28] =	ssyncadd.s32 @!p3 $0xFFFFFE00  }
0x59: {  	s9 =	sadd.s32 @!p2 $0x1, s9;
	_ =	swait.ge @!p3 [sflag:s28], $0x200  }
0x5a: {  	s8 =	sshll.u32 @!p2 s9, $0x9;
	[sflag:s28] =	ssyncset.done @!p3 $0x0  }
0x5b: {  	s8 =	sadd.s32 @!p2 s12, s8;
	[sflag:s28] =	ssyncadd.s32 @!p3 $0xFFFFFE00  }
0x5c: {  	s15 =	simm.s32 @!p2 $0x0;
	s8 =	sshrl.u32 @!p2 s8, $0x3;
	_ =	swait.ge @!p3 [sflag:s28], $0x200  }
0x5d: {  	s9 =	sand.u32 @!p2 $0x1, s9;
	s13 =	sadd.s32 @!p2 s2, s8;
	[sflag:s28] =	ssyncset.done @!p3 $0x0  }
0x5e: {  	[sflag:s28] =	ssyncadd.s32 @!p3 $0xFFFFFE00;
	s28 =	sadd.s32 @!p2 $0x1, s9;
	s9 =	sshll.u32 @!p2 s9, $0x9  }
0x5f: {  	[tilespmem:s9], [sflag:s28] =	stream.linear.gather @!p2 [hbm4b:s13+s15], $0x200, $0x38;
	[tilespmem:$0x1AAD0] =	vst v63  }
0x60: {  	s16 =	sadd.s32 @!p2 s6, s8;
	s13 =	sor.u32 @!p2 $0x400, s9  }
0x61: {  	[tilespmem:s13], [sflag:s28] =	stream.linear.gather @!p2 [hbm4b:s16+s15], $0x200, $0x38;
	[tilespmem:$0x1AAD0] =	vst v63  }
0x62: {  	s13 =	sor.u32 @!p2 $0x800, s9;
	s16 =	sadd.s32 @!p2 s7, s8;
	s9 =	sor.u32 @!p2 $0xC00, s9  }
0x63: {  	[tilespmem:s13], [sflag:s28] =	stream.linear.gather @!p2 [hbm4b:s16+s15], $0x200, $0x38;
	[tilespmem:$0x1AAD0] =	vst v63  }
0x64: {  	s8 =	sadd.s32 @!p2 s10, s8;
	s16 =	sshll.u32 s25, $0x4;
	s25 =	sshll.u32 s26, $0x9  }
0x65: {  	[tilespmem:s9], [sflag:s28] =	stream.linear.gather @!p2 [hbm4b:s8+s15], $0x200, $0x38;
	[tilespmem:$0x1AAD0] =	vst v63  }
0x66: {  	s8 =	sor.u32 s16, s25  }
0x67: {  	v2 =	vld [tilespmem:s8+$0x400]  }
0x68: {  	v3 =	vld [tilespmem:s8+$0x800]  }
0x69: {  	v4 =	vld [tilespmem:s8+$0x0]  }
0x6a: {  	s26 =	sand.u32 $0x7, s11;
	v5 =	vld [tilespmem:s8+$0xC00]  }
0x6b: {  	p2 =	sne.s32 s26, $0x7  }
.Ltmp7:
0x6c: {  	v6 =	vsub.s32 v2, v0;
	(pc) =	sbr.rel @p2 .LBB2_7-.Ltmp7, $4  }
0x6d: {  	s28 =	sshll.u32 s26, $0x4;
	vm0 =	vge.s32 v2, v0;
	vm1 =	vlt.s32 v2, v1;
	v2 =	vshll.u32 v6, $0x5  }
0x6e: {  	[tilespmem:s28+$0x4180] =	vst v4;
	vm0 =	vmand vm0, vm1;
	v2 =	vadd.s32 v3, v2  }
0x6f: {  	[tilespmem:s28+$0x4320] =	vst v5;
	v2 =	vnsel vm0, $0xA000, v2  }
0x70: {  	[tilespmem:s28+$0x4210] =	vst v2  }
0x71: {  	p2 =	seq.s32 s11, $0x0;
	s8 =	simm.s32 $0x1  }
0x72: {  	s9 =	sshrl.u32 s11, $0x3;
	s8 =	simm.s32 @!p2 $0x0  }
0x73: {  	s8 =	ssub.s32 s9, s8  }
0x74: {  	s9 =	sand.u32 $0x8000, s8  }
0x75: {  	s9 =	sshrl.u32 s9, $0xF  }
0x76: {  	s9 =	sadd.s32 s9, s8  }
0x77: {  	s9 =	sand.u32 $0xFFFE, s9  }
0x78: {  	s9 =	ssub.s32 s8, s9  }
0x79: {  	s9 =	sshll.u32 s9, $0x10  }
0x7a: {  	p2 =	slt.s32 s8, $0x2;
	s9 =	sshra.s32 s9, $0x10  }
0x7b: {  	s8 =	sadd.s32 @!p2 $0x3, s9  }
0x7c: {  	_ =	swait.ge @!p2 [sflag:s8], $0x1000  }
0x7d: {  	[sflag:s8] =	ssyncset.done @!p2 $0x0  }
0x7e: {  	[sflag:s8] =	ssyncadd.s32 @!p2 $0xFFFFF000  }
0x7f: {  	v2 =	vld [tilespmem:$0x4180]  }
0x80: {  	v3 =	vld [tilespmem:$0x4210];
	_ =	sdelay $0x2  }
0x81: {  	s25 =	sshll.u32 s9, $0x9  }
0x82: {  	s25 =	sshra.s32 s25, $0x2;
	[tilespmem:$0x3900] =	vst v2  }
0x83: {  	[tilespmem:s25+$0x3800] =	vst v3  }
0x84: {  	v2 =	vld [tilespmem:$0x4190]  }
0x85: {  	v3 =	vld [tilespmem:$0x4220];
	_ =	sdelay $0x3  }
0x86: {  	[tilespmem:$0x3910] =	vst v2  }
0x87: {  	[tilespmem:s25+$0x3810] =	vst v3  }
0x88: {  	v2 =	vld [tilespmem:$0x41A0]  }
0x89: {  	v3 =	vld [tilespmem:$0x4230];
	_ =	sdelay $0x3  }
0x8a: {  	[tilespmem:$0x3920] =	vst v2  }
0x8b: {  	[tilespmem:s25+$0x3820] =	vst v3  }
0x8c: {  	v2 =	vld [tilespmem:$0x41B0]  }
0x8d: {  	v3 =	vld [tilespmem:$0x4240];
	_ =	sdelay $0x3  }
0x8e: {  	[tilespmem:$0x3930] =	vst v2  }
0x8f: {  	[tilespmem:s25+$0x3830] =	vst v3  }
0x90: {  	v2 =	vld [tilespmem:$0x41C0]  }
0x91: {  	v3 =	vld [tilespmem:$0x4250];
	_ =	sdelay $0x3  }
0x92: {  	[tilespmem:$0x3940] =	vst v2  }
0x93: {  	[tilespmem:s25+$0x3840] =	vst v3  }
0x94: {  	v2 =	vld [tilespmem:$0x41D0]  }
0x95: {  	v3 =	vld [tilespmem:$0x4260];
	_ =	sdelay $0x3  }
0x96: {  	[tilespmem:$0x3950] =	vst v2  }
0x97: {  	[tilespmem:s25+$0x3850] =	vst v3  }
0x98: {  	v2 =	vld [tilespmem:$0x41E0]  }
0x99: {  	v3 =	vld [tilespmem:$0x4270];
	_ =	sdelay $0x3  }
0x9a: {  	[tilespmem:$0x3960] =	vst v2  }
0x9b: {  	[tilespmem:s25+$0x3860] =	vst v3  }
0x9c: {  	v2 =	vld [tilespmem:$0x41F0]  }
0x9d: {  	v3 =	vld [tilespmem:$0x4280];
	_ =	sdelay $0x3  }
0x9e: {  	[tilespmem:$0x3970] =	vst v2  }
0x9f: {  	[tilespmem:s25+$0x3870] =	vst v3  }
0xa0: {  	[tilespmem:s31], [sflag:$0x5] =	stream.indirect.gather [spmem:s3], $0x10, s30, s29, $0xb8;
	[tilespmem:$0x1AAD0] =	vst v63  }
0xa1: {  	_ =	swait.ge [sflag:s0], $0x800  }
0xa2: {  	[sflag:s0] =	ssyncset.done $0x0  }
0xa3: {  	[sflag:s0] =	ssyncadd.s32 $0xFFFFF800  }
0xa4: {  	v2 =	vld [tilespmem:$0x4320]  }
0xa5: {  	v3 =	vld [tilespmem:$0x1000];
	_ =	sdelay $0x3  }
0xa6: {  	v4 =	vbroadcast v2, $0x0  }
0xa7: {  	v5 =	vshll.u32 v3, $0x10  }
0xa8: {  	s26 =	sshll.u32 s9, $0xE;
	v3 =	vand.u32 $0xFFFF0000, v3;
	v5 =	vmul.f32 v5, v4  }
0xa9: {  	s26 =	sshra.s32 s26, $0x2;
	v3 =	vmul.f32 v3, v4  }
0xaa: {  	[tilespmem:s26+$0x1800] =	vst v5  }
0xab: {  	[tilespmem:s26+$0x1810] =	vst v3  }
0xac: {  	v3 =	vld [tilespmem:$0x1010];
	_ =	sdelay $0x3  }
0xad: {  	v42 =	vbroadcast v2, $0x1  }
0xae: {  	v43 =	vshll.u32 v3, $0x10  }
0xaf: {  	v3 =	vand.u32 $0xFFFF0000, v3;
	v5 =	vmul.f32 v43, v42  }
0xb0: {  	v3 =	vmul.f32 v3, v42  }
0xb1: {  	[tilespmem:s26+$0x1820] =	vst v5  }
0xb2: {  	[tilespmem:s26+$0x1830] =	vst v3  }
0xb3: {  	v3 =	vld [tilespmem:$0x1020];
	_ =	sdelay $0x3  }
0xb4: {  	v44 =	vbroadcast v2, $0x2  }
0xb5: {  	v45 =	vshll.u32 v3, $0x10  }
0xb6: {  	v3 =	vand.u32 $0xFFFF0000, v3;
	v5 =	vmul.f32 v45, v44  }
0xb7: {  	v3 =	vmul.f32 v3, v44  }
0xb8: {  	[tilespmem:s26+$0x1840] =	vst v5  }
0xb9: {  	[tilespmem:s26+$0x1850] =	vst v3  }
0xba: {  	v3 =	vld [tilespmem:$0x1030];
	_ =	sdelay $0x3  }
0xbb: {  	v46 =	vbroadcast v2, $0x3  }
0xbc: {  	v47 =	vshll.u32 v3, $0x10  }
0xbd: {  	v3 =	vand.u32 $0xFFFF0000, v3;
	v5 =	vmul.f32 v47, v46  }
0xbe: {  	v3 =	vmul.f32 v3, v46  }
0xbf: {  	[tilespmem:s26+$0x1860] =	vst v5  }
0xc0: {  	[tilespmem:s26+$0x1870] =	vst v3  }
0xc1: {  	v3 =	vld [tilespmem:$0x1040];
	_ =	sdelay $0x3  }
0xc2: {  	v48 =	vbroadcast v2, $0x4  }
0xc3: {  	v49 =	vshll.u32 v3, $0x10  }
0xc4: {  	v3 =	vand.u32 $0xFFFF0000, v3;
	v5 =	vmul.f32 v49, v48  }
0xc5: {  	v3 =	vmul.f32 v3, v48  }
0xc6: {  	[tilespmem:s26+$0x1880] =	vst v5  }
0xc7: {  	[tilespmem:s26+$0x1890] =	vst v3  }
0xc8: {  	v3 =	vld [tilespmem:$0x1050];
	_ =	sdelay $0x3  }
0xc9: {  	v50 =	vbroadcast v2, $0x5  }
0xca: {  	v51 =	vshll.u32 v3, $0x10  }
0xcb: {  	v3 =	vand.u32 $0xFFFF0000, v3;
	v5 =	vmul.f32 v51, v50  }
0xcc: {  	v3 =	vmul.f32 v3, v50  }
0xcd: {  	[tilespmem:s26+$0x18A0] =	vst v5  }
0xce: {  	[tilespmem:s26+$0x18B0] =	vst v3  }
0xcf: {  	v3 =	vld [tilespmem:$0x1060];
	_ =	sdelay $0x3  }
0xd0: {  	v52 =	vbroadcast v2, $0x6  }
0xd1: {  	v53 =	vshll.u32 v3, $0x10  }
0xd2: {  	v3 =	vand.u32 $0xFFFF0000, v3;
	v5 =	vmul.f32 v53, v52  }
0xd3: {  	v3 =	vmul.f32 v3, v52  }
0xd4: {  	[tilespmem:s26+$0x18C0] =	vst v5  }
0xd5: {  	[tilespmem:s26+$0x18D0] =	vst v3  }
0xd6: {  	v3 =	vld [tilespmem:$0x1070];
	_ =	sdelay $0x3  }
0xd7: {  	v54 =	vbroadcast v2, $0x7  }
0xd8: {  	v55 =	vshll.u32 v3, $0x10  }
0xd9: {  	v3 =	vand.u32 $0xFFFF0000, v3;
	v5 =	vmul.f32 v55, v54  }
0xda: {  	v3 =	vmul.f32 v3, v54  }
0xdb: {  	[tilespmem:s26+$0x18E0] =	vst v5  }
0xdc: {  	[tilespmem:s26+$0x18F0] =	vst v3  }
0xdd: {  	v3 =	vld [tilespmem:$0x1080];
	_ =	sdelay $0x3  }
0xde: {  	v56 =	vbroadcast v2, $0x8  }
0xdf: {  	v57 =	vshll.u32 v3, $0x10  }
0xe0: {  	v3 =	vand.u32 $0xFFFF0000, v3;
	v5 =	vmul.f32 v57, v56  }
0xe1: {  	v3 =	vmul.f32 v3, v56  }
0xe2: {  	[tilespmem:s26+$0x1900] =	vst v5  }
0xe3: {  	[tilespmem:s26+$0x1910] =	vst v3  }
0xe4: {  	v3 =	vld [tilespmem:$0x1090];
	_ =	sdelay $0x3  }
0xe5: {  	v58 =	vbroadcast v2, $0x9  }
0xe6: {  	v59 =	vshll.u32 v3, $0x10  }
0xe7: {  	v3 =	vand.u32 $0xFFFF0000, v3;
	v5 =	vmul.f32 v59, v58  }
0xe8: {  	v3 =	vmul.f32 v3, v58  }
0xe9: {  	[tilespmem:s26+$0x1920] =	vst v5  }
0xea: {  	[tilespmem:s26+$0x1930] =	vst v3  }
0xeb: {  	v3 =	vld [tilespmem:$0x10A0];
	_ =	sdelay $0x3  }
0xec: {  	v60 =	vbroadcast v2, $0xA  }
0xed: {  	v61 =	vshll.u32 v3, $0x10  }
0xee: {  	v3 =	vand.u32 $0xFFFF0000, v3;
	v5 =	vmul.f32 v61, v60  }
0xef: {  	v3 =	vmul.f32 v3, v60  }
0xf0: {  	[tilespmem:s26+$0x1940] =	vst v5  }
0xf1: {  	[tilespmem:s26+$0x1950] =	vst v3  }
0xf2: {  	v3 =	vld [tilespmem:$0x10B0];
	_ =	sdelay $0x3  }
0xf3: {  	v62 =	vbroadcast v2, $0xB  }
0xf4: {  	v63 =	vshll.u32 v3, $0x10  }
0xf5: {  	v3 =	vand.u32 $0xFFFF0000, v3;
	v5 =	vmul.f32 v63, v62  }
0xf6: {  	v3 =	vmul.f32 v3, v62  }
0xf7: {  	[tilespmem:s26+$0x1960] =	vst v5  }
0xf8: {  	[tilespmem:s26+$0x1970] =	vst v3  }
0xf9: {  	v3 =	vld [tilespmem:$0x10C0];
	_ =	sdelay $0x3  }
0xfa: {  	v8 =	vbroadcast v2, $0xC  }
0xfb: {  	v9 =	vshll.u32 v3, $0x10  }
0xfc: {  	v3 =	vand.u32 $0xFFFF0000, v3;
	v5 =	vmul.f32 v9, v8  }
0xfd: {  	v3 =	vmul.f32 v3, v8  }
0xfe: {  	[tilespmem:s26+$0x1980] =	vst v5  }
0xff: {  	[tilespmem:s26+$0x1990] =	vst v3  }
0x100: {  	v3 =	vld [tilespmem:$0x10D0];
	_ =	sdelay $0x3  }
0x101: {  	v10 =	vbroadcast v2, $0xD  }
0x102: {  	v11 =	vshll.u32 v3, $0x10  }
0x103: {  	v3 =	vand.u32 $0xFFFF0000, v3;
	v5 =	vmul.f32 v11, v10  }
0x104: {  	v3 =	vmul.f32 v3, v10  }
0x105: {  	[tilespmem:s26+$0x19A0] =	vst v5  }
0x106: {  	[tilespmem:s26+$0x19B0] =	vst v3  }
0x107: {  	v3 =	vld [tilespmem:$0x10E0];
	_ =	sdelay $0x3  }
0x108: {  	v12 =	vbroadcast v2, $0xE  }
0x109: {  	v13 =	vshll.u32 v3, $0x10  }
0x10a: {  	v3 =	vand.u32 $0xFFFF0000, v3;
	v5 =	vmul.f32 v13, v12  }
0x10b: {  	v3 =	vmul.f32 v3, v12  }
0x10c: {  	[tilespmem:s26+$0x19C0] =	vst v5  }
0x10d: {  	[tilespmem:s26+$0x19D0] =	vst v3  }
0x10e: {  	v3 =	vld [tilespmem:$0x10F0];
	_ =	sdelay $0x3  }
0x10f: {  	v2 =	vbroadcast v2, $0xF  }
0x110: {  	v14 =	vshll.u32 v3, $0x10  }
0x111: {  	v3 =	vand.u32 $0xFFFF0000, v3;
	v4 =	vmul.f32 v14, v2  }
0x112: {  	v2 =	vmul.f32 v3, v2  }
0x113: {  	[tilespmem:s26+$0x19E0] =	vst v4  }
0x114: {  	[tilespmem:s26+$0x19F0] =	vst v2  }
0x115: {  	v2 =	vld [tilespmem:$0x4330]  }
0x116: {  	v3 =	vld [tilespmem:$0x1100];
	_ =	sdelay $0x3  }
0x117: {  	v15 =	vbroadcast v2, $0x0  }
0x118: {  	v16 =	vshll.u32 v3, $0x10  }
0x119: {  	v3 =	vand.u32 $0xFFFF0000, v3;
	v5 =	vmul.f32 v16, v15  }
0x11a: {  	v3 =	vmul.f32 v3, v15  }
0x11b: {  	[tilespmem:s26+$0x1A00] =	vst v5  }
0x11c: {  	[tilespmem:s26+$0x1A10] =	vst v3  }
0x11d: {  	v3 =	vld [tilespmem:$0x1110];
	_ =	sdelay $0x3  }
0x11e: {  	v17 =	vbroadcast v2, $0x1  }
0x11f: {  	v18 =	vshll.u32 v3, $0x10  }
0x120: {  	v3 =	vand.u32 $0xFFFF0000, v3;
	v5 =	vmul.f32 v18, v17  }
0x121: {  	v3 =	vmul.f32 v3, v17  }
0x122: {  	[tilespmem:s26+$0x1A20] =	vst v5  }
0x123: {  	[tilespmem:s26+$0x1A30] =	vst v3  }
0x124: {  	v3 =	vld [tilespmem:$0x1120];
	_ =	sdelay $0x3  }
0x125: {  	v19 =	vbroadcast v2, $0x2  }
0x126: {  	v20 =	vshll.u32 v3, $0x10  }
0x127: {  	v3 =	vand.u32 $0xFFFF0000, v3;
	v5 =	vmul.f32 v20, v19  }
0x128: {  	v3 =	vmul.f32 v3, v19  }
0x129: {  	[tilespmem:s26+$0x1A40] =	vst v5  }
0x12a: {  	[tilespmem:s26+$0x1A50] =	vst v3  }
0x12b: {  	v3 =	vld [tilespmem:$0x1130];
	_ =	sdelay $0x3  }
0x12c: {  	v21 =	vbroadcast v2, $0x3  }
0x12d: {  	v22 =	vshll.u32 v3, $0x10  }
0x12e: {  	v3 =	vand.u32 $0xFFFF0000, v3;
	v5 =	vmul.f32 v22, v21  }
0x12f: {  	v3 =	vmul.f32 v3, v21  }
0x130: {  	[tilespmem:s26+$0x1A60] =	vst v5  }
0x131: {  	[tilespmem:s26+$0x1A70] =	vst v3  }
0x132: {  	v3 =	vld [tilespmem:$0x1140];
	_ =	sdelay $0x3  }
0x133: {  	v23 =	vbroadcast v2, $0x4  }
0x134: {  	v24 =	vshll.u32 v3, $0x10  }
0x135: {  	v3 =	vand.u32 $0xFFFF0000, v3;
	v5 =	vmul.f32 v24, v23  }
0x136: {  	v3 =	vmul.f32 v3, v23  }
0x137: {  	[tilespmem:s26+$0x1A80] =	vst v5  }
0x138: {  	[tilespmem:s26+$0x1A90] =	vst v3  }
0x139: {  	v3 =	vld [tilespmem:$0x1150];
	_ =	sdelay $0x3  }
0x13a: {  	v25 =	vbroadcast v2, $0x5  }
0x13b: {  	v26 =	vshll.u32 v3, $0x10  }
0x13c: {  	v3 =	vand.u32 $0xFFFF0000, v3;
	v5 =	vmul.f32 v26, v25  }
0x13d: {  	v3 =	vmul.f32 v3, v25  }
0x13e: {  	[tilespmem:s26+$0x1AA0] =	vst v5  }
0x13f: {  	[tilespmem:s26+$0x1AB0] =	vst v3  }
0x140: {  	v3 =	vld [tilespmem:$0x1160];
	_ =	sdelay $0x3  }
0x141: {  	v27 =	vbroadcast v2, $0x6  }
0x142: {  	v28 =	vshll.u32 v3, $0x10  }
0x143: {  	v3 =	vand.u32 $0xFFFF0000, v3;
	v5 =	vmul.f32 v28, v27  }
0x144: {  	v3 =	vmul.f32 v3, v27  }
0x145: {  	[tilespmem:s26+$0x1AC0] =	vst v5  }
0x146: {  	[tilespmem:s26+$0x1AD0] =	vst v3  }
0x147: {  	v3 =	vld [tilespmem:$0x1170];
	_ =	sdelay $0x3  }
0x148: {  	v29 =	vbroadcast v2, $0x7  }
0x149: {  	v30 =	vshll.u32 v3, $0x10  }
0x14a: {  	v3 =	vand.u32 $0xFFFF0000, v3;
	v5 =	vmul.f32 v30, v29  }
0x14b: {  	v3 =	vmul.f32 v3, v29  }
0x14c: {  	[tilespmem:s26+$0x1AE0] =	vst v5  }
0x14d: {  	[tilespmem:s26+$0x1AF0] =	vst v3  }
0x14e: {  	v3 =	vld [tilespmem:$0x1180];
	_ =	sdelay $0x3  }
0x14f: {  	v31 =	vbroadcast v2, $0x8  }
0x150: {  	v32 =	vshll.u32 v3, $0x10  }
0x151: {  	v3 =	vand.u32 $0xFFFF0000, v3;
	v5 =	vmul.f32 v32, v31  }
0x152: {  	v3 =	vmul.f32 v3, v31  }
0x153: {  	[tilespmem:s26+$0x1B00] =	vst v5  }
0x154: {  	[tilespmem:s26+$0x1B10] =	vst v3  }
0x155: {  	v3 =	vld [tilespmem:$0x1190];
	_ =	sdelay $0x3  }
0x156: {  	v33 =	vbroadcast v2, $0x9  }
0x157: {  	v34 =	vshll.u32 v3, $0x10  }
0x158: {  	v3 =	vand.u32 $0xFFFF0000, v3;
	v5 =	vmul.f32 v34, v33  }
0x159: {  	v3 =	vmul.f32 v3, v33  }
0x15a: {  	[tilespmem:s26+$0x1B20] =	vst v5  }
0x15b: {  	[tilespmem:s26+$0x1B30] =	vst v3  }
0x15c: {  	v3 =	vld [tilespmem:$0x11A0];
	_ =	sdelay $0x3  }
0x15d: {  	v35 =	vbroadcast v2, $0xA  }
0x15e: {  	v36 =	vshll.u32 v3, $0x10  }
0x15f: {  	v3 =	vand.u32 $0xFFFF0000, v3;
	v5 =	vmul.f32 v36, v35  }
0x160: {  	v3 =	vmul.f32 v3, v35  }
0x161: {  	[tilespmem:s26+$0x1B40] =	vst v5  }
0x162: {  	[tilespmem:s26+$0x1B50] =	vst v3  }
0x163: {  	v3 =	vld [tilespmem:$0x11B0];
	_ =	sdelay $0x3  }
0x164: {  	v37 =	vbroadcast v2, $0xB  }
0x165: {  	v38 =	vshll.u32 v3, $0x10  }
0x166: {  	v3 =	vand.u32 $0xFFFF0000, v3;
	v5 =	vmul.f32 v38, v37  }
0x167: {  	v3 =	vmul.f32 v3, v37  }
0x168: {  	[tilespmem:s26+$0x1B60] =	vst v5  }
0x169: {  	[tilespmem:s26+$0x1B70] =	vst v3  }
0x16a: {  	v3 =	vld [tilespmem:$0x11C0];
	_ =	sdelay $0x3  }
0x16b: {  	v39 =	vbroadcast v2, $0xC  }
0x16c: {  	v40 =	vshll.u32 v3, $0x10  }
0x16d: {  	v3 =	vand.u32 $0xFFFF0000, v3;
	v5 =	vmul.f32 v40, v39  }
0x16e: {  	v3 =	vmul.f32 v3, v39  }
0x16f: {  	[tilespmem:s26+$0x1B80] =	vst v5  }
0x170: {  	[tilespmem:s26+$0x1B90] =	vst v3  }
0x171: {  	v3 =	vld [tilespmem:$0x11D0];
	_ =	sdelay $0x3  }
0x172: {  	v41 =	vbroadcast v2, $0xD  }
0x173: {  	v42 =	vshll.u32 v3, $0x10  }
0x174: {  	v3 =	vand.u32 $0xFFFF0000, v3;
	v5 =	vmul.f32 v42, v41  }
0x175: {  	v3 =	vmul.f32 v3, v41  }
0x176: {  	[tilespmem:s26+$0x1BA0] =	vst v5  }
0x177: {  	[tilespmem:s26+$0x1BB0] =	vst v3  }
0x178: {  	v3 =	vld [tilespmem:$0x11E0];
	_ =	sdelay $0x3  }
0x179: {  	v43 =	vbroadcast v2, $0xE  }
0x17a: {  	v44 =	vshll.u32 v3, $0x10  }
0x17b: {  	v3 =	vand.u32 $0xFFFF0000, v3;
	v5 =	vmul.f32 v44, v43  }
0x17c: {  	v3 =	vmul.f32 v3, v43  }
0x17d: {  	[tilespmem:s26+$0x1BC0] =	vst v5  }
0x17e: {  	[tilespmem:s26+$0x1BD0] =	vst v3  }
0x17f: {  	v3 =	vld [tilespmem:$0x11F0];
	_ =	sdelay $0x3  }
0x180: {  	v2 =	vbroadcast v2, $0xF  }
0x181: {  	v45 =	vshll.u32 v3, $0x10  }
0x182: {  	v3 =	vand.u32 $0xFFFF0000, v3;
	v4 =	vmul.f32 v45, v2  }
0x183: {  	v2 =	vmul.f32 v3, v2  }
0x184: {  	[tilespmem:s26+$0x1BE0] =	vst v4  }
0x185: {  	[tilespmem:s26+$0x1BF0] =	vst v2  }
0x186: {  	v2 =	vld [tilespmem:$0x4340]  }
0x187: {  	v3 =	vld [tilespmem:$0x1200];
	_ =	sdelay $0x3  }
0x188: {  	v46 =	vbroadcast v2, $0x0  }
0x189: {  	v47 =	vshll.u32 v3, $0x10  }
0x18a: {  	v3 =	vand.u32 $0xFFFF0000, v3;
	v5 =	vmul.f32 v47, v46  }
0x18b: {  	v3 =	vmul.f32 v3, v46  }
0x18c: {  	[tilespmem:s26+$0x1C00] =	vst v5  }
0x18d: {  	[tilespmem:s26+$0x1C10] =	vst v3  }
0x18e: {  	v3 =	vld [tilespmem:$0x1210];
	_ =	sdelay $0x3  }
0x18f: {  	v48 =	vbroadcast v2, $0x1  }
0x190: {  	v49 =	vshll.u32 v3, $0x10  }
0x191: {  	v3 =	vand.u32 $0xFFFF0000, v3;
	v5 =	vmul.f32 v49, v48  }
0x192: {  	v3 =	vmul.f32 v3, v48  }
0x193: {  	[tilespmem:s26+$0x1C20] =	vst v5  }
0x194: {  	[tilespmem:s26+$0x1C30] =	vst v3  }
0x195: {  	v3 =	vld [tilespmem:$0x1220];
	_ =	sdelay $0x3  }
0x196: {  	v50 =	vbroadcast v2, $0x2  }
0x197: {  	v51 =	vshll.u32 v3, $0x10  }
0x198: {  	v3 =	vand.u32 $0xFFFF0000, v3;
	v5 =	vmul.f32 v51, v50  }
0x199: {  	v3 =	vmul.f32 v3, v50  }
0x19a: {  	[tilespmem:s26+$0x1C40] =	vst v5  }
0x19b: {  	[tilespmem:s26+$0x1C50] =	vst v3  }
0x19c: {  	v3 =	vld [tilespmem:$0x1230];
	_ =	sdelay $0x3  }
0x19d: {  	v52 =	vbroadcast v2, $0x3  }
0x19e: {  	v53 =	vshll.u32 v3, $0x10  }
0x19f: {  	v3 =	vand.u32 $0xFFFF0000, v3;
	v5 =	vmul.f32 v53, v52  }
0x1a0: {  	v3 =	vmul.f32 v3, v52  }
0x1a1: {  	[tilespmem:s26+$0x1C60] =	vst v5  }
0x1a2: {  	[tilespmem:s26+$0x1C70] =	vst v3  }
0x1a3: {  	v3 =	vld [tilespmem:$0x1240];
	_ =	sdelay $0x3  }
0x1a4: {  	v54 =	vbroadcast v2, $0x4  }
0x1a5: {  	v55 =	vshll.u32 v3, $0x10  }
0x1a6: {  	v3 =	vand.u32 $0xFFFF0000, v3;
	v5 =	vmul.f32 v55, v54  }
0x1a7: {  	v3 =	vmul.f32 v3, v54  }
0x1a8: {  	[tilespmem:s26+$0x1C80] =	vst v5  }
0x1a9: {  	[tilespmem:s26+$0x1C90] =	vst v3  }
0x1aa: {  	v3 =	vld [tilespmem:$0x1250];
	_ =	sdelay $0x3  }
0x1ab: {  	v56 =	vbroadcast v2, $0x5  }
0x1ac: {  	v57 =	vshll.u32 v3, $0x10  }
0x1ad: {  	v3 =	vand.u32 $0xFFFF0000, v3;
	v5 =	vmul.f32 v57, v56  }
0x1ae: {  	v3 =	vmul.f32 v3, v56  }
0x1af: {  	[tilespmem:s26+$0x1CA0] =	vst v5  }
0x1b0: {  	[tilespmem:s26+$0x1CB0] =	vst v3  }
0x1b1: {  	v3 =	vld [tilespmem:$0x1260];
	_ =	sdelay $0x3  }
0x1b2: {  	v58 =	vbroadcast v2, $0x6  }
0x1b3: {  	v59 =	vshll.u32 v3, $0x10  }
0x1b4: {  	v3 =	vand.u32 $0xFFFF0000, v3;
	v5 =	vmul.f32 v59, v58  }
0x1b5: {  	v3 =	vmul.f32 v3, v58  }
0x1b6: {  	[tilespmem:s26+$0x1CC0] =	vst v5  }
0x1b7: {  	[tilespmem:s26+$0x1CD0] =	vst v3  }
0x1b8: {  	v3 =	vld [tilespmem:$0x1270];
	_ =	sdelay $0x3  }
0x1b9: {  	v60 =	vbroadcast v2, $0x7  }
0x1ba: {  	v61 =	vshll.u32 v3, $0x10  }
0x1bb: {  	v3 =	vand.u32 $0xFFFF0000, v3;
	v5 =	vmul.f32 v61, v60  }
0x1bc: {  	v3 =	vmul.f32 v3, v60  }
0x1bd: {  	[tilespmem:s26+$0x1CE0] =	vst v5  }
0x1be: {  	[tilespmem:s26+$0x1CF0] =	vst v3  }
0x1bf: {  	v3 =	vld [tilespmem:$0x1280];
	_ =	sdelay $0x3  }
0x1c0: {  	v62 =	vbroadcast v2, $0x8  }
0x1c1: {  	v63 =	vshll.u32 v3, $0x10  }
0x1c2: {  	v3 =	vand.u32 $0xFFFF0000, v3;
	v5 =	vmul.f32 v63, v62  }
0x1c3: {  	v3 =	vmul.f32 v3, v62  }
0x1c4: {  	[tilespmem:s26+$0x1D00] =	vst v5  }
0x1c5: {  	[tilespmem:s26+$0x1D10] =	vst v3  }
0x1c6: {  	v3 =	vld [tilespmem:$0x1290];
	_ =	sdelay $0x3  }
0x1c7: {  	v8 =	vbroadcast v2, $0x9  }
0x1c8: {  	v9 =	vshll.u32 v3, $0x10  }
0x1c9: {  	v3 =	vand.u32 $0xFFFF0000, v3;
	v5 =	vmul.f32 v9, v8  }
0x1ca: {  	v3 =	vmul.f32 v3, v8  }
0x1cb: {  	[tilespmem:s26+$0x1D20] =	vst v5  }
0x1cc: {  	[tilespmem:s26+$0x1D30] =	vst v3  }
0x1cd: {  	v3 =	vld [tilespmem:$0x12A0];
	_ =	sdelay $0x3  }
0x1ce: {  	v10 =	vbroadcast v2, $0xA  }
0x1cf: {  	v11 =	vshll.u32 v3, $0x10  }
0x1d0: {  	v3 =	vand.u32 $0xFFFF0000, v3;
	v5 =	vmul.f32 v11, v10  }
0x1d1: {  	v3 =	vmul.f32 v3, v10  }
0x1d2: {  	[tilespmem:s26+$0x1D40] =	vst v5  }
0x1d3: {  	[tilespmem:s26+$0x1D50] =	vst v3  }
0x1d4: {  	v3 =	vld [tilespmem:$0x12B0];
	_ =	sdelay $0x3  }
0x1d5: {  	v12 =	vbroadcast v2, $0xB  }
0x1d6: {  	v13 =	vshll.u32 v3, $0x10  }
0x1d7: {  	v3 =	vand.u32 $0xFFFF0000, v3;
	v5 =	vmul.f32 v13, v12  }
0x1d8: {  	v3 =	vmul.f32 v3, v12  }
0x1d9: {  	[tilespmem:s26+$0x1D60] =	vst v5  }
0x1da: {  	[tilespmem:s26+$0x1D70] =	vst v3  }
0x1db: {  	v3 =	vld [tilespmem:$0x12C0];
	_ =	sdelay $0x3  }
0x1dc: {  	v14 =	vbroadcast v2, $0xC  }
0x1dd: {  	v15 =	vshll.u32 v3, $0x10  }
0x1de: {  	v3 =	vand.u32 $0xFFFF0000, v3;
	v5 =	vmul.f32 v15, v14  }
0x1df: {  	v3 =	vmul.f32 v3, v14  }
0x1e0: {  	[tilespmem:s26+$0x1D80] =	vst v5  }
0x1e1: {  	[tilespmem:s26+$0x1D90] =	vst v3  }
0x1e2: {  	v3 =	vld [tilespmem:$0x12D0];
	_ =	sdelay $0x3  }
0x1e3: {  	v16 =	vbroadcast v2, $0xD  }
0x1e4: {  	v17 =	vshll.u32 v3, $0x10  }
0x1e5: {  	v3 =	vand.u32 $0xFFFF0000, v3;
	v5 =	vmul.f32 v17, v16  }
0x1e6: {  	v3 =	vmul.f32 v3, v16  }
0x1e7: {  	[tilespmem:s26+$0x1DA0] =	vst v5  }
0x1e8: {  	[tilespmem:s26+$0x1DB0] =	vst v3  }
0x1e9: {  	v3 =	vld [tilespmem:$0x12E0];
	_ =	sdelay $0x3  }
0x1ea: {  	v18 =	vbroadcast v2, $0xE  }
0x1eb: {  	v19 =	vshll.u32 v3, $0x10  }
0x1ec: {  	v3 =	vand.u32 $0xFFFF0000, v3;
	v5 =	vmul.f32 v19, v18  }
0x1ed: {  	v3 =	vmul.f32 v3, v18  }
0x1ee: {  	[tilespmem:s26+$0x1DC0] =	vst v5  }
0x1ef: {  	[tilespmem:s26+$0x1DD0] =	vst v3  }
0x1f0: {  	v3 =	vld [tilespmem:$0x12F0];
	_ =	sdelay $0x3  }
0x1f1: {  	v2 =	vbroadcast v2, $0xF  }
0x1f2: {  	v20 =	vshll.u32 v3, $0x10  }
0x1f3: {  	v3 =	vand.u32 $0xFFFF0000, v3;
	v4 =	vmul.f32 v20, v2  }
0x1f4: {  	v2 =	vmul.f32 v3, v2  }
0x1f5: {  	[tilespmem:s26+$0x1DE0] =	vst v4  }
0x1f6: {  	[tilespmem:s26+$0x1DF0] =	vst v2  }
0x1f7: {  	v2 =	vld [tilespmem:$0x4350]  }
0x1f8: {  	v3 =	vld [tilespmem:$0x1300];
	_ =	sdelay $0x3  }
0x1f9: {  	v21 =	vbroadcast v2, $0x0  }
0x1fa: {  	v22 =	vshll.u32 v3, $0x10  }
0x1fb: {  	v3 =	vand.u32 $0xFFFF0000, v3;
	v5 =	vmul.f32 v22, v21  }
0x1fc: {  	v3 =	vmul.f32 v3, v21  }
0x1fd: {  	[tilespmem:s26+$0x1E00] =	vst v5  }
0x1fe: {  	[tilespmem:s26+$0x1E10] =	vst v3  }
0x1ff: {  	v3 =	vld [tilespmem:$0x1310];
	_ =	sdelay $0x3  }
0x200: {  	v23 =	vbroadcast v2, $0x1  }
0x201: {  	v24 =	vshll.u32 v3, $0x10  }
0x202: {  	v3 =	vand.u32 $0xFFFF0000, v3;
	v5 =	vmul.f32 v24, v23  }
0x203: {  	v3 =	vmul.f32 v3, v23  }
0x204: {  	[tilespmem:s26+$0x1E20] =	vst v5  }
0x205: {  	[tilespmem:s26+$0x1E30] =	vst v3  }
0x206: {  	v3 =	vld [tilespmem:$0x1320];
	_ =	sdelay $0x3  }
0x207: {  	v25 =	vbroadcast v2, $0x2  }
0x208: {  	v26 =	vshll.u32 v3, $0x10  }
0x209: {  	v3 =	vand.u32 $0xFFFF0000, v3;
	v5 =	vmul.f32 v26, v25  }
0x20a: {  	v3 =	vmul.f32 v3, v25  }
0x20b: {  	[tilespmem:s26+$0x1E40] =	vst v5  }
0x20c: {  	[tilespmem:s26+$0x1E50] =	vst v3  }
0x20d: {  	v3 =	vld [tilespmem:$0x1330];
	_ =	sdelay $0x3  }
0x20e: {  	v27 =	vbroadcast v2, $0x3  }
0x20f: {  	v28 =	vshll.u32 v3, $0x10  }
0x210: {  	v3 =	vand.u32 $0xFFFF0000, v3;
	v5 =	vmul.f32 v28, v27  }
0x211: {  	v3 =	vmul.f32 v3, v27  }
0x212: {  	[tilespmem:s26+$0x1E60] =	vst v5  }
0x213: {  	[tilespmem:s26+$0x1E70] =	vst v3  }
0x214: {  	v3 =	vld [tilespmem:$0x1340];
	_ =	sdelay $0x3  }
0x215: {  	v29 =	vbroadcast v2, $0x4  }
0x216: {  	v30 =	vshll.u32 v3, $0x10  }
0x217: {  	v3 =	vand.u32 $0xFFFF0000, v3;
	v5 =	vmul.f32 v30, v29  }
0x218: {  	v3 =	vmul.f32 v3, v29  }
0x219: {  	[tilespmem:s26+$0x1E80] =	vst v5  }
0x21a: {  	[tilespmem:s26+$0x1E90] =	vst v3  }
0x21b: {  	v3 =	vld [tilespmem:$0x1350];
	_ =	sdelay $0x3  }
0x21c: {  	v31 =	vbroadcast v2, $0x5  }
0x21d: {  	v32 =	vshll.u32 v3, $0x10  }
0x21e: {  	v3 =	vand.u32 $0xFFFF0000, v3;
	v5 =	vmul.f32 v32, v31  }
0x21f: {  	v3 =	vmul.f32 v3, v31  }
0x220: {  	[tilespmem:s26+$0x1EA0] =	vst v5  }
0x221: {  	[tilespmem:s26+$0x1EB0] =	vst v3  }
0x222: {  	v3 =	vld [tilespmem:$0x1360];
	_ =	sdelay $0x3  }
0x223: {  	v33 =	vbroadcast v2, $0x6  }
0x224: {  	v34 =	vshll.u32 v3, $0x10  }
0x225: {  	v3 =	vand.u32 $0xFFFF0000, v3;
	v5 =	vmul.f32 v34, v33  }
0x226: {  	v3 =	vmul.f32 v3, v33  }
0x227: {  	[tilespmem:s26+$0x1EC0] =	vst v5  }
0x228: {  	[tilespmem:s26+$0x1ED0] =	vst v3  }
0x229: {  	v3 =	vld [tilespmem:$0x1370];
	_ =	sdelay $0x3  }
0x22a: {  	v35 =	vbroadcast v2, $0x7  }
0x22b: {  	v36 =	vshll.u32 v3, $0x10  }
0x22c: {  	v3 =	vand.u32 $0xFFFF0000, v3;
	v5 =	vmul.f32 v36, v35  }
0x22d: {  	v3 =	vmul.f32 v3, v35  }
0x22e: {  	[tilespmem:s26+$0x1EE0] =	vst v5  }
0x22f: {  	[tilespmem:s26+$0x1EF0] =	vst v3  }
0x230: {  	v3 =	vld [tilespmem:$0x1380];
	_ =	sdelay $0x3  }
0x231: {  	v37 =	vbroadcast v2, $0x8  }
0x232: {  	v38 =	vshll.u32 v3, $0x10  }
0x233: {  	v3 =	vand.u32 $0xFFFF0000, v3;
	v5 =	vmul.f32 v38, v37  }
0x234: {  	v3 =	vmul.f32 v3, v37  }
0x235: {  	[tilespmem:s26+$0x1F00] =	vst v5  }
0x236: {  	[tilespmem:s26+$0x1F10] =	vst v3  }
0x237: {  	v3 =	vld [tilespmem:$0x1390];
	_ =	sdelay $0x3  }
0x238: {  	v39 =	vbroadcast v2, $0x9  }
0x239: {  	v40 =	vshll.u32 v3, $0x10  }
0x23a: {  	v3 =	vand.u32 $0xFFFF0000, v3;
	v5 =	vmul.f32 v40, v39  }
0x23b: {  	v3 =	vmul.f32 v3, v39  }
0x23c: {  	[tilespmem:s26+$0x1F20] =	vst v5  }
0x23d: {  	[tilespmem:s26+$0x1F30] =	vst v3  }
0x23e: {  	v3 =	vld [tilespmem:$0x13A0];
	_ =	sdelay $0x3  }
0x23f: {  	v41 =	vbroadcast v2, $0xA  }
0x240: {  	v42 =	vshll.u32 v3, $0x10  }
0x241: {  	v3 =	vand.u32 $0xFFFF0000, v3;
	v5 =	vmul.f32 v42, v41  }
0x242: {  	v3 =	vmul.f32 v3, v41  }
0x243: {  	[tilespmem:s26+$0x1F40] =	vst v5  }
0x244: {  	[tilespmem:s26+$0x1F50] =	vst v3  }
0x245: {  	v3 =	vld [tilespmem:$0x13B0];
	_ =	sdelay $0x3  }
0x246: {  	v43 =	vbroadcast v2, $0xB  }
0x247: {  	v44 =	vshll.u32 v3, $0x10  }
0x248: {  	v3 =	vand.u32 $0xFFFF0000, v3;
	v5 =	vmul.f32 v44, v43  }
0x249: {  	v3 =	vmul.f32 v3, v43  }
0x24a: {  	[tilespmem:s26+$0x1F60] =	vst v5  }
0x24b: {  	[tilespmem:s26+$0x1F70] =	vst v3  }
0x24c: {  	v3 =	vld [tilespmem:$0x13C0];
	_ =	sdelay $0x3  }
0x24d: {  	v45 =	vbroadcast v2, $0xC  }
0x24e: {  	v46 =	vshll.u32 v3, $0x10  }
0x24f: {  	v3 =	vand.u32 $0xFFFF0000, v3;
	v5 =	vmul.f32 v46, v45  }
0x250: {  	v3 =	vmul.f32 v3, v45  }
0x251: {  	[tilespmem:s26+$0x1F80] =	vst v5  }
0x252: {  	[tilespmem:s26+$0x1F90] =	vst v3  }
0x253: {  	v3 =	vld [tilespmem:$0x13D0];
	_ =	sdelay $0x3  }
0x254: {  	v47 =	vbroadcast v2, $0xD  }
0x255: {  	v48 =	vshll.u32 v3, $0x10  }
0x256: {  	v3 =	vand.u32 $0xFFFF0000, v3;
	v5 =	vmul.f32 v48, v47  }
0x257: {  	v3 =	vmul.f32 v3, v47  }
0x258: {  	[tilespmem:s26+$0x1FA0] =	vst v5  }
0x259: {  	[tilespmem:s26+$0x1FB0] =	vst v3  }
0x25a: {  	v3 =	vld [tilespmem:$0x13E0];
	_ =	sdelay $0x3  }
0x25b: {  	v49 =	vbroadcast v2, $0xE  }
0x25c: {  	v50 =	vshll.u32 v3, $0x10  }
0x25d: {  	v3 =	vand.u32 $0xFFFF0000, v3;
	v5 =	vmul.f32 v50, v49  }
0x25e: {  	v3 =	vmul.f32 v3, v49  }
0x25f: {  	[tilespmem:s26+$0x1FC0] =	vst v5  }
0x260: {  	[tilespmem:s26+$0x1FD0] =	vst v3  }
0x261: {  	v3 =	vld [tilespmem:$0x13F0];
	_ =	sdelay $0x3  }
0x262: {  	v2 =	vbroadcast v2, $0xF  }
0x263: {  	v51 =	vshll.u32 v3, $0x10  }
0x264: {  	v3 =	vand.u32 $0xFFFF0000, v3;
	v4 =	vmul.f32 v51, v2  }
0x265: {  	v2 =	vmul.f32 v3, v2  }
0x266: {  	[tilespmem:s26+$0x1FE0] =	vst v4  }
0x267: {  	[tilespmem:s26+$0x1FF0] =	vst v2  }
0x268: {  	v2 =	vld [tilespmem:$0x4360]  }
0x269: {  	v3 =	vld [tilespmem:$0x1400];
	_ =	sdelay $0x3  }
0x26a: {  	v52 =	vbroadcast v2, $0x0  }
0x26b: {  	v53 =	vshll.u32 v3, $0x10  }
0x26c: {  	v3 =	vand.u32 $0xFFFF0000, v3;
	v5 =	vmul.f32 v53, v52  }
0x26d: {  	v3 =	vmul.f32 v3, v52  }
0x26e: {  	[tilespmem:s26+$0x2000] =	vst v5  }
0x26f: {  	[tilespmem:s26+$0x2010] =	vst v3  }
0x270: {  	v3 =	vld [tilespmem:$0x1410];
	_ =	sdelay $0x3  }
0x271: {  	v54 =	vbroadcast v2, $0x1  }
0x272: {  	v55 =	vshll.u32 v3, $0x10  }
0x273: {  	v3 =	vand.u32 $0xFFFF0000, v3;
	v5 =	vmul.f32 v55, v54  }
0x274: {  	v3 =	vmul.f32 v3, v54  }
0x275: {  	[tilespmem:s26+$0x2020] =	vst v5  }
0x276: {  	[tilespmem:s26+$0x2030] =	vst v3  }
0x277: {  	v3 =	vld [tilespmem:$0x1420];
	_ =	sdelay $0x3  }
0x278: {  	v56 =	vbroadcast v2, $0x2  }
0x279: {  	v57 =	vshll.u32 v3, $0x10  }
0x27a: {  	v3 =	vand.u32 $0xFFFF0000, v3;
	v5 =	vmul.f32 v57, v56  }
0x27b: {  	v3 =	vmul.f32 v3, v56  }
0x27c: {  	[tilespmem:s26+$0x2040] =	vst v5  }
0x27d: {  	[tilespmem:s26+$0x2050] =	vst v3  }
0x27e: {  	v3 =	vld [tilespmem:$0x1430];
	_ =	sdelay $0x3  }
0x27f: {  	v58 =	vbroadcast v2, $0x3  }
0x280: {  	v59 =	vshll.u32 v3, $0x10  }
0x281: {  	v3 =	vand.u32 $0xFFFF0000, v3;
	v5 =	vmul.f32 v59, v58  }
0x282: {  	v3 =	vmul.f32 v3, v58  }
0x283: {  	[tilespmem:s26+$0x2060] =	vst v5  }
0x284: {  	[tilespmem:s26+$0x2070] =	vst v3  }
0x285: {  	v3 =	vld [tilespmem:$0x1440];
	_ =	sdelay $0x3  }
0x286: {  	v60 =	vbroadcast v2, $0x4  }
0x287: {  	v61 =	vshll.u32 v3, $0x10  }
0x288: {  	v3 =	vand.u32 $0xFFFF0000, v3;
	v5 =	vmul.f32 v61, v60  }
0x289: {  	v3 =	vmul.f32 v3, v60  }
0x28a: {  	[tilespmem:s26+$0x2080] =	vst v5  }
0x28b: {  	[tilespmem:s26+$0x2090] =	vst v3  }
0x28c: {  	v3 =	vld [tilespmem:$0x1450];
	_ =	sdelay $0x3  }
0x28d: {  	v62 =	vbroadcast v2, $0x5  }
0x28e: {  	v63 =	vshll.u32 v3, $0x10  }
0x28f: {  	v3 =	vand.u32 $0xFFFF0000, v3;
	v5 =	vmul.f32 v63, v62  }
0x290: {  	v3 =	vmul.f32 v3, v62  }
0x291: {  	[tilespmem:s26+$0x20A0] =	vst v5  }
0x292: {  	[tilespmem:s26+$0x20B0] =	vst v3  }
0x293: {  	v3 =	vld [tilespmem:$0x1460];
	_ =	sdelay $0x3  }
0x294: {  	v8 =	vbroadcast v2, $0x6  }
0x295: {  	v9 =	vshll.u32 v3, $0x10  }
0x296: {  	v3 =	vand.u32 $0xFFFF0000, v3;
	v5 =	vmul.f32 v9, v8  }
0x297: {  	v3 =	vmul.f32 v3, v8  }
0x298: {  	[tilespmem:s26+$0x20C0] =	vst v5  }
0x299: {  	[tilespmem:s26+$0x20D0] =	vst v3  }
0x29a: {  	v3 =	vld [tilespmem:$0x1470];
	_ =	sdelay $0x3  }
0x29b: {  	v10 =	vbroadcast v2, $0x7  }
0x29c: {  	v11 =	vshll.u32 v3, $0x10  }
0x29d: {  	v3 =	vand.u32 $0xFFFF0000, v3;
	v5 =	vmul.f32 v11, v10  }
0x29e: {  	v3 =	vmul.f32 v3, v10  }
0x29f: {  	[tilespmem:s26+$0x20E0] =	vst v5  }
0x2a0: {  	[tilespmem:s26+$0x20F0] =	vst v3  }
0x2a1: {  	v3 =	vld [tilespmem:$0x1480];
	_ =	sdelay $0x3  }
0x2a2: {  	v12 =	vbroadcast v2, $0x8  }
0x2a3: {  	v13 =	vshll.u32 v3, $0x10  }
0x2a4: {  	v3 =	vand.u32 $0xFFFF0000, v3;
	v5 =	vmul.f32 v13, v12  }
0x2a5: {  	v3 =	vmul.f32 v3, v12  }
0x2a6: {  	[tilespmem:s26+$0x2100] =	vst v5  }
0x2a7: {  	[tilespmem:s26+$0x2110] =	vst v3  }
0x2a8: {  	v3 =	vld [tilespmem:$0x1490];
	_ =	sdelay $0x3  }
0x2a9: {  	v14 =	vbroadcast v2, $0x9  }
0x2aa: {  	v15 =	vshll.u32 v3, $0x10  }
0x2ab: {  	v3 =	vand.u32 $0xFFFF0000, v3;
	v5 =	vmul.f32 v15, v14  }
0x2ac: {  	v3 =	vmul.f32 v3, v14  }
0x2ad: {  	[tilespmem:s26+$0x2120] =	vst v5  }
0x2ae: {  	[tilespmem:s26+$0x2130] =	vst v3  }
0x2af: {  	v3 =	vld [tilespmem:$0x14A0];
	_ =	sdelay $0x3  }
0x2b0: {  	v16 =	vbroadcast v2, $0xA  }
0x2b1: {  	v17 =	vshll.u32 v3, $0x10  }
0x2b2: {  	v3 =	vand.u32 $0xFFFF0000, v3;
	v5 =	vmul.f32 v17, v16  }
0x2b3: {  	v3 =	vmul.f32 v3, v16  }
0x2b4: {  	[tilespmem:s26+$0x2140] =	vst v5  }
0x2b5: {  	[tilespmem:s26+$0x2150] =	vst v3  }
0x2b6: {  	v3 =	vld [tilespmem:$0x14B0];
	_ =	sdelay $0x3  }
0x2b7: {  	v18 =	vbroadcast v2, $0xB  }
0x2b8: {  	v19 =	vshll.u32 v3, $0x10  }
0x2b9: {  	v3 =	vand.u32 $0xFFFF0000, v3;
	v5 =	vmul.f32 v19, v18  }
0x2ba: {  	v3 =	vmul.f32 v3, v18  }
0x2bb: {  	[tilespmem:s26+$0x2160] =	vst v5  }
0x2bc: {  	[tilespmem:s26+$0x2170] =	vst v3  }
0x2bd: {  	v3 =	vld [tilespmem:$0x14C0];
	_ =	sdelay $0x3  }
0x2be: {  	v20 =	vbroadcast v2, $0xC  }
0x2bf: {  	v21 =	vshll.u32 v3, $0x10  }
0x2c0: {  	v3 =	vand.u32 $0xFFFF0000, v3;
	v5 =	vmul.f32 v21, v20  }
0x2c1: {  	v3 =	vmul.f32 v3, v20  }
0x2c2: {  	[tilespmem:s26+$0x2180] =	vst v5  }
0x2c3: {  	[tilespmem:s26+$0x2190] =	vst v3  }
0x2c4: {  	v3 =	vld [tilespmem:$0x14D0];
	_ =	sdelay $0x3  }
0x2c5: {  	v22 =	vbroadcast v2, $0xD  }
0x2c6: {  	v23 =	vshll.u32 v3, $0x10  }
0x2c7: {  	v3 =	vand.u32 $0xFFFF0000, v3;
	v5 =	vmul.f32 v23, v22  }
0x2c8: {  	v3 =	vmul.f32 v3, v22  }
0x2c9: {  	[tilespmem:s26+$0x21A0] =	vst v5  }
0x2ca: {  	[tilespmem:s26+$0x21B0] =	vst v3  }
0x2cb: {  	v3 =	vld [tilespmem:$0x14E0];
	_ =	sdelay $0x3  }
0x2cc: {  	v24 =	vbroadcast v2, $0xE  }
0x2cd: {  	v25 =	vshll.u32 v3, $0x10  }
0x2ce: {  	v3 =	vand.u32 $0xFFFF0000, v3;
	v5 =	vmul.f32 v25, v24  }
0x2cf: {  	v3 =	vmul.f32 v3, v24  }
0x2d0: {  	[tilespmem:s26+$0x21C0] =	vst v5  }
0x2d1: {  	[tilespmem:s26+$0x21D0] =	vst v3  }
0x2d2: {  	v3 =	vld [tilespmem:$0x14F0];
	_ =	sdelay $0x3  }
0x2d3: {  	v2 =	vbroadcast v2, $0xF  }
0x2d4: {  	v26 =	vshll.u32 v3, $0x10  }
0x2d5: {  	v3 =	vand.u32 $0xFFFF0000, v3;
	v4 =	vmul.f32 v26, v2  }
0x2d6: {  	v2 =	vmul.f32 v3, v2  }
0x2d7: {  	[tilespmem:s26+$0x21E0] =	vst v4  }
0x2d8: {  	[tilespmem:s26+$0x21F0] =	vst v2  }
0x2d9: {  	v2 =	vld [tilespmem:$0x4370]  }
0x2da: {  	v3 =	vld [tilespmem:$0x1500];
	_ =	sdelay $0x3  }
0x2db: {  	v27 =	vbroadcast v2, $0x0  }
0x2dc: {  	v28 =	vshll.u32 v3, $0x10  }
0x2dd: {  	v3 =	vand.u32 $0xFFFF0000, v3;
	v5 =	vmul.f32 v28, v27  }
0x2de: {  	v3 =	vmul.f32 v3, v27  }
0x2df: {  	[tilespmem:s26+$0x2200] =	vst v5  }
0x2e0: {  	[tilespmem:s26+$0x2210] =	vst v3  }
0x2e1: {  	v3 =	vld [tilespmem:$0x1510];
	_ =	sdelay $0x3  }
0x2e2: {  	v29 =	vbroadcast v2, $0x1  }
0x2e3: {  	v30 =	vshll.u32 v3, $0x10  }
0x2e4: {  	v3 =	vand.u32 $0xFFFF0000, v3;
	v5 =	vmul.f32 v30, v29  }
0x2e5: {  	v3 =	vmul.f32 v3, v29  }
0x2e6: {  	[tilespmem:s26+$0x2220] =	vst v5  }
0x2e7: {  	[tilespmem:s26+$0x2230] =	vst v3  }
0x2e8: {  	v3 =	vld [tilespmem:$0x1520];
	_ =	sdelay $0x3  }
0x2e9: {  	v31 =	vbroadcast v2, $0x2  }
0x2ea: {  	v32 =	vshll.u32 v3, $0x10  }
0x2eb: {  	v3 =	vand.u32 $0xFFFF0000, v3;
	v5 =	vmul.f32 v32, v31  }
0x2ec: {  	v3 =	vmul.f32 v3, v31  }
0x2ed: {  	[tilespmem:s26+$0x2240] =	vst v5  }
0x2ee: {  	[tilespmem:s26+$0x2250] =	vst v3  }
0x2ef: {  	v3 =	vld [tilespmem:$0x1530];
	_ =	sdelay $0x3  }
0x2f0: {  	v33 =	vbroadcast v2, $0x3  }
0x2f1: {  	v34 =	vshll.u32 v3, $0x10  }
0x2f2: {  	v3 =	vand.u32 $0xFFFF0000, v3;
	v5 =	vmul.f32 v34, v33  }
0x2f3: {  	v3 =	vmul.f32 v3, v33  }
0x2f4: {  	[tilespmem:s26+$0x2260] =	vst v5  }
0x2f5: {  	[tilespmem:s26+$0x2270] =	vst v3  }
0x2f6: {  	v3 =	vld [tilespmem:$0x1540];
	_ =	sdelay $0x3  }
0x2f7: {  	v35 =	vbroadcast v2, $0x4  }
0x2f8: {  	v36 =	vshll.u32 v3, $0x10  }
0x2f9: {  	v3 =	vand.u32 $0xFFFF0000, v3;
	v5 =	vmul.f32 v36, v35  }
0x2fa: {  	v3 =	vmul.f32 v3, v35  }
0x2fb: {  	[tilespmem:s26+$0x2280] =	vst v5  }
0x2fc: {  	[tilespmem:s26+$0x2290] =	vst v3  }
0x2fd: {  	v3 =	vld [tilespmem:$0x1550];
	_ =	sdelay $0x3  }
0x2fe: {  	v37 =	vbroadcast v2, $0x5  }
0x2ff: {  	v38 =	vshll.u32 v3, $0x10  }
0x300: {  	v3 =	vand.u32 $0xFFFF0000, v3;
	v5 =	vmul.f32 v38, v37  }
0x301: {  	v3 =	vmul.f32 v3, v37  }
0x302: {  	[tilespmem:s26+$0x22A0] =	vst v5  }
0x303: {  	[tilespmem:s26+$0x22B0] =	vst v3  }
0x304: {  	v3 =	vld [tilespmem:$0x1560];
	_ =	sdelay $0x3  }
0x305: {  	v39 =	vbroadcast v2, $0x6  }
0x306: {  	v40 =	vshll.u32 v3, $0x10  }
0x307: {  	v3 =	vand.u32 $0xFFFF0000, v3;
	v5 =	vmul.f32 v40, v39  }
0x308: {  	v3 =	vmul.f32 v3, v39  }
0x309: {  	[tilespmem:s26+$0x22C0] =	vst v5  }
0x30a: {  	[tilespmem:s26+$0x22D0] =	vst v3  }
0x30b: {  	v3 =	vld [tilespmem:$0x1570];
	_ =	sdelay $0x3  }
0x30c: {  	v41 =	vbroadcast v2, $0x7  }
0x30d: {  	v42 =	vshll.u32 v3, $0x10  }
0x30e: {  	v3 =	vand.u32 $0xFFFF0000, v3;
	v5 =	vmul.f32 v42, v41  }
0x30f: {  	v3 =	vmul.f32 v3, v41  }
0x310: {  	[tilespmem:s26+$0x22E0] =	vst v5  }
0x311: {  	[tilespmem:s26+$0x22F0] =	vst v3  }
0x312: {  	v3 =	vld [tilespmem:$0x1580];
	_ =	sdelay $0x3  }
0x313: {  	v43 =	vbroadcast v2, $0x8  }
0x314: {  	v44 =	vshll.u32 v3, $0x10  }
0x315: {  	v3 =	vand.u32 $0xFFFF0000, v3;
	v5 =	vmul.f32 v44, v43  }
0x316: {  	v3 =	vmul.f32 v3, v43  }
0x317: {  	[tilespmem:s26+$0x2300] =	vst v5  }
0x318: {  	[tilespmem:s26+$0x2310] =	vst v3  }
0x319: {  	v3 =	vld [tilespmem:$0x1590];
	_ =	sdelay $0x3  }
0x31a: {  	v45 =	vbroadcast v2, $0x9  }
0x31b: {  	v46 =	vshll.u32 v3, $0x10  }
0x31c: {  	v3 =	vand.u32 $0xFFFF0000, v3;
	v5 =	vmul.f32 v46, v45  }
0x31d: {  	v3 =	vmul.f32 v3, v45  }
0x31e: {  	[tilespmem:s26+$0x2320] =	vst v5  }
0x31f: {  	[tilespmem:s26+$0x2330] =	vst v3  }
0x320: {  	v3 =	vld [tilespmem:$0x15A0];
	_ =	sdelay $0x3  }
0x321: {  	v47 =	vbroadcast v2, $0xA  }
0x322: {  	v48 =	vshll.u32 v3, $0x10  }
0x323: {  	v3 =	vand.u32 $0xFFFF0000, v3;
	v5 =	vmul.f32 v48, v47  }
0x324: {  	v3 =	vmul.f32 v3, v47  }
0x325: {  	[tilespmem:s26+$0x2340] =	vst v5  }
0x326: {  	[tilespmem:s26+$0x2350] =	vst v3  }
0x327: {  	v3 =	vld [tilespmem:$0x15B0];
	_ =	sdelay $0x3  }
0x328: {  	v49 =	vbroadcast v2, $0xB  }
0x329: {  	v50 =	vshll.u32 v3, $0x10  }
0x32a: {  	v3 =	vand.u32 $0xFFFF0000, v3;
	v5 =	vmul.f32 v50, v49  }
0x32b: {  	v3 =	vmul.f32 v3, v49  }
0x32c: {  	[tilespmem:s26+$0x2360] =	vst v5  }
0x32d: {  	[tilespmem:s26+$0x2370] =	vst v3  }
0x32e: {  	v3 =	vld [tilespmem:$0x15C0];
	_ =	sdelay $0x3  }
0x32f: {  	v51 =	vbroadcast v2, $0xC  }
0x330: {  	v52 =	vshll.u32 v3, $0x10  }
0x331: {  	v3 =	vand.u32 $0xFFFF0000, v3;
	v5 =	vmul.f32 v52, v51  }
0x332: {  	v3 =	vmul.f32 v3, v51  }
0x333: {  	[tilespmem:s26+$0x2380] =	vst v5  }
0x334: {  	[tilespmem:s26+$0x2390] =	vst v3  }
0x335: {  	v3 =	vld [tilespmem:$0x15D0];
	_ =	sdelay $0x3  }
0x336: {  	v53 =	vbroadcast v2, $0xD  }
0x337: {  	v54 =	vshll.u32 v3, $0x10  }
0x338: {  	v3 =	vand.u32 $0xFFFF0000, v3;
	v5 =	vmul.f32 v54, v53  }
0x339: {  	v3 =	vmul.f32 v3, v53  }
0x33a: {  	[tilespmem:s26+$0x23A0] =	vst v5  }
0x33b: {  	[tilespmem:s26+$0x23B0] =	vst v3  }
0x33c: {  	v3 =	vld [tilespmem:$0x15E0];
	_ =	sdelay $0x3  }
0x33d: {  	v55 =	vbroadcast v2, $0xE  }
0x33e: {  	v56 =	vshll.u32 v3, $0x10  }
0x33f: {  	v3 =	vand.u32 $0xFFFF0000, v3;
	v5 =	vmul.f32 v56, v55  }
0x340: {  	v3 =	vmul.f32 v3, v55  }
0x341: {  	[tilespmem:s26+$0x23C0] =	vst v5  }
0x342: {  	[tilespmem:s26+$0x23D0] =	vst v3  }
0x343: {  	v3 =	vld [tilespmem:$0x15F0];
	_ =	sdelay $0x3  }
0x344: {  	v2 =	vbroadcast v2, $0xF  }
0x345: {  	v57 =	vshll.u32 v3, $0x10  }
0x346: {  	v3 =	vand.u32 $0xFFFF0000, v3;
	v4 =	vmul.f32 v57, v2  }
0x347: {  	v2 =	vmul.f32 v3, v2  }
0x348: {  	[tilespmem:s26+$0x23E0] =	vst v4  }
0x349: {  	[tilespmem:s26+$0x23F0] =	vst v2  }
0x34a: {  	v2 =	vld [tilespmem:$0x4380]  }
0x34b: {  	v3 =	vld [tilespmem:$0x1600];
	_ =	sdelay $0x3  }
0x34c: {  	v58 =	vbroadcast v2, $0x0  }
0x34d: {  	v59 =	vshll.u32 v3, $0x10  }
0x34e: {  	v3 =	vand.u32 $0xFFFF0000, v3;
	v5 =	vmul.f32 v59, v58  }
0x34f: {  	v3 =	vmul.f32 v3, v58  }
0x350: {  	[tilespmem:s26+$0x2400] =	vst v5  }
0x351: {  	[tilespmem:s26+$0x2410] =	vst v3  }
0x352: {  	v3 =	vld [tilespmem:$0x1610];
	_ =	sdelay $0x3  }
0x353: {  	v60 =	vbroadcast v2, $0x1  }
0x354: {  	v61 =	vshll.u32 v3, $0x10  }
0x355: {  	v3 =	vand.u32 $0xFFFF0000, v3;
	v5 =	vmul.f32 v61, v60  }
0x356: {  	v3 =	vmul.f32 v3, v60  }
0x357: {  	[tilespmem:s26+$0x2420] =	vst v5  }
0x358: {  	[tilespmem:s26+$0x2430] =	vst v3  }
0x359: {  	v3 =	vld [tilespmem:$0x1620];
	_ =	sdelay $0x3  }
0x35a: {  	v62 =	vbroadcast v2, $0x2  }
0x35b: {  	v63 =	vshll.u32 v3, $0x10  }
0x35c: {  	v3 =	vand.u32 $0xFFFF0000, v3;
	v5 =	vmul.f32 v63, v62  }
0x35d: {  	v3 =	vmul.f32 v3, v62  }
0x35e: {  	[tilespmem:s26+$0x2440] =	vst v5  }
0x35f: {  	[tilespmem:s26+$0x2450] =	vst v3  }
0x360: {  	v3 =	vld [tilespmem:$0x1630];
	_ =	sdelay $0x3  }
0x361: {  	v8 =	vbroadcast v2, $0x3  }
0x362: {  	v9 =	vshll.u32 v3, $0x10  }
0x363: {  	v3 =	vand.u32 $0xFFFF0000, v3;
	v5 =	vmul.f32 v9, v8  }
0x364: {  	v3 =	vmul.f32 v3, v8  }
0x365: {  	[tilespmem:s26+$0x2460] =	vst v5  }
0x366: {  	[tilespmem:s26+$0x2470] =	vst v3  }
0x367: {  	v3 =	vld [tilespmem:$0x1640];
	_ =	sdelay $0x3  }
0x368: {  	v10 =	vbroadcast v2, $0x4  }
0x369: {  	v11 =	vshll.u32 v3, $0x10  }
0x36a: {  	v3 =	vand.u32 $0xFFFF0000, v3;
	v5 =	vmul.f32 v11, v10  }
0x36b: {  	v3 =	vmul.f32 v3, v10  }
0x36c: {  	[tilespmem:s26+$0x2480] =	vst v5  }
0x36d: {  	[tilespmem:s26+$0x2490] =	vst v3  }
0x36e: {  	v3 =	vld [tilespmem:$0x1650];
	_ =	sdelay $0x3  }
0x36f: {  	v12 =	vbroadcast v2, $0x5  }
0x370: {  	v13 =	vshll.u32 v3, $0x10  }
0x371: {  	v3 =	vand.u32 $0xFFFF0000, v3;
	v5 =	vmul.f32 v13, v12  }
0x372: {  	v3 =	vmul.f32 v3, v12  }
0x373: {  	[tilespmem:s26+$0x24A0] =	vst v5  }
0x374: {  	[tilespmem:s26+$0x24B0] =	vst v3  }
0x375: {  	v3 =	vld [tilespmem:$0x1660];
	_ =	sdelay $0x3  }
0x376: {  	v14 =	vbroadcast v2, $0x6  }
0x377: {  	v15 =	vshll.u32 v3, $0x10  }
0x378: {  	v3 =	vand.u32 $0xFFFF0000, v3;
	v5 =	vmul.f32 v15, v14  }
0x379: {  	v3 =	vmul.f32 v3, v14  }
0x37a: {  	[tilespmem:s26+$0x24C0] =	vst v5  }
0x37b: {  	[tilespmem:s26+$0x24D0] =	vst v3  }
0x37c: {  	v3 =	vld [tilespmem:$0x1670];
	_ =	sdelay $0x3  }
0x37d: {  	v16 =	vbroadcast v2, $0x7  }
0x37e: {  	v17 =	vshll.u32 v3, $0x10  }
0x37f: {  	v3 =	vand.u32 $0xFFFF0000, v3;
	v5 =	vmul.f32 v17, v16  }
0x380: {  	v3 =	vmul.f32 v3, v16  }
0x381: {  	[tilespmem:s26+$0x24E0] =	vst v5  }
0x382: {  	[tilespmem:s26+$0x24F0] =	vst v3  }
0x383: {  	v3 =	vld [tilespmem:$0x1680];
	_ =	sdelay $0x3  }
0x384: {  	v18 =	vbroadcast v2, $0x8  }
0x385: {  	v19 =	vshll.u32 v3, $0x10  }
0x386: {  	v3 =	vand.u32 $0xFFFF0000, v3;
	v5 =	vmul.f32 v19, v18  }
0x387: {  	v3 =	vmul.f32 v3, v18  }
0x388: {  	[tilespmem:s26+$0x2500] =	vst v5  }
0x389: {  	[tilespmem:s26+$0x2510] =	vst v3  }
0x38a: {  	v3 =	vld [tilespmem:$0x1690];
	_ =	sdelay $0x3  }
0x38b: {  	v20 =	vbroadcast v2, $0x9  }
0x38c: {  	v21 =	vshll.u32 v3, $0x10  }
0x38d: {  	v3 =	vand.u32 $0xFFFF0000, v3;
	v5 =	vmul.f32 v21, v20  }
0x38e: {  	v3 =	vmul.f32 v3, v20  }
0x38f: {  	[tilespmem:s26+$0x2520] =	vst v5  }
0x390: {  	[tilespmem:s26+$0x2530] =	vst v3  }
0x391: {  	v3 =	vld [tilespmem:$0x16A0];
	_ =	sdelay $0x3  }
0x392: {  	v22 =	vbroadcast v2, $0xA  }
0x393: {  	v23 =	vshll.u32 v3, $0x10  }
0x394: {  	v3 =	vand.u32 $0xFFFF0000, v3;
	v5 =	vmul.f32 v23, v22  }
0x395: {  	v3 =	vmul.f32 v3, v22  }
0x396: {  	[tilespmem:s26+$0x2540] =	vst v5  }
0x397: {  	[tilespmem:s26+$0x2550] =	vst v3  }
0x398: {  	v3 =	vld [tilespmem:$0x16B0];
	_ =	sdelay $0x3  }
0x399: {  	v24 =	vbroadcast v2, $0xB  }
0x39a: {  	v25 =	vshll.u32 v3, $0x10  }
0x39b: {  	v3 =	vand.u32 $0xFFFF0000, v3;
	v5 =	vmul.f32 v25, v24  }
0x39c: {  	v3 =	vmul.f32 v3, v24  }
0x39d: {  	[tilespmem:s26+$0x2560] =	vst v5  }
0x39e: {  	[tilespmem:s26+$0x2570] =	vst v3  }
0x39f: {  	v3 =	vld [tilespmem:$0x16C0];
	_ =	sdelay $0x3  }
0x3a0: {  	v26 =	vbroadcast v2, $0xC  }
0x3a1: {  	v27 =	vshll.u32 v3, $0x10  }
0x3a2: {  	v3 =	vand.u32 $0xFFFF0000, v3;
	v5 =	vmul.f32 v27, v26  }
0x3a3: {  	v3 =	vmul.f32 v3, v26  }
0x3a4: {  	[tilespmem:s26+$0x2580] =	vst v5  }
0x3a5: {  	[tilespmem:s26+$0x2590] =	vst v3  }
0x3a6: {  	v3 =	vld [tilespmem:$0x16D0];
	_ =	sdelay $0x3  }
0x3a7: {  	v28 =	vbroadcast v2, $0xD  }
0x3a8: {  	v29 =	vshll.u32 v3, $0x10  }
0x3a9: {  	v3 =	vand.u32 $0xFFFF0000, v3;
	v5 =	vmul.f32 v29, v28  }
0x3aa: {  	v3 =	vmul.f32 v3, v28  }
0x3ab: {  	[tilespmem:s26+$0x25A0] =	vst v5  }
0x3ac: {  	[tilespmem:s26+$0x25B0] =	vst v3  }
0x3ad: {  	v3 =	vld [tilespmem:$0x16E0];
	_ =	sdelay $0x3  }
0x3ae: {  	v30 =	vbroadcast v2, $0xE  }
0x3af: {  	v31 =	vshll.u32 v3, $0x10  }
0x3b0: {  	v3 =	vand.u32 $0xFFFF0000, v3;
	v5 =	vmul.f32 v31, v30  }
0x3b1: {  	v3 =	vmul.f32 v3, v30  }
0x3b2: {  	[tilespmem:s26+$0x25C0] =	vst v5  }
0x3b3: {  	[tilespmem:s26+$0x25D0] =	vst v3  }
0x3b4: {  	v3 =	vld [tilespmem:$0x16F0];
	_ =	sdelay $0x3  }
0x3b5: {  	v2 =	vbroadcast v2, $0xF  }
0x3b6: {  	v32 =	vshll.u32 v3, $0x10  }
0x3b7: {  	v3 =	vand.u32 $0xFFFF0000, v3;
	v4 =	vmul.f32 v32, v2  }
0x3b8: {  	v2 =	vmul.f32 v3, v2  }
0x3b9: {  	[tilespmem:s26+$0x25E0] =	vst v4  }
0x3ba: {  	[tilespmem:s26+$0x25F0] =	vst v2  }
0x3bb: {  	v2 =	vld [tilespmem:$0x4390]  }
0x3bc: {  	v3 =	vld [tilespmem:$0x1700];
	_ =	sdelay $0x3  }
0x3bd: {  	v33 =	vbroadcast v2, $0x0  }
0x3be: {  	v34 =	vshll.u32 v3, $0x10  }
0x3bf: {  	v3 =	vand.u32 $0xFFFF0000, v3;
	v5 =	vmul.f32 v34, v33  }
0x3c0: {  	v3 =	vmul.f32 v3, v33  }
0x3c1: {  	[tilespmem:s26+$0x2600] =	vst v5  }
0x3c2: {  	[tilespmem:s26+$0x2610] =	vst v3  }
0x3c3: {  	v3 =	vld [tilespmem:$0x1710];
	_ =	sdelay $0x3  }
0x3c4: {  	v35 =	vbroadcast v2, $0x1  }
0x3c5: {  	v36 =	vshll.u32 v3, $0x10  }
0x3c6: {  	v3 =	vand.u32 $0xFFFF0000, v3;
	v5 =	vmul.f32 v36, v35  }
0x3c7: {  	v3 =	vmul.f32 v3, v35  }
0x3c8: {  	[tilespmem:s26+$0x2620] =	vst v5  }
0x3c9: {  	[tilespmem:s26+$0x2630] =	vst v3  }
0x3ca: {  	v3 =	vld [tilespmem:$0x1720];
	_ =	sdelay $0x3  }
0x3cb: {  	v37 =	vbroadcast v2, $0x2  }
0x3cc: {  	v38 =	vshll.u32 v3, $0x10  }
0x3cd: {  	v3 =	vand.u32 $0xFFFF0000, v3;
	v5 =	vmul.f32 v38, v37  }
0x3ce: {  	v3 =	vmul.f32 v3, v37  }
0x3cf: {  	[tilespmem:s26+$0x2640] =	vst v5  }
0x3d0: {  	[tilespmem:s26+$0x2650] =	vst v3  }
0x3d1: {  	v3 =	vld [tilespmem:$0x1730];
	_ =	sdelay $0x3  }
0x3d2: {  	v39 =	vbroadcast v2, $0x3  }
0x3d3: {  	v40 =	vshll.u32 v3, $0x10  }
0x3d4: {  	v3 =	vand.u32 $0xFFFF0000, v3;
	v5 =	vmul.f32 v40, v39  }
0x3d5: {  	v3 =	vmul.f32 v3, v39  }
0x3d6: {  	[tilespmem:s26+$0x2660] =	vst v5  }
0x3d7: {  	[tilespmem:s26+$0x2670] =	vst v3  }
0x3d8: {  	v3 =	vld [tilespmem:$0x1740];
	_ =	sdelay $0x3  }
0x3d9: {  	v41 =	vbroadcast v2, $0x4  }
0x3da: {  	v42 =	vshll.u32 v3, $0x10  }
0x3db: {  	v3 =	vand.u32 $0xFFFF0000, v3;
	v5 =	vmul.f32 v42, v41  }
0x3dc: {  	v3 =	vmul.f32 v3, v41  }
0x3dd: {  	[tilespmem:s26+$0x2680] =	vst v5  }
0x3de: {  	[tilespmem:s26+$0x2690] =	vst v3  }
0x3df: {  	v3 =	vld [tilespmem:$0x1750];
	_ =	sdelay $0x3  }
0x3e0: {  	v43 =	vbroadcast v2, $0x5  }
0x3e1: {  	v44 =	vshll.u32 v3, $0x10  }
0x3e2: {  	v3 =	vand.u32 $0xFFFF0000, v3;
	v5 =	vmul.f32 v44, v43  }
0x3e3: {  	v3 =	vmul.f32 v3, v43  }
0x3e4: {  	[tilespmem:s26+$0x26A0] =	vst v5  }
0x3e5: {  	[tilespmem:s26+$0x26B0] =	vst v3  }
0x3e6: {  	v3 =	vld [tilespmem:$0x1760];
	_ =	sdelay $0x3  }
0x3e7: {  	v45 =	vbroadcast v2, $0x6  }
0x3e8: {  	v46 =	vshll.u32 v3, $0x10  }
0x3e9: {  	v3 =	vand.u32 $0xFFFF0000, v3;
	v5 =	vmul.f32 v46, v45  }
0x3ea: {  	v3 =	vmul.f32 v3, v45  }
0x3eb: {  	[tilespmem:s26+$0x26C0] =	vst v5  }
0x3ec: {  	[tilespmem:s26+$0x26D0] =	vst v3  }
0x3ed: {  	v3 =	vld [tilespmem:$0x1770];
	_ =	sdelay $0x3  }
0x3ee: {  	v47 =	vbroadcast v2, $0x7  }
0x3ef: {  	v48 =	vshll.u32 v3, $0x10  }
0x3f0: {  	v3 =	vand.u32 $0xFFFF0000, v3;
	v5 =	vmul.f32 v48, v47  }
0x3f1: {  	v3 =	vmul.f32 v3, v47  }
0x3f2: {  	[tilespmem:s26+$0x26E0] =	vst v5  }
0x3f3: {  	[tilespmem:s26+$0x26F0] =	vst v3  }
0x3f4: {  	v3 =	vld [tilespmem:$0x1780];
	_ =	sdelay $0x3  }
0x3f5: {  	v49 =	vbroadcast v2, $0x8  }
0x3f6: {  	v50 =	vshll.u32 v3, $0x10  }
0x3f7: {  	v3 =	vand.u32 $0xFFFF0000, v3;
	v5 =	vmul.f32 v50, v49  }
0x3f8: {  	v3 =	vmul.f32 v3, v49  }
0x3f9: {  	[tilespmem:s26+$0x2700] =	vst v5  }
0x3fa: {  	[tilespmem:s26+$0x2710] =	vst v3  }
0x3fb: {  	v3 =	vld [tilespmem:$0x1790];
	_ =	sdelay $0x3  }
0x3fc: {  	v51 =	vbroadcast v2, $0x9  }
0x3fd: {  	v52 =	vshll.u32 v3, $0x10  }
0x3fe: {  	v3 =	vand.u32 $0xFFFF0000, v3;
	v5 =	vmul.f32 v52, v51  }
0x3ff: {  	v3 =	vmul.f32 v3, v51  }
0x400: {  	[tilespmem:s26+$0x2720] =	vst v5  }
0x401: {  	[tilespmem:s26+$0x2730] =	vst v3  }
0x402: {  	v3 =	vld [tilespmem:$0x17A0];
	_ =	sdelay $0x3  }
0x403: {  	v53 =	vbroadcast v2, $0xA  }
0x404: {  	v54 =	vshll.u32 v3, $0x10  }
0x405: {  	v3 =	vand.u32 $0xFFFF0000, v3;
	v5 =	vmul.f32 v54, v53  }
0x406: {  	v3 =	vmul.f32 v3, v53  }
0x407: {  	[tilespmem:s26+$0x2740] =	vst v5  }
0x408: {  	[tilespmem:s26+$0x2750] =	vst v3  }
0x409: {  	v3 =	vld [tilespmem:$0x17B0];
	_ =	sdelay $0x3  }
0x40a: {  	v55 =	vbroadcast v2, $0xB  }
0x40b: {  	v56 =	vshll.u32 v3, $0x10  }
0x40c: {  	v3 =	vand.u32 $0xFFFF0000, v3;
	v5 =	vmul.f32 v56, v55  }
0x40d: {  	v3 =	vmul.f32 v3, v55  }
0x40e: {  	[tilespmem:s26+$0x2760] =	vst v5  }
0x40f: {  	[tilespmem:s26+$0x2770] =	vst v3  }
0x410: {  	v3 =	vld [tilespmem:$0x17C0];
	_ =	sdelay $0x3  }
0x411: {  	v57 =	vbroadcast v2, $0xC  }
0x412: {  	v58 =	vshll.u32 v3, $0x10  }
0x413: {  	v3 =	vand.u32 $0xFFFF0000, v3;
	v5 =	vmul.f32 v58, v57  }
0x414: {  	v3 =	vmul.f32 v3, v57  }
0x415: {  	[tilespmem:s26+$0x2780] =	vst v5  }
0x416: {  	[tilespmem:s26+$0x2790] =	vst v3  }
0x417: {  	v3 =	vld [tilespmem:$0x17D0];
	_ =	sdelay $0x3  }
0x418: {  	v59 =	vbroadcast v2, $0xD  }
0x419: {  	v60 =	vshll.u32 v3, $0x10  }
0x41a: {  	v3 =	vand.u32 $0xFFFF0000, v3;
	v5 =	vmul.f32 v60, v59  }
0x41b: {  	v3 =	vmul.f32 v3, v59  }
0x41c: {  	[tilespmem:s26+$0x27A0] =	vst v5  }
0x41d: {  	[tilespmem:s26+$0x27B0] =	vst v3  }
0x41e: {  	v3 =	vld [tilespmem:$0x17E0];
	_ =	sdelay $0x3  }
0x41f: {  	v61 =	vbroadcast v2, $0xE  }
0x420: {  	v62 =	vshll.u32 v3, $0x10  }
0x421: {  	v3 =	vand.u32 $0xFFFF0000, v3;
	v5 =	vmul.f32 v62, v61  }
0x422: {  	v3 =	vmul.f32 v3, v61  }
0x423: {  	[tilespmem:s26+$0x27C0] =	vst v5  }
0x424: {  	[tilespmem:s26+$0x27D0] =	vst v3  }
0x425: {  	v3 =	vld [tilespmem:$0x17F0];
	_ =	sdelay $0x3  }
0x426: {  	v2 =	vbroadcast v2, $0xF  }
0x427: {  	v63 =	vshll.u32 v3, $0x10  }
.Ltmp8:
0x428: {  	v3 =	vand.u32 $0xFFFF0000, v3;
	v4 =	vmul.f32 v63, v2;
	(pc) =	sbr.rel .LBB2_7-.Ltmp8, $4  }
0x429: {  	v2 =	vmul.f32 v3, v2  }
0x42a: {  	s9 =	sadd.s32 $0x3, s9;
	[tilespmem:s26+$0x27E0] =	vst v4  }
0x42b: {  	s28 =	sadd.s32 $0x3800, s25;
	s13 =	sadd.s32 $0x1800, s26;
	[tilespmem:s26+$0x27F0] =	vst v2;
	(ifvalue) =	ssetifvalue $0xA000  }
0x42c: {  	[spmem:s4] =	stream.indirect.scatter.add.f32 [tilespmem:s13], [sflag:s9], $0x20, s28, s29, $0x40b8;
	[tilespmem:$0x1AAD0] =	vst v63  }
.LBB2_10:
0x42d: {  	_ =	sfence.sel $0x180000  }
0x42e: {  	[bflag:$0x0] =	sbarrier.arrive $0xFFFF  }
0x42f: {  	_ =	strace $0x90000047  }
0x430: {  	[bflag:$0x2] =	sbarrier.arrive $0xFFFF  }
0x431: {  	s0 =	rddreg [dreg:$0x4]  }
0x432: {  	s0 =	sadd.s32 @!p0 $0x100000, s0  }
0x433: {  	[sflag:s0] =	ssyncadd.tile.s32 @!p0 $0x1;
	_ =	shalt  }
.Lfunc_end2:
_tile_overlayer_lowered:
.L_overlay_start_2:
0x434: {  	(tag) =	ssettag $0x2  }
0x435: {  	s0 =	rddreg [dreg:$0x0];
	s2 =	stileid.u32  }
0x436: {  	s1 =	rddreg [dreg:$0x1];
	p0 =	sne.s32 s2, $0x0  }
0x437: {  	s3 =	rddreg [dreg:$0x2];
	[bflag:$0x3] =	sbarrier.arrive $0xFFFF;
	s2 =	simm.s32 @!p0 $0x1C06  }
0x438: {  	[timem:s3], [sflag:s2] =	dma.local @!p0 [hbm:s0], s1  }
0x439: {  	s0 =	simm.s32 @!p0 $0x6  }
0x43a: {  	_ =	swait.ge @!p0 [sflag:s0], s1  }
0x43b: {  	s1 =	ssub.s32 @!p0 $0x0, s1;
	[sflag:s0] =	ssyncset.done @!p0 $0x0  }
0x43c: {  	[sflag:s0] =	ssyncadd.s32 @!p0 s1  }
0x43d: {  	[bflag:$0x3] =	sbarrier.arrive $0xFFFF  }
0x43e: {  	_ =	shalt  }

</sc_bundles>
